<compile_context>
chip_gen: v7x
topology: tpu7x:2x2x1
jax: 0.10.2.dev20260603
libtpu: 0.0.44.dev20260713+nightly
codegen_flags: <defaults>
</compile_context>

<pallas_src>
import functools

import jax
import jax.numpy as jnp
from jax import lax
from jax.experimental import pallas as pl
from jax.experimental.pallas import tpu as pltpu
from jax.experimental.pallas import tpu_sc as plsc

N = 10000
NP = 10240
H = 128
E = 320000
EL = 100000

NC, NS = 2, 16
CH = 112
EPT = E // NS
KB = 15
NO = 12
PT = KB * NO
EPT_PAD = PT * CH
ACC = NP
RPT = NP // NS

ELP = 100352
GC2 = ELP // (NS * CH)
KB3 = 14
NO3 = GC2 // KB3



def _stream_pipe(n, fire_gather, fire_scatter):
    gat = {0: fire_gather(0, 0)}
    if n > 1:
        gat[1] = fire_gather(1, 1)
    sca = {}
    for j in range(n):
        gat[j].wait()
        sca[j] = fire_scatter(j, j % 3)
        nx = j + 2
        if nx < n:
            if nx >= 3:
                sca[nx - 3].wait()
            gat[nx] = fire_gather(nx, nx % 3)
    for j in range(max(0, n - 3), n):
        sca[j].wait()


def _conv_accumulate(table, init, edges, ibuf, rows, acc, sg, ss, c, s):
    pltpu.sync_copy(init.at[c, pl.ds(s * RPT, RPT)], acc.at[pl.ds(s * RPT, RPT)])
    plsc.subcore_barrier()

    def outer(k, carry):
        pltpu.sync_copy(edges.at[c, s, k], ibuf)
        _stream_pipe(
            KB,
            lambda j, b: pltpu.async_copy(table.at[ibuf.at[0, j]], rows[b], sg[b]),
            lambda j, b: pltpu.async_copy(rows[b], acc.at[ibuf.at[1, j]], ss[b],
                                          add=True),
        )
        return carry

    lax.fori_loop(0, NO, outer, 0, unroll=False)
    plsc.subcore_barrier()


def _conv_out_body(table, init, edges, out, ibuf, rows0, rows1, rows2,
                   acc, sg0, sg1, sg2, ss0, ss1, ss2):
    c = lax.axis_index("c")
    s = lax.axis_index("s")
    _conv_accumulate(table, init, edges, ibuf, (rows0, rows1, rows2),
                     acc, (sg0, sg1, sg2), (ss0, ss1, ss2), c, s)
    pltpu.sync_copy(acc.at[pl.ds(s * RPT, RPT)], out.at[c, pl.ds(s * RPT, RPT)])


def _conv_pairs_body(table, init, edges, gidx, gout, ibuf,
                     rows0, rows1, rows2, acc, sg0, sg1, sg2, ss0, ss1, ss2):
    c = lax.axis_index("c")
    s = lax.axis_index("s")
    rows = (rows0, rows1, rows2)
    sg = (sg0, sg1, sg2)
    ss = (ss0, ss1, ss2)
    _conv_accumulate(table, init, edges, ibuf, rows, acc, sg, ss, c, s)
    base = s * (GC2 * CH)
    col0 = (1 - c) * H

    def outer(k, carry):
        pltpu.sync_copy(gidx.at[c, s, k], ibuf.at[0, pl.ds(0, KB3)])
        j0 = k * KB3
        _stream_pipe(
            KB3,
            lambda j, b: pltpu.async_copy(acc.at[ibuf.at[0, j]], rows[b], sg[b]),
            lambda j, b: pltpu.async_copy(
                rows[b],
                gout.at[pl.ds(base + (j0 + j) * CH, CH), pl.ds(col0, H)],
                ss[b]),
        )
        return carry

    lax.fori_loop(0, NO3, outer, 0, unroll=False)


@functools.cache
def _sc_kernels():
    mesh = plsc.VectorSubcoreMesh(
        core_axis_name="c", subcore_axis_name="s", num_cores=NC, num_subcores=NS)
    common_scratch = [
        pltpu.VMEM((2, KB, CH), jnp.int32),
        pltpu.VMEM((CH, H), jnp.float32),
        pltpu.VMEM((CH, H), jnp.float32),
        pltpu.VMEM((CH, H), jnp.float32),
        pltpu.VMEM_SHARED((ACC, H), jnp.float32),
        pltpu.SemaphoreType.DMA,
        pltpu.SemaphoreType.DMA,
        pltpu.SemaphoreType.DMA,
        pltpu.SemaphoreType.DMA,
        pltpu.SemaphoreType.DMA,
        pltpu.SemaphoreType.DMA,
    ]
    conv_out = pl.kernel(
        _conv_out_body,
        out_type=jax.ShapeDtypeStruct((NC, NP, H), jnp.float32),
        mesh=mesh,
        scratch_types=common_scratch,
    )
    conv_pairs = pl.kernel(
        _conv_pairs_body,
        out_type=jax.ShapeDtypeStruct((ELP, 2 * H), jnp.float32),
        mesh=mesh,
        scratch_types=common_scratch,
    )
    return conv_out, conv_pairs



def _leaky(x):
    return jnp.where(x >= 0, x, 0.1 * x)


def _transform_body(act, xm_ref, xs_ref, wm_ref, bm_ref, ws_ref, bs_ref,
                    m_ref, s_ref):
    bf = jnp.bfloat16
    xm = xm_ref[0]
    xs = xs_ref[0]
    if act:
        xm = _leaky(xm)
        xs = _leaky(xs)
    m_ref[0] = jnp.dot(xm.astype(bf), wm_ref[0].astype(bf),
                       preferred_element_type=jnp.float32) + bm_ref[0, 0]
    s_ref[0] = jnp.dot(xs.astype(bf), ws_ref[0].astype(bf),
                       preferred_element_type=jnp.float32) + bs_ref[0, 0]


def _node_transform(X, Wm, bm, Ws, bs, act):
    BR = 2560
    return pl.pallas_call(
        functools.partial(_transform_body, act),
        grid=(2, NP // BR),
        in_specs=[
            pl.BlockSpec((1, BR, H), lambda t, r: (1 - t, r, 0)),
            pl.BlockSpec((1, BR, H), lambda t, r: (t, r, 0)),
            pl.BlockSpec((1, H, H), lambda t, r: (t, 0, 0)),
            pl.BlockSpec((1, 1, H), lambda t, r: (t, 0, 0)),
            pl.BlockSpec((1, H, H), lambda t, r: (t, 0, 0)),
            pl.BlockSpec((1, 1, H), lambda t, r: (t, 0, 0)),
        ],
        out_specs=[
            pl.BlockSpec((1, BR, H), lambda t, r: (t, r, 0)),
            pl.BlockSpec((1, BR, H), lambda t, r: (t, r, 0)),
        ],
        out_shape=[jax.ShapeDtypeStruct((2, NP, H), jnp.float32)] * 2,
    )(X, X, Wm, bm, Ws, bs)


def _mlp_body(z_ref, w1_ref, b1_ref, w2_ref, b2_ref,
              w3_ref, b3_ref, o_ref):
    bf = jnp.bfloat16
    h1 = jnp.dot(z_ref[...].astype(bf), w1_ref[...].astype(bf),
                 preferred_element_type=jnp.float32)
    h1 = _leaky(h1 + b1_ref[0]).astype(bf)
    h2 = _leaky(jnp.dot(h1, w2_ref[...].astype(bf),
                        preferred_element_type=jnp.float32) + b2_ref[0]).astype(bf)
    o_ref[...] = (jnp.dot(h2, w3_ref[...].astype(bf),
                          preferred_element_type=jnp.float32) + b3_ref[0]).astype(bf)


def _decoder_mlp(G, w1, b1, w2, b2, w3, b3):
    BR = 3584
    NB = ELP // BR
    return pl.pallas_call(
        _mlp_body,
        grid=(NB,),
        in_specs=[
            pl.BlockSpec((BR, 2 * H), lambda r: (r, 0)),
            pl.BlockSpec((2 * H, 2 * H), lambda r: (0, 0)),
            pl.BlockSpec((1, 2 * H), lambda r: (0, 0)),
            pl.BlockSpec((2 * H, H), lambda r: (0, 0)),
            pl.BlockSpec((1, H), lambda r: (0, 0)),
            pl.BlockSpec((H, H), lambda r: (0, 0)),
            pl.BlockSpec((1, H), lambda r: (0, 0)),
        ],
        out_specs=pl.BlockSpec((BR, H), lambda r: (r, 0)),
        out_shape=jax.ShapeDtypeStruct((ELP, H), jnp.bfloat16),
    )(G, w1, b1, w2, b2, w3, b3)



def _pad_tiles(a, padval):
    a = a.reshape(NS, EPT)
    a = jnp.pad(a, ((0, 0), (0, EPT_PAD - EPT)), constant_values=padval)
    return a.reshape(NS, NO, 1, KB, CH)


def kernel(x_rna, x_drug, ei_rd, ei_dr, edge_label_index,
           c1_rd_Wm, c1_rd_bm, c1_rd_Ws, c1_rd_bs,
           c1_dr_Wm, c1_dr_bm, c1_dr_Ws, c1_dr_bs,
           c2_rd_Wm, c2_rd_bm, c2_rd_Ws, c2_rd_bs,
           c2_dr_Wm, c2_dr_bm, c2_dr_Ws, c2_dr_bs,
           dec_W1, dec_b1, dec_W2, dec_b2, dec_W3, dec_b3):
    _conv_pair, _conv_pairs = _sc_kernels()
    EDGES = jnp.stack([
        jnp.concatenate([_pad_tiles(ei_rd[0], 0),
                         _pad_tiles(ei_rd[1], ACC - 1)], axis=2),
        jnp.concatenate([_pad_tiles(ei_dr[0] + NP, NP),
                         _pad_tiles(ei_dr[1], ACC - 1)], axis=2),
    ])

    pad_n = ((0, NP - N), (0, 0))
    X1 = jnp.stack([jnp.pad(x_drug, pad_n), jnp.pad(x_rna, pad_n)])
    M1, S1 = _node_transform(
        X1,
        jnp.stack([c1_rd_Wm, c1_dr_Wm]), jnp.stack([c1_rd_bm, c1_dr_bm]).reshape(2, 1, H),
        jnp.stack([c1_rd_Ws, c1_dr_Ws]), jnp.stack([c1_rd_bs, c1_dr_bs]).reshape(2, 1, H),
        act=False)
    O1 = _conv_pair(M1.reshape(2 * NP, H), S1, EDGES)

    M2, S2 = _node_transform(
        O1,
        jnp.stack([c2_rd_Wm, c2_dr_Wm]), jnp.stack([c2_rd_bm, c2_dr_bm]).reshape(2, 1, H),
        jnp.stack([c2_rd_Ws, c2_dr_Ws]), jnp.stack([c2_rd_bs, c2_dr_bs]).reshape(2, 1, H),
        act=True)
    gi = jnp.stack([
        jnp.pad(edge_label_index[1], (0, ELP - EL)),
        jnp.pad(edge_label_index[0], (0, ELP - EL)),
    ]).reshape(NC, NS, NO3, KB3, CH)
    G = _conv_pairs(M2.reshape(2 * NP, H), S2, EDGES, gi)

    o = _decoder_mlp(
        G,
        dec_W1, dec_b1.reshape(1, 2 * H),
        dec_W2, dec_b2.reshape(1, H),
        jnp.pad(dec_W3, ((0, 0), (0, H - 1))), jnp.pad(dec_b3, (0, H - 1)).reshape(1, H))
    return o[:EL, 0].astype(jnp.float32)

# --- scband reference (transcript-rebuilt; emitter-appended) ---
"""Pipeline reference for scband-model-14482629722140 (READ-ONLY COPY).

The authoritative reference and input builder live on the scoring server;
editing this copy changes nothing except your own understanding.
"""

import jax, jax.numpy as jnp
import numpy as np

N_RNA = 10000
N_DRUG = 10000
E = 320000
EL = 100000
H = 128


def _lin(k, fi, fo):
    return jax.random.normal(k, (fi, fo), jnp.float32) / np.sqrt(fi)


def setup_inputs(seed: int = 0):
    key = jax.random.key(seed)
    ks = jax.random.split(key, 32)
    inp = {}
    inp['x_rna'] = jax.random.normal(ks[0], (N_RNA, H), jnp.float32)
    inp['x_drug'] = jax.random.normal(ks[1], (N_DRUG, H), jnp.float32)
    inp['ei_rd'] = jnp.stack([
        jax.random.randint(ks[2], (E,), 0, N_RNA, jnp.int32),
        jax.random.randint(ks[3], (E,), 0, N_DRUG, jnp.int32)])
    inp['ei_dr'] = jnp.stack([
        jax.random.randint(ks[4], (E,), 0, N_DRUG, jnp.int32),
        jax.random.randint(ks[5], (E,), 0, N_RNA, jnp.int32)])
    inp['edge_label_index'] = jnp.stack([
        jax.random.randint(ks[6], (EL,), 0, N_RNA, jnp.int32),
        jax.random.randint(ks[7], (EL,), 0, N_DRUG, jnp.int32)])
    i = 8
    for name in ['c1_rd', 'c1_dr', 'c2_rd', 'c2_dr']:
        inp[name + '_Wm'] = _lin(ks[i], H, H); i += 1
        inp[name + '_bm'] = jnp.zeros((H,), jnp.float32)
        inp[name + '_Ws'] = _lin(ks[i], H, H); i += 1
        inp[name + '_bs'] = jnp.zeros((H,), jnp.float32)
    inp['dec_W1'] = _lin(ks[i], 2 * H, 2 * H); i += 1
    inp['dec_b1'] = jnp.zeros((2 * H,), jnp.float32)
    inp['dec_W2'] = _lin(ks[i], 2 * H, H); i += 1
    inp['dec_b2'] = jnp.zeros((H,), jnp.float32)
    inp['dec_W3'] = _lin(ks[i], H, 1); i += 1
    inp['dec_b3'] = jnp.zeros((1,), jnp.float32)
    return inp


def _general_conv(x_src, x_dst, ei, Wm, bm, Ws, bs, n_dst):
    # GeneralConv: out_i = sum_{j->i} lin_msg(x_j) + lin_self(x_i)
    # lin_msg is linear in x_j, so precompute at node level then gather per edge.
    msg_nodes = x_src @ Wm + bm
    msg = jnp.take(msg_nodes, ei[0], axis=0)
    agg = jax.ops.segment_sum(msg, ei[1], num_segments=n_dst)
    return agg + x_dst @ Ws + bs


def reference(x_rna, x_drug, ei_rd, ei_dr, edge_label_index,
              c1_rd_Wm, c1_rd_bm, c1_rd_Ws, c1_rd_bs,
              c1_dr_Wm, c1_dr_bm, c1_dr_Ws, c1_dr_bs,
              c2_rd_Wm, c2_rd_bm, c2_rd_Ws, c2_rd_bs,
              c2_dr_Wm, c2_dr_bm, c2_dr_Ws, c2_dr_bs,
              dec_W1, dec_b1, dec_W2, dec_b2, dec_W3, dec_b3):
    # hetero encoder layer 1 (one conv per edge type, aggr_str='sum' across edge types)
    h_drug = _general_conv(x_rna, x_drug, ei_rd, c1_rd_Wm, c1_rd_bm, c1_rd_Ws, c1_rd_bs, N_DRUG)
    h_rna = _general_conv(x_drug, x_rna, ei_dr, c1_dr_Wm, c1_dr_bm, c1_dr_Ws, c1_dr_bs, N_RNA)
    h_drug = jax.nn.leaky_relu(h_drug, 0.1)
    h_rna = jax.nn.leaky_relu(h_rna, 0.1)
    # layer 2
    z_drug = _general_conv(h_rna, h_drug, ei_rd, c2_rd_Wm, c2_rd_bm, c2_rd_Ws, c2_rd_bs, N_DRUG)
    z_rna = _general_conv(h_drug, h_rna, ei_dr, c2_dr_Wm, c2_dr_bm, c2_dr_Ws, c2_dr_bs, N_RNA)
    # edge decoder
    row = edge_label_index[0]
    col = edge_label_index[1]
    z = jnp.concatenate([jnp.take(z_rna, row, axis=0), jnp.take(z_drug, col, axis=0)], axis=-1)
    z = jax.nn.leaky_relu(z @ dec_W1 + dec_b1, 0.1)
    z = jax.nn.leaky_relu(z @ dec_W2 + dec_b2, 0.1)
    z = z @ dec_W3 + dec_b3
    return z.reshape(-1)

if __name__ == "__main__":
    import jax
    _d = setup_inputs()
    print(jax.jit(kernel)(*tuple(_d.values())))

</pallas_src>

<mosaic_0001>
#map = affine_map<(d0, d1) -> (0, 0)>
#map1 = affine_map<(d0, d1) -> (0, 0, 0)>
#map2 = affine_map<(d0, d1) -> (0, 0, 0, 0, 0, 0)>
module attributes {stable_mosaic.version = 14 : i64} {
  func.func @_conv_out_body(%arg0: i32, %arg1: i32, %arg2: memref<20480x128xf32, #tpu.memory_space<hbm>>, %arg3: memref<2x10240x128xf32, #tpu.memory_space<hbm>>, %arg4: memref<2x16x12x2x15x112xi32, #tpu.memory_space<hbm>>, %arg5: memref<2x10240x128xf32, #tpu.memory_space<hbm>>, %arg6: memref<2x15x112xi32, #tpu.memory_space<vmem>>, %arg7: memref<112x128xf32, #tpu.memory_space<vmem>>, %arg8: memref<112x128xf32, #tpu.memory_space<vmem>>, %arg9: memref<112x128xf32, #tpu.memory_space<vmem>>, %arg10: memref<10240x128xf32, #tpu.memory_space<vmem_shared>>, %arg11: memref<!tpu.dma_semaphore, #tpu.memory_space<semaphore_mem>>, %arg12: memref<!tpu.dma_semaphore, #tpu.memory_space<semaphore_mem>>, %arg13: memref<!tpu.dma_semaphore, #tpu.memory_space<semaphore_mem>>, %arg14: memref<!tpu.dma_semaphore, #tpu.memory_space<semaphore_mem>>, %arg15: memref<!tpu.dma_semaphore, #tpu.memory_space<semaphore_mem>>, %arg16: memref<!tpu.dma_semaphore, #tpu.memory_space<semaphore_mem>>) attributes {dimension_semantics = [#tpu.dimension_semantics<core_parallel>, #tpu.dimension_semantics<subcore_parallel>], iteration_bounds = array<i64: 2, 16>, scalar_prefetch = 0 : i64, scratch_operands = 11 : i64, tpu.core_type = #tpu.core_type<sc_vector_subcore>, window_params = [{transform_indices = #map}, {transform_indices = #map1}, {transform_indices = #map2}, {transform_indices = #map1}]} {
    %mul3A = arith.constant 640 : i32
    %mul3A_0 = arith.muli %arg1, %mul3A : i32
    %mul3A_1 = arith.constant 640 : i32
    %mul3A_2 = arith.muli %arg1, %mul3A_1 : i32
    "tpu.region"() ({
      %run_scoped3A = tpu.sem_alloc : memref<!tpu.dma_semaphore, #tpu.memory_space<semaphore_mem>>
      %dma_start3A = arith.constant 0 : i32
      %dma_start3A_13 = tpu.memref_slice %arg10[%mul3A_2, %dma_start3A] : memref<10240x128xf32, #tpu.memory_space<vmem_shared>> -> memref<640x128xf32, #tpu.memory_space<vmem_shared>>
      %dma_start3A_14 = arith.constant 0 : i32
      %dma_start3A_15 = tpu.memref_slice %arg3[%arg0, %mul3A_0, %dma_start3A_14] : memref<2x10240x128xf32, #tpu.memory_space<hbm>> -> memref<1x640x128xf32, #tpu.memory_space<hbm>>
      %dma_start3A_16 = tpu.memref_squeeze %dma_start3A_15 : memref<1x640x128xf32, #tpu.memory_space<hbm>> -> memref<640x128xf32, #tpu.memory_space<hbm>>
      tpu.enqueue_dma source(%dma_start3A_16 : memref<640x128xf32, #tpu.memory_space<hbm>>) target(%dma_start3A_13 : memref<640x128xf32, #tpu.memory_space<vmem_shared>>) target_semaphore(%run_scoped3A : memref<!tpu.dma_semaphore, #tpu.memory_space<semaphore_mem>>)
      %dma_wait3A = arith.constant 0 : i32
      %dma_wait3A_17 = tpu.memref_slice %arg10[%mul3A_2, %dma_wait3A] : memref<10240x128xf32, #tpu.memory_space<vmem_shared>> -> memref<640x128xf32, #tpu.memory_space<vmem_shared>>
      %dma_wait3A_18 = arith.constant 0 : i32
      %dma_wait3A_19 = tpu.memref_slice %arg3[%arg0, %mul3A_0, %dma_wait3A_18] : memref<2x10240x128xf32, #tpu.memory_space<hbm>> -> memref<1x640x128xf32, #tpu.memory_space<hbm>>
      %dma_wait3A_20 = tpu.memref_squeeze %dma_wait3A_19 : memref<1x640x128xf32, #tpu.memory_space<hbm>> -> memref<640x128xf32, #tpu.memory_space<hbm>>
      tpu.wait_dma2 semaphore(%run_scoped3A : memref<!tpu.dma_semaphore, #tpu.memory_space<semaphore_mem>>) src(%dma_wait3A_20 : memref<640x128xf32, #tpu.memory_space<hbm>>) dst(%dma_wait3A_17 : memref<640x128xf32, #tpu.memory_space<vmem_shared>>)
      tpu.yield
    }) : () -> ()
    %barrier3A = arith.constant 0 : index
    tpu.barrier barrier_id(%barrier3A)
    %scan3A = arith.constant 0 : i32
    %scan3A_3 = arith.constant 0 : i32
    %scan3A_4 = arith.constant 12 : i32
    %scan3A_5 = arith.addi %scan3A_3, %scan3A_4 : i32
    %scan3A_6 = arith.constant 1 : i32
    scf.for %scan3A_13 = %scan3A_3 to %scan3A_5 step %scan3A_6  : i32 {
      "tpu.region"() ({
        %run_scoped3A = tpu.sem_alloc : memref<!tpu.dma_semaphore, #tpu.memory_space<semaphore_mem>>
        %dma_start3A_492 = arith.constant 0 : i32
        %dma_start3A_493 = arith.constant 0 : i32
        %dma_start3A_494 = arith.constant 0 : i32
        %dma_start3A_495 = tpu.memref_slice %arg4[%arg0, %arg1, %scan3A_13, %dma_start3A_492, %dma_start3A_493, %dma_start3A_494] : memref<2x16x12x2x15x112xi32, #tpu.memory_space<hbm>> -> memref<1x1x1x2x15x112xi32, #tpu.memory_space<hbm>>
        %dma_start3A_496 = tpu.memref_squeeze %dma_start3A_495 : memref<1x1x1x2x15x112xi32, #tpu.memory_space<hbm>> -> memref<2x15x112xi32, #tpu.memory_space<hbm>>
        %dma_start3A_497 = arith.constant 0 : i32
        %dma_start3A_498 = arith.constant 0 : i32
        %dma_start3A_499 = arith.constant 0 : i32
        %dma_start3A_500 = tpu.memref_slice %arg4[%arg0, %arg1, %scan3A_13, %dma_start3A_497, %dma_start3A_498, %dma_start3A_499] : memref<2x16x12x2x15x112xi32, #tpu.memory_space<hbm>> -> memref<1x1x1x2x15x112xi32, #tpu.memory_space<hbm>>
        %dma_start3A_501 = tpu.memref_squeeze %dma_start3A_500 : memref<1x1x1x2x15x112xi32, #tpu.memory_space<hbm>> -> memref<2x15x112xi32, #tpu.memory_space<hbm>>
        tpu.enqueue_dma source(%dma_start3A_501 : memref<2x15x112xi32, #tpu.memory_space<hbm>>) target(%arg6 : memref<2x15x112xi32, #tpu.memory_space<vmem>>) target_semaphore(%run_scoped3A : memref<!tpu.dma_semaphore, #tpu.memory_space<semaphore_mem>>)
        %dma_wait3A_502 = arith.constant 0 : i32
        %dma_wait3A_503 = arith.constant 0 : i32
        %dma_wait3A_504 = arith.constant 0 : i32
        %dma_wait3A_505 = tpu.memref_slice %arg4[%arg0, %arg1, %scan3A_13, %dma_wait3A_502, %dma_wait3A_503, %dma_wait3A_504] : memref<2x16x12x2x15x112xi32, #tpu.memory_space<hbm>> -> memref<1x1x1x2x15x112xi32, #tpu.memory_space<hbm>>
        %dma_wait3A_506 = tpu.memref_squeeze %dma_wait3A_505 : memref<1x1x1x2x15x112xi32, #tpu.memory_space<hbm>> -> memref<2x15x112xi32, #tpu.memory_space<hbm>>
        %dma_wait3A_507 = arith.constant 0 : i32
        %dma_wait3A_508 = arith.constant 0 : i32
        %dma_wait3A_509 = arith.constant 0 : i32
        %dma_wait3A_510 = tpu.memref_slice %arg4[%arg0, %arg1, %scan3A_13, %dma_wait3A_507, %dma_wait3A_508, %dma_wait3A_509] : memref<2x16x12x2x15x112xi32, #tpu.memory_space<hbm>> -> memref<1x1x1x2x15x112xi32, #tpu.memory_space<hbm>>
        %dma_wait3A_511 = tpu.memref_squeeze %dma_wait3A_510 : memref<1x1x1x2x15x112xi32, #tpu.memory_space<hbm>> -> memref<2x15x112xi32, #tpu.memory_space<hbm>>
        tpu.wait_dma2 semaphore(%run_scoped3A : memref<!tpu.dma_semaphore, #tpu.memory_space<semaphore_mem>>) src(%dma_wait3A_511 : memref<2x15x112xi32, #tpu.memory_space<hbm>>) dst(%arg6 : memref<2x15x112xi32, #tpu.memory_space<vmem>>)
        tpu.yield
      }) : () -> ()
      %dma_start3A = arith.constant 0 : i32
      %dma_start3A_14 = arith.constant 0 : i32
      %dma_start3A_15 = arith.constant 0 : i32
      %dma_start3A_16 = tpu.memref_slice %arg6[%dma_start3A, %dma_start3A_14, %dma_start3A_15] : memref<2x15x112xi32, #tpu.memory_space<vmem>> -> memref<1x1x112xi32, #tpu.memory_space<vmem>>
      %dma_start3A_17 = tpu.memref_squeeze %dma_start3A_16 : memref<1x1x112xi32, #tpu.memory_space<vmem>> -> memref<112xi32, #tpu.memory_space<vmem>>
      %dma_start3A_18 = arith.constant 0 : i32
      %dma_start3A_19 = arith.constant 0 : i32
      %dma_start3A_20 = tpu.memref_slice %arg2[%dma_start3A_18, %dma_start3A_19] : memref<20480x128xf32, #tpu.memory_space<hbm>> -> memref<20480x128xf32, #tpu.memory_space<hbm>>
      tpu.enqueue_indirect_dma source(%dma_start3A_20 : memref<20480x128xf32, #tpu.memory_space<hbm>>) target(%arg7 : memref<112x128xf32, #tpu.memory_space<vmem>>) offsets(%dma_start3A_17 : memref<112xi32, #tpu.memory_space<vmem>>) semaphore(%arg11 : memref<!tpu.dma_semaphore, #tpu.memory_space<semaphore_mem>>)
      %dma_start3A_21 = arith.constant 0 : i32
      %dma_start3A_22 = arith.constant 1 : i32
      %dma_start3A_23 = arith.constant 0 : i32
      %dma_start3A_24 = tpu.memref_slice %arg6[%dma_start3A_21, %dma_start3A_22, %dma_start3A_23] : memref<2x15x112xi32, #tpu.memory_space<vmem>> -> memref<1x1x112xi32, #tpu.memory_space<vmem>>
      %dma_start3A_25 = tpu.memref_squeeze %dma_start3A_24 : memref<1x1x112xi32, #tpu.memory_space<vmem>> -> memref<112xi32, #tpu.memory_space<vmem>>
      %dma_start3A_26 = arith.constant 0 : i32
      %dma_start3A_27 = arith.constant 0 : i32
      %dma_start3A_28 = tpu.memref_slice %arg2[%dma_start3A_26, %dma_start3A_27] : memref<20480x128xf32, #tpu.memory_space<hbm>> -> memref<20480x128xf32, #tpu.memory_space<hbm>>
      tpu.enqueue_indirect_dma source(%dma_start3A_28 : memref<20480x128xf32, #tpu.memory_space<hbm>>) target(%arg8 : memref<112x128xf32, #tpu.memory_space<vmem>>) offsets(%dma_start3A_25 : memref<112xi32, #tpu.memory_space<vmem>>) semaphore(%arg12 : memref<!tpu.dma_semaphore, #tpu.memory_space<semaphore_mem>>)
      %dma_wait3A = arith.constant 0 : i32
      %dma_wait3A_29 = arith.constant 0 : i32
      %dma_wait3A_30 = arith.constant 0 : i32
      %dma_wait3A_31 = tpu.memref_slice %arg6[%dma_wait3A, %dma_wait3A_29, %dma_wait3A_30] : memref<2x15x112xi32, #tpu.memory_space<vmem>> -> memref<1x1x112xi32, #tpu.memory_space<vmem>>
      %dma_wait3A_32 = tpu.memref_squeeze %dma_wait3A_31 : memref<1x1x112xi32, #tpu.memory_space<vmem>> -> memref<112xi32, #tpu.memory_space<vmem>>
      %dma_wait3A_33 = arith.constant 0 : i32
      %dma_wait3A_34 = arith.constant 0 : i32
      %dma_wait3A_35 = tpu.memref_slice %arg2[%dma_wait3A_33, %dma_wait3A_34] : memref<20480x128xf32, #tpu.memory_space<hbm>> -> memref<20480x128xf32, #tpu.memory_space<hbm>>
      tpu.wait_indirect_dma semaphore(%arg11 : memref<!tpu.dma_semaphore, #tpu.memory_space<semaphore_mem>>) src(%dma_wait3A_35 : memref<20480x128xf32, #tpu.memory_space<hbm>>) dst(%arg7 : memref<112x128xf32, #tpu.memory_space<vmem>>)
      %dma_start3A_36 = arith.constant 1 : i32
      %dma_start3A_37 = arith.constant 0 : i32
      %dma_start3A_38 = arith.constant 0 : i32
      %dma_start3A_39 = tpu.memref_slice %arg6[%dma_start3A_36, %dma_start3A_37, %dma_start3A_38] : memref<2x15x112xi32, #tpu.memory_space<vmem>> -> memref<1x1x112xi32, #tpu.memory_space<vmem>>
      %dma_start3A_40 = tpu.memref_squeeze %dma_start3A_39 : memref<1x1x112xi32, #tpu.memory_space<vmem>> -> memref<112xi32, #tpu.memory_space<vmem>>
      %dma_start3A_41 = arith.constant 0 : i32
      %dma_start3A_42 = arith.constant 0 : i32
      %dma_start3A_43 = tpu.memref_slice %arg10[%dma_start3A_41, %dma_start3A_42] : memref<10240x128xf32, #tpu.memory_space<vmem_shared>> -> memref<10240x128xf32, #tpu.memory_space<vmem_shared>>
      tpu.enqueue_indirect_dma source(%arg7 : memref<112x128xf32, #tpu.memory_space<vmem>>) target(%dma_start3A_43 : memref<10240x128xf32, #tpu.memory_space<vmem_shared>>) offsets(%dma_start3A_40 : memref<112xi32, #tpu.memory_space<vmem>>) semaphore(%arg14 : memref<!tpu.dma_semaphore, #tpu.memory_space<semaphore_mem>>) {add = true}
      %dma_start3A_44 = arith.constant 0 : i32
      %dma_start3A_45 = arith.constant 2 : i32
      %dma_start3A_46 = arith.constant 0 : i32
      %dma_start3A_47 = tpu.memref_slice %arg6[%dma_start3A_44, %dma_start3A_45, %dma_start3A_46] : memref<2x15x112xi32, #tpu.memory_space<vmem>> -> memref<1x1x112xi32, #tpu.memory_space<vmem>>
      %dma_start3A_48 = tpu.memref_squeeze %dma_start3A_47 : memref<1x1x112xi32, #tpu.memory_space<vmem>> -> memref<112xi32, #tpu.memory_space<vmem>>
      %dma_start3A_49 = arith.constant 0 : i32
      %dma_start3A_50 = arith.constant 0 : i32
      %dma_start3A_51 = tpu.memref_slice %arg2[%dma_start3A_49, %dma_start3A_50] : memref<20480x128xf32, #tpu.memory_space<hbm>> -> memref<20480x128xf32, #tpu.memory_space<hbm>>
      tpu.enqueue_indirect_dma source(%dma_start3A_51 : memref<20480x128xf32, #tpu.memory_space<hbm>>) target(%arg9 : memref<112x128xf32, #tpu.memory_space<vmem>>) offsets(%dma_start3A_48 : memref<112xi32, #tpu.memory_space<vmem>>) semaphore(%arg13 : memref<!tpu.dma_semaphore, #tpu.memory_space<semaphore_mem>>)
      %dma_wait3A_52 = arith.constant 0 : i32
      %dma_wait3A_53 = arith.constant 1 : i32
      %dma_wait3A_54 = arith.constant 0 : i32
      %dma_wait3A_55 = tpu.memref_slice %arg6[%dma_wait3A_52, %dma_wait3A_53, %dma_wait3A_54] : memref<2x15x112xi32, #tpu.memory_space<vmem>> -> memref<1x1x112xi32, #tpu.memory_space<vmem>>
      %dma_wait3A_56 = tpu.memref_squeeze %dma_wait3A_55 : memref<1x1x112xi32, #tpu.memory_space<vmem>> -> memref<112xi32, #tpu.memory_space<vmem>>
      %dma_wait3A_57 = arith.constant 0 : i32
      %dma_wait3A_58 = arith.constant 0 : i32
      %dma_wait3A_59 = tpu.memref_slice %arg2[%dma_wait3A_57, %dma_wait3A_58] : memref<20480x128xf32, #tpu.memory_space<hbm>> -> memref<20480x128xf32, #tpu.memory_space<hbm>>
      tpu.wait_indirect_dma semaphore(%arg12 : memref<!tpu.dma_semaphore, #tpu.memory_space<semaphore_mem>>) src(%dma_wait3A_59 : memref<20480x128xf32, #tpu.memory_space<hbm>>) dst(%arg8 : memref<112x128xf32, #tpu.memory_space<vmem>>)
      %dma_start3A_60 = arith.constant 1 : i32
      %dma_start3A_61 = arith.constant 1 : i32
      %dma_start3A_62 = arith.constant 0 : i32
      %dma_start3A_63 = tpu.memref_slice %arg6[%dma_start3A_60, %dma_start3A_61, %dma_start3A_62] : memref<2x15x112xi32, #tpu.memory_space<vmem>> -> memref<1x1x112xi32, #tpu.memory_space<vmem>>
      %dma_start3A_64 = tpu.memref_squeeze %dma_start3A_63 : memref<1x1x112xi32, #tpu.memory_space<vmem>> -> memref<112xi32, #tpu.memory_space<vmem>>
      %dma_start3A_65 = arith.constant 0 : i32
      %dma_start3A_66 = arith.constant 0 : i32
      %dma_start3A_67 = tpu.memref_slice %arg10[%dma_start3A_65, %dma_start3A_66] : memref<10240x128xf32, #tpu.memory_space<vmem_shared>> -> memref<10240x128xf32, #tpu.memory_space<vmem_shared>>
      tpu.enqueue_indirect_dma source(%arg8 : memref<112x128xf32, #tpu.memory_space<vmem>>) target(%dma_start3A_67 : memref<10240x128xf32, #tpu.memory_space<vmem_shared>>) offsets(%dma_start3A_64 : memref<112xi32, #tpu.memory_space<vmem>>) semaphore(%arg15 : memref<!tpu.dma_semaphore, #tpu.memory_space<semaphore_mem>>) {add = true}
      %dma_wait3A_68 = arith.constant 1 : i32
      %dma_wait3A_69 = arith.constant 0 : i32
      %dma_wait3A_70 = arith.constant 0 : i32
      %dma_wait3A_71 = tpu.memref_slice %arg6[%dma_wait3A_68, %dma_wait3A_69, %dma_wait3A_70] : memref<2x15x112xi32, #tpu.memory_space<vmem>> -> memref<1x1x112xi32, #tpu.memory_space<vmem>>
      %dma_wait3A_72 = tpu.memref_squeeze %dma_wait3A_71 : memref<1x1x112xi32, #tpu.memory_space<vmem>> -> memref<112xi32, #tpu.memory_space<vmem>>
      %dma_wait3A_73 = arith.constant 0 : i32
      %dma_wait3A_74 = arith.constant 0 : i32
      %dma_wait3A_75 = tpu.memref_slice %arg10[%dma_wait3A_73, %dma_wait3A_74] : memref<10240x128xf32, #tpu.memory_space<vmem_shared>> -> memref<10240x128xf32, #tpu.memory_space<vmem_shared>>
      tpu.wait_indirect_dma semaphore(%arg14 : memref<!tpu.dma_semaphore, #tpu.memory_space<semaphore_mem>>) src(%arg7 : memref<112x128xf32, #tpu.memory_space<vmem>>) dst(%dma_wait3A_75 : memref<10240x128xf32, #tpu.memory_space<vmem_shared>>)
      %dma_start3A_76 = arith.constant 0 : i32
      %dma_start3A_77 = arith.constant 3 : i32
      %dma_start3A_78 = arith.constant 0 : i32
      %dma_start3A_79 = tpu.memref_slice %arg6[%dma_start3A_76, %dma_start3A_77, %dma_start3A_78] : memref<2x15x112xi32, #tpu.memory_space<vmem>> -> memref<1x1x112xi32, #tpu.memory_space<vmem>>
      %dma_start3A_80 = tpu.memref_squeeze %dma_start3A_79 : memref<1x1x112xi32, #tpu.memory_space<vmem>> -> memref<112xi32, #tpu.memory_space<vmem>>
      %dma_start3A_81 = arith.constant 0 : i32
      %dma_start3A_82 = arith.constant 0 : i32
      %dma_start3A_83 = tpu.memref_slice %arg2[%dma_start3A_81, %dma_start3A_82] : memref<20480x128xf32, #tpu.memory_space<hbm>> -> memref<20480x128xf32, #tpu.memory_space<hbm>>
      tpu.enqueue_indirect_dma source(%dma_start3A_83 : memref<20480x128xf32, #tpu.memory_space<hbm>>) target(%arg7 : memref<112x128xf32, #tpu.memory_space<vmem>>) offsets(%dma_start3A_80 : memref<112xi32, #tpu.memory_space<vmem>>) semaphore(%arg11 : memref<!tpu.dma_semaphore, #tpu.memory_space<semaphore_mem>>)
      %dma_wait3A_84 = arith.constant 0 : i32
      %dma_wait3A_85 = arith.constant 2 : i32
      %dma_wait3A_86 = arith.constant 0 : i32
      %dma_wait3A_87 = tpu.memref_slice %arg6[%dma_wait3A_84, %dma_wait3A_85, %dma_wait3A_86] : memref<2x15x112xi32, #tpu.memory_space<vmem>> -> memref<1x1x112xi32, #tpu.memory_space<vmem>>
      %dma_wait3A_88 = tpu.memref_squeeze %dma_wait3A_87 : memref<1x1x112xi32, #tpu.memory_space<vmem>> -> memref<112xi32, #tpu.memory_space<vmem>>
      %dma_wait3A_89 = arith.constant 0 : i32
      %dma_wait3A_90 = arith.constant 0 : i32
      %dma_wait3A_91 = tpu.memref_slice %arg2[%dma_wait3A_89, %dma_wait3A_90] : memref<20480x128xf32, #tpu.memory_space<hbm>> -> memref<20480x128xf32, #tpu.memory_space<hbm>>
      tpu.wait_indirect_dma semaphore(%arg13 : memref<!tpu.dma_semaphore, #tpu.memory_space<semaphore_mem>>) src(%dma_wait3A_91 : memref<20480x128xf32, #tpu.memory_space<hbm>>) dst(%arg9 : memref<112x128xf32, #tpu.memory_space<vmem>>)
      %dma_start3A_92 = arith.constant 1 : i32
      %dma_start3A_93 = arith.constant 2 : i32
      %dma_start3A_94 = arith.constant 0 : i32
      %dma_start3A_95 = tpu.memref_slice %arg6[%dma_start3A_92, %dma_start3A_93, %dma_start3A_94] : memref<2x15x112xi32, #tpu.memory_space<vmem>> -> memref<1x1x112xi32, #tpu.memory_space<vmem>>
      %dma_start3A_96 = tpu.memref_squeeze %dma_start3A_95 : memref<1x1x112xi32, #tpu.memory_space<vmem>> -> memref<112xi32, #tpu.memory_space<vmem>>
      %dma_start3A_97 = arith.constant 0 : i32
      %dma_start3A_98 = arith.constant 0 : i32
      %dma_start3A_99 = tpu.memref_slice %arg10[%dma_start3A_97, %dma_start3A_98] : memref<10240x128xf32, #tpu.memory_space<vmem_shared>> -> memref<10240x128xf32, #tpu.memory_space<vmem_shared>>
      tpu.enqueue_indirect_dma source(%arg9 : memref<112x128xf32, #tpu.memory_space<vmem>>) target(%dma_start3A_99 : memref<10240x128xf32, #tpu.memory_space<vmem_shared>>) offsets(%dma_start3A_96 : memref<112xi32, #tpu.memory_space<vmem>>) semaphore(%arg16 : memref<!tpu.dma_semaphore, #tpu.memory_space<semaphore_mem>>) {add = true}
      %dma_wait3A_100 = arith.constant 1 : i32
      %dma_wait3A_101 = arith.constant 1 : i32
      %dma_wait3A_102 = arith.constant 0 : i32
      %dma_wait3A_103 = tpu.memref_slice %arg6[%dma_wait3A_100, %dma_wait3A_101, %dma_wait3A_102] : memref<2x15x112xi32, #tpu.memory_space<vmem>> -> memref<1x1x112xi32, #tpu.memory_space<vmem>>
      %dma_wait3A_104 = tpu.memref_squeeze %dma_wait3A_103 : memref<1x1x112xi32, #tpu.memory_space<vmem>> -> memref<112xi32, #tpu.memory_space<vmem>>
      %dma_wait3A_105 = arith.constant 0 : i32
      %dma_wait3A_106 = arith.constant 0 : i32
      %dma_wait3A_107 = tpu.memref_slice %arg10[%dma_wait3A_105, %dma_wait3A_106] : memref<10240x128xf32, #tpu.memory_space<vmem_shared>> -> memref<10240x128xf32, #tpu.memory_space<vmem_shared>>
      tpu.wait_indirect_dma semaphore(%arg15 : memref<!tpu.dma_semaphore, #tpu.memory_space<semaphore_mem>>) src(%arg8 : memref<112x128xf32, #tpu.memory_space<vmem>>) dst(%dma_wait3A_107 : memref<10240x128xf32, #tpu.memory_space<vmem_shared>>)
      %dma_start3A_108 = arith.constant 0 : i32
      %dma_start3A_109 = arith.constant 4 : i32
      %dma_start3A_110 = arith.constant 0 : i32
      %dma_start3A_111 = tpu.memref_slice %arg6[%dma_start3A_108, %dma_start3A_109, %dma_start3A_110] : memref<2x15x112xi32, #tpu.memory_space<vmem>> -> memref<1x1x112xi32, #tpu.memory_space<vmem>>
      %dma_start3A_112 = tpu.memref_squeeze %dma_start3A_111 : memref<1x1x112xi32, #tpu.memory_space<vmem>> -> memref<112xi32, #tpu.memory_space<vmem>>
      %dma_start3A_113 = arith.constant 0 : i32
      %dma_start3A_114 = arith.constant 0 : i32
      %dma_start3A_115 = tpu.memref_slice %arg2[%dma_start3A_113, %dma_start3A_114] : memref<20480x128xf32, #tpu.memory_space<hbm>> -> memref<20480x128xf32, #tpu.memory_space<hbm>>
      tpu.enqueue_indirect_dma source(%dma_start3A_115 : memref<20480x128xf32, #tpu.memory_space<hbm>>) target(%arg8 : memref<112x128xf32, #tpu.memory_space<vmem>>) offsets(%dma_start3A_112 : memref<112xi32, #tpu.memory_space<vmem>>) semaphore(%arg12 : memref<!tpu.dma_semaphore, #tpu.memory_space<semaphore_mem>>)
      %dma_wait3A_116 = arith.constant 0 : i32
      %dma_wait3A_117 = arith.constant 3 : i32
      %dma_wait3A_118 = arith.constant 0 : i32
      %dma_wait3A_119 = tpu.memref_slice %arg6[%dma_wait3A_116, %dma_wait3A_117, %dma_wait3A_118] : memref<2x15x112xi32, #tpu.memory_space<vmem>> -> memref<1x1x112xi32, #tpu.memory_space<vmem>>
      %dma_wait3A_120 = tpu.memref_squeeze %dma_wait3A_119 : memref<1x1x112xi32, #tpu.memory_space<vmem>> -> memref<112xi32, #tpu.memory_space<vmem>>
      %dma_wait3A_121 = arith.constant 0 : i32
      %dma_wait3A_122 = arith.constant 0 : i32
      %dma_wait3A_123 = tpu.memref_slice %arg2[%dma_wait3A_121, %dma_wait3A_122] : memref<20480x128xf32, #tpu.memory_space<hbm>> -> memref<20480x128xf32, #tpu.memory_space<hbm>>
      tpu.wait_indirect_dma semaphore(%arg11 : memref<!tpu.dma_semaphore, #tpu.memory_space<semaphore_mem>>) src(%dma_wait3A_123 : memref<20480x128xf32, #tpu.memory_space<hbm>>) dst(%arg7 : memref<112x128xf32, #tpu.memory_space<vmem>>)
      %dma_start3A_124 = arith.constant 1 : i32
      %dma_start3A_125 = arith.constant 3 : i32
      %dma_start3A_126 = arith.constant 0 : i32
      %dma_start3A_127 = tpu.memref_slice %arg6[%dma_start3A_124, %dma_start3A_125, %dma_start3A_126] : memref<2x15x112xi32, #tpu.memory_space<vmem>> -> memref<1x1x112xi32, #tpu.memory_space<vmem>>
      %dma_start3A_128 = tpu.memref_squeeze %dma_start3A_127 : memref<1x1x112xi32, #tpu.memory_space<vmem>> -> memref<112xi32, #tpu.memory_space<vmem>>
      %dma_start3A_129 = arith.constant 0 : i32
      %dma_start3A_130 = arith.constant 0 : i32
      %dma_start3A_131 = tpu.memref_slice %arg10[%dma_start3A_129, %dma_start3A_130] : memref<10240x128xf32, #tpu.memory_space<vmem_shared>> -> memref<10240x128xf32, #tpu.memory_space<vmem_shared>>
      tpu.enqueue_indirect_dma source(%arg7 : memref<112x128xf32, #tpu.memory_space<vmem>>) target(%dma_start3A_131 : memref<10240x128xf32, #tpu.memory_space<vmem_shared>>) offsets(%dma_start3A_128 : memref<112xi32, #tpu.memory_space<vmem>>) semaphore(%arg14 : memref<!tpu.dma_semaphore, #tpu.memory_space<semaphore_mem>>) {add = true}
      %dma_wait3A_132 = arith.constant 1 : i32
      %dma_wait3A_133 = arith.constant 2 : i32
      %dma_wait3A_134 = arith.constant 0 : i32
      %dma_wait3A_135 = tpu.memref_slice %arg6[%dma_wait3A_132, %dma_wait3A_133, %dma_wait3A_134] : memref<2x15x112xi32, #tpu.memory_space<vmem>> -> memref<1x1x112xi32, #tpu.memory_space<vmem>>
      %dma_wait3A_136 = tpu.memref_squeeze %dma_wait3A_135 : memref<1x1x112xi32, #tpu.memory_space<vmem>> -> memref<112xi32, #tpu.memory_space<vmem>>
      %dma_wait3A_137 = arith.constant 0 : i32
      %dma_wait3A_138 = arith.constant 0 : i32
      %dma_wait3A_139 = tpu.memref_slice %arg10[%dma_wait3A_137, %dma_wait3A_138] : memref<10240x128xf32, #tpu.memory_space<vmem_shared>> -> memref<10240x128xf32, #tpu.memory_space<vmem_shared>>
      tpu.wait_indirect_dma semaphore(%arg16 : memref<!tpu.dma_semaphore, #tpu.memory_space<semaphore_mem>>) src(%arg9 : memref<112x128xf32, #tpu.memory_space<vmem>>) dst(%dma_wait3A_139 : memref<10240x128xf32, #tpu.memory_space<vmem_shared>>)
      %dma_start3A_140 = arith.constant 0 : i32
      %dma_start3A_141 = arith.constant 5 : i32
      %dma_start3A_142 = arith.constant 0 : i32
      %dma_start3A_143 = tpu.memref_slice %arg6[%dma_start3A_140, %dma_start3A_141, %dma_start3A_142] : memref<2x15x112xi32, #tpu.memory_space<vmem>> -> memref<1x1x112xi32, #tpu.memory_space<vmem>>
      %dma_start3A_144 = tpu.memref_squeeze %dma_start3A_143 : memref<1x1x112xi32, #tpu.memory_space<vmem>> -> memref<112xi32, #tpu.memory_space<vmem>>
      %dma_start3A_145 = arith.constant 0 : i32
      %dma_start3A_146 = arith.constant 0 : i32
      %dma_start3A_147 = tpu.memref_slice %arg2[%dma_start3A_145, %dma_start3A_146] : memref<20480x128xf32, #tpu.memory_space<hbm>> -> memref<20480x128xf32, #tpu.memory_space<hbm>>
      tpu.enqueue_indirect_dma source(%dma_start3A_147 : memref<20480x128xf32, #tpu.memory_space<hbm>>) target(%arg9 : memref<112x128xf32, #tpu.memory_space<vmem>>) offsets(%dma_start3A_144 : memref<112xi32, #tpu.memory_space<vmem>>) semaphore(%arg13 : memref<!tpu.dma_semaphore, #tpu.memory_space<semaphore_mem>>)
      %dma_wait3A_148 = arith.constant 0 : i32
      %dma_wait3A_149 = arith.constant 4 : i32
      %dma_wait3A_150 = arith.constant 0 : i32
      %dma_wait3A_151 = tpu.memref_slice %arg6[%dma_wait3A_148, %dma_wait3A_149, %dma_wait3A_150] : memref<2x15x112xi32, #tpu.memory_space<vmem>> -> memref<1x1x112xi32, #tpu.memory_space<vmem>>
      %dma_wait3A_152 = tpu.memref_squeeze %dma_wait3A_151 : memref<1x1x112xi32, #tpu.memory_space<vmem>> -> memref<112xi32, #tpu.memory_space<vmem>>
      %dma_wait3A_153 = arith.constant 0 : i32
      %dma_wait3A_154 = arith.constant 0 : i32
      %dma_wait3A_155 = tpu.memref_slice %arg2[%dma_wait3A_153, %dma_wait3A_154] : memref<20480x128xf32, #tpu.memory_space<hbm>> -> memref<20480x128xf32, #tpu.memory_space<hbm>>
      tpu.wait_indirect_dma semaphore(%arg12 : memref<!tpu.dma_semaphore, #tpu.memory_space<semaphore_mem>>) src(%dma_wait3A_155 : memref<20480x128xf32, #tpu.memory_space<hbm>>) dst(%arg8 : memref<112x128xf32, #tpu.memory_space<vmem>>)
      %dma_start3A_156 = arith.constant 1 : i32
      %dma_start3A_157 = arith.constant 4 : i32
      %dma_start3A_158 = arith.constant 0 : i32
      %dma_start3A_159 = tpu.memref_slice %arg6[%dma_start3A_156, %dma_start3A_157, %dma_start3A_158] : memref<2x15x112xi32, #tpu.memory_space<vmem>> -> memref<1x1x112xi32, #tpu.memory_space<vmem>>
      %dma_start3A_160 = tpu.memref_squeeze %dma_start3A_159 : memref<1x1x112xi32, #tpu.memory_space<vmem>> -> memref<112xi32, #tpu.memory_space<vmem>>
      %dma_start3A_161 = arith.constant 0 : i32
      %dma_start3A_162 = arith.constant 0 : i32
      %dma_start3A_163 = tpu.memref_slice %arg10[%dma_start3A_161, %dma_start3A_162] : memref<10240x128xf32, #tpu.memory_space<vmem_shared>> -> memref<10240x128xf32, #tpu.memory_space<vmem_shared>>
      tpu.enqueue_indirect_dma source(%arg8 : memref<112x128xf32, #tpu.memory_space<vmem>>) target(%dma_start3A_163 : memref<10240x128xf32, #tpu.memory_space<vmem_shared>>) offsets(%dma_start3A_160 : memref<112xi32, #tpu.memory_space<vmem>>) semaphore(%arg15 : memref<!tpu.dma_semaphore, #tpu.memory_space<semaphore_mem>>) {add = true}
      %dma_wait3A_164 = arith.constant 1 : i32
      %dma_wait3A_165 = arith.constant 3 : i32
      %dma_wait3A_166 = arith.constant 0 : i32
      %dma_wait3A_167 = tpu.memref_slice %arg6[%dma_wait3A_164, %dma_wait3A_165, %dma_wait3A_166] : memref<2x15x112xi32, #tpu.memory_space<vmem>> -> memref<1x1x112xi32, #tpu.memory_space<vmem>>
      %dma_wait3A_168 = tpu.memref_squeeze %dma_wait3A_167 : memref<1x1x112xi32, #tpu.memory_space<vmem>> -> memref<112xi32, #tpu.memory_space<vmem>>
      %dma_wait3A_169 = arith.constant 0 : i32
      %dma_wait3A_170 = arith.constant 0 : i32
      %dma_wait3A_171 = tpu.memref_slice %arg10[%dma_wait3A_169, %dma_wait3A_170] : memref<10240x128xf32, #tpu.memory_space<vmem_shared>> -> memref<10240x128xf32, #tpu.memory_space<vmem_shared>>
      tpu.wait_indirect_dma semaphore(%arg14 : memref<!tpu.dma_semaphore, #tpu.memory_space<semaphore_mem>>) src(%arg7 : memref<112x128xf32, #tpu.memory_space<vmem>>) dst(%dma_wait3A_171 : memref<10240x128xf32, #tpu.memory_space<vmem_shared>>)
      %dma_start3A_172 = arith.constant 0 : i32
      %dma_start3A_173 = arith.constant 6 : i32
      %dma_start3A_174 = arith.constant 0 : i32
      %dma_start3A_175 = tpu.memref_slice %arg6[%dma_start3A_172, %dma_start3A_173, %dma_start3A_174] : memref<2x15x112xi32, #tpu.memory_space<vmem>> -> memref<1x1x112xi32, #tpu.memory_space<vmem>>
      %dma_start3A_176 = tpu.memref_squeeze %dma_start3A_175 : memref<1x1x112xi32, #tpu.memory_space<vmem>> -> memref<112xi32, #tpu.memory_space<vmem>>
      %dma_start3A_177 = arith.constant 0 : i32
      %dma_start3A_178 = arith.constant 0 : i32
      %dma_start3A_179 = tpu.memref_slice %arg2[%dma_start3A_177, %dma_start3A_178] : memref<20480x128xf32, #tpu.memory_space<hbm>> -> memref<20480x128xf32, #tpu.memory_space<hbm>>
      tpu.enqueue_indirect_dma source(%dma_start3A_179 : memref<20480x128xf32, #tpu.memory_space<hbm>>) target(%arg7 : memref<112x128xf32, #tpu.memory_space<vmem>>) offsets(%dma_start3A_176 : memref<112xi32, #tpu.memory_space<vmem>>) semaphore(%arg11 : memref<!tpu.dma_semaphore, #tpu.memory_space<semaphore_mem>>)
      %dma_wait3A_180 = arith.constant 0 : i32
      %dma_wait3A_181 = arith.constant 5 : i32
      %dma_wait3A_182 = arith.constant 0 : i32
      %dma_wait3A_183 = tpu.memref_slice %arg6[%dma_wait3A_180, %dma_wait3A_181, %dma_wait3A_182] : memref<2x15x112xi32, #tpu.memory_space<vmem>> -> memref<1x1x112xi32, #tpu.memory_space<vmem>>
      %dma_wait3A_184 = tpu.memref_squeeze %dma_wait3A_183 : memref<1x1x112xi32, #tpu.memory_space<vmem>> -> memref<112xi32, #tpu.memory_space<vmem>>
      %dma_wait3A_185 = arith.constant 0 : i32
      %dma_wait3A_186 = arith.constant 0 : i32
      %dma_wait3A_187 = tpu.memref_slice %arg2[%dma_wait3A_185, %dma_wait3A_186] : memref<20480x128xf32, #tpu.memory_space<hbm>> -> memref<20480x128xf32, #tpu.memory_space<hbm>>
      tpu.wait_indirect_dma semaphore(%arg13 : memref<!tpu.dma_semaphore, #tpu.memory_space<semaphore_mem>>) src(%dma_wait3A_187 : memref<20480x128xf32, #tpu.memory_space<hbm>>) dst(%arg9 : memref<112x128xf32, #tpu.memory_space<vmem>>)
      %dma_start3A_188 = arith.constant 1 : i32
      %dma_start3A_189 = arith.constant 5 : i32
      %dma_start3A_190 = arith.constant 0 : i32
      %dma_start3A_191 = tpu.memref_slice %arg6[%dma_start3A_188, %dma_start3A_189, %dma_start3A_190] : memref<2x15x112xi32, #tpu.memory_space<vmem>> -> memref<1x1x112xi32, #tpu.memory_space<vmem>>
      %dma_start3A_192 = tpu.memref_squeeze %dma_start3A_191 : memref<1x1x112xi32, #tpu.memory_space<vmem>> -> memref<112xi32, #tpu.memory_space<vmem>>
      %dma_start3A_193 = arith.constant 0 : i32
      %dma_start3A_194 = arith.constant 0 : i32
      %dma_start3A_195 = tpu.memref_slice %arg10[%dma_start3A_193, %dma_start3A_194] : memref<10240x128xf32, #tpu.memory_space<vmem_shared>> -> memref<10240x128xf32, #tpu.memory_space<vmem_shared>>
      tpu.enqueue_indirect_dma source(%arg9 : memref<112x128xf32, #tpu.memory_space<vmem>>) target(%dma_start3A_195 : memref<10240x128xf32, #tpu.memory_space<vmem_shared>>) offsets(%dma_start3A_192 : memref<112xi32, #tpu.memory_space<vmem>>) semaphore(%arg16 : memref<!tpu.dma_semaphore, #tpu.memory_space<semaphore_mem>>) {add = true}
      %dma_wait3A_196 = arith.constant 1 : i32
      %dma_wait3A_197 = arith.constant 4 : i32
      %dma_wait3A_198 = arith.constant 0 : i32
      %dma_wait3A_199 = tpu.memref_slice %arg6[%dma_wait3A_196, %dma_wait3A_197, %dma_wait3A_198] : memref<2x15x112xi32, #tpu.memory_space<vmem>> -> memref<1x1x112xi32, #tpu.memory_space<vmem>>
      %dma_wait3A_200 = tpu.memref_squeeze %dma_wait3A_199 : memref<1x1x112xi32, #tpu.memory_space<vmem>> -> memref<112xi32, #tpu.memory_space<vmem>>
      %dma_wait3A_201 = arith.constant 0 : i32
      %dma_wait3A_202 = arith.constant 0 : i32
      %dma_wait3A_203 = tpu.memref_slice %arg10[%dma_wait3A_201, %dma_wait3A_202] : memref<10240x128xf32, #tpu.memory_space<vmem_shared>> -> memref<10240x128xf32, #tpu.memory_space<vmem_shared>>
      tpu.wait_indirect_dma semaphore(%arg15 : memref<!tpu.dma_semaphore, #tpu.memory_space<semaphore_mem>>) src(%arg8 : memref<112x128xf32, #tpu.memory_space<vmem>>) dst(%dma_wait3A_203 : memref<10240x128xf32, #tpu.memory_space<vmem_shared>>)
      %dma_start3A_204 = arith.constant 0 : i32
      %dma_start3A_205 = arith.constant 7 : i32
      %dma_start3A_206 = arith.constant 0 : i32
      %dma_start3A_207 = tpu.memref_slice %arg6[%dma_start3A_204, %dma_start3A_205, %dma_start3A_206] : memref<2x15x112xi32, #tpu.memory_space<vmem>> -> memref<1x1x112xi32, #tpu.memory_space<vmem>>
      %dma_start3A_208 = tpu.memref_squeeze %dma_start3A_207 : memref<1x1x112xi32, #tpu.memory_space<vmem>> -> memref<112xi32, #tpu.memory_space<vmem>>
      %dma_start3A_209 = arith.constant 0 : i32
      %dma_start3A_210 = arith.constant 0 : i32
      %dma_start3A_211 = tpu.memref_slice %arg2[%dma_start3A_209, %dma_start3A_210] : memref<20480x128xf32, #tpu.memory_space<hbm>> -> memref<20480x128xf32, #tpu.memory_space<hbm>>
      tpu.enqueue_indirect_dma source(%dma_start3A_211 : memref<20480x128xf32, #tpu.memory_space<hbm>>) target(%arg8 : memref<112x128xf32, #tpu.memory_space<vmem>>) offsets(%dma_start3A_208 : memref<112xi32, #tpu.memory_space<vmem>>) semaphore(%arg12 : memref<!tpu.dma_semaphore, #tpu.memory_space<semaphore_mem>>)
      %dma_wait3A_212 = arith.constant 0 : i32
      %dma_wait3A_213 = arith.constant 6 : i32
      %dma_wait3A_214 = arith.constant 0 : i32
      %dma_wait3A_215 = tpu.memref_slice %arg6[%dma_wait3A_212, %dma_wait3A_213, %dma_wait3A_214] : memref<2x15x112xi32, #tpu.memory_space<vmem>> -> memref<1x1x112xi32, #tpu.memory_space<vmem>>
      %dma_wait3A_216 = tpu.memref_squeeze %dma_wait3A_215 : memref<1x1x112xi32, #tpu.memory_space<vmem>> -> memref<112xi32, #tpu.memory_space<vmem>>
      %dma_wait3A_217 = arith.constant 0 : i32
      %dma_wait3A_218 = arith.constant 0 : i32
      %dma_wait3A_219 = tpu.memref_slice %arg2[%dma_wait3A_217, %dma_wait3A_218] : memref<20480x128xf32, #tpu.memory_space<hbm>> -> memref<20480x128xf32, #tpu.memory_space<hbm>>
      tpu.wait_indirect_dma semaphore(%arg11 : memref<!tpu.dma_semaphore, #tpu.memory_space<semaphore_mem>>) src(%dma_wait3A_219 : memref<20480x128xf32, #tpu.memory_space<hbm>>) dst(%arg7 : memref<112x128xf32, #tpu.memory_space<vmem>>)
      %dma_start3A_220 = arith.constant 1 : i32
      %dma_start3A_221 = arith.constant 6 : i32
      %dma_start3A_222 = arith.constant 0 : i32
      %dma_start3A_223 = tpu.memref_slice %arg6[%dma_start3A_220, %dma_start3A_221, %dma_start3A_222] : memref<2x15x112xi32, #tpu.memory_space<vmem>> -> memref<1x1x112xi32, #tpu.memory_space<vmem>>
      %dma_start3A_224 = tpu.memref_squeeze %dma_start3A_223 : memref<1x1x112xi32, #tpu.memory_space<vmem>> -> memref<112xi32, #tpu.memory_space<vmem>>
      %dma_start3A_225 = arith.constant 0 : i32
      %dma_start3A_226 = arith.constant 0 : i32
      %dma_start3A_227 = tpu.memref_slice %arg10[%dma_start3A_225, %dma_start3A_226] : memref<10240x128xf32, #tpu.memory_space<vmem_shared>> -> memref<10240x128xf32, #tpu.memory_space<vmem_shared>>
      tpu.enqueue_indirect_dma source(%arg7 : memref<112x128xf32, #tpu.memory_space<vmem>>) target(%dma_start3A_227 : memref<10240x128xf32, #tpu.memory_space<vmem_shared>>) offsets(%dma_start3A_224 : memref<112xi32, #tpu.memory_space<vmem>>) semaphore(%arg14 : memref<!tpu.dma_semaphore, #tpu.memory_space<semaphore_mem>>) {add = true}
      %dma_wait3A_228 = arith.constant 1 : i32
      %dma_wait3A_229 = arith.constant 5 : i32
      %dma_wait3A_230 = arith.constant 0 : i32
      %dma_wait3A_231 = tpu.memref_slice %arg6[%dma_wait3A_228, %dma_wait3A_229, %dma_wait3A_230] : memref<2x15x112xi32, #tpu.memory_space<vmem>> -> memref<1x1x112xi32, #tpu.memory_space<vmem>>
      %dma_wait3A_232 = tpu.memref_squeeze %dma_wait3A_231 : memref<1x1x112xi32, #tpu.memory_space<vmem>> -> memref<112xi32, #tpu.memory_space<vmem>>
      %dma_wait3A_233 = arith.constant 0 : i32
      %dma_wait3A_234 = arith.constant 0 : i32
      %dma_wait3A_235 = tpu.memref_slice %arg10[%dma_wait3A_233, %dma_wait3A_234] : memref<10240x128xf32, #tpu.memory_space<vmem_shared>> -> memref<10240x128xf32, #tpu.memory_space<vmem_shared>>
      tpu.wait_indirect_dma semaphore(%arg16 : memref<!tpu.dma_semaphore, #tpu.memory_space<semaphore_mem>>) src(%arg9 : memref<112x128xf32, #tpu.memory_space<vmem>>) dst(%dma_wait3A_235 : memref<10240x128xf32, #tpu.memory_space<vmem_shared>>)
      %dma_start3A_236 = arith.constant 0 : i32
      %dma_start3A_237 = arith.constant 8 : i32
      %dma_start3A_238 = arith.constant 0 : i32
      %dma_start3A_239 = tpu.memref_slice %arg6[%dma_start3A_236, %dma_start3A_237, %dma_start3A_238] : memref<2x15x112xi32, #tpu.memory_space<vmem>> -> memref<1x1x112xi32, #tpu.memory_space<vmem>>
      %dma_start3A_240 = tpu.memref_squeeze %dma_start3A_239 : memref<1x1x112xi32, #tpu.memory_space<vmem>> -> memref<112xi32, #tpu.memory_space<vmem>>
      %dma_start3A_241 = arith.constant 0 : i32
      %dma_start3A_242 = arith.constant 0 : i32
      %dma_start3A_243 = tpu.memref_slice %arg2[%dma_start3A_241, %dma_start3A_242] : memref<20480x128xf32, #tpu.memory_space<hbm>> -> memref<20480x128xf32, #tpu.memory_space<hbm>>
      tpu.enqueue_indirect_dma source(%dma_start3A_243 : memref<20480x128xf32, #tpu.memory_space<hbm>>) target(%arg9 : memref<112x128xf32, #tpu.memory_space<vmem>>) offsets(%dma_start3A_240 : memref<112xi32, #tpu.memory_space<vmem>>) semaphore(%arg13 : memref<!tpu.dma_semaphore, #tpu.memory_space<semaphore_mem>>)
      %dma_wait3A_244 = arith.constant 0 : i32
      %dma_wait3A_245 = arith.constant 7 : i32
      %dma_wait3A_246 = arith.constant 0 : i32
      %dma_wait3A_247 = tpu.memref_slice %arg6[%dma_wait3A_244, %dma_wait3A_245, %dma_wait3A_246] : memref<2x15x112xi32, #tpu.memory_space<vmem>> -> memref<1x1x112xi32, #tpu.memory_space<vmem>>
      %dma_wait3A_248 = tpu.memref_squeeze %dma_wait3A_247 : memref<1x1x112xi32, #tpu.memory_space<vmem>> -> memref<112xi32, #tpu.memory_space<vmem>>
      %dma_wait3A_249 = arith.constant 0 : i32
      %dma_wait3A_250 = arith.constant 0 : i32
      %dma_wait3A_251 = tpu.memref_slice %arg2[%dma_wait3A_249, %dma_wait3A_250] : memref<20480x128xf32, #tpu.memory_space<hbm>> -> memref<20480x128xf32, #tpu.memory_space<hbm>>
      tpu.wait_indirect_dma semaphore(%arg12 : memref<!tpu.dma_semaphore, #tpu.memory_space<semaphore_mem>>) src(%dma_wait3A_251 : memref<20480x128xf32, #tpu.memory_space<hbm>>) dst(%arg8 : memref<112x128xf32, #tpu.memory_space<vmem>>)
      %dma_start3A_252 = arith.constant 1 : i32
      %dma_start3A_253 = arith.constant 7 : i32
      %dma_start3A_254 = arith.constant 0 : i32
      %dma_start3A_255 = tpu.memref_slice %arg6[%dma_start3A_252, %dma_start3A_253, %dma_start3A_254] : memref<2x15x112xi32, #tpu.memory_space<vmem>> -> memref<1x1x112xi32, #tpu.memory_space<vmem>>
      %dma_start3A_256 = tpu.memref_squeeze %dma_start3A_255 : memref<1x1x112xi32, #tpu.memory_space<vmem>> -> memref<112xi32, #tpu.memory_space<vmem>>
      %dma_start3A_257 = arith.constant 0 : i32
      %dma_start3A_258 = arith.constant 0 : i32
      %dma_start3A_259 = tpu.memref_slice %arg10[%dma_start3A_257, %dma_start3A_258] : memref<10240x128xf32, #tpu.memory_space<vmem_shared>> -> memref<10240x128xf32, #tpu.memory_space<vmem_shared>>
      tpu.enqueue_indirect_dma source(%arg8 : memref<112x128xf32, #tpu.memory_space<vmem>>) target(%dma_start3A_259 : memref<10240x128xf32, #tpu.memory_space<vmem_shared>>) offsets(%dma_start3A_256 : memref<112xi32, #tpu.memory_space<vmem>>) semaphore(%arg15 : memref<!tpu.dma_semaphore, #tpu.memory_space<semaphore_mem>>) {add = true}
      %dma_wait3A_260 = arith.constant 1 : i32
      %dma_wait3A_261 = arith.constant 6 : i32
      %dma_wait3A_262 = arith.constant 0 : i32
      %dma_wait3A_263 = tpu.memref_slice %arg6[%dma_wait3A_260, %dma_wait3A_261, %dma_wait3A_262] : memref<2x15x112xi32, #tpu.memory_space<vmem>> -> memref<1x1x112xi32, #tpu.memory_space<vmem>>
      %dma_wait3A_264 = tpu.memref_squeeze %dma_wait3A_263 : memref<1x1x112xi32, #tpu.memory_space<vmem>> -> memref<112xi32, #tpu.memory_space<vmem>>
      %dma_wait3A_265 = arith.constant 0 : i32
      %dma_wait3A_266 = arith.constant 0 : i32
      %dma_wait3A_267 = tpu.memref_slice %arg10[%dma_wait3A_265, %dma_wait3A_266] : memref<10240x128xf32, #tpu.memory_space<vmem_shared>> -> memref<10240x128xf32, #tpu.memory_space<vmem_shared>>
      tpu.wait_indirect_dma semaphore(%arg14 : memref<!tpu.dma_semaphore, #tpu.memory_space<semaphore_mem>>) src(%arg7 : memref<112x128xf32, #tpu.memory_space<vmem>>) dst(%dma_wait3A_267 : memref<10240x128xf32, #tpu.memory_space<vmem_shared>>)
      %dma_start3A_268 = arith.constant 0 : i32
      %dma_start3A_269 = arith.constant 9 : i32
      %dma_start3A_270 = arith.constant 0 : i32
      %dma_start3A_271 = tpu.memref_slice %arg6[%dma_start3A_268, %dma_start3A_269, %dma_start3A_270] : memref<2x15x112xi32, #tpu.memory_space<vmem>> -> memref<1x1x112xi32, #tpu.memory_space<vmem>>
      %dma_start3A_272 = tpu.memref_squeeze %dma_start3A_271 : memref<1x1x112xi32, #tpu.memory_space<vmem>> -> memref<112xi32, #tpu.memory_space<vmem>>
      %dma_start3A_273 = arith.constant 0 : i32
      %dma_start3A_274 = arith.constant 0 : i32
      %dma_start3A_275 = tpu.memref_slice %arg2[%dma_start3A_273, %dma_start3A_274] : memref<20480x128xf32, #tpu.memory_space<hbm>> -> memref<20480x128xf32, #tpu.memory_space<hbm>>
      tpu.enqueue_indirect_dma source(%dma_start3A_275 : memref<20480x128xf32, #tpu.memory_space<hbm>>) target(%arg7 : memref<112x128xf32, #tpu.memory_space<vmem>>) offsets(%dma_start3A_272 : memref<112xi32, #tpu.memory_space<vmem>>) semaphore(%arg11 : memref<!tpu.dma_semaphore, #tpu.memory_space<semaphore_mem>>)
      %dma_wait3A_276 = arith.constant 0 : i32
      %dma_wait3A_277 = arith.constant 8 : i32
      %dma_wait3A_278 = arith.constant 0 : i32
      %dma_wait3A_279 = tpu.memref_slice %arg6[%dma_wait3A_276, %dma_wait3A_277, %dma_wait3A_278] : memref<2x15x112xi32, #tpu.memory_space<vmem>> -> memref<1x1x112xi32, #tpu.memory_space<vmem>>
      %dma_wait3A_280 = tpu.memref_squeeze %dma_wait3A_279 : memref<1x1x112xi32, #tpu.memory_space<vmem>> -> memref<112xi32, #tpu.memory_space<vmem>>
      %dma_wait3A_281 = arith.constant 0 : i32
      %dma_wait3A_282 = arith.constant 0 : i32
      %dma_wait3A_283 = tpu.memref_slice %arg2[%dma_wait3A_281, %dma_wait3A_282] : memref<20480x128xf32, #tpu.memory_space<hbm>> -> memref<20480x128xf32, #tpu.memory_space<hbm>>
      tpu.wait_indirect_dma semaphore(%arg13 : memref<!tpu.dma_semaphore, #tpu.memory_space<semaphore_mem>>) src(%dma_wait3A_283 : memref<20480x128xf32, #tpu.memory_space<hbm>>) dst(%arg9 : memref<112x128xf32, #tpu.memory_space<vmem>>)
      %dma_start3A_284 = arith.constant 1 : i32
      %dma_start3A_285 = arith.constant 8 : i32
      %dma_start3A_286 = arith.constant 0 : i32
      %dma_start3A_287 = tpu.memref_slice %arg6[%dma_start3A_284, %dma_start3A_285, %dma_start3A_286] : memref<2x15x112xi32, #tpu.memory_space<vmem>> -> memref<1x1x112xi32, #tpu.memory_space<vmem>>
      %dma_start3A_288 = tpu.memref_squeeze %dma_start3A_287 : memref<1x1x112xi32, #tpu.memory_space<vmem>> -> memref<112xi32, #tpu.memory_space<vmem>>
      %dma_start3A_289 = arith.constant 0 : i32
      %dma_start3A_290 = arith.constant 0 : i32
      %dma_start3A_291 = tpu.memref_slice %arg10[%dma_start3A_289, %dma_start3A_290] : memref<10240x128xf32, #tpu.memory_space<vmem_shared>> -> memref<10240x128xf32, #tpu.memory_space<vmem_shared>>
      tpu.enqueue_indirect_dma source(%arg9 : memref<112x128xf32, #tpu.memory_space<vmem>>) target(%dma_start3A_291 : memref<10240x128xf32, #tpu.memory_space<vmem_shared>>) offsets(%dma_start3A_288 : memref<112xi32, #tpu.memory_space<vmem>>) semaphore(%arg16 : memref<!tpu.dma_semaphore, #tpu.memory_space<semaphore_mem>>) {add = true}
      %dma_wait3A_292 = arith.constant 1 : i32
      %dma_wait3A_293 = arith.constant 7 : i32
      %dma_wait3A_294 = arith.constant 0 : i32
      %dma_wait3A_295 = tpu.memref_slice %arg6[%dma_wait3A_292, %dma_wait3A_293, %dma_wait3A_294] : memref<2x15x112xi32, #tpu.memory_space<vmem>> -> memref<1x1x112xi32, #tpu.memory_space<vmem>>
      %dma_wait3A_296 = tpu.memref_squeeze %dma_wait3A_295 : memref<1x1x112xi32, #tpu.memory_space<vmem>> -> memref<112xi32, #tpu.memory_space<vmem>>
      %dma_wait3A_297 = arith.constant 0 : i32
      %dma_wait3A_298 = arith.constant 0 : i32
      %dma_wait3A_299 = tpu.memref_slice %arg10[%dma_wait3A_297, %dma_wait3A_298] : memref<10240x128xf32, #tpu.memory_space<vmem_shared>> -> memref<10240x128xf32, #tpu.memory_space<vmem_shared>>
      tpu.wait_indirect_dma semaphore(%arg15 : memref<!tpu.dma_semaphore, #tpu.memory_space<semaphore_mem>>) src(%arg8 : memref<112x128xf32, #tpu.memory_space<vmem>>) dst(%dma_wait3A_299 : memref<10240x128xf32, #tpu.memory_space<vmem_shared>>)
      %dma_start3A_300 = arith.constant 0 : i32
      %dma_start3A_301 = arith.constant 10 : i32
      %dma_start3A_302 = arith.constant 0 : i32
      %dma_start3A_303 = tpu.memref_slice %arg6[%dma_start3A_300, %dma_start3A_301, %dma_start3A_302] : memref<2x15x112xi32, #tpu.memory_space<vmem>> -> memref<1x1x112xi32, #tpu.memory_space<vmem>>
      %dma_start3A_304 = tpu.memref_squeeze %dma_start3A_303 : memref<1x1x112xi32, #tpu.memory_space<vmem>> -> memref<112xi32, #tpu.memory_space<vmem>>
      %dma_start3A_305 = arith.constant 0 : i32
      %dma_start3A_306 = arith.constant 0 : i32
      %dma_start3A_307 = tpu.memref_slice %arg2[%dma_start3A_305, %dma_start3A_306] : memref<20480x128xf32, #tpu.memory_space<hbm>> -> memref<20480x128xf32, #tpu.memory_space<hbm>>
      tpu.enqueue_indirect_dma source(%dma_start3A_307 : memref<20480x128xf32, #tpu.memory_space<hbm>>) target(%arg8 : memref<112x128xf32, #tpu.memory_space<vmem>>) offsets(%dma_start3A_304 : memref<112xi32, #tpu.memory_space<vmem>>) semaphore(%arg12 : memref<!tpu.dma_semaphore, #tpu.memory_space<semaphore_mem>>)
      %dma_wait3A_308 = arith.constant 0 : i32
      %dma_wait3A_309 = arith.constant 9 : i32
      %dma_wait3A_310 = arith.constant 0 : i32
      %dma_wait3A_311 = tpu.memref_slice %arg6[%dma_wait3A_308, %dma_wait3A_309, %dma_wait3A_310] : memref<2x15x112xi32, #tpu.memory_space<vmem>> -> memref<1x1x112xi32, #tpu.memory_space<vmem>>
      %dma_wait3A_312 = tpu.memref_squeeze %dma_wait3A_311 : memref<1x1x112xi32, #tpu.memory_space<vmem>> -> memref<112xi32, #tpu.memory_space<vmem>>
      %dma_wait3A_313 = arith.constant 0 : i32
      %dma_wait3A_314 = arith.constant 0 : i32
      %dma_wait3A_315 = tpu.memref_slice %arg2[%dma_wait3A_313, %dma_wait3A_314] : memref<20480x128xf32, #tpu.memory_space<hbm>> -> memref<20480x128xf32, #tpu.memory_space<hbm>>
      tpu.wait_indirect_dma semaphore(%arg11 : memref<!tpu.dma_semaphore, #tpu.memory_space<semaphore_mem>>) src(%dma_wait3A_315 : memref<20480x128xf32, #tpu.memory_space<hbm>>) dst(%arg7 : memref<112x128xf32, #tpu.memory_space<vmem>>)
      %dma_start3A_316 = arith.constant 1 : i32
      %dma_start3A_317 = arith.constant 9 : i32
      %dma_start3A_318 = arith.constant 0 : i32
      %dma_start3A_319 = tpu.memref_slice %arg6[%dma_start3A_316, %dma_start3A_317, %dma_start3A_318] : memref<2x15x112xi32, #tpu.memory_space<vmem>> -> memref<1x1x112xi32, #tpu.memory_space<vmem>>
      %dma_start3A_320 = tpu.memref_squeeze %dma_start3A_319 : memref<1x1x112xi32, #tpu.memory_space<vmem>> -> memref<112xi32, #tpu.memory_space<vmem>>
      %dma_start3A_321 = arith.constant 0 : i32
      %dma_start3A_322 = arith.constant 0 : i32
      %dma_start3A_323 = tpu.memref_slice %arg10[%dma_start3A_321, %dma_start3A_322] : memref<10240x128xf32, #tpu.memory_space<vmem_shared>> -> memref<10240x128xf32, #tpu.memory_space<vmem_shared>>
      tpu.enqueue_indirect_dma source(%arg7 : memref<112x128xf32, #tpu.memory_space<vmem>>) target(%dma_start3A_323 : memref<10240x128xf32, #tpu.memory_space<vmem_shared>>) offsets(%dma_start3A_320 : memref<112xi32, #tpu.memory_space<vmem>>) semaphore(%arg14 : memref<!tpu.dma_semaphore, #tpu.memory_space<semaphore_mem>>) {add = true}
      %dma_wait3A_324 = arith.constant 1 : i32
      %dma_wait3A_325 = arith.constant 8 : i32
      %dma_wait3A_326 = arith.constant 0 : i32
      %dma_wait3A_327 = tpu.memref_slice %arg6[%dma_wait3A_324, %dma_wait3A_325, %dma_wait3A_326] : memref<2x15x112xi32, #tpu.memory_space<vmem>> -> memref<1x1x112xi32, #tpu.memory_space<vmem>>
      %dma_wait3A_328 = tpu.memref_squeeze %dma_wait3A_327 : memref<1x1x112xi32, #tpu.memory_space<vmem>> -> memref<112xi32, #tpu.memory_space<vmem>>
      %dma_wait3A_329 = arith.constant 0 : i32
      %dma_wait3A_330 = arith.constant 0 : i32
      %dma_wait3A_331 = tpu.memref_slice %arg10[%dma_wait3A_329, %dma_wait3A_330] : memref<10240x128xf32, #tpu.memory_space<vmem_shared>> -> memref<10240x128xf32, #tpu.memory_space<vmem_shared>>
      tpu.wait_indirect_dma semaphore(%arg16 : memref<!tpu.dma_semaphore, #tpu.memory_space<semaphore_mem>>) src(%arg9 : memref<112x128xf32, #tpu.memory_space<vmem>>) dst(%dma_wait3A_331 : memref<10240x128xf32, #tpu.memory_space<vmem_shared>>)
      %dma_start3A_332 = arith.constant 0 : i32
      %dma_start3A_333 = arith.constant 11 : i32
      %dma_start3A_334 = arith.constant 0 : i32
      %dma_start3A_335 = tpu.memref_slice %arg6[%dma_start3A_332, %dma_start3A_333, %dma_start3A_334] : memref<2x15x112xi32, #tpu.memory_space<vmem>> -> memref<1x1x112xi32, #tpu.memory_space<vmem>>
      %dma_start3A_336 = tpu.memref_squeeze %dma_start3A_335 : memref<1x1x112xi32, #tpu.memory_space<vmem>> -> memref<112xi32, #tpu.memory_space<vmem>>
      %dma_start3A_337 = arith.constant 0 : i32
      %dma_start3A_338 = arith.constant 0 : i32
      %dma_start3A_339 = tpu.memref_slice %arg2[%dma_start3A_337, %dma_start3A_338] : memref<20480x128xf32, #tpu.memory_space<hbm>> -> memref<20480x128xf32, #tpu.memory_space<hbm>>
      tpu.enqueue_indirect_dma source(%dma_start3A_339 : memref<20480x128xf32, #tpu.memory_space<hbm>>) target(%arg9 : memref<112x128xf32, #tpu.memory_space<vmem>>) offsets(%dma_start3A_336 : memref<112xi32, #tpu.memory_space<vmem>>) semaphore(%arg13 : memref<!tpu.dma_semaphore, #tpu.memory_space<semaphore_mem>>)
      %dma_wait3A_340 = arith.constant 0 : i32
      %dma_wait3A_341 = arith.constant 10 : i32
      %dma_wait3A_342 = arith.constant 0 : i32
      %dma_wait3A_343 = tpu.memref_slice %arg6[%dma_wait3A_340, %dma_wait3A_341, %dma_wait3A_342] : memref<2x15x112xi32, #tpu.memory_space<vmem>> -> memref<1x1x112xi32, #tpu.memory_space<vmem>>
      %dma_wait3A_344 = tpu.memref_squeeze %dma_wait3A_343 : memref<1x1x112xi32, #tpu.memory_space<vmem>> -> memref<112xi32, #tpu.memory_space<vmem>>
      %dma_wait3A_345 = arith.constant 0 : i32
      %dma_wait3A_346 = arith.constant 0 : i32
      %dma_wait3A_347 = tpu.memref_slice %arg2[%dma_wait3A_345, %dma_wait3A_346] : memref<20480x128xf32, #tpu.memory_space<hbm>> -> memref<20480x128xf32, #tpu.memory_space<hbm>>
      tpu.wait_indirect_dma semaphore(%arg12 : memref<!tpu.dma_semaphore, #tpu.memory_space<semaphore_mem>>) src(%dma_wait3A_347 : memref<20480x128xf32, #tpu.memory_space<hbm>>) dst(%arg8 : memref<112x128xf32, #tpu.memory_space<vmem>>)
      %dma_start3A_348 = arith.constant 1 : i32
      %dma_start3A_349 = arith.constant 10 : i32
      %dma_start3A_350 = arith.constant 0 : i32
      %dma_start3A_351 = tpu.memref_slice %arg6[%dma_start3A_348, %dma_start3A_349, %dma_start3A_350] : memref<2x15x112xi32, #tpu.memory_space<vmem>> -> memref<1x1x112xi32, #tpu.memory_space<vmem>>
      %dma_start3A_352 = tpu.memref_squeeze %dma_start3A_351 : memref<1x1x112xi32, #tpu.memory_space<vmem>> -> memref<112xi32, #tpu.memory_space<vmem>>
      %dma_start3A_353 = arith.constant 0 : i32
      %dma_start3A_354 = arith.constant 0 : i32
      %dma_start3A_355 = tpu.memref_slice %arg10[%dma_start3A_353, %dma_start3A_354] : memref<10240x128xf32, #tpu.memory_space<vmem_shared>> -> memref<10240x128xf32, #tpu.memory_space<vmem_shared>>
      tpu.enqueue_indirect_dma source(%arg8 : memref<112x128xf32, #tpu.memory_space<vmem>>) target(%dma_start3A_355 : memref<10240x128xf32, #tpu.memory_space<vmem_shared>>) offsets(%dma_start3A_352 : memref<112xi32, #tpu.memory_space<vmem>>) semaphore(%arg15 : memref<!tpu.dma_semaphore, #tpu.memory_space<semaphore_mem>>) {add = true}
      %dma_wait3A_356 = arith.constant 1 : i32
      %dma_wait3A_357 = arith.constant 9 : i32
      %dma_wait3A_358 = arith.constant 0 : i32
      %dma_wait3A_359 = tpu.memref_slice %arg6[%dma_wait3A_356, %dma_wait3A_357, %dma_wait3A_358] : memref<2x15x112xi32, #tpu.memory_space<vmem>> -> memref<1x1x112xi32, #tpu.memory_space<vmem>>
      %dma_wait3A_360 = tpu.memref_squeeze %dma_wait3A_359 : memref<1x1x112xi32, #tpu.memory_space<vmem>> -> memref<112xi32, #tpu.memory_space<vmem>>
      %dma_wait3A_361 = arith.constant 0 : i32
      %dma_wait3A_362 = arith.constant 0 : i32
      %dma_wait3A_363 = tpu.memref_slice %arg10[%dma_wait3A_361, %dma_wait3A_362] : memref<10240x128xf32, #tpu.memory_space<vmem_shared>> -> memref<10240x128xf32, #tpu.memory_space<vmem_shared>>
      tpu.wait_indirect_dma semaphore(%arg14 : memref<!tpu.dma_semaphore, #tpu.memory_space<semaphore_mem>>) src(%arg7 : memref<112x128xf32, #tpu.memory_space<vmem>>) dst(%dma_wait3A_363 : memref<10240x128xf32, #tpu.memory_space<vmem_shared>>)
      %dma_start3A_364 = arith.constant 0 : i32
      %dma_start3A_365 = arith.constant 12 : i32
      %dma_start3A_366 = arith.constant 0 : i32
      %dma_start3A_367 = tpu.memref_slice %arg6[%dma_start3A_364, %dma_start3A_365, %dma_start3A_366] : memref<2x15x112xi32, #tpu.memory_space<vmem>> -> memref<1x1x112xi32, #tpu.memory_space<vmem>>
      %dma_start3A_368 = tpu.memref_squeeze %dma_start3A_367 : memref<1x1x112xi32, #tpu.memory_space<vmem>> -> memref<112xi32, #tpu.memory_space<vmem>>
      %dma_start3A_369 = arith.constant 0 : i32
      %dma_start3A_370 = arith.constant 0 : i32
      %dma_start3A_371 = tpu.memref_slice %arg2[%dma_start3A_369, %dma_start3A_370] : memref<20480x128xf32, #tpu.memory_space<hbm>> -> memref<20480x128xf32, #tpu.memory_space<hbm>>
      tpu.enqueue_indirect_dma source(%dma_start3A_371 : memref<20480x128xf32, #tpu.memory_space<hbm>>) target(%arg7 : memref<112x128xf32, #tpu.memory_space<vmem>>) offsets(%dma_start3A_368 : memref<112xi32, #tpu.memory_space<vmem>>) semaphore(%arg11 : memref<!tpu.dma_semaphore, #tpu.memory_space<semaphore_mem>>)
      %dma_wait3A_372 = arith.constant 0 : i32
      %dma_wait3A_373 = arith.constant 11 : i32
      %dma_wait3A_374 = arith.constant 0 : i32
      %dma_wait3A_375 = tpu.memref_slice %arg6[%dma_wait3A_372, %dma_wait3A_373, %dma_wait3A_374] : memref<2x15x112xi32, #tpu.memory_space<vmem>> -> memref<1x1x112xi32, #tpu.memory_space<vmem>>
      %dma_wait3A_376 = tpu.memref_squeeze %dma_wait3A_375 : memref<1x1x112xi32, #tpu.memory_space<vmem>> -> memref<112xi32, #tpu.memory_space<vmem>>
      %dma_wait3A_377 = arith.constant 0 : i32
      %dma_wait3A_378 = arith.constant 0 : i32
      %dma_wait3A_379 = tpu.memref_slice %arg2[%dma_wait3A_377, %dma_wait3A_378] : memref<20480x128xf32, #tpu.memory_space<hbm>> -> memref<20480x128xf32, #tpu.memory_space<hbm>>
      tpu.wait_indirect_dma semaphore(%arg13 : memref<!tpu.dma_semaphore, #tpu.memory_space<semaphore_mem>>) src(%dma_wait3A_379 : memref<20480x128xf32, #tpu.memory_space<hbm>>) dst(%arg9 : memref<112x128xf32, #tpu.memory_space<vmem>>)
      %dma_start3A_380 = arith.constant 1 : i32
      %dma_start3A_381 = arith.constant 11 : i32
      %dma_start3A_382 = arith.constant 0 : i32
      %dma_start3A_383 = tpu.memref_slice %arg6[%dma_start3A_380, %dma_start3A_381, %dma_start3A_382] : memref<2x15x112xi32, #tpu.memory_space<vmem>> -> memref<1x1x112xi32, #tpu.memory_space<vmem>>
      %dma_start3A_384 = tpu.memref_squeeze %dma_start3A_383 : memref<1x1x112xi32, #tpu.memory_space<vmem>> -> memref<112xi32, #tpu.memory_space<vmem>>
      %dma_start3A_385 = arith.constant 0 : i32
      %dma_start3A_386 = arith.constant 0 : i32
      %dma_start3A_387 = tpu.memref_slice %arg10[%dma_start3A_385, %dma_start3A_386] : memref<10240x128xf32, #tpu.memory_space<vmem_shared>> -> memref<10240x128xf32, #tpu.memory_space<vmem_shared>>
      tpu.enqueue_indirect_dma source(%arg9 : memref<112x128xf32, #tpu.memory_space<vmem>>) target(%dma_start3A_387 : memref<10240x128xf32, #tpu.memory_space<vmem_shared>>) offsets(%dma_start3A_384 : memref<112xi32, #tpu.memory_space<vmem>>) semaphore(%arg16 : memref<!tpu.dma_semaphore, #tpu.memory_space<semaphore_mem>>) {add = true}
      %dma_wait3A_388 = arith.constant 1 : i32
      %dma_wait3A_389 = arith.constant 10 : i32
      %dma_wait3A_390 = arith.constant 0 : i32
      %dma_wait3A_391 = tpu.memref_slice %arg6[%dma_wait3A_388, %dma_wait3A_389, %dma_wait3A_390] : memref<2x15x112xi32, #tpu.memory_space<vmem>> -> memref<1x1x112xi32, #tpu.memory_space<vmem>>
      %dma_wait3A_392 = tpu.memref_squeeze %dma_wait3A_391 : memref<1x1x112xi32, #tpu.memory_space<vmem>> -> memref<112xi32, #tpu.memory_space<vmem>>
      %dma_wait3A_393 = arith.constant 0 : i32
      %dma_wait3A_394 = arith.constant 0 : i32
      %dma_wait3A_395 = tpu.memref_slice %arg10[%dma_wait3A_393, %dma_wait3A_394] : memref<10240x128xf32, #tpu.memory_space<vmem_shared>> -> memref<10240x128xf32, #tpu.memory_space<vmem_shared>>
      tpu.wait_indirect_dma semaphore(%arg15 : memref<!tpu.dma_semaphore, #tpu.memory_space<semaphore_mem>>) src(%arg8 : memref<112x128xf32, #tpu.memory_space<vmem>>) dst(%dma_wait3A_395 : memref<10240x128xf32, #tpu.memory_space<vmem_shared>>)
      %dma_start3A_396 = arith.constant 0 : i32
      %dma_start3A_397 = arith.constant 13 : i32
      %dma_start3A_398 = arith.constant 0 : i32
      %dma_start3A_399 = tpu.memref_slice %arg6[%dma_start3A_396, %dma_start3A_397, %dma_start3A_398] : memref<2x15x112xi32, #tpu.memory_space<vmem>> -> memref<1x1x112xi32, #tpu.memory_space<vmem>>
      %dma_start3A_400 = tpu.memref_squeeze %dma_start3A_399 : memref<1x1x112xi32, #tpu.memory_space<vmem>> -> memref<112xi32, #tpu.memory_space<vmem>>
      %dma_start3A_401 = arith.constant 0 : i32
      %dma_start3A_402 = arith.constant 0 : i32
      %dma_start3A_403 = tpu.memref_slice %arg2[%dma_start3A_401, %dma_start3A_402] : memref<20480x128xf32, #tpu.memory_space<hbm>> -> memref<20480x128xf32, #tpu.memory_space<hbm>>
      tpu.enqueue_indirect_dma source(%dma_start3A_403 : memref<20480x128xf32, #tpu.memory_space<hbm>>) target(%arg8 : memref<112x128xf32, #tpu.memory_space<vmem>>) offsets(%dma_start3A_400 : memref<112xi32, #tpu.memory_space<vmem>>) semaphore(%arg12 : memref<!tpu.dma_semaphore, #tpu.memory_space<semaphore_mem>>)
      %dma_wait3A_404 = arith.constant 0 : i32
      %dma_wait3A_405 = arith.constant 12 : i32
      %dma_wait3A_406 = arith.constant 0 : i32
      %dma_wait3A_407 = tpu.memref_slice %arg6[%dma_wait3A_404, %dma_wait3A_405, %dma_wait3A_406] : memref<2x15x112xi32, #tpu.memory_space<vmem>> -> memref<1x1x112xi32, #tpu.memory_space<vmem>>
      %dma_wait3A_408 = tpu.memref_squeeze %dma_wait3A_407 : memref<1x1x112xi32, #tpu.memory_space<vmem>> -> memref<112xi32, #tpu.memory_space<vmem>>
      %dma_wait3A_409 = arith.constant 0 : i32
      %dma_wait3A_410 = arith.constant 0 : i32
      %dma_wait3A_411 = tpu.memref_slice %arg2[%dma_wait3A_409, %dma_wait3A_410] : memref<20480x128xf32, #tpu.memory_space<hbm>> -> memref<20480x128xf32, #tpu.memory_space<hbm>>
      tpu.wait_indirect_dma semaphore(%arg11 : memref<!tpu.dma_semaphore, #tpu.memory_space<semaphore_mem>>) src(%dma_wait3A_411 : memref<20480x128xf32, #tpu.memory_space<hbm>>) dst(%arg7 : memref<112x128xf32, #tpu.memory_space<vmem>>)
      %dma_start3A_412 = arith.constant 1 : i32
      %dma_start3A_413 = arith.constant 12 : i32
      %dma_start3A_414 = arith.constant 0 : i32
      %dma_start3A_415 = tpu.memref_slice %arg6[%dma_start3A_412, %dma_start3A_413, %dma_start3A_414] : memref<2x15x112xi32, #tpu.memory_space<vmem>> -> memref<1x1x112xi32, #tpu.memory_space<vmem>>
      %dma_start3A_416 = tpu.memref_squeeze %dma_start3A_415 : memref<1x1x112xi32, #tpu.memory_space<vmem>> -> memref<112xi32, #tpu.memory_space<vmem>>
      %dma_start3A_417 = arith.constant 0 : i32
      %dma_start3A_418 = arith.constant 0 : i32
      %dma_start3A_419 = tpu.memref_slice %arg10[%dma_start3A_417, %dma_start3A_418] : memref<10240x128xf32, #tpu.memory_space<vmem_shared>> -> memref<10240x128xf32, #tpu.memory_space<vmem_shared>>
      tpu.enqueue_indirect_dma source(%arg7 : memref<112x128xf32, #tpu.memory_space<vmem>>) target(%dma_start3A_419 : memref<10240x128xf32, #tpu.memory_space<vmem_shared>>) offsets(%dma_start3A_416 : memref<112xi32, #tpu.memory_space<vmem>>) semaphore(%arg14 : memref<!tpu.dma_semaphore, #tpu.memory_space<semaphore_mem>>) {add = true}
      %dma_wait3A_420 = arith.constant 1 : i32
      %dma_wait3A_421 = arith.constant 11 : i32
      %dma_wait3A_422 = arith.constant 0 : i32
      %dma_wait3A_423 = tpu.memref_slice %arg6[%dma_wait3A_420, %dma_wait3A_421, %dma_wait3A_422] : memref<2x15x112xi32, #tpu.memory_space<vmem>> -> memref<1x1x112xi32, #tpu.memory_space<vmem>>
      %dma_wait3A_424 = tpu.memref_squeeze %dma_wait3A_423 : memref<1x1x112xi32, #tpu.memory_space<vmem>> -> memref<112xi32, #tpu.memory_space<vmem>>
      %dma_wait3A_425 = arith.constant 0 : i32
      %dma_wait3A_426 = arith.constant 0 : i32
      %dma_wait3A_427 = tpu.memref_slice %arg10[%dma_wait3A_425, %dma_wait3A_426] : memref<10240x128xf32, #tpu.memory_space<vmem_shared>> -> memref<10240x128xf32, #tpu.memory_space<vmem_shared>>
      tpu.wait_indirect_dma semaphore(%arg16 : memref<!tpu.dma_semaphore, #tpu.memory_space<semaphore_mem>>) src(%arg9 : memref<112x128xf32, #tpu.memory_space<vmem>>) dst(%dma_wait3A_427 : memref<10240x128xf32, #tpu.memory_space<vmem_shared>>)
      %dma_start3A_428 = arith.constant 0 : i32
      %dma_start3A_429 = arith.constant 14 : i32
      %dma_start3A_430 = arith.constant 0 : i32
      %dma_start3A_431 = tpu.memref_slice %arg6[%dma_start3A_428, %dma_start3A_429, %dma_start3A_430] : memref<2x15x112xi32, #tpu.memory_space<vmem>> -> memref<1x1x112xi32, #tpu.memory_space<vmem>>
      %dma_start3A_432 = tpu.memref_squeeze %dma_start3A_431 : memref<1x1x112xi32, #tpu.memory_space<vmem>> -> memref<112xi32, #tpu.memory_space<vmem>>
      %dma_start3A_433 = arith.constant 0 : i32
      %dma_start3A_434 = arith.constant 0 : i32
      %dma_start3A_435 = tpu.memref_slice %arg2[%dma_start3A_433, %dma_start3A_434] : memref<20480x128xf32, #tpu.memory_space<hbm>> -> memref<20480x128xf32, #tpu.memory_space<hbm>>
      tpu.enqueue_indirect_dma source(%dma_start3A_435 : memref<20480x128xf32, #tpu.memory_space<hbm>>) target(%arg9 : memref<112x128xf32, #tpu.memory_space<vmem>>) offsets(%dma_start3A_432 : memref<112xi32, #tpu.memory_space<vmem>>) semaphore(%arg13 : memref<!tpu.dma_semaphore, #tpu.memory_space<semaphore_mem>>)
      %dma_wait3A_436 = arith.constant 0 : i32
      %dma_wait3A_437 = arith.constant 13 : i32
      %dma_wait3A_438 = arith.constant 0 : i32
      %dma_wait3A_439 = tpu.memref_slice %arg6[%dma_wait3A_436, %dma_wait3A_437, %dma_wait3A_438] : memref<2x15x112xi32, #tpu.memory_space<vmem>> -> memref<1x1x112xi32, #tpu.memory_space<vmem>>
      %dma_wait3A_440 = tpu.memref_squeeze %dma_wait3A_439 : memref<1x1x112xi32, #tpu.memory_space<vmem>> -> memref<112xi32, #tpu.memory_space<vmem>>
      %dma_wait3A_441 = arith.constant 0 : i32
      %dma_wait3A_442 = arith.constant 0 : i32
      %dma_wait3A_443 = tpu.memref_slice %arg2[%dma_wait3A_441, %dma_wait3A_442] : memref<20480x128xf32, #tpu.memory_space<hbm>> -> memref<20480x128xf32, #tpu.memory_space<hbm>>
      tpu.wait_indirect_dma semaphore(%arg12 : memref<!tpu.dma_semaphore, #tpu.memory_space<semaphore_mem>>) src(%dma_wait3A_443 : memref<20480x128xf32, #tpu.memory_space<hbm>>) dst(%arg8 : memref<112x128xf32, #tpu.memory_space<vmem>>)
      %dma_start3A_444 = arith.constant 1 : i32
      %dma_start3A_445 = arith.constant 13 : i32
      %dma_start3A_446 = arith.constant 0 : i32
      %dma_start3A_447 = tpu.memref_slice %arg6[%dma_start3A_444, %dma_start3A_445, %dma_start3A_446] : memref<2x15x112xi32, #tpu.memory_space<vmem>> -> memref<1x1x112xi32, #tpu.memory_space<vmem>>
      %dma_start3A_448 = tpu.memref_squeeze %dma_start3A_447 : memref<1x1x112xi32, #tpu.memory_space<vmem>> -> memref<112xi32, #tpu.memory_space<vmem>>
      %dma_start3A_449 = arith.constant 0 : i32
      %dma_start3A_450 = arith.constant 0 : i32
      %dma_start3A_451 = tpu.memref_slice %arg10[%dma_start3A_449, %dma_start3A_450] : memref<10240x128xf32, #tpu.memory_space<vmem_shared>> -> memref<10240x128xf32, #tpu.memory_space<vmem_shared>>
      tpu.enqueue_indirect_dma source(%arg8 : memref<112x128xf32, #tpu.memory_space<vmem>>) target(%dma_start3A_451 : memref<10240x128xf32, #tpu.memory_space<vmem_shared>>) offsets(%dma_start3A_448 : memref<112xi32, #tpu.memory_space<vmem>>) semaphore(%arg15 : memref<!tpu.dma_semaphore, #tpu.memory_space<semaphore_mem>>) {add = true}
      %dma_wait3A_452 = arith.constant 0 : i32
      %dma_wait3A_453 = arith.constant 14 : i32
      %dma_wait3A_454 = arith.constant 0 : i32
      %dma_wait3A_455 = tpu.memref_slice %arg6[%dma_wait3A_452, %dma_wait3A_453, %dma_wait3A_454] : memref<2x15x112xi32, #tpu.memory_space<vmem>> -> memref<1x1x112xi32, #tpu.memory_space<vmem>>
      %dma_wait3A_456 = tpu.memref_squeeze %dma_wait3A_455 : memref<1x1x112xi32, #tpu.memory_space<vmem>> -> memref<112xi32, #tpu.memory_space<vmem>>
      %dma_wait3A_457 = arith.constant 0 : i32
      %dma_wait3A_458 = arith.constant 0 : i32
      %dma_wait3A_459 = tpu.memref_slice %arg2[%dma_wait3A_457, %dma_wait3A_458] : memref<20480x128xf32, #tpu.memory_space<hbm>> -> memref<20480x128xf32, #tpu.memory_space<hbm>>
      tpu.wait_indirect_dma semaphore(%arg13 : memref<!tpu.dma_semaphore, #tpu.memory_space<semaphore_mem>>) src(%dma_wait3A_459 : memref<20480x128xf32, #tpu.memory_space<hbm>>) dst(%arg9 : memref<112x128xf32, #tpu.memory_space<vmem>>)
      %dma_start3A_460 = arith.constant 1 : i32
      %dma_start3A_461 = arith.constant 14 : i32
      %dma_start3A_462 = arith.constant 0 : i32
      %dma_start3A_463 = tpu.memref_slice %arg6[%dma_start3A_460, %dma_start3A_461, %dma_start3A_462] : memref<2x15x112xi32, #tpu.memory_space<vmem>> -> memref<1x1x112xi32, #tpu.memory_space<vmem>>
      %dma_start3A_464 = tpu.memref_squeeze %dma_start3A_463 : memref<1x1x112xi32, #tpu.memory_space<vmem>> -> memref<112xi32, #tpu.memory_space<vmem>>
      %dma_start3A_465 = arith.constant 0 : i32
      %dma_start3A_466 = arith.constant 0 : i32
      %dma_start3A_467 = tpu.memref_slice %arg10[%dma_start3A_465, %dma_start3A_466] : memref<10240x128xf32, #tpu.memory_space<vmem_shared>> -> memref<10240x128xf32, #tpu.memory_space<vmem_shared>>
      tpu.enqueue_indirect_dma source(%arg9 : memref<112x128xf32, #tpu.memory_space<vmem>>) target(%dma_start3A_467 : memref<10240x128xf32, #tpu.memory_space<vmem_shared>>) offsets(%dma_start3A_464 : memref<112xi32, #tpu.memory_space<vmem>>) semaphore(%arg16 : memref<!tpu.dma_semaphore, #tpu.memory_space<semaphore_mem>>) {add = true}
      %dma_wait3A_468 = arith.constant 1 : i32
      %dma_wait3A_469 = arith.constant 12 : i32
      %dma_wait3A_470 = arith.constant 0 : i32
      %dma_wait3A_471 = tpu.memref_slice %arg6[%dma_wait3A_468, %dma_wait3A_469, %dma_wait3A_470] : memref<2x15x112xi32, #tpu.memory_space<vmem>> -> memref<1x1x112xi32, #tpu.memory_space<vmem>>
      %dma_wait3A_472 = tpu.memref_squeeze %dma_wait3A_471 : memref<1x1x112xi32, #tpu.memory_space<vmem>> -> memref<112xi32, #tpu.memory_space<vmem>>
      %dma_wait3A_473 = arith.constant 0 : i32
      %dma_wait3A_474 = arith.constant 0 : i32
      %dma_wait3A_475 = tpu.memref_slice %arg10[%dma_wait3A_473, %dma_wait3A_474] : memref<10240x128xf32, #tpu.memory_space<vmem_shared>> -> memref<10240x128xf32, #tpu.memory_space<vmem_shared>>
      tpu.wait_indirect_dma semaphore(%arg14 : memref<!tpu.dma_semaphore, #tpu.memory_space<semaphore_mem>>) src(%arg7 : memref<112x128xf32, #tpu.memory_space<vmem>>) dst(%dma_wait3A_475 : memref<10240x128xf32, #tpu.memory_space<vmem_shared>>)
      %dma_wait3A_476 = arith.constant 1 : i32
      %dma_wait3A_477 = arith.constant 13 : i32
      %dma_wait3A_478 = arith.constant 0 : i32
      %dma_wait3A_479 = tpu.memref_slice %arg6[%dma_wait3A_476, %dma_wait3A_477, %dma_wait3A_478] : memref<2x15x112xi32, #tpu.memory_space<vmem>> -> memref<1x1x112xi32, #tpu.memory_space<vmem>>
      %dma_wait3A_480 = tpu.memref_squeeze %dma_wait3A_479 : memref<1x1x112xi32, #tpu.memory_space<vmem>> -> memref<112xi32, #tpu.memory_space<vmem>>
      %dma_wait3A_481 = arith.constant 0 : i32
      %dma_wait3A_482 = arith.constant 0 : i32
      %dma_wait3A_483 = tpu.memref_slice %arg10[%dma_wait3A_481, %dma_wait3A_482] : memref<10240x128xf32, #tpu.memory_space<vmem_shared>> -> memref<10240x128xf32, #tpu.memory_space<vmem_shared>>
      tpu.wait_indirect_dma semaphore(%arg15 : memref<!tpu.dma_semaphore, #tpu.memory_space<semaphore_mem>>) src(%arg8 : memref<112x128xf32, #tpu.memory_space<vmem>>) dst(%dma_wait3A_483 : memref<10240x128xf32, #tpu.memory_space<vmem_shared>>)
      %dma_wait3A_484 = arith.constant 1 : i32
      %dma_wait3A_485 = arith.constant 14 : i32
      %dma_wait3A_486 = arith.constant 0 : i32
      %dma_wait3A_487 = tpu.memref_slice %arg6[%dma_wait3A_484, %dma_wait3A_485, %dma_wait3A_486] : memref<2x15x112xi32, #tpu.memory_space<vmem>> -> memref<1x1x112xi32, #tpu.memory_space<vmem>>
      %dma_wait3A_488 = tpu.memref_squeeze %dma_wait3A_487 : memref<1x1x112xi32, #tpu.memory_space<vmem>> -> memref<112xi32, #tpu.memory_space<vmem>>
      %dma_wait3A_489 = arith.constant 0 : i32
      %dma_wait3A_490 = arith.constant 0 : i32
      %dma_wait3A_491 = tpu.memref_slice %arg10[%dma_wait3A_489, %dma_wait3A_490] : memref<10240x128xf32, #tpu.memory_space<vmem_shared>> -> memref<10240x128xf32, #tpu.memory_space<vmem_shared>>
      tpu.wait_indirect_dma semaphore(%arg16 : memref<!tpu.dma_semaphore, #tpu.memory_space<semaphore_mem>>) src(%arg9 : memref<112x128xf32, #tpu.memory_space<vmem>>) dst(%dma_wait3A_491 : memref<10240x128xf32, #tpu.memory_space<vmem_shared>>)
    }
    %scan3A_7 = arith.constant 12 : i32
    %barrier3A_8 = arith.constant 0 : index
    tpu.barrier barrier_id(%barrier3A_8)
    %mul3A_9 = arith.constant 640 : i32
    %mul3A_10 = arith.muli %arg1, %mul3A_9 : i32
    %mul3A_11 = arith.constant 640 : i32
    %mul3A_12 = arith.muli %arg1, %mul3A_11 : i32
    "tpu.region"() ({
      %run_scoped3A = tpu.sem_alloc : memref<!tpu.dma_semaphore, #tpu.memory_space<semaphore_mem>>
      %dma_start3A = arith.constant 0 : i32
      %dma_start3A_13 = tpu.memref_slice %arg5[%arg0, %mul3A_12, %dma_start3A] : memref<2x10240x128xf32, #tpu.memory_space<hbm>> -> memref<1x640x128xf32, #tpu.memory_space<hbm>>
      %dma_start3A_14 = tpu.memref_squeeze %dma_start3A_13 : memref<1x640x128xf32, #tpu.memory_space<hbm>> -> memref<640x128xf32, #tpu.memory_space<hbm>>
      %dma_start3A_15 = arith.constant 0 : i32
      %dma_start3A_16 = tpu.memref_slice %arg10[%mul3A_10, %dma_start3A_15] : memref<10240x128xf32, #tpu.memory_space<vmem_shared>> -> memref<640x128xf32, #tpu.memory_space<vmem_shared>>
      tpu.enqueue_dma source(%dma_start3A_16 : memref<640x128xf32, #tpu.memory_space<vmem_shared>>) target(%dma_start3A_14 : memref<640x128xf32, #tpu.memory_space<hbm>>) target_semaphore(%run_scoped3A : memref<!tpu.dma_semaphore, #tpu.memory_space<semaphore_mem>>)
      %dma_wait3A = arith.constant 0 : i32
      %dma_wait3A_17 = tpu.memref_slice %arg5[%arg0, %mul3A_12, %dma_wait3A] : memref<2x10240x128xf32, #tpu.memory_space<hbm>> -> memref<1x640x128xf32, #tpu.memory_space<hbm>>
      %dma_wait3A_18 = tpu.memref_squeeze %dma_wait3A_17 : memref<1x640x128xf32, #tpu.memory_space<hbm>> -> memref<640x128xf32, #tpu.memory_space<hbm>>
      %dma_wait3A_19 = arith.constant 0 : i32
      %dma_wait3A_20 = tpu.memref_slice %arg10[%mul3A_10, %dma_wait3A_19] : memref<10240x128xf32, #tpu.memory_space<vmem_shared>> -> memref<640x128xf32, #tpu.memory_space<vmem_shared>>
      tpu.wait_dma2 semaphore(%run_scoped3A : memref<!tpu.dma_semaphore, #tpu.memory_space<semaphore_mem>>) src(%dma_wait3A_20 : memref<640x128xf32, #tpu.memory_space<vmem_shared>>) dst(%dma_wait3A_18 : memref<640x128xf32, #tpu.memory_space<hbm>>)
      tpu.yield
    }) : () -> ()
    return
  }
}

#map = affine_map<(d0, d1) -> (0, 0)>
#map1 = affine_map<(d0, d1) -> (0, 0, 0)>
#map2 = affine_map<(d0, d1) -> (0, 0, 0, 0, 0, 0)>
#map3 = affine_map<(d0, d1) -> (0, 0, 0, 0, 0)>
module attributes {stable_mosaic.version = 14 : i64} {
  func.func @_conv_pairs_body(%arg0: i32, %arg1: i32, %arg2: memref<20480x128xf32, #tpu.memory_space<hbm>>, %arg3: memref<2x10240x128xf32, #tpu.memory_space<hbm>>, %arg4: memref<2x16x12x2x15x112xi32, #tpu.memory_space<hbm>>, %arg5: memref<2x16x4x14x112xi32, #tpu.memory_space<hbm>>, %arg6: memref<100352x256xf32, #tpu.memory_space<hbm>>, %arg7: memref<2x15x112xi32, #tpu.memory_space<vmem>>, %arg8: memref<112x128xf32, #tpu.memory_space<vmem>>, %arg9: memref<112x128xf32, #tpu.memory_space<vmem>>, %arg10: memref<112x128xf32, #tpu.memory_space<vmem>>, %arg11: memref<10240x128xf32, #tpu.memory_space<vmem_shared>>, %arg12: memref<!tpu.dma_semaphore, #tpu.memory_space<semaphore_mem>>, %arg13: memref<!tpu.dma_semaphore, #tpu.memory_space<semaphore_mem>>, %arg14: memref<!tpu.dma_semaphore, #tpu.memory_space<semaphore_mem>>, %arg15: memref<!tpu.dma_semaphore, #tpu.memory_space<semaphore_mem>>, %arg16: memref<!tpu.dma_semaphore, #tpu.memory_space<semaphore_mem>>, %arg17: memref<!tpu.dma_semaphore, #tpu.memory_space<semaphore_mem>>) attributes {dimension_semantics = [#tpu.dimension_semantics<core_parallel>, #tpu.dimension_semantics<subcore_parallel>], iteration_bounds = array<i64: 2, 16>, scalar_prefetch = 0 : i64, scratch_operands = 11 : i64, tpu.core_type = #tpu.core_type<sc_vector_subcore>, window_params = [{transform_indices = #map}, {transform_indices = #map1}, {transform_indices = #map2}, {transform_indices = #map3}, {transform_indices = #map}]} {
    %mul3A = arith.constant 640 : i32
    %mul3A_0 = arith.muli %arg1, %mul3A : i32
    %mul3A_1 = arith.constant 640 : i32
    %mul3A_2 = arith.muli %arg1, %mul3A_1 : i32
    "tpu.region"() ({
      %run_scoped3A = tpu.sem_alloc : memref<!tpu.dma_semaphore, #tpu.memory_space<semaphore_mem>>
      %dma_start3A = arith.constant 0 : i32
      %dma_start3A_20 = tpu.memref_slice %arg11[%mul3A_2, %dma_start3A] : memref<10240x128xf32, #tpu.memory_space<vmem_shared>> -> memref<640x128xf32, #tpu.memory_space<vmem_shared>>
      %dma_start3A_21 = arith.constant 0 : i32
      %dma_start3A_22 = tpu.memref_slice %arg3[%arg0, %mul3A_0, %dma_start3A_21] : memref<2x10240x128xf32, #tpu.memory_space<hbm>> -> memref<1x640x128xf32, #tpu.memory_space<hbm>>
      %dma_start3A_23 = tpu.memref_squeeze %dma_start3A_22 : memref<1x640x128xf32, #tpu.memory_space<hbm>> -> memref<640x128xf32, #tpu.memory_space<hbm>>
      tpu.enqueue_dma source(%dma_start3A_23 : memref<640x128xf32, #tpu.memory_space<hbm>>) target(%dma_start3A_20 : memref<640x128xf32, #tpu.memory_space<vmem_shared>>) target_semaphore(%run_scoped3A : memref<!tpu.dma_semaphore, #tpu.memory_space<semaphore_mem>>)
      %dma_wait3A = arith.constant 0 : i32
      %dma_wait3A_24 = tpu.memref_slice %arg11[%mul3A_2, %dma_wait3A] : memref<10240x128xf32, #tpu.memory_space<vmem_shared>> -> memref<640x128xf32, #tpu.memory_space<vmem_shared>>
      %dma_wait3A_25 = arith.constant 0 : i32
      %dma_wait3A_26 = tpu.memref_slice %arg3[%arg0, %mul3A_0, %dma_wait3A_25] : memref<2x10240x128xf32, #tpu.memory_space<hbm>> -> memref<1x640x128xf32, #tpu.memory_space<hbm>>
      %dma_wait3A_27 = tpu.memref_squeeze %dma_wait3A_26 : memref<1x640x128xf32, #tpu.memory_space<hbm>> -> memref<640x128xf32, #tpu.memory_space<hbm>>
      tpu.wait_dma2 semaphore(%run_scoped3A : memref<!tpu.dma_semaphore, #tpu.memory_space<semaphore_mem>>) src(%dma_wait3A_27 : memref<640x128xf32, #tpu.memory_space<hbm>>) dst(%dma_wait3A_24 : memref<640x128xf32, #tpu.memory_space<vmem_shared>>)
      tpu.yield
    }) : () -> ()
    %barrier3A = arith.constant 0 : index
    tpu.barrier barrier_id(%barrier3A)
    %scan3A = arith.constant 0 : i32
    %scan3A_3 = arith.constant 0 : i32
    %scan3A_4 = arith.constant 12 : i32
    %scan3A_5 = arith.addi %scan3A_3, %scan3A_4 : i32
    %scan3A_6 = arith.constant 1 : i32
    scf.for %scan3A_20 = %scan3A_3 to %scan3A_5 step %scan3A_6  : i32 {
      "tpu.region"() ({
        %run_scoped3A = tpu.sem_alloc : memref<!tpu.dma_semaphore, #tpu.memory_space<semaphore_mem>>
        %dma_start3A_499 = arith.constant 0 : i32
        %dma_start3A_500 = arith.constant 0 : i32
        %dma_start3A_501 = arith.constant 0 : i32
        %dma_start3A_502 = tpu.memref_slice %arg4[%arg0, %arg1, %scan3A_20, %dma_start3A_499, %dma_start3A_500, %dma_start3A_501] : memref<2x16x12x2x15x112xi32, #tpu.memory_space<hbm>> -> memref<1x1x1x2x15x112xi32, #tpu.memory_space<hbm>>
        %dma_start3A_503 = tpu.memref_squeeze %dma_start3A_502 : memref<1x1x1x2x15x112xi32, #tpu.memory_space<hbm>> -> memref<2x15x112xi32, #tpu.memory_space<hbm>>
        %dma_start3A_504 = arith.constant 0 : i32
        %dma_start3A_505 = arith.constant 0 : i32
        %dma_start3A_506 = arith.constant 0 : i32
        %dma_start3A_507 = tpu.memref_slice %arg4[%arg0, %arg1, %scan3A_20, %dma_start3A_504, %dma_start3A_505, %dma_start3A_506] : memref<2x16x12x2x15x112xi32, #tpu.memory_space<hbm>> -> memref<1x1x1x2x15x112xi32, #tpu.memory_space<hbm>>
        %dma_start3A_508 = tpu.memref_squeeze %dma_start3A_507 : memref<1x1x1x2x15x112xi32, #tpu.memory_space<hbm>> -> memref<2x15x112xi32, #tpu.memory_space<hbm>>
        tpu.enqueue_dma source(%dma_start3A_508 : memref<2x15x112xi32, #tpu.memory_space<hbm>>) target(%arg7 : memref<2x15x112xi32, #tpu.memory_space<vmem>>) target_semaphore(%run_scoped3A : memref<!tpu.dma_semaphore, #tpu.memory_space<semaphore_mem>>)
        %dma_wait3A_509 = arith.constant 0 : i32
        %dma_wait3A_510 = arith.constant 0 : i32
        %dma_wait3A_511 = arith.constant 0 : i32
        %dma_wait3A_512 = tpu.memref_slice %arg4[%arg0, %arg1, %scan3A_20, %dma_wait3A_509, %dma_wait3A_510, %dma_wait3A_511] : memref<2x16x12x2x15x112xi32, #tpu.memory_space<hbm>> -> memref<1x1x1x2x15x112xi32, #tpu.memory_space<hbm>>
        %dma_wait3A_513 = tpu.memref_squeeze %dma_wait3A_512 : memref<1x1x1x2x15x112xi32, #tpu.memory_space<hbm>> -> memref<2x15x112xi32, #tpu.memory_space<hbm>>
        %dma_wait3A_514 = arith.constant 0 : i32
        %dma_wait3A_515 = arith.constant 0 : i32
        %dma_wait3A_516 = arith.constant 0 : i32
        %dma_wait3A_517 = tpu.memref_slice %arg4[%arg0, %arg1, %scan3A_20, %dma_wait3A_514, %dma_wait3A_515, %dma_wait3A_516] : memref<2x16x12x2x15x112xi32, #tpu.memory_space<hbm>> -> memref<1x1x1x2x15x112xi32, #tpu.memory_space<hbm>>
        %dma_wait3A_518 = tpu.memref_squeeze %dma_wait3A_517 : memref<1x1x1x2x15x112xi32, #tpu.memory_space<hbm>> -> memref<2x15x112xi32, #tpu.memory_space<hbm>>
        tpu.wait_dma2 semaphore(%run_scoped3A : memref<!tpu.dma_semaphore, #tpu.memory_space<semaphore_mem>>) src(%dma_wait3A_518 : memref<2x15x112xi32, #tpu.memory_space<hbm>>) dst(%arg7 : memref<2x15x112xi32, #tpu.memory_space<vmem>>)
        tpu.yield
      }) : () -> ()
      %dma_start3A = arith.constant 0 : i32
      %dma_start3A_21 = arith.constant 0 : i32
      %dma_start3A_22 = arith.constant 0 : i32
      %dma_start3A_23 = tpu.memref_slice %arg7[%dma_start3A, %dma_start3A_21, %dma_start3A_22] : memref<2x15x112xi32, #tpu.memory_space<vmem>> -> memref<1x1x112xi32, #tpu.memory_space<vmem>>
      %dma_start3A_24 = tpu.memref_squeeze %dma_start3A_23 : memref<1x1x112xi32, #tpu.memory_space<vmem>> -> memref<112xi32, #tpu.memory_space<vmem>>
      %dma_start3A_25 = arith.constant 0 : i32
      %dma_start3A_26 = arith.constant 0 : i32
      %dma_start3A_27 = tpu.memref_slice %arg2[%dma_start3A_25, %dma_start3A_26] : memref<20480x128xf32, #tpu.memory_space<hbm>> -> memref<20480x128xf32, #tpu.memory_space<hbm>>
      tpu.enqueue_indirect_dma source(%dma_start3A_27 : memref<20480x128xf32, #tpu.memory_space<hbm>>) target(%arg8 : memref<112x128xf32, #tpu.memory_space<vmem>>) offsets(%dma_start3A_24 : memref<112xi32, #tpu.memory_space<vmem>>) semaphore(%arg12 : memref<!tpu.dma_semaphore, #tpu.memory_space<semaphore_mem>>)
      %dma_start3A_28 = arith.constant 0 : i32
      %dma_start3A_29 = arith.constant 1 : i32
      %dma_start3A_30 = arith.constant 0 : i32
      %dma_start3A_31 = tpu.memref_slice %arg7[%dma_start3A_28, %dma_start3A_29, %dma_start3A_30] : memref<2x15x112xi32, #tpu.memory_space<vmem>> -> memref<1x1x112xi32, #tpu.memory_space<vmem>>
      %dma_start3A_32 = tpu.memref_squeeze %dma_start3A_31 : memref<1x1x112xi32, #tpu.memory_space<vmem>> -> memref<112xi32, #tpu.memory_space<vmem>>
      %dma_start3A_33 = arith.constant 0 : i32
      %dma_start3A_34 = arith.constant 0 : i32
      %dma_start3A_35 = tpu.memref_slice %arg2[%dma_start3A_33, %dma_start3A_34] : memref<20480x128xf32, #tpu.memory_space<hbm>> -> memref<20480x128xf32, #tpu.memory_space<hbm>>
      tpu.enqueue_indirect_dma source(%dma_start3A_35 : memref<20480x128xf32, #tpu.memory_space<hbm>>) target(%arg9 : memref<112x128xf32, #tpu.memory_space<vmem>>) offsets(%dma_start3A_32 : memref<112xi32, #tpu.memory_space<vmem>>) semaphore(%arg13 : memref<!tpu.dma_semaphore, #tpu.memory_space<semaphore_mem>>)
      %dma_wait3A = arith.constant 0 : i32
      %dma_wait3A_36 = arith.constant 0 : i32
      %dma_wait3A_37 = arith.constant 0 : i32
      %dma_wait3A_38 = tpu.memref_slice %arg7[%dma_wait3A, %dma_wait3A_36, %dma_wait3A_37] : memref<2x15x112xi32, #tpu.memory_space<vmem>> -> memref<1x1x112xi32, #tpu.memory_space<vmem>>
      %dma_wait3A_39 = tpu.memref_squeeze %dma_wait3A_38 : memref<1x1x112xi32, #tpu.memory_space<vmem>> -> memref<112xi32, #tpu.memory_space<vmem>>
      %dma_wait3A_40 = arith.constant 0 : i32
      %dma_wait3A_41 = arith.constant 0 : i32
      %dma_wait3A_42 = tpu.memref_slice %arg2[%dma_wait3A_40, %dma_wait3A_41] : memref<20480x128xf32, #tpu.memory_space<hbm>> -> memref<20480x128xf32, #tpu.memory_space<hbm>>
      tpu.wait_indirect_dma semaphore(%arg12 : memref<!tpu.dma_semaphore, #tpu.memory_space<semaphore_mem>>) src(%dma_wait3A_42 : memref<20480x128xf32, #tpu.memory_space<hbm>>) dst(%arg8 : memref<112x128xf32, #tpu.memory_space<vmem>>)
      %dma_start3A_43 = arith.constant 1 : i32
      %dma_start3A_44 = arith.constant 0 : i32
      %dma_start3A_45 = arith.constant 0 : i32
      %dma_start3A_46 = tpu.memref_slice %arg7[%dma_start3A_43, %dma_start3A_44, %dma_start3A_45] : memref<2x15x112xi32, #tpu.memory_space<vmem>> -> memref<1x1x112xi32, #tpu.memory_space<vmem>>
      %dma_start3A_47 = tpu.memref_squeeze %dma_start3A_46 : memref<1x1x112xi32, #tpu.memory_space<vmem>> -> memref<112xi32, #tpu.memory_space<vmem>>
      %dma_start3A_48 = arith.constant 0 : i32
      %dma_start3A_49 = arith.constant 0 : i32
      %dma_start3A_50 = tpu.memref_slice %arg11[%dma_start3A_48, %dma_start3A_49] : memref<10240x128xf32, #tpu.memory_space<vmem_shared>> -> memref<10240x128xf32, #tpu.memory_space<vmem_shared>>
      tpu.enqueue_indirect_dma source(%arg8 : memref<112x128xf32, #tpu.memory_space<vmem>>) target(%dma_start3A_50 : memref<10240x128xf32, #tpu.memory_space<vmem_shared>>) offsets(%dma_start3A_47 : memref<112xi32, #tpu.memory_space<vmem>>) semaphore(%arg15 : memref<!tpu.dma_semaphore, #tpu.memory_space<semaphore_mem>>) {add = true}
      %dma_start3A_51 = arith.constant 0 : i32
      %dma_start3A_52 = arith.constant 2 : i32
      %dma_start3A_53 = arith.constant 0 : i32
      %dma_start3A_54 = tpu.memref_slice %arg7[%dma_start3A_51, %dma_start3A_52, %dma_start3A_53] : memref<2x15x112xi32, #tpu.memory_space<vmem>> -> memref<1x1x112xi32, #tpu.memory_space<vmem>>
      %dma_start3A_55 = tpu.memref_squeeze %dma_start3A_54 : memref<1x1x112xi32, #tpu.memory_space<vmem>> -> memref<112xi32, #tpu.memory_space<vmem>>
      %dma_start3A_56 = arith.constant 0 : i32
      %dma_start3A_57 = arith.constant 0 : i32
      %dma_start3A_58 = tpu.memref_slice %arg2[%dma_start3A_56, %dma_start3A_57] : memref<20480x128xf32, #tpu.memory_space<hbm>> -> memref<20480x128xf32, #tpu.memory_space<hbm>>
      tpu.enqueue_indirect_dma source(%dma_start3A_58 : memref<20480x128xf32, #tpu.memory_space<hbm>>) target(%arg10 : memref<112x128xf32, #tpu.memory_space<vmem>>) offsets(%dma_start3A_55 : memref<112xi32, #tpu.memory_space<vmem>>) semaphore(%arg14 : memref<!tpu.dma_semaphore, #tpu.memory_space<semaphore_mem>>)
      %dma_wait3A_59 = arith.constant 0 : i32
      %dma_wait3A_60 = arith.constant 1 : i32
      %dma_wait3A_61 = arith.constant 0 : i32
      %dma_wait3A_62 = tpu.memref_slice %arg7[%dma_wait3A_59, %dma_wait3A_60, %dma_wait3A_61] : memref<2x15x112xi32, #tpu.memory_space<vmem>> -> memref<1x1x112xi32, #tpu.memory_space<vmem>>
      %dma_wait3A_63 = tpu.memref_squeeze %dma_wait3A_62 : memref<1x1x112xi32, #tpu.memory_space<vmem>> -> memref<112xi32, #tpu.memory_space<vmem>>
      %dma_wait3A_64 = arith.constant 0 : i32
      %dma_wait3A_65 = arith.constant 0 : i32
      %dma_wait3A_66 = tpu.memref_slice %arg2[%dma_wait3A_64, %dma_wait3A_65] : memref<20480x128xf32, #tpu.memory_space<hbm>> -> memref<20480x128xf32, #tpu.memory_space<hbm>>
      tpu.wait_indirect_dma semaphore(%arg13 : memref<!tpu.dma_semaphore, #tpu.memory_space<semaphore_mem>>) src(%dma_wait3A_66 : memref<20480x128xf32, #tpu.memory_space<hbm>>) dst(%arg9 : memref<112x128xf32, #tpu.memory_space<vmem>>)
      %dma_start3A_67 = arith.constant 1 : i32
      %dma_start3A_68 = arith.constant 1 : i32
      %dma_start3A_69 = arith.constant 0 : i32
      %dma_start3A_70 = tpu.memref_slice %arg7[%dma_start3A_67, %dma_start3A_68, %dma_start3A_69] : memref<2x15x112xi32, #tpu.memory_space<vmem>> -> memref<1x1x112xi32, #tpu.memory_space<vmem>>
      %dma_start3A_71 = tpu.memref_squeeze %dma_start3A_70 : memref<1x1x112xi32, #tpu.memory_space<vmem>> -> memref<112xi32, #tpu.memory_space<vmem>>
      %dma_start3A_72 = arith.constant 0 : i32
      %dma_start3A_73 = arith.constant 0 : i32
      %dma_start3A_74 = tpu.memref_slice %arg11[%dma_start3A_72, %dma_start3A_73] : memref<10240x128xf32, #tpu.memory_space<vmem_shared>> -> memref<10240x128xf32, #tpu.memory_space<vmem_shared>>
      tpu.enqueue_indirect_dma source(%arg9 : memref<112x128xf32, #tpu.memory_space<vmem>>) target(%dma_start3A_74 : memref<10240x128xf32, #tpu.memory_space<vmem_shared>>) offsets(%dma_start3A_71 : memref<112xi32, #tpu.memory_space<vmem>>) semaphore(%arg16 : memref<!tpu.dma_semaphore, #tpu.memory_space<semaphore_mem>>) {add = true}
      %dma_wait3A_75 = arith.constant 1 : i32
      %dma_wait3A_76 = arith.constant 0 : i32
      %dma_wait3A_77 = arith.constant 0 : i32
      %dma_wait3A_78 = tpu.memref_slice %arg7[%dma_wait3A_75, %dma_wait3A_76, %dma_wait3A_77] : memref<2x15x112xi32, #tpu.memory_space<vmem>> -> memref<1x1x112xi32, #tpu.memory_space<vmem>>
      %dma_wait3A_79 = tpu.memref_squeeze %dma_wait3A_78 : memref<1x1x112xi32, #tpu.memory_space<vmem>> -> memref<112xi32, #tpu.memory_space<vmem>>
      %dma_wait3A_80 = arith.constant 0 : i32
      %dma_wait3A_81 = arith.constant 0 : i32
      %dma_wait3A_82 = tpu.memref_slice %arg11[%dma_wait3A_80, %dma_wait3A_81] : memref<10240x128xf32, #tpu.memory_space<vmem_shared>> -> memref<10240x128xf32, #tpu.memory_space<vmem_shared>>
      tpu.wait_indirect_dma semaphore(%arg15 : memref<!tpu.dma_semaphore, #tpu.memory_space<semaphore_mem>>) src(%arg8 : memref<112x128xf32, #tpu.memory_space<vmem>>) dst(%dma_wait3A_82 : memref<10240x128xf32, #tpu.memory_space<vmem_shared>>)
      %dma_start3A_83 = arith.constant 0 : i32
      %dma_start3A_84 = arith.constant 3 : i32
      %dma_start3A_85 = arith.constant 0 : i32
      %dma_start3A_86 = tpu.memref_slice %arg7[%dma_start3A_83, %dma_start3A_84, %dma_start3A_85] : memref<2x15x112xi32, #tpu.memory_space<vmem>> -> memref<1x1x112xi32, #tpu.memory_space<vmem>>
      %dma_start3A_87 = tpu.memref_squeeze %dma_start3A_86 : memref<1x1x112xi32, #tpu.memory_space<vmem>> -> memref<112xi32, #tpu.memory_space<vmem>>
      %dma_start3A_88 = arith.constant 0 : i32
      %dma_start3A_89 = arith.constant 0 : i32
      %dma_start3A_90 = tpu.memref_slice %arg2[%dma_start3A_88, %dma_start3A_89] : memref<20480x128xf32, #tpu.memory_space<hbm>> -> memref<20480x128xf32, #tpu.memory_space<hbm>>
      tpu.enqueue_indirect_dma source(%dma_start3A_90 : memref<20480x128xf32, #tpu.memory_space<hbm>>) target(%arg8 : memref<112x128xf32, #tpu.memory_space<vmem>>) offsets(%dma_start3A_87 : memref<112xi32, #tpu.memory_space<vmem>>) semaphore(%arg12 : memref<!tpu.dma_semaphore, #tpu.memory_space<semaphore_mem>>)
      %dma_wait3A_91 = arith.constant 0 : i32
      %dma_wait3A_92 = arith.constant 2 : i32
      %dma_wait3A_93 = arith.constant 0 : i32
      %dma_wait3A_94 = tpu.memref_slice %arg7[%dma_wait3A_91, %dma_wait3A_92, %dma_wait3A_93] : memref<2x15x112xi32, #tpu.memory_space<vmem>> -> memref<1x1x112xi32, #tpu.memory_space<vmem>>
      %dma_wait3A_95 = tpu.memref_squeeze %dma_wait3A_94 : memref<1x1x112xi32, #tpu.memory_space<vmem>> -> memref<112xi32, #tpu.memory_space<vmem>>
      %dma_wait3A_96 = arith.constant 0 : i32
      %dma_wait3A_97 = arith.constant 0 : i32
      %dma_wait3A_98 = tpu.memref_slice %arg2[%dma_wait3A_96, %dma_wait3A_97] : memref<20480x128xf32, #tpu.memory_space<hbm>> -> memref<20480x128xf32, #tpu.memory_space<hbm>>
      tpu.wait_indirect_dma semaphore(%arg14 : memref<!tpu.dma_semaphore, #tpu.memory_space<semaphore_mem>>) src(%dma_wait3A_98 : memref<20480x128xf32, #tpu.memory_space<hbm>>) dst(%arg10 : memref<112x128xf32, #tpu.memory_space<vmem>>)
      %dma_start3A_99 = arith.constant 1 : i32
      %dma_start3A_100 = arith.constant 2 : i32
      %dma_start3A_101 = arith.constant 0 : i32
      %dma_start3A_102 = tpu.memref_slice %arg7[%dma_start3A_99, %dma_start3A_100, %dma_start3A_101] : memref<2x15x112xi32, #tpu.memory_space<vmem>> -> memref<1x1x112xi32, #tpu.memory_space<vmem>>
      %dma_start3A_103 = tpu.memref_squeeze %dma_start3A_102 : memref<1x1x112xi32, #tpu.memory_space<vmem>> -> memref<112xi32, #tpu.memory_space<vmem>>
      %dma_start3A_104 = arith.constant 0 : i32
      %dma_start3A_105 = arith.constant 0 : i32
      %dma_start3A_106 = tpu.memref_slice %arg11[%dma_start3A_104, %dma_start3A_105] : memref<10240x128xf32, #tpu.memory_space<vmem_shared>> -> memref<10240x128xf32, #tpu.memory_space<vmem_shared>>
      tpu.enqueue_indirect_dma source(%arg10 : memref<112x128xf32, #tpu.memory_space<vmem>>) target(%dma_start3A_106 : memref<10240x128xf32, #tpu.memory_space<vmem_shared>>) offsets(%dma_start3A_103 : memref<112xi32, #tpu.memory_space<vmem>>) semaphore(%arg17 : memref<!tpu.dma_semaphore, #tpu.memory_space<semaphore_mem>>) {add = true}
      %dma_wait3A_107 = arith.constant 1 : i32
      %dma_wait3A_108 = arith.constant 1 : i32
      %dma_wait3A_109 = arith.constant 0 : i32
      %dma_wait3A_110 = tpu.memref_slice %arg7[%dma_wait3A_107, %dma_wait3A_108, %dma_wait3A_109] : memref<2x15x112xi32, #tpu.memory_space<vmem>> -> memref<1x1x112xi32, #tpu.memory_space<vmem>>
      %dma_wait3A_111 = tpu.memref_squeeze %dma_wait3A_110 : memref<1x1x112xi32, #tpu.memory_space<vmem>> -> memref<112xi32, #tpu.memory_space<vmem>>
      %dma_wait3A_112 = arith.constant 0 : i32
      %dma_wait3A_113 = arith.constant 0 : i32
      %dma_wait3A_114 = tpu.memref_slice %arg11[%dma_wait3A_112, %dma_wait3A_113] : memref<10240x128xf32, #tpu.memory_space<vmem_shared>> -> memref<10240x128xf32, #tpu.memory_space<vmem_shared>>
      tpu.wait_indirect_dma semaphore(%arg16 : memref<!tpu.dma_semaphore, #tpu.memory_space<semaphore_mem>>) src(%arg9 : memref<112x128xf32, #tpu.memory_space<vmem>>) dst(%dma_wait3A_114 : memref<10240x128xf32, #tpu.memory_space<vmem_shared>>)
      %dma_start3A_115 = arith.constant 0 : i32
      %dma_start3A_116 = arith.constant 4 : i32
      %dma_start3A_117 = arith.constant 0 : i32
      %dma_start3A_118 = tpu.memref_slice %arg7[%dma_start3A_115, %dma_start3A_116, %dma_start3A_117] : memref<2x15x112xi32, #tpu.memory_space<vmem>> -> memref<1x1x112xi32, #tpu.memory_space<vmem>>
      %dma_start3A_119 = tpu.memref_squeeze %dma_start3A_118 : memref<1x1x112xi32, #tpu.memory_space<vmem>> -> memref<112xi32, #tpu.memory_space<vmem>>
      %dma_start3A_120 = arith.constant 0 : i32
      %dma_start3A_121 = arith.constant 0 : i32
      %dma_start3A_122 = tpu.memref_slice %arg2[%dma_start3A_120, %dma_start3A_121] : memref<20480x128xf32, #tpu.memory_space<hbm>> -> memref<20480x128xf32, #tpu.memory_space<hbm>>
      tpu.enqueue_indirect_dma source(%dma_start3A_122 : memref<20480x128xf32, #tpu.memory_space<hbm>>) target(%arg9 : memref<112x128xf32, #tpu.memory_space<vmem>>) offsets(%dma_start3A_119 : memref<112xi32, #tpu.memory_space<vmem>>) semaphore(%arg13 : memref<!tpu.dma_semaphore, #tpu.memory_space<semaphore_mem>>)
      %dma_wait3A_123 = arith.constant 0 : i32
      %dma_wait3A_124 = arith.constant 3 : i32
      %dma_wait3A_125 = arith.constant 0 : i32
      %dma_wait3A_126 = tpu.memref_slice %arg7[%dma_wait3A_123, %dma_wait3A_124, %dma_wait3A_125] : memref<2x15x112xi32, #tpu.memory_space<vmem>> -> memref<1x1x112xi32, #tpu.memory_space<vmem>>
      %dma_wait3A_127 = tpu.memref_squeeze %dma_wait3A_126 : memref<1x1x112xi32, #tpu.memory_space<vmem>> -> memref<112xi32, #tpu.memory_space<vmem>>
      %dma_wait3A_128 = arith.constant 0 : i32
      %dma_wait3A_129 = arith.constant 0 : i32
      %dma_wait3A_130 = tpu.memref_slice %arg2[%dma_wait3A_128, %dma_wait3A_129] : memref<20480x128xf32, #tpu.memory_space<hbm>> -> memref<20480x128xf32, #tpu.memory_space<hbm>>
      tpu.wait_indirect_dma semaphore(%arg12 : memref<!tpu.dma_semaphore, #tpu.memory_space<semaphore_mem>>) src(%dma_wait3A_130 : memref<20480x128xf32, #tpu.memory_space<hbm>>) dst(%arg8 : memref<112x128xf32, #tpu.memory_space<vmem>>)
      %dma_start3A_131 = arith.constant 1 : i32
      %dma_start3A_132 = arith.constant 3 : i32
      %dma_start3A_133 = arith.constant 0 : i32
      %dma_start3A_134 = tpu.memref_slice %arg7[%dma_start3A_131, %dma_start3A_132, %dma_start3A_133] : memref<2x15x112xi32, #tpu.memory_space<vmem>> -> memref<1x1x112xi32, #tpu.memory_space<vmem>>
      %dma_start3A_135 = tpu.memref_squeeze %dma_start3A_134 : memref<1x1x112xi32, #tpu.memory_space<vmem>> -> memref<112xi32, #tpu.memory_space<vmem>>
      %dma_start3A_136 = arith.constant 0 : i32
      %dma_start3A_137 = arith.constant 0 : i32
      %dma_start3A_138 = tpu.memref_slice %arg11[%dma_start3A_136, %dma_start3A_137] : memref<10240x128xf32, #tpu.memory_space<vmem_shared>> -> memref<10240x128xf32, #tpu.memory_space<vmem_shared>>
      tpu.enqueue_indirect_dma source(%arg8 : memref<112x128xf32, #tpu.memory_space<vmem>>) target(%dma_start3A_138 : memref<10240x128xf32, #tpu.memory_space<vmem_shared>>) offsets(%dma_start3A_135 : memref<112xi32, #tpu.memory_space<vmem>>) semaphore(%arg15 : memref<!tpu.dma_semaphore, #tpu.memory_space<semaphore_mem>>) {add = true}
      %dma_wait3A_139 = arith.constant 1 : i32
      %dma_wait3A_140 = arith.constant 2 : i32
      %dma_wait3A_141 = arith.constant 0 : i32
      %dma_wait3A_142 = tpu.memref_slice %arg7[%dma_wait3A_139, %dma_wait3A_140, %dma_wait3A_141] : memref<2x15x112xi32, #tpu.memory_space<vmem>> -> memref<1x1x112xi32, #tpu.memory_space<vmem>>
      %dma_wait3A_143 = tpu.memref_squeeze %dma_wait3A_142 : memref<1x1x112xi32, #tpu.memory_space<vmem>> -> memref<112xi32, #tpu.memory_space<vmem>>
      %dma_wait3A_144 = arith.constant 0 : i32
      %dma_wait3A_145 = arith.constant 0 : i32
      %dma_wait3A_146 = tpu.memref_slice %arg11[%dma_wait3A_144, %dma_wait3A_145] : memref<10240x128xf32, #tpu.memory_space<vmem_shared>> -> memref<10240x128xf32, #tpu.memory_space<vmem_shared>>
      tpu.wait_indirect_dma semaphore(%arg17 : memref<!tpu.dma_semaphore, #tpu.memory_space<semaphore_mem>>) src(%arg10 : memref<112x128xf32, #tpu.memory_space<vmem>>) dst(%dma_wait3A_146 : memref<10240x128xf32, #tpu.memory_space<vmem_shared>>)
      %dma_start3A_147 = arith.constant 0 : i32
      %dma_start3A_148 = arith.constant 5 : i32
      %dma_start3A_149 = arith.constant 0 : i32
      %dma_start3A_150 = tpu.memref_slice %arg7[%dma_start3A_147, %dma_start3A_148, %dma_start3A_149] : memref<2x15x112xi32, #tpu.memory_space<vmem>> -> memref<1x1x112xi32, #tpu.memory_space<vmem>>
      %dma_start3A_151 = tpu.memref_squeeze %dma_start3A_150 : memref<1x1x112xi32, #tpu.memory_space<vmem>> -> memref<112xi32, #tpu.memory_space<vmem>>
      %dma_start3A_152 = arith.constant 0 : i32
      %dma_start3A_153 = arith.constant 0 : i32
      %dma_start3A_154 = tpu.memref_slice %arg2[%dma_start3A_152, %dma_start3A_153] : memref<20480x128xf32, #tpu.memory_space<hbm>> -> memref<20480x128xf32, #tpu.memory_space<hbm>>
      tpu.enqueue_indirect_dma source(%dma_start3A_154 : memref<20480x128xf32, #tpu.memory_space<hbm>>) target(%arg10 : memref<112x128xf32, #tpu.memory_space<vmem>>) offsets(%dma_start3A_151 : memref<112xi32, #tpu.memory_space<vmem>>) semaphore(%arg14 : memref<!tpu.dma_semaphore, #tpu.memory_space<semaphore_mem>>)
      %dma_wait3A_155 = arith.constant 0 : i32
      %dma_wait3A_156 = arith.constant 4 : i32
      %dma_wait3A_157 = arith.constant 0 : i32
      %dma_wait3A_158 = tpu.memref_slice %arg7[%dma_wait3A_155, %dma_wait3A_156, %dma_wait3A_157] : memref<2x15x112xi32, #tpu.memory_space<vmem>> -> memref<1x1x112xi32, #tpu.memory_space<vmem>>
      %dma_wait3A_159 = tpu.memref_squeeze %dma_wait3A_158 : memref<1x1x112xi32, #tpu.memory_space<vmem>> -> memref<112xi32, #tpu.memory_space<vmem>>
      %dma_wait3A_160 = arith.constant 0 : i32
      %dma_wait3A_161 = arith.constant 0 : i32
      %dma_wait3A_162 = tpu.memref_slice %arg2[%dma_wait3A_160, %dma_wait3A_161] : memref<20480x128xf32, #tpu.memory_space<hbm>> -> memref<20480x128xf32, #tpu.memory_space<hbm>>
      tpu.wait_indirect_dma semaphore(%arg13 : memref<!tpu.dma_semaphore, #tpu.memory_space<semaphore_mem>>) src(%dma_wait3A_162 : memref<20480x128xf32, #tpu.memory_space<hbm>>) dst(%arg9 : memref<112x128xf32, #tpu.memory_space<vmem>>)
      %dma_start3A_163 = arith.constant 1 : i32
      %dma_start3A_164 = arith.constant 4 : i32
      %dma_start3A_165 = arith.constant 0 : i32
      %dma_start3A_166 = tpu.memref_slice %arg7[%dma_start3A_163, %dma_start3A_164, %dma_start3A_165] : memref<2x15x112xi32, #tpu.memory_space<vmem>> -> memref<1x1x112xi32, #tpu.memory_space<vmem>>
      %dma_start3A_167 = tpu.memref_squeeze %dma_start3A_166 : memref<1x1x112xi32, #tpu.memory_space<vmem>> -> memref<112xi32, #tpu.memory_space<vmem>>
      %dma_start3A_168 = arith.constant 0 : i32
      %dma_start3A_169 = arith.constant 0 : i32
      %dma_start3A_170 = tpu.memref_slice %arg11[%dma_start3A_168, %dma_start3A_169] : memref<10240x128xf32, #tpu.memory_space<vmem_shared>> -> memref<10240x128xf32, #tpu.memory_space<vmem_shared>>
      tpu.enqueue_indirect_dma source(%arg9 : memref<112x128xf32, #tpu.memory_space<vmem>>) target(%dma_start3A_170 : memref<10240x128xf32, #tpu.memory_space<vmem_shared>>) offsets(%dma_start3A_167 : memref<112xi32, #tpu.memory_space<vmem>>) semaphore(%arg16 : memref<!tpu.dma_semaphore, #tpu.memory_space<semaphore_mem>>) {add = true}
      %dma_wait3A_171 = arith.constant 1 : i32
      %dma_wait3A_172 = arith.constant 3 : i32
      %dma_wait3A_173 = arith.constant 0 : i32
      %dma_wait3A_174 = tpu.memref_slice %arg7[%dma_wait3A_171, %dma_wait3A_172, %dma_wait3A_173] : memref<2x15x112xi32, #tpu.memory_space<vmem>> -> memref<1x1x112xi32, #tpu.memory_space<vmem>>
      %dma_wait3A_175 = tpu.memref_squeeze %dma_wait3A_174 : memref<1x1x112xi32, #tpu.memory_space<vmem>> -> memref<112xi32, #tpu.memory_space<vmem>>
      %dma_wait3A_176 = arith.constant 0 : i32
      %dma_wait3A_177 = arith.constant 0 : i32
      %dma_wait3A_178 = tpu.memref_slice %arg11[%dma_wait3A_176, %dma_wait3A_177] : memref<10240x128xf32, #tpu.memory_space<vmem_shared>> -> memref<10240x128xf32, #tpu.memory_space<vmem_shared>>
      tpu.wait_indirect_dma semaphore(%arg15 : memref<!tpu.dma_semaphore, #tpu.memory_space<semaphore_mem>>) src(%arg8 : memref<112x128xf32, #tpu.memory_space<vmem>>) dst(%dma_wait3A_178 : memref<10240x128xf32, #tpu.memory_space<vmem_shared>>)
      %dma_start3A_179 = arith.constant 0 : i32
      %dma_start3A_180 = arith.constant 6 : i32
      %dma_start3A_181 = arith.constant 0 : i32
      %dma_start3A_182 = tpu.memref_slice %arg7[%dma_start3A_179, %dma_start3A_180, %dma_start3A_181] : memref<2x15x112xi32, #tpu.memory_space<vmem>> -> memref<1x1x112xi32, #tpu.memory_space<vmem>>
      %dma_start3A_183 = tpu.memref_squeeze %dma_start3A_182 : memref<1x1x112xi32, #tpu.memory_space<vmem>> -> memref<112xi32, #tpu.memory_space<vmem>>
      %dma_start3A_184 = arith.constant 0 : i32
      %dma_start3A_185 = arith.constant 0 : i32
      %dma_start3A_186 = tpu.memref_slice %arg2[%dma_start3A_184, %dma_start3A_185] : memref<20480x128xf32, #tpu.memory_space<hbm>> -> memref<20480x128xf32, #tpu.memory_space<hbm>>
      tpu.enqueue_indirect_dma source(%dma_start3A_186 : memref<20480x128xf32, #tpu.memory_space<hbm>>) target(%arg8 : memref<112x128xf32, #tpu.memory_space<vmem>>) offsets(%dma_start3A_183 : memref<112xi32, #tpu.memory_space<vmem>>) semaphore(%arg12 : memref<!tpu.dma_semaphore, #tpu.memory_space<semaphore_mem>>)
      %dma_wait3A_187 = arith.constant 0 : i32
      %dma_wait3A_188 = arith.constant 5 : i32
      %dma_wait3A_189 = arith.constant 0 : i32
      %dma_wait3A_190 = tpu.memref_slice %arg7[%dma_wait3A_187, %dma_wait3A_188, %dma_wait3A_189] : memref<2x15x112xi32, #tpu.memory_space<vmem>> -> memref<1x1x112xi32, #tpu.memory_space<vmem>>
      %dma_wait3A_191 = tpu.memref_squeeze %dma_wait3A_190 : memref<1x1x112xi32, #tpu.memory_space<vmem>> -> memref<112xi32, #tpu.memory_space<vmem>>
      %dma_wait3A_192 = arith.constant 0 : i32
      %dma_wait3A_193 = arith.constant 0 : i32
      %dma_wait3A_194 = tpu.memref_slice %arg2[%dma_wait3A_192, %dma_wait3A_193] : memref<20480x128xf32, #tpu.memory_space<hbm>> -> memref<20480x128xf32, #tpu.memory_space<hbm>>
      tpu.wait_indirect_dma semaphore(%arg14 : memref<!tpu.dma_semaphore, #tpu.memory_space<semaphore_mem>>) src(%dma_wait3A_194 : memref<20480x128xf32, #tpu.memory_space<hbm>>) dst(%arg10 : memref<112x128xf32, #tpu.memory_space<vmem>>)
      %dma_start3A_195 = arith.constant 1 : i32
      %dma_start3A_196 = arith.constant 5 : i32
      %dma_start3A_197 = arith.constant 0 : i32
      %dma_start3A_198 = tpu.memref_slice %arg7[%dma_start3A_195, %dma_start3A_196, %dma_start3A_197] : memref<2x15x112xi32, #tpu.memory_space<vmem>> -> memref<1x1x112xi32, #tpu.memory_space<vmem>>
      %dma_start3A_199 = tpu.memref_squeeze %dma_start3A_198 : memref<1x1x112xi32, #tpu.memory_space<vmem>> -> memref<112xi32, #tpu.memory_space<vmem>>
      %dma_start3A_200 = arith.constant 0 : i32
      %dma_start3A_201 = arith.constant 0 : i32
      %dma_start3A_202 = tpu.memref_slice %arg11[%dma_start3A_200, %dma_start3A_201] : memref<10240x128xf32, #tpu.memory_space<vmem_shared>> -> memref<10240x128xf32, #tpu.memory_space<vmem_shared>>
      tpu.enqueue_indirect_dma source(%arg10 : memref<112x128xf32, #tpu.memory_space<vmem>>) target(%dma_start3A_202 : memref<10240x128xf32, #tpu.memory_space<vmem_shared>>) offsets(%dma_start3A_199 : memref<112xi32, #tpu.memory_space<vmem>>) semaphore(%arg17 : memref<!tpu.dma_semaphore, #tpu.memory_space<semaphore_mem>>) {add = true}
      %dma_wait3A_203 = arith.constant 1 : i32
      %dma_wait3A_204 = arith.constant 4 : i32
      %dma_wait3A_205 = arith.constant 0 : i32
      %dma_wait3A_206 = tpu.memref_slice %arg7[%dma_wait3A_203, %dma_wait3A_204, %dma_wait3A_205] : memref<2x15x112xi32, #tpu.memory_space<vmem>> -> memref<1x1x112xi32, #tpu.memory_space<vmem>>
      %dma_wait3A_207 = tpu.memref_squeeze %dma_wait3A_206 : memref<1x1x112xi32, #tpu.memory_space<vmem>> -> memref<112xi32, #tpu.memory_space<vmem>>
      %dma_wait3A_208 = arith.constant 0 : i32
      %dma_wait3A_209 = arith.constant 0 : i32
      %dma_wait3A_210 = tpu.memref_slice %arg11[%dma_wait3A_208, %dma_wait3A_209] : memref<10240x128xf32, #tpu.memory_space<vmem_shared>> -> memref<10240x128xf32, #tpu.memory_space<vmem_shared>>
      tpu.wait_indirect_dma semaphore(%arg16 : memref<!tpu.dma_semaphore, #tpu.memory_space<semaphore_mem>>) src(%arg9 : memref<112x128xf32, #tpu.memory_space<vmem>>) dst(%dma_wait3A_210 : memref<10240x128xf32, #tpu.memory_space<vmem_shared>>)
      %dma_start3A_211 = arith.constant 0 : i32
      %dma_start3A_212 = arith.constant 7 : i32
      %dma_start3A_213 = arith.constant 0 : i32
      %dma_start3A_214 = tpu.memref_slice %arg7[%dma_start3A_211, %dma_start3A_212, %dma_start3A_213] : memref<2x15x112xi32, #tpu.memory_space<vmem>> -> memref<1x1x112xi32, #tpu.memory_space<vmem>>
      %dma_start3A_215 = tpu.memref_squeeze %dma_start3A_214 : memref<1x1x112xi32, #tpu.memory_space<vmem>> -> memref<112xi32, #tpu.memory_space<vmem>>
      %dma_start3A_216 = arith.constant 0 : i32
      %dma_start3A_217 = arith.constant 0 : i32
      %dma_start3A_218 = tpu.memref_slice %arg2[%dma_start3A_216, %dma_start3A_217] : memref<20480x128xf32, #tpu.memory_space<hbm>> -> memref<20480x128xf32, #tpu.memory_space<hbm>>
      tpu.enqueue_indirect_dma source(%dma_start3A_218 : memref<20480x128xf32, #tpu.memory_space<hbm>>) target(%arg9 : memref<112x128xf32, #tpu.memory_space<vmem>>) offsets(%dma_start3A_215 : memref<112xi32, #tpu.memory_space<vmem>>) semaphore(%arg13 : memref<!tpu.dma_semaphore, #tpu.memory_space<semaphore_mem>>)
      %dma_wait3A_219 = arith.constant 0 : i32
      %dma_wait3A_220 = arith.constant 6 : i32
      %dma_wait3A_221 = arith.constant 0 : i32
      %dma_wait3A_222 = tpu.memref_slice %arg7[%dma_wait3A_219, %dma_wait3A_220, %dma_wait3A_221] : memref<2x15x112xi32, #tpu.memory_space<vmem>> -> memref<1x1x112xi32, #tpu.memory_space<vmem>>
      %dma_wait3A_223 = tpu.memref_squeeze %dma_wait3A_222 : memref<1x1x112xi32, #tpu.memory_space<vmem>> -> memref<112xi32, #tpu.memory_space<vmem>>
      %dma_wait3A_224 = arith.constant 0 : i32
      %dma_wait3A_225 = arith.constant 0 : i32
      %dma_wait3A_226 = tpu.memref_slice %arg2[%dma_wait3A_224, %dma_wait3A_225] : memref<20480x128xf32, #tpu.memory_space<hbm>> -> memref<20480x128xf32, #tpu.memory_space<hbm>>
      tpu.wait_indirect_dma semaphore(%arg12 : memref<!tpu.dma_semaphore, #tpu.memory_space<semaphore_mem>>) src(%dma_wait3A_226 : memref<20480x128xf32, #tpu.memory_space<hbm>>) dst(%arg8 : memref<112x128xf32, #tpu.memory_space<vmem>>)
      %dma_start3A_227 = arith.constant 1 : i32
      %dma_start3A_228 = arith.constant 6 : i32
      %dma_start3A_229 = arith.constant 0 : i32
      %dma_start3A_230 = tpu.memref_slice %arg7[%dma_start3A_227, %dma_start3A_228, %dma_start3A_229] : memref<2x15x112xi32, #tpu.memory_space<vmem>> -> memref<1x1x112xi32, #tpu.memory_space<vmem>>
      %dma_start3A_231 = tpu.memref_squeeze %dma_start3A_230 : memref<1x1x112xi32, #tpu.memory_space<vmem>> -> memref<112xi32, #tpu.memory_space<vmem>>
      %dma_start3A_232 = arith.constant 0 : i32
      %dma_start3A_233 = arith.constant 0 : i32
      %dma_start3A_234 = tpu.memref_slice %arg11[%dma_start3A_232, %dma_start3A_233] : memref<10240x128xf32, #tpu.memory_space<vmem_shared>> -> memref<10240x128xf32, #tpu.memory_space<vmem_shared>>
      tpu.enqueue_indirect_dma source(%arg8 : memref<112x128xf32, #tpu.memory_space<vmem>>) target(%dma_start3A_234 : memref<10240x128xf32, #tpu.memory_space<vmem_shared>>) offsets(%dma_start3A_231 : memref<112xi32, #tpu.memory_space<vmem>>) semaphore(%arg15 : memref<!tpu.dma_semaphore, #tpu.memory_space<semaphore_mem>>) {add = true}
      %dma_wait3A_235 = arith.constant 1 : i32
      %dma_wait3A_236 = arith.constant 5 : i32
      %dma_wait3A_237 = arith.constant 0 : i32
      %dma_wait3A_238 = tpu.memref_slice %arg7[%dma_wait3A_235, %dma_wait3A_236, %dma_wait3A_237] : memref<2x15x112xi32, #tpu.memory_space<vmem>> -> memref<1x1x112xi32, #tpu.memory_space<vmem>>
      %dma_wait3A_239 = tpu.memref_squeeze %dma_wait3A_238 : memref<1x1x112xi32, #tpu.memory_space<vmem>> -> memref<112xi32, #tpu.memory_space<vmem>>
      %dma_wait3A_240 = arith.constant 0 : i32
      %dma_wait3A_241 = arith.constant 0 : i32
      %dma_wait3A_242 = tpu.memref_slice %arg11[%dma_wait3A_240, %dma_wait3A_241] : memref<10240x128xf32, #tpu.memory_space<vmem_shared>> -> memref<10240x128xf32, #tpu.memory_space<vmem_shared>>
      tpu.wait_indirect_dma semaphore(%arg17 : memref<!tpu.dma_semaphore, #tpu.memory_space<semaphore_mem>>) src(%arg10 : memref<112x128xf32, #tpu.memory_space<vmem>>) dst(%dma_wait3A_242 : memref<10240x128xf32, #tpu.memory_space<vmem_shared>>)
      %dma_start3A_243 = arith.constant 0 : i32
      %dma_start3A_244 = arith.constant 8 : i32
      %dma_start3A_245 = arith.constant 0 : i32
      %dma_start3A_246 = tpu.memref_slice %arg7[%dma_start3A_243, %dma_start3A_244, %dma_start3A_245] : memref<2x15x112xi32, #tpu.memory_space<vmem>> -> memref<1x1x112xi32, #tpu.memory_space<vmem>>
      %dma_start3A_247 = tpu.memref_squeeze %dma_start3A_246 : memref<1x1x112xi32, #tpu.memory_space<vmem>> -> memref<112xi32, #tpu.memory_space<vmem>>
      %dma_start3A_248 = arith.constant 0 : i32
      %dma_start3A_249 = arith.constant 0 : i32
      %dma_start3A_250 = tpu.memref_slice %arg2[%dma_start3A_248, %dma_start3A_249] : memref<20480x128xf32, #tpu.memory_space<hbm>> -> memref<20480x128xf32, #tpu.memory_space<hbm>>
      tpu.enqueue_indirect_dma source(%dma_start3A_250 : memref<20480x128xf32, #tpu.memory_space<hbm>>) target(%arg10 : memref<112x128xf32, #tpu.memory_space<vmem>>) offsets(%dma_start3A_247 : memref<112xi32, #tpu.memory_space<vmem>>) semaphore(%arg14 : memref<!tpu.dma_semaphore, #tpu.memory_space<semaphore_mem>>)
      %dma_wait3A_251 = arith.constant 0 : i32
      %dma_wait3A_252 = arith.constant 7 : i32
      %dma_wait3A_253 = arith.constant 0 : i32
      %dma_wait3A_254 = tpu.memref_slice %arg7[%dma_wait3A_251, %dma_wait3A_252, %dma_wait3A_253] : memref<2x15x112xi32, #tpu.memory_space<vmem>> -> memref<1x1x112xi32, #tpu.memory_space<vmem>>
      %dma_wait3A_255 = tpu.memref_squeeze %dma_wait3A_254 : memref<1x1x112xi32, #tpu.memory_space<vmem>> -> memref<112xi32, #tpu.memory_space<vmem>>
      %dma_wait3A_256 = arith.constant 0 : i32
      %dma_wait3A_257 = arith.constant 0 : i32
      %dma_wait3A_258 = tpu.memref_slice %arg2[%dma_wait3A_256, %dma_wait3A_257] : memref<20480x128xf32, #tpu.memory_space<hbm>> -> memref<20480x128xf32, #tpu.memory_space<hbm>>
      tpu.wait_indirect_dma semaphore(%arg13 : memref<!tpu.dma_semaphore, #tpu.memory_space<semaphore_mem>>) src(%dma_wait3A_258 : memref<20480x128xf32, #tpu.memory_space<hbm>>) dst(%arg9 : memref<112x128xf32, #tpu.memory_space<vmem>>)
      %dma_start3A_259 = arith.constant 1 : i32
      %dma_start3A_260 = arith.constant 7 : i32
      %dma_start3A_261 = arith.constant 0 : i32
      %dma_start3A_262 = tpu.memref_slice %arg7[%dma_start3A_259, %dma_start3A_260, %dma_start3A_261] : memref<2x15x112xi32, #tpu.memory_space<vmem>> -> memref<1x1x112xi32, #tpu.memory_space<vmem>>
      %dma_start3A_263 = tpu.memref_squeeze %dma_start3A_262 : memref<1x1x112xi32, #tpu.memory_space<vmem>> -> memref<112xi32, #tpu.memory_space<vmem>>
      %dma_start3A_264 = arith.constant 0 : i32
      %dma_start3A_265 = arith.constant 0 : i32
      %dma_start3A_266 = tpu.memref_slice %arg11[%dma_start3A_264, %dma_start3A_265] : memref<10240x128xf32, #tpu.memory_space<vmem_shared>> -> memref<10240x128xf32, #tpu.memory_space<vmem_shared>>
      tpu.enqueue_indirect_dma source(%arg9 : memref<112x128xf32, #tpu.memory_space<vmem>>) target(%dma_start3A_266 : memref<10240x128xf32, #tpu.memory_space<vmem_shared>>) offsets(%dma_start3A_263 : memref<112xi32, #tpu.memory_space<vmem>>) semaphore(%arg16 : memref<!tpu.dma_semaphore, #tpu.memory_space<semaphore_mem>>) {add = true}
      %dma_wait3A_267 = arith.constant 1 : i32
      %dma_wait3A_268 = arith.constant 6 : i32
      %dma_wait3A_269 = arith.constant 0 : i32
      %dma_wait3A_270 = tpu.memref_slice %arg7[%dma_wait3A_267, %dma_wait3A_268, %dma_wait3A_269] : memref<2x15x112xi32, #tpu.memory_space<vmem>> -> memref<1x1x112xi32, #tpu.memory_space<vmem>>
      %dma_wait3A_271 = tpu.memref_squeeze %dma_wait3A_270 : memref<1x1x112xi32, #tpu.memory_space<vmem>> -> memref<112xi32, #tpu.memory_space<vmem>>
      %dma_wait3A_272 = arith.constant 0 : i32
      %dma_wait3A_273 = arith.constant 0 : i32
      %dma_wait3A_274 = tpu.memref_slice %arg11[%dma_wait3A_272, %dma_wait3A_273] : memref<10240x128xf32, #tpu.memory_space<vmem_shared>> -> memref<10240x128xf32, #tpu.memory_space<vmem_shared>>
      tpu.wait_indirect_dma semaphore(%arg15 : memref<!tpu.dma_semaphore, #tpu.memory_space<semaphore_mem>>) src(%arg8 : memref<112x128xf32, #tpu.memory_space<vmem>>) dst(%dma_wait3A_274 : memref<10240x128xf32, #tpu.memory_space<vmem_shared>>)
      %dma_start3A_275 = arith.constant 0 : i32
      %dma_start3A_276 = arith.constant 9 : i32
      %dma_start3A_277 = arith.constant 0 : i32
      %dma_start3A_278 = tpu.memref_slice %arg7[%dma_start3A_275, %dma_start3A_276, %dma_start3A_277] : memref<2x15x112xi32, #tpu.memory_space<vmem>> -> memref<1x1x112xi32, #tpu.memory_space<vmem>>
      %dma_start3A_279 = tpu.memref_squeeze %dma_start3A_278 : memref<1x1x112xi32, #tpu.memory_space<vmem>> -> memref<112xi32, #tpu.memory_space<vmem>>
      %dma_start3A_280 = arith.constant 0 : i32
      %dma_start3A_281 = arith.constant 0 : i32
      %dma_start3A_282 = tpu.memref_slice %arg2[%dma_start3A_280, %dma_start3A_281] : memref<20480x128xf32, #tpu.memory_space<hbm>> -> memref<20480x128xf32, #tpu.memory_space<hbm>>
      tpu.enqueue_indirect_dma source(%dma_start3A_282 : memref<20480x128xf32, #tpu.memory_space<hbm>>) target(%arg8 : memref<112x128xf32, #tpu.memory_space<vmem>>) offsets(%dma_start3A_279 : memref<112xi32, #tpu.memory_space<vmem>>) semaphore(%arg12 : memref<!tpu.dma_semaphore, #tpu.memory_space<semaphore_mem>>)
      %dma_wait3A_283 = arith.constant 0 : i32
      %dma_wait3A_284 = arith.constant 8 : i32
      %dma_wait3A_285 = arith.constant 0 : i32
      %dma_wait3A_286 = tpu.memref_slice %arg7[%dma_wait3A_283, %dma_wait3A_284, %dma_wait3A_285] : memref<2x15x112xi32, #tpu.memory_space<vmem>> -> memref<1x1x112xi32, #tpu.memory_space<vmem>>
      %dma_wait3A_287 = tpu.memref_squeeze %dma_wait3A_286 : memref<1x1x112xi32, #tpu.memory_space<vmem>> -> memref<112xi32, #tpu.memory_space<vmem>>
      %dma_wait3A_288 = arith.constant 0 : i32
      %dma_wait3A_289 = arith.constant 0 : i32
      %dma_wait3A_290 = tpu.memref_slice %arg2[%dma_wait3A_288, %dma_wait3A_289] : memref<20480x128xf32, #tpu.memory_space<hbm>> -> memref<20480x128xf32, #tpu.memory_space<hbm>>
      tpu.wait_indirect_dma semaphore(%arg14 : memref<!tpu.dma_semaphore, #tpu.memory_space<semaphore_mem>>) src(%dma_wait3A_290 : memref<20480x128xf32, #tpu.memory_space<hbm>>) dst(%arg10 : memref<112x128xf32, #tpu.memory_space<vmem>>)
      %dma_start3A_291 = arith.constant 1 : i32
      %dma_start3A_292 = arith.constant 8 : i32
      %dma_start3A_293 = arith.constant 0 : i32
      %dma_start3A_294 = tpu.memref_slice %arg7[%dma_start3A_291, %dma_start3A_292, %dma_start3A_293] : memref<2x15x112xi32, #tpu.memory_space<vmem>> -> memref<1x1x112xi32, #tpu.memory_space<vmem>>
      %dma_start3A_295 = tpu.memref_squeeze %dma_start3A_294 : memref<1x1x112xi32, #tpu.memory_space<vmem>> -> memref<112xi32, #tpu.memory_space<vmem>>
      %dma_start3A_296 = arith.constant 0 : i32
      %dma_start3A_297 = arith.constant 0 : i32
      %dma_start3A_298 = tpu.memref_slice %arg11[%dma_start3A_296, %dma_start3A_297] : memref<10240x128xf32, #tpu.memory_space<vmem_shared>> -> memref<10240x128xf32, #tpu.memory_space<vmem_shared>>
      tpu.enqueue_indirect_dma source(%arg10 : memref<112x128xf32, #tpu.memory_space<vmem>>) target(%dma_start3A_298 : memref<10240x128xf32, #tpu.memory_space<vmem_shared>>) offsets(%dma_start3A_295 : memref<112xi32, #tpu.memory_space<vmem>>) semaphore(%arg17 : memref<!tpu.dma_semaphore, #tpu.memory_space<semaphore_mem>>) {add = true}
      %dma_wait3A_299 = arith.constant 1 : i32
      %dma_wait3A_300 = arith.constant 7 : i32
      %dma_wait3A_301 = arith.constant 0 : i32
      %dma_wait3A_302 = tpu.memref_slice %arg7[%dma_wait3A_299, %dma_wait3A_300, %dma_wait3A_301] : memref<2x15x112xi32, #tpu.memory_space<vmem>> -> memref<1x1x112xi32, #tpu.memory_space<vmem>>
      %dma_wait3A_303 = tpu.memref_squeeze %dma_wait3A_302 : memref<1x1x112xi32, #tpu.memory_space<vmem>> -> memref<112xi32, #tpu.memory_space<vmem>>
      %dma_wait3A_304 = arith.constant 0 : i32
      %dma_wait3A_305 = arith.constant 0 : i32
      %dma_wait3A_306 = tpu.memref_slice %arg11[%dma_wait3A_304, %dma_wait3A_305] : memref<10240x128xf32, #tpu.memory_space<vmem_shared>> -> memref<10240x128xf32, #tpu.memory_space<vmem_shared>>
      tpu.wait_indirect_dma semaphore(%arg16 : memref<!tpu.dma_semaphore, #tpu.memory_space<semaphore_mem>>) src(%arg9 : memref<112x128xf32, #tpu.memory_space<vmem>>) dst(%dma_wait3A_306 : memref<10240x128xf32, #tpu.memory_space<vmem_shared>>)
      %dma_start3A_307 = arith.constant 0 : i32
      %dma_start3A_308 = arith.constant 10 : i32
      %dma_start3A_309 = arith.constant 0 : i32
      %dma_start3A_310 = tpu.memref_slice %arg7[%dma_start3A_307, %dma_start3A_308, %dma_start3A_309] : memref<2x15x112xi32, #tpu.memory_space<vmem>> -> memref<1x1x112xi32, #tpu.memory_space<vmem>>
      %dma_start3A_311 = tpu.memref_squeeze %dma_start3A_310 : memref<1x1x112xi32, #tpu.memory_space<vmem>> -> memref<112xi32, #tpu.memory_space<vmem>>
      %dma_start3A_312 = arith.constant 0 : i32
      %dma_start3A_313 = arith.constant 0 : i32
      %dma_start3A_314 = tpu.memref_slice %arg2[%dma_start3A_312, %dma_start3A_313] : memref<20480x128xf32, #tpu.memory_space<hbm>> -> memref<20480x128xf32, #tpu.memory_space<hbm>>
      tpu.enqueue_indirect_dma source(%dma_start3A_314 : memref<20480x128xf32, #tpu.memory_space<hbm>>) target(%arg9 : memref<112x128xf32, #tpu.memory_space<vmem>>) offsets(%dma_start3A_311 : memref<112xi32, #tpu.memory_space<vmem>>) semaphore(%arg13 : memref<!tpu.dma_semaphore, #tpu.memory_space<semaphore_mem>>)
      %dma_wait3A_315 = arith.constant 0 : i32
      %dma_wait3A_316 = arith.constant 9 : i32
      %dma_wait3A_317 = arith.constant 0 : i32
      %dma_wait3A_318 = tpu.memref_slice %arg7[%dma_wait3A_315, %dma_wait3A_316, %dma_wait3A_317] : memref<2x15x112xi32, #tpu.memory_space<vmem>> -> memref<1x1x112xi32, #tpu.memory_space<vmem>>
      %dma_wait3A_319 = tpu.memref_squeeze %dma_wait3A_318 : memref<1x1x112xi32, #tpu.memory_space<vmem>> -> memref<112xi32, #tpu.memory_space<vmem>>
      %dma_wait3A_320 = arith.constant 0 : i32
      %dma_wait3A_321 = arith.constant 0 : i32
      %dma_wait3A_322 = tpu.memref_slice %arg2[%dma_wait3A_320, %dma_wait3A_321] : memref<20480x128xf32, #tpu.memory_space<hbm>> -> memref<20480x128xf32, #tpu.memory_space<hbm>>
      tpu.wait_indirect_dma semaphore(%arg12 : memref<!tpu.dma_semaphore, #tpu.memory_space<semaphore_mem>>) src(%dma_wait3A_322 : memref<20480x128xf32, #tpu.memory_space<hbm>>) dst(%arg8 : memref<112x128xf32, #tpu.memory_space<vmem>>)
      %dma_start3A_323 = arith.constant 1 : i32
      %dma_start3A_324 = arith.constant 9 : i32
      %dma_start3A_325 = arith.constant 0 : i32
      %dma_start3A_326 = tpu.memref_slice %arg7[%dma_start3A_323, %dma_start3A_324, %dma_start3A_325] : memref<2x15x112xi32, #tpu.memory_space<vmem>> -> memref<1x1x112xi32, #tpu.memory_space<vmem>>
      %dma_start3A_327 = tpu.memref_squeeze %dma_start3A_326 : memref<1x1x112xi32, #tpu.memory_space<vmem>> -> memref<112xi32, #tpu.memory_space<vmem>>
      %dma_start3A_328 = arith.constant 0 : i32
      %dma_start3A_329 = arith.constant 0 : i32
      %dma_start3A_330 = tpu.memref_slice %arg11[%dma_start3A_328, %dma_start3A_329] : memref<10240x128xf32, #tpu.memory_space<vmem_shared>> -> memref<10240x128xf32, #tpu.memory_space<vmem_shared>>
      tpu.enqueue_indirect_dma source(%arg8 : memref<112x128xf32, #tpu.memory_space<vmem>>) target(%dma_start3A_330 : memref<10240x128xf32, #tpu.memory_space<vmem_shared>>) offsets(%dma_start3A_327 : memref<112xi32, #tpu.memory_space<vmem>>) semaphore(%arg15 : memref<!tpu.dma_semaphore, #tpu.memory_space<semaphore_mem>>) {add = true}
      %dma_wait3A_331 = arith.constant 1 : i32
      %dma_wait3A_332 = arith.constant 8 : i32
      %dma_wait3A_333 = arith.constant 0 : i32
      %dma_wait3A_334 = tpu.memref_slice %arg7[%dma_wait3A_331, %dma_wait3A_332, %dma_wait3A_333] : memref<2x15x112xi32, #tpu.memory_space<vmem>> -> memref<1x1x112xi32, #tpu.memory_space<vmem>>
      %dma_wait3A_335 = tpu.memref_squeeze %dma_wait3A_334 : memref<1x1x112xi32, #tpu.memory_space<vmem>> -> memref<112xi32, #tpu.memory_space<vmem>>
      %dma_wait3A_336 = arith.constant 0 : i32
      %dma_wait3A_337 = arith.constant 0 : i32
      %dma_wait3A_338 = tpu.memref_slice %arg11[%dma_wait3A_336, %dma_wait3A_337] : memref<10240x128xf32, #tpu.memory_space<vmem_shared>> -> memref<10240x128xf32, #tpu.memory_space<vmem_shared>>
      tpu.wait_indirect_dma semaphore(%arg17 : memref<!tpu.dma_semaphore, #tpu.memory_space<semaphore_mem>>) src(%arg10 : memref<112x128xf32, #tpu.memory_space<vmem>>) dst(%dma_wait3A_338 : memref<10240x128xf32, #tpu.memory_space<vmem_shared>>)
      %dma_start3A_339 = arith.constant 0 : i32
      %dma_start3A_340 = arith.constant 11 : i32
      %dma_start3A_341 = arith.constant 0 : i32
      %dma_start3A_342 = tpu.memref_slice %arg7[%dma_start3A_339, %dma_start3A_340, %dma_start3A_341] : memref<2x15x112xi32, #tpu.memory_space<vmem>> -> memref<1x1x112xi32, #tpu.memory_space<vmem>>
      %dma_start3A_343 = tpu.memref_squeeze %dma_start3A_342 : memref<1x1x112xi32, #tpu.memory_space<vmem>> -> memref<112xi32, #tpu.memory_space<vmem>>
      %dma_start3A_344 = arith.constant 0 : i32
      %dma_start3A_345 = arith.constant 0 : i32
      %dma_start3A_346 = tpu.memref_slice %arg2[%dma_start3A_344, %dma_start3A_345] : memref<20480x128xf32, #tpu.memory_space<hbm>> -> memref<20480x128xf32, #tpu.memory_space<hbm>>
      tpu.enqueue_indirect_dma source(%dma_start3A_346 : memref<20480x128xf32, #tpu.memory_space<hbm>>) target(%arg10 : memref<112x128xf32, #tpu.memory_space<vmem>>) offsets(%dma_start3A_343 : memref<112xi32, #tpu.memory_space<vmem>>) semaphore(%arg14 : memref<!tpu.dma_semaphore, #tpu.memory_space<semaphore_mem>>)
      %dma_wait3A_347 = arith.constant 0 : i32
      %dma_wait3A_348 = arith.constant 10 : i32
      %dma_wait3A_349 = arith.constant 0 : i32
      %dma_wait3A_350 = tpu.memref_slice %arg7[%dma_wait3A_347, %dma_wait3A_348, %dma_wait3A_349] : memref<2x15x112xi32, #tpu.memory_space<vmem>> -> memref<1x1x112xi32, #tpu.memory_space<vmem>>
      %dma_wait3A_351 = tpu.memref_squeeze %dma_wait3A_350 : memref<1x1x112xi32, #tpu.memory_space<vmem>> -> memref<112xi32, #tpu.memory_space<vmem>>
      %dma_wait3A_352 = arith.constant 0 : i32
      %dma_wait3A_353 = arith.constant 0 : i32
      %dma_wait3A_354 = tpu.memref_slice %arg2[%dma_wait3A_352, %dma_wait3A_353] : memref<20480x128xf32, #tpu.memory_space<hbm>> -> memref<20480x128xf32, #tpu.memory_space<hbm>>
      tpu.wait_indirect_dma semaphore(%arg13 : memref<!tpu.dma_semaphore, #tpu.memory_space<semaphore_mem>>) src(%dma_wait3A_354 : memref<20480x128xf32, #tpu.memory_space<hbm>>) dst(%arg9 : memref<112x128xf32, #tpu.memory_space<vmem>>)
      %dma_start3A_355 = arith.constant 1 : i32
      %dma_start3A_356 = arith.constant 10 : i32
      %dma_start3A_357 = arith.constant 0 : i32
      %dma_start3A_358 = tpu.memref_slice %arg7[%dma_start3A_355, %dma_start3A_356, %dma_start3A_357] : memref<2x15x112xi32, #tpu.memory_space<vmem>> -> memref<1x1x112xi32, #tpu.memory_space<vmem>>
      %dma_start3A_359 = tpu.memref_squeeze %dma_start3A_358 : memref<1x1x112xi32, #tpu.memory_space<vmem>> -> memref<112xi32, #tpu.memory_space<vmem>>
      %dma_start3A_360 = arith.constant 0 : i32
      %dma_start3A_361 = arith.constant 0 : i32
      %dma_start3A_362 = tpu.memref_slice %arg11[%dma_start3A_360, %dma_start3A_361] : memref<10240x128xf32, #tpu.memory_space<vmem_shared>> -> memref<10240x128xf32, #tpu.memory_space<vmem_shared>>
      tpu.enqueue_indirect_dma source(%arg9 : memref<112x128xf32, #tpu.memory_space<vmem>>) target(%dma_start3A_362 : memref<10240x128xf32, #tpu.memory_space<vmem_shared>>) offsets(%dma_start3A_359 : memref<112xi32, #tpu.memory_space<vmem>>) semaphore(%arg16 : memref<!tpu.dma_semaphore, #tpu.memory_space<semaphore_mem>>) {add = true}
      %dma_wait3A_363 = arith.constant 1 : i32
      %dma_wait3A_364 = arith.constant 9 : i32
      %dma_wait3A_365 = arith.constant 0 : i32
      %dma_wait3A_366 = tpu.memref_slice %arg7[%dma_wait3A_363, %dma_wait3A_364, %dma_wait3A_365] : memref<2x15x112xi32, #tpu.memory_space<vmem>> -> memref<1x1x112xi32, #tpu.memory_space<vmem>>
      %dma_wait3A_367 = tpu.memref_squeeze %dma_wait3A_366 : memref<1x1x112xi32, #tpu.memory_space<vmem>> -> memref<112xi32, #tpu.memory_space<vmem>>
      %dma_wait3A_368 = arith.constant 0 : i32
      %dma_wait3A_369 = arith.constant 0 : i32
      %dma_wait3A_370 = tpu.memref_slice %arg11[%dma_wait3A_368, %dma_wait3A_369] : memref<10240x128xf32, #tpu.memory_space<vmem_shared>> -> memref<10240x128xf32, #tpu.memory_space<vmem_shared>>
      tpu.wait_indirect_dma semaphore(%arg15 : memref<!tpu.dma_semaphore, #tpu.memory_space<semaphore_mem>>) src(%arg8 : memref<112x128xf32, #tpu.memory_space<vmem>>) dst(%dma_wait3A_370 : memref<10240x128xf32, #tpu.memory_space<vmem_shared>>)
      %dma_start3A_371 = arith.constant 0 : i32
      %dma_start3A_372 = arith.constant 12 : i32
      %dma_start3A_373 = arith.constant 0 : i32
      %dma_start3A_374 = tpu.memref_slice %arg7[%dma_start3A_371, %dma_start3A_372, %dma_start3A_373] : memref<2x15x112xi32, #tpu.memory_space<vmem>> -> memref<1x1x112xi32, #tpu.memory_space<vmem>>
      %dma_start3A_375 = tpu.memref_squeeze %dma_start3A_374 : memref<1x1x112xi32, #tpu.memory_space<vmem>> -> memref<112xi32, #tpu.memory_space<vmem>>
      %dma_start3A_376 = arith.constant 0 : i32
      %dma_start3A_377 = arith.constant 0 : i32
      %dma_start3A_378 = tpu.memref_slice %arg2[%dma_start3A_376, %dma_start3A_377] : memref<20480x128xf32, #tpu.memory_space<hbm>> -> memref<20480x128xf32, #tpu.memory_space<hbm>>
      tpu.enqueue_indirect_dma source(%dma_start3A_378 : memref<20480x128xf32, #tpu.memory_space<hbm>>) target(%arg8 : memref<112x128xf32, #tpu.memory_space<vmem>>) offsets(%dma_start3A_375 : memref<112xi32, #tpu.memory_space<vmem>>) semaphore(%arg12 : memref<!tpu.dma_semaphore, #tpu.memory_space<semaphore_mem>>)
      %dma_wait3A_379 = arith.constant 0 : i32
      %dma_wait3A_380 = arith.constant 11 : i32
      %dma_wait3A_381 = arith.constant 0 : i32
      %dma_wait3A_382 = tpu.memref_slice %arg7[%dma_wait3A_379, %dma_wait3A_380, %dma_wait3A_381] : memref<2x15x112xi32, #tpu.memory_space<vmem>> -> memref<1x1x112xi32, #tpu.memory_space<vmem>>
      %dma_wait3A_383 = tpu.memref_squeeze %dma_wait3A_382 : memref<1x1x112xi32, #tpu.memory_space<vmem>> -> memref<112xi32, #tpu.memory_space<vmem>>
      %dma_wait3A_384 = arith.constant 0 : i32
      %dma_wait3A_385 = arith.constant 0 : i32
      %dma_wait3A_386 = tpu.memref_slice %arg2[%dma_wait3A_384, %dma_wait3A_385] : memref<20480x128xf32, #tpu.memory_space<hbm>> -> memref<20480x128xf32, #tpu.memory_space<hbm>>
      tpu.wait_indirect_dma semaphore(%arg14 : memref<!tpu.dma_semaphore, #tpu.memory_space<semaphore_mem>>) src(%dma_wait3A_386 : memref<20480x128xf32, #tpu.memory_space<hbm>>) dst(%arg10 : memref<112x128xf32, #tpu.memory_space<vmem>>)
      %dma_start3A_387 = arith.constant 1 : i32
      %dma_start3A_388 = arith.constant 11 : i32
      %dma_start3A_389 = arith.constant 0 : i32
      %dma_start3A_390 = tpu.memref_slice %arg7[%dma_start3A_387, %dma_start3A_388, %dma_start3A_389] : memref<2x15x112xi32, #tpu.memory_space<vmem>> -> memref<1x1x112xi32, #tpu.memory_space<vmem>>
      %dma_start3A_391 = tpu.memref_squeeze %dma_start3A_390 : memref<1x1x112xi32, #tpu.memory_space<vmem>> -> memref<112xi32, #tpu.memory_space<vmem>>
      %dma_start3A_392 = arith.constant 0 : i32
      %dma_start3A_393 = arith.constant 0 : i32
      %dma_start3A_394 = tpu.memref_slice %arg11[%dma_start3A_392, %dma_start3A_393] : memref<10240x128xf32, #tpu.memory_space<vmem_shared>> -> memref<10240x128xf32, #tpu.memory_space<vmem_shared>>
      tpu.enqueue_indirect_dma source(%arg10 : memref<112x128xf32, #tpu.memory_space<vmem>>) target(%dma_start3A_394 : memref<10240x128xf32, #tpu.memory_space<vmem_shared>>) offsets(%dma_start3A_391 : memref<112xi32, #tpu.memory_space<vmem>>) semaphore(%arg17 : memref<!tpu.dma_semaphore, #tpu.memory_space<semaphore_mem>>) {add = true}
      %dma_wait3A_395 = arith.constant 1 : i32
      %dma_wait3A_396 = arith.constant 10 : i32
      %dma_wait3A_397 = arith.constant 0 : i32
      %dma_wait3A_398 = tpu.memref_slice %arg7[%dma_wait3A_395, %dma_wait3A_396, %dma_wait3A_397] : memref<2x15x112xi32, #tpu.memory_space<vmem>> -> memref<1x1x112xi32, #tpu.memory_space<vmem>>
      %dma_wait3A_399 = tpu.memref_squeeze %dma_wait3A_398 : memref<1x1x112xi32, #tpu.memory_space<vmem>> -> memref<112xi32, #tpu.memory_space<vmem>>
      %dma_wait3A_400 = arith.constant 0 : i32
      %dma_wait3A_401 = arith.constant 0 : i32
      %dma_wait3A_402 = tpu.memref_slice %arg11[%dma_wait3A_400, %dma_wait3A_401] : memref<10240x128xf32, #tpu.memory_space<vmem_shared>> -> memref<10240x128xf32, #tpu.memory_space<vmem_shared>>
      tpu.wait_indirect_dma semaphore(%arg16 : memref<!tpu.dma_semaphore, #tpu.memory_space<semaphore_mem>>) src(%arg9 : memref<112x128xf32, #tpu.memory_space<vmem>>) dst(%dma_wait3A_402 : memref<10240x128xf32, #tpu.memory_space<vmem_shared>>)
      %dma_start3A_403 = arith.constant 0 : i32
      %dma_start3A_404 = arith.constant 13 : i32
      %dma_start3A_405 = arith.constant 0 : i32
      %dma_start3A_406 = tpu.memref_slice %arg7[%dma_start3A_403, %dma_start3A_404, %dma_start3A_405] : memref<2x15x112xi32, #tpu.memory_space<vmem>> -> memref<1x1x112xi32, #tpu.memory_space<vmem>>
      %dma_start3A_407 = tpu.memref_squeeze %dma_start3A_406 : memref<1x1x112xi32, #tpu.memory_space<vmem>> -> memref<112xi32, #tpu.memory_space<vmem>>
      %dma_start3A_408 = arith.constant 0 : i32
      %dma_start3A_409 = arith.constant 0 : i32
      %dma_start3A_410 = tpu.memref_slice %arg2[%dma_start3A_408, %dma_start3A_409] : memref<20480x128xf32, #tpu.memory_space<hbm>> -> memref<20480x128xf32, #tpu.memory_space<hbm>>
      tpu.enqueue_indirect_dma source(%dma_start3A_410 : memref<20480x128xf32, #tpu.memory_space<hbm>>) target(%arg9 : memref<112x128xf32, #tpu.memory_space<vmem>>) offsets(%dma_start3A_407 : memref<112xi32, #tpu.memory_space<vmem>>) semaphore(%arg13 : memref<!tpu.dma_semaphore, #tpu.memory_space<semaphore_mem>>)
      %dma_wait3A_411 = arith.constant 0 : i32
      %dma_wait3A_412 = arith.constant 12 : i32
      %dma_wait3A_413 = arith.constant 0 : i32
      %dma_wait3A_414 = tpu.memref_slice %arg7[%dma_wait3A_411, %dma_wait3A_412, %dma_wait3A_413] : memref<2x15x112xi32, #tpu.memory_space<vmem>> -> memref<1x1x112xi32, #tpu.memory_space<vmem>>
      %dma_wait3A_415 = tpu.memref_squeeze %dma_wait3A_414 : memref<1x1x112xi32, #tpu.memory_space<vmem>> -> memref<112xi32, #tpu.memory_space<vmem>>
      %dma_wait3A_416 = arith.constant 0 : i32
      %dma_wait3A_417 = arith.constant 0 : i32
      %dma_wait3A_418 = tpu.memref_slice %arg2[%dma_wait3A_416, %dma_wait3A_417] : memref<20480x128xf32, #tpu.memory_space<hbm>> -> memref<20480x128xf32, #tpu.memory_space<hbm>>
      tpu.wait_indirect_dma semaphore(%arg12 : memref<!tpu.dma_semaphore, #tpu.memory_space<semaphore_mem>>) src(%dma_wait3A_418 : memref<20480x128xf32, #tpu.memory_space<hbm>>) dst(%arg8 : memref<112x128xf32, #tpu.memory_space<vmem>>)
      %dma_start3A_419 = arith.constant 1 : i32
      %dma_start3A_420 = arith.constant 12 : i32
      %dma_start3A_421 = arith.constant 0 : i32
      %dma_start3A_422 = tpu.memref_slice %arg7[%dma_start3A_419, %dma_start3A_420, %dma_start3A_421] : memref<2x15x112xi32, #tpu.memory_space<vmem>> -> memref<1x1x112xi32, #tpu.memory_space<vmem>>
      %dma_start3A_423 = tpu.memref_squeeze %dma_start3A_422 : memref<1x1x112xi32, #tpu.memory_space<vmem>> -> memref<112xi32, #tpu.memory_space<vmem>>
      %dma_start3A_424 = arith.constant 0 : i32
      %dma_start3A_425 = arith.constant 0 : i32
      %dma_start3A_426 = tpu.memref_slice %arg11[%dma_start3A_424, %dma_start3A_425] : memref<10240x128xf32, #tpu.memory_space<vmem_shared>> -> memref<10240x128xf32, #tpu.memory_space<vmem_shared>>
      tpu.enqueue_indirect_dma source(%arg8 : memref<112x128xf32, #tpu.memory_space<vmem>>) target(%dma_start3A_426 : memref<10240x128xf32, #tpu.memory_space<vmem_shared>>) offsets(%dma_start3A_423 : memref<112xi32, #tpu.memory_space<vmem>>) semaphore(%arg15 : memref<!tpu.dma_semaphore, #tpu.memory_space<semaphore_mem>>) {add = true}
      %dma_wait3A_427 = arith.constant 1 : i32
      %dma_wait3A_428 = arith.constant 11 : i32
      %dma_wait3A_429 = arith.constant 0 : i32
      %dma_wait3A_430 = tpu.memref_slice %arg7[%dma_wait3A_427, %dma_wait3A_428, %dma_wait3A_429] : memref<2x15x112xi32, #tpu.memory_space<vmem>> -> memref<1x1x112xi32, #tpu.memory_space<vmem>>
      %dma_wait3A_431 = tpu.memref_squeeze %dma_wait3A_430 : memref<1x1x112xi32, #tpu.memory_space<vmem>> -> memref<112xi32, #tpu.memory_space<vmem>>
      %dma_wait3A_432 = arith.constant 0 : i32
      %dma_wait3A_433 = arith.constant 0 : i32
      %dma_wait3A_434 = tpu.memref_slice %arg11[%dma_wait3A_432, %dma_wait3A_433] : memref<10240x128xf32, #tpu.memory_space<vmem_shared>> -> memref<10240x128xf32, #tpu.memory_space<vmem_shared>>
      tpu.wait_indirect_dma semaphore(%arg17 : memref<!tpu.dma_semaphore, #tpu.memory_space<semaphore_mem>>) src(%arg10 : memref<112x128xf32, #tpu.memory_space<vmem>>) dst(%dma_wait3A_434 : memref<10240x128xf32, #tpu.memory_space<vmem_shared>>)
      %dma_start3A_435 = arith.constant 0 : i32
      %dma_start3A_436 = arith.constant 14 : i32
      %dma_start3A_437 = arith.constant 0 : i32
      %dma_start3A_438 = tpu.memref_slice %arg7[%dma_start3A_435, %dma_start3A_436, %dma_start3A_437] : memref<2x15x112xi32, #tpu.memory_space<vmem>> -> memref<1x1x112xi32, #tpu.memory_space<vmem>>
      %dma_start3A_439 = tpu.memref_squeeze %dma_start3A_438 : memref<1x1x112xi32, #tpu.memory_space<vmem>> -> memref<112xi32, #tpu.memory_space<vmem>>
      %dma_start3A_440 = arith.constant 0 : i32
      %dma_start3A_441 = arith.constant 0 : i32
      %dma_start3A_442 = tpu.memref_slice %arg2[%dma_start3A_440, %dma_start3A_441] : memref<20480x128xf32, #tpu.memory_space<hbm>> -> memref<20480x128xf32, #tpu.memory_space<hbm>>
      tpu.enqueue_indirect_dma source(%dma_start3A_442 : memref<20480x128xf32, #tpu.memory_space<hbm>>) target(%arg10 : memref<112x128xf32, #tpu.memory_space<vmem>>) offsets(%dma_start3A_439 : memref<112xi32, #tpu.memory_space<vmem>>) semaphore(%arg14 : memref<!tpu.dma_semaphore, #tpu.memory_space<semaphore_mem>>)
      %dma_wait3A_443 = arith.constant 0 : i32
      %dma_wait3A_444 = arith.constant 13 : i32
      %dma_wait3A_445 = arith.constant 0 : i32
      %dma_wait3A_446 = tpu.memref_slice %arg7[%dma_wait3A_443, %dma_wait3A_444, %dma_wait3A_445] : memref<2x15x112xi32, #tpu.memory_space<vmem>> -> memref<1x1x112xi32, #tpu.memory_space<vmem>>
      %dma_wait3A_447 = tpu.memref_squeeze %dma_wait3A_446 : memref<1x1x112xi32, #tpu.memory_space<vmem>> -> memref<112xi32, #tpu.memory_space<vmem>>
      %dma_wait3A_448 = arith.constant 0 : i32
      %dma_wait3A_449 = arith.constant 0 : i32
      %dma_wait3A_450 = tpu.memref_slice %arg2[%dma_wait3A_448, %dma_wait3A_449] : memref<20480x128xf32, #tpu.memory_space<hbm>> -> memref<20480x128xf32, #tpu.memory_space<hbm>>
      tpu.wait_indirect_dma semaphore(%arg13 : memref<!tpu.dma_semaphore, #tpu.memory_space<semaphore_mem>>) src(%dma_wait3A_450 : memref<20480x128xf32, #tpu.memory_space<hbm>>) dst(%arg9 : memref<112x128xf32, #tpu.memory_space<vmem>>)
      %dma_start3A_451 = arith.constant 1 : i32
      %dma_start3A_452 = arith.constant 13 : i32
      %dma_start3A_453 = arith.constant 0 : i32
      %dma_start3A_454 = tpu.memref_slice %arg7[%dma_start3A_451, %dma_start3A_452, %dma_start3A_453] : memref<2x15x112xi32, #tpu.memory_space<vmem>> -> memref<1x1x112xi32, #tpu.memory_space<vmem>>
      %dma_start3A_455 = tpu.memref_squeeze %dma_start3A_454 : memref<1x1x112xi32, #tpu.memory_space<vmem>> -> memref<112xi32, #tpu.memory_space<vmem>>
      %dma_start3A_456 = arith.constant 0 : i32
      %dma_start3A_457 = arith.constant 0 : i32
      %dma_start3A_458 = tpu.memref_slice %arg11[%dma_start3A_456, %dma_start3A_457] : memref<10240x128xf32, #tpu.memory_space<vmem_shared>> -> memref<10240x128xf32, #tpu.memory_space<vmem_shared>>
      tpu.enqueue_indirect_dma source(%arg9 : memref<112x128xf32, #tpu.memory_space<vmem>>) target(%dma_start3A_458 : memref<10240x128xf32, #tpu.memory_space<vmem_shared>>) offsets(%dma_start3A_455 : memref<112xi32, #tpu.memory_space<vmem>>) semaphore(%arg16 : memref<!tpu.dma_semaphore, #tpu.memory_space<semaphore_mem>>) {add = true}
      %dma_wait3A_459 = arith.constant 0 : i32
      %dma_wait3A_460 = arith.constant 14 : i32
      %dma_wait3A_461 = arith.constant 0 : i32
      %dma_wait3A_462 = tpu.memref_slice %arg7[%dma_wait3A_459, %dma_wait3A_460, %dma_wait3A_461] : memref<2x15x112xi32, #tpu.memory_space<vmem>> -> memref<1x1x112xi32, #tpu.memory_space<vmem>>
      %dma_wait3A_463 = tpu.memref_squeeze %dma_wait3A_462 : memref<1x1x112xi32, #tpu.memory_space<vmem>> -> memref<112xi32, #tpu.memory_space<vmem>>
      %dma_wait3A_464 = arith.constant 0 : i32
      %dma_wait3A_465 = arith.constant 0 : i32
      %dma_wait3A_466 = tpu.memref_slice %arg2[%dma_wait3A_464, %dma_wait3A_465] : memref<20480x128xf32, #tpu.memory_space<hbm>> -> memref<20480x128xf32, #tpu.memory_space<hbm>>
      tpu.wait_indirect_dma semaphore(%arg14 : memref<!tpu.dma_semaphore, #tpu.memory_space<semaphore_mem>>) src(%dma_wait3A_466 : memref<20480x128xf32, #tpu.memory_space<hbm>>) dst(%arg10 : memref<112x128xf32, #tpu.memory_space<vmem>>)
      %dma_start3A_467 = arith.constant 1 : i32
      %dma_start3A_468 = arith.constant 14 : i32
      %dma_start3A_469 = arith.constant 0 : i32
      %dma_start3A_470 = tpu.memref_slice %arg7[%dma_start3A_467, %dma_start3A_468, %dma_start3A_469] : memref<2x15x112xi32, #tpu.memory_space<vmem>> -> memref<1x1x112xi32, #tpu.memory_space<vmem>>
      %dma_start3A_471 = tpu.memref_squeeze %dma_start3A_470 : memref<1x1x112xi32, #tpu.memory_space<vmem>> -> memref<112xi32, #tpu.memory_space<vmem>>
      %dma_start3A_472 = arith.constant 0 : i32
      %dma_start3A_473 = arith.constant 0 : i32
      %dma_start3A_474 = tpu.memref_slice %arg11[%dma_start3A_472, %dma_start3A_473] : memref<10240x128xf32, #tpu.memory_space<vmem_shared>> -> memref<10240x128xf32, #tpu.memory_space<vmem_shared>>
      tpu.enqueue_indirect_dma source(%arg10 : memref<112x128xf32, #tpu.memory_space<vmem>>) target(%dma_start3A_474 : memref<10240x128xf32, #tpu.memory_space<vmem_shared>>) offsets(%dma_start3A_471 : memref<112xi32, #tpu.memory_space<vmem>>) semaphore(%arg17 : memref<!tpu.dma_semaphore, #tpu.memory_space<semaphore_mem>>) {add = true}
      %dma_wait3A_475 = arith.constant 1 : i32
      %dma_wait3A_476 = arith.constant 12 : i32
      %dma_wait3A_477 = arith.constant 0 : i32
      %dma_wait3A_478 = tpu.memref_slice %arg7[%dma_wait3A_475, %dma_wait3A_476, %dma_wait3A_477] : memref<2x15x112xi32, #tpu.memory_space<vmem>> -> memref<1x1x112xi32, #tpu.memory_space<vmem>>
      %dma_wait3A_479 = tpu.memref_squeeze %dma_wait3A_478 : memref<1x1x112xi32, #tpu.memory_space<vmem>> -> memref<112xi32, #tpu.memory_space<vmem>>
      %dma_wait3A_480 = arith.constant 0 : i32
      %dma_wait3A_481 = arith.constant 0 : i32
      %dma_wait3A_482 = tpu.memref_slice %arg11[%dma_wait3A_480, %dma_wait3A_481] : memref<10240x128xf32, #tpu.memory_space<vmem_shared>> -> memref<10240x128xf32, #tpu.memory_space<vmem_shared>>
      tpu.wait_indirect_dma semaphore(%arg15 : memref<!tpu.dma_semaphore, #tpu.memory_space<semaphore_mem>>) src(%arg8 : memref<112x128xf32, #tpu.memory_space<vmem>>) dst(%dma_wait3A_482 : memref<10240x128xf32, #tpu.memory_space<vmem_shared>>)
      %dma_wait3A_483 = arith.constant 1 : i32
      %dma_wait3A_484 = arith.constant 13 : i32
      %dma_wait3A_485 = arith.constant 0 : i32
      %dma_wait3A_486 = tpu.memref_slice %arg7[%dma_wait3A_483, %dma_wait3A_484, %dma_wait3A_485] : memref<2x15x112xi32, #tpu.memory_space<vmem>> -> memref<1x1x112xi32, #tpu.memory_space<vmem>>
      %dma_wait3A_487 = tpu.memref_squeeze %dma_wait3A_486 : memref<1x1x112xi32, #tpu.memory_space<vmem>> -> memref<112xi32, #tpu.memory_space<vmem>>
      %dma_wait3A_488 = arith.constant 0 : i32
      %dma_wait3A_489 = arith.constant 0 : i32
      %dma_wait3A_490 = tpu.memref_slice %arg11[%dma_wait3A_488, %dma_wait3A_489] : memref<10240x128xf32, #tpu.memory_space<vmem_shared>> -> memref<10240x128xf32, #tpu.memory_space<vmem_shared>>
      tpu.wait_indirect_dma semaphore(%arg16 : memref<!tpu.dma_semaphore, #tpu.memory_space<semaphore_mem>>) src(%arg9 : memref<112x128xf32, #tpu.memory_space<vmem>>) dst(%dma_wait3A_490 : memref<10240x128xf32, #tpu.memory_space<vmem_shared>>)
      %dma_wait3A_491 = arith.constant 1 : i32
      %dma_wait3A_492 = arith.constant 14 : i32
      %dma_wait3A_493 = arith.constant 0 : i32
      %dma_wait3A_494 = tpu.memref_slice %arg7[%dma_wait3A_491, %dma_wait3A_492, %dma_wait3A_493] : memref<2x15x112xi32, #tpu.memory_space<vmem>> -> memref<1x1x112xi32, #tpu.memory_space<vmem>>
      %dma_wait3A_495 = tpu.memref_squeeze %dma_wait3A_494 : memref<1x1x112xi32, #tpu.memory_space<vmem>> -> memref<112xi32, #tpu.memory_space<vmem>>
      %dma_wait3A_496 = arith.constant 0 : i32
      %dma_wait3A_497 = arith.constant 0 : i32
      %dma_wait3A_498 = tpu.memref_slice %arg11[%dma_wait3A_496, %dma_wait3A_497] : memref<10240x128xf32, #tpu.memory_space<vmem_shared>> -> memref<10240x128xf32, #tpu.memory_space<vmem_shared>>
      tpu.wait_indirect_dma semaphore(%arg17 : memref<!tpu.dma_semaphore, #tpu.memory_space<semaphore_mem>>) src(%arg10 : memref<112x128xf32, #tpu.memory_space<vmem>>) dst(%dma_wait3A_498 : memref<10240x128xf32, #tpu.memory_space<vmem_shared>>)
    }
    %scan3A_7 = arith.constant 12 : i32
    %barrier3A_8 = arith.constant 0 : index
    tpu.barrier barrier_id(%barrier3A_8)
    %mul3A_9 = arith.constant 6272 : i32
    %mul3A_10 = arith.muli %arg1, %mul3A_9 : i32
    %sub3A = arith.constant 1 : i32
    %sub3A_11 = arith.subi %sub3A, %arg0 : i32
    %mul3A_12 = arith.constant 128 : i32
    %mul3A_13 = arith.muli %sub3A_11, %mul3A_12 : i32
    %scan3A_14 = arith.constant 0 : i32
    %scan3A_15 = arith.constant 0 : i32
    %scan3A_16 = arith.constant 4 : i32
    %scan3A_17 = arith.addi %scan3A_15, %scan3A_16 : i32
    %scan3A_18 = arith.constant 1 : i32
    scf.for %scan3A_20 = %scan3A_15 to %scan3A_17 step %scan3A_18  : i32 {
      %run_scoped3A = arith.constant 0 : i32
      "tpu.region"() ({
        %run_scoped3A_370 = tpu.sem_alloc : memref<!tpu.dma_semaphore, #tpu.memory_space<semaphore_mem>>
        %dma_start3A_371 = arith.constant 0 : i32
        %dma_start3A_372 = arith.constant 0 : i32
        %dma_start3A_373 = tpu.memref_slice %arg7[%run_scoped3A, %dma_start3A_371, %dma_start3A_372] : memref<2x15x112xi32, #tpu.memory_space<vmem>> -> memref<1x14x112xi32, #tpu.memory_space<vmem>>
        %dma_start3A_374 = tpu.memref_squeeze %dma_start3A_373 : memref<1x14x112xi32, #tpu.memory_space<vmem>> -> memref<14x112xi32, #tpu.memory_space<vmem>>
        %dma_start3A_375 = arith.constant 0 : i32
        %dma_start3A_376 = arith.constant 0 : i32
        %dma_start3A_377 = tpu.memref_slice %arg5[%arg0, %arg1, %scan3A_20, %dma_start3A_375, %dma_start3A_376] : memref<2x16x4x14x112xi32, #tpu.memory_space<hbm>> -> memref<1x1x1x14x112xi32, #tpu.memory_space<hbm>>
        %dma_start3A_378 = tpu.memref_squeeze %dma_start3A_377 : memref<1x1x1x14x112xi32, #tpu.memory_space<hbm>> -> memref<14x112xi32, #tpu.memory_space<hbm>>
        %dma_start3A_379 = arith.constant 0 : i32
        %dma_start3A_380 = arith.constant 0 : i32
        %dma_start3A_381 = tpu.memref_slice %arg7[%run_scoped3A, %dma_start3A_379, %dma_start3A_380] : memref<2x15x112xi32, #tpu.memory_space<vmem>> -> memref<1x14x112xi32, #tpu.memory_space<vmem>>
        %dma_start3A_382 = tpu.memref_squeeze %dma_start3A_381 : memref<1x14x112xi32, #tpu.memory_space<vmem>> -> memref<14x112xi32, #tpu.memory_space<vmem>>
        %dma_start3A_383 = arith.constant 0 : i32
        %dma_start3A_384 = arith.constant 0 : i32
        %dma_start3A_385 = tpu.memref_slice %arg5[%arg0, %arg1, %scan3A_20, %dma_start3A_383, %dma_start3A_384] : memref<2x16x4x14x112xi32, #tpu.memory_space<hbm>> -> memref<1x1x1x14x112xi32, #tpu.memory_space<hbm>>
        %dma_start3A_386 = tpu.memref_squeeze %dma_start3A_385 : memref<1x1x1x14x112xi32, #tpu.memory_space<hbm>> -> memref<14x112xi32, #tpu.memory_space<hbm>>
        tpu.enqueue_dma source(%dma_start3A_386 : memref<14x112xi32, #tpu.memory_space<hbm>>) target(%dma_start3A_382 : memref<14x112xi32, #tpu.memory_space<vmem>>) target_semaphore(%run_scoped3A_370 : memref<!tpu.dma_semaphore, #tpu.memory_space<semaphore_mem>>)
        %dma_wait3A_387 = arith.constant 0 : i32
        %dma_wait3A_388 = arith.constant 0 : i32
        %dma_wait3A_389 = tpu.memref_slice %arg7[%run_scoped3A, %dma_wait3A_387, %dma_wait3A_388] : memref<2x15x112xi32, #tpu.memory_space<vmem>> -> memref<1x14x112xi32, #tpu.memory_space<vmem>>
        %dma_wait3A_390 = tpu.memref_squeeze %dma_wait3A_389 : memref<1x14x112xi32, #tpu.memory_space<vmem>> -> memref<14x112xi32, #tpu.memory_space<vmem>>
        %dma_wait3A_391 = arith.constant 0 : i32
        %dma_wait3A_392 = arith.constant 0 : i32
        %dma_wait3A_393 = tpu.memref_slice %arg5[%arg0, %arg1, %scan3A_20, %dma_wait3A_391, %dma_wait3A_392] : memref<2x16x4x14x112xi32, #tpu.memory_space<hbm>> -> memref<1x1x1x14x112xi32, #tpu.memory_space<hbm>>
        %dma_wait3A_394 = tpu.memref_squeeze %dma_wait3A_393 : memref<1x1x1x14x112xi32, #tpu.memory_space<hbm>> -> memref<14x112xi32, #tpu.memory_space<hbm>>
        %dma_wait3A_395 = arith.constant 0 : i32
        %dma_wait3A_396 = arith.constant 0 : i32
        %dma_wait3A_397 = tpu.memref_slice %arg7[%run_scoped3A, %dma_wait3A_395, %dma_wait3A_396] : memref<2x15x112xi32, #tpu.memory_space<vmem>> -> memref<1x14x112xi32, #tpu.memory_space<vmem>>
        %dma_wait3A_398 = tpu.memref_squeeze %dma_wait3A_397 : memref<1x14x112xi32, #tpu.memory_space<vmem>> -> memref<14x112xi32, #tpu.memory_space<vmem>>
        %dma_wait3A_399 = arith.constant 0 : i32
        %dma_wait3A_400 = arith.constant 0 : i32
        %dma_wait3A_401 = tpu.memref_slice %arg5[%arg0, %arg1, %scan3A_20, %dma_wait3A_399, %dma_wait3A_400] : memref<2x16x4x14x112xi32, #tpu.memory_space<hbm>> -> memref<1x1x1x14x112xi32, #tpu.memory_space<hbm>>
        %dma_wait3A_402 = tpu.memref_squeeze %dma_wait3A_401 : memref<1x1x1x14x112xi32, #tpu.memory_space<hbm>> -> memref<14x112xi32, #tpu.memory_space<hbm>>
        tpu.wait_dma2 semaphore(%run_scoped3A_370 : memref<!tpu.dma_semaphore, #tpu.memory_space<semaphore_mem>>) src(%dma_wait3A_402 : memref<14x112xi32, #tpu.memory_space<hbm>>) dst(%dma_wait3A_398 : memref<14x112xi32, #tpu.memory_space<vmem>>)
        tpu.yield
      }) : () -> ()
      %mul3A_21 = arith.constant 14 : i32
      %mul3A_22 = arith.muli %scan3A_20, %mul3A_21 : i32
      %dma_start3A = arith.constant 0 : i32
      %dma_start3A_23 = arith.constant 0 : i32
      %dma_start3A_24 = arith.constant 0 : i32
      %dma_start3A_25 = tpu.memref_slice %arg7[%dma_start3A, %dma_start3A_23, %dma_start3A_24] : memref<2x15x112xi32, #tpu.memory_space<vmem>> -> memref<1x1x112xi32, #tpu.memory_space<vmem>>
      %dma_start3A_26 = tpu.memref_squeeze %dma_start3A_25 : memref<1x1x112xi32, #tpu.memory_space<vmem>> -> memref<112xi32, #tpu.memory_space<vmem>>
      %dma_start3A_27 = arith.constant 0 : i32
      %dma_start3A_28 = arith.constant 0 : i32
      %dma_start3A_29 = tpu.memref_slice %arg11[%dma_start3A_27, %dma_start3A_28] : memref<10240x128xf32, #tpu.memory_space<vmem_shared>> -> memref<10240x128xf32, #tpu.memory_space<vmem_shared>>
      tpu.enqueue_indirect_dma source(%dma_start3A_29 : memref<10240x128xf32, #tpu.memory_space<vmem_shared>>) target(%arg8 : memref<112x128xf32, #tpu.memory_space<vmem>>) offsets(%dma_start3A_26 : memref<112xi32, #tpu.memory_space<vmem>>) semaphore(%arg12 : memref<!tpu.dma_semaphore, #tpu.memory_space<semaphore_mem>>)
      %dma_start3A_30 = arith.constant 0 : i32
      %dma_start3A_31 = arith.constant 1 : i32
      %dma_start3A_32 = arith.constant 0 : i32
      %dma_start3A_33 = tpu.memref_slice %arg7[%dma_start3A_30, %dma_start3A_31, %dma_start3A_32] : memref<2x15x112xi32, #tpu.memory_space<vmem>> -> memref<1x1x112xi32, #tpu.memory_space<vmem>>
      %dma_start3A_34 = tpu.memref_squeeze %dma_start3A_33 : memref<1x1x112xi32, #tpu.memory_space<vmem>> -> memref<112xi32, #tpu.memory_space<vmem>>
      %dma_start3A_35 = arith.constant 0 : i32
      %dma_start3A_36 = arith.constant 0 : i32
      %dma_start3A_37 = tpu.memref_slice %arg11[%dma_start3A_35, %dma_start3A_36] : memref<10240x128xf32, #tpu.memory_space<vmem_shared>> -> memref<10240x128xf32, #tpu.memory_space<vmem_shared>>
      tpu.enqueue_indirect_dma source(%dma_start3A_37 : memref<10240x128xf32, #tpu.memory_space<vmem_shared>>) target(%arg9 : memref<112x128xf32, #tpu.memory_space<vmem>>) offsets(%dma_start3A_34 : memref<112xi32, #tpu.memory_space<vmem>>) semaphore(%arg13 : memref<!tpu.dma_semaphore, #tpu.memory_space<semaphore_mem>>)
      %dma_wait3A = arith.constant 0 : i32
      %dma_wait3A_38 = arith.constant 0 : i32
      %dma_wait3A_39 = arith.constant 0 : i32
      %dma_wait3A_40 = tpu.memref_slice %arg7[%dma_wait3A, %dma_wait3A_38, %dma_wait3A_39] : memref<2x15x112xi32, #tpu.memory_space<vmem>> -> memref<1x1x112xi32, #tpu.memory_space<vmem>>
      %dma_wait3A_41 = tpu.memref_squeeze %dma_wait3A_40 : memref<1x1x112xi32, #tpu.memory_space<vmem>> -> memref<112xi32, #tpu.memory_space<vmem>>
      %dma_wait3A_42 = arith.constant 0 : i32
      %dma_wait3A_43 = arith.constant 0 : i32
      %dma_wait3A_44 = tpu.memref_slice %arg11[%dma_wait3A_42, %dma_wait3A_43] : memref<10240x128xf32, #tpu.memory_space<vmem_shared>> -> memref<10240x128xf32, #tpu.memory_space<vmem_shared>>
      tpu.wait_indirect_dma semaphore(%arg12 : memref<!tpu.dma_semaphore, #tpu.memory_space<semaphore_mem>>) src(%dma_wait3A_44 : memref<10240x128xf32, #tpu.memory_space<vmem_shared>>) dst(%arg8 : memref<112x128xf32, #tpu.memory_space<vmem>>)
      %add3A = arith.constant 0 : i32
      %add3A_45 = arith.addi %mul3A_22, %add3A : i32
      %mul3A_46 = arith.constant 112 : i32
      %mul3A_47 = arith.muli %add3A_45, %mul3A_46 : i32
      %add3A_48 = arith.addi %mul3A_10, %mul3A_47 : i32
      %dma_start3A_49 = tpu.memref_slice %arg6[%add3A_48, %mul3A_13] : memref<100352x256xf32, #tpu.memory_space<hbm>> -> memref<112x128xf32, #tpu.memory_space<hbm>>
      %dma_start3A_50 = tpu.memref_slice %arg6[%add3A_48, %mul3A_13] : memref<100352x256xf32, #tpu.memory_space<hbm>> -> memref<112x128xf32, #tpu.memory_space<hbm>>
      tpu.enqueue_dma source(%arg8 : memref<112x128xf32, #tpu.memory_space<vmem>>) target(%dma_start3A_50 : memref<112x128xf32, #tpu.memory_space<hbm>>) target_semaphore(%arg15 : memref<!tpu.dma_semaphore, #tpu.memory_space<semaphore_mem>>)
      %dma_start3A_51 = arith.constant 0 : i32
      %dma_start3A_52 = arith.constant 2 : i32
      %dma_start3A_53 = arith.constant 0 : i32
      %dma_start3A_54 = tpu.memref_slice %arg7[%dma_start3A_51, %dma_start3A_52, %dma_start3A_53] : memref<2x15x112xi32, #tpu.memory_space<vmem>> -> memref<1x1x112xi32, #tpu.memory_space<vmem>>
      %dma_start3A_55 = tpu.memref_squeeze %dma_start3A_54 : memref<1x1x112xi32, #tpu.memory_space<vmem>> -> memref<112xi32, #tpu.memory_space<vmem>>
      %dma_start3A_56 = arith.constant 0 : i32
      %dma_start3A_57 = arith.constant 0 : i32
      %dma_start3A_58 = tpu.memref_slice %arg11[%dma_start3A_56, %dma_start3A_57] : memref<10240x128xf32, #tpu.memory_space<vmem_shared>> -> memref<10240x128xf32, #tpu.memory_space<vmem_shared>>
      tpu.enqueue_indirect_dma source(%dma_start3A_58 : memref<10240x128xf32, #tpu.memory_space<vmem_shared>>) target(%arg10 : memref<112x128xf32, #tpu.memory_space<vmem>>) offsets(%dma_start3A_55 : memref<112xi32, #tpu.memory_space<vmem>>) semaphore(%arg14 : memref<!tpu.dma_semaphore, #tpu.memory_space<semaphore_mem>>)
      %dma_wait3A_59 = arith.constant 0 : i32
      %dma_wait3A_60 = arith.constant 1 : i32
      %dma_wait3A_61 = arith.constant 0 : i32
      %dma_wait3A_62 = tpu.memref_slice %arg7[%dma_wait3A_59, %dma_wait3A_60, %dma_wait3A_61] : memref<2x15x112xi32, #tpu.memory_space<vmem>> -> memref<1x1x112xi32, #tpu.memory_space<vmem>>
      %dma_wait3A_63 = tpu.memref_squeeze %dma_wait3A_62 : memref<1x1x112xi32, #tpu.memory_space<vmem>> -> memref<112xi32, #tpu.memory_space<vmem>>
      %dma_wait3A_64 = arith.constant 0 : i32
      %dma_wait3A_65 = arith.constant 0 : i32
      %dma_wait3A_66 = tpu.memref_slice %arg11[%dma_wait3A_64, %dma_wait3A_65] : memref<10240x128xf32, #tpu.memory_space<vmem_shared>> -> memref<10240x128xf32, #tpu.memory_space<vmem_shared>>
      tpu.wait_indirect_dma semaphore(%arg13 : memref<!tpu.dma_semaphore, #tpu.memory_space<semaphore_mem>>) src(%dma_wait3A_66 : memref<10240x128xf32, #tpu.memory_space<vmem_shared>>) dst(%arg9 : memref<112x128xf32, #tpu.memory_space<vmem>>)
      %add3A_67 = arith.constant 1 : i32
      %add3A_68 = arith.addi %mul3A_22, %add3A_67 : i32
      %mul3A_69 = arith.constant 112 : i32
      %mul3A_70 = arith.muli %add3A_68, %mul3A_69 : i32
      %add3A_71 = arith.addi %mul3A_10, %mul3A_70 : i32
      %dma_start3A_72 = tpu.memref_slice %arg6[%add3A_71, %mul3A_13] : memref<100352x256xf32, #tpu.memory_space<hbm>> -> memref<112x128xf32, #tpu.memory_space<hbm>>
      %dma_start3A_73 = tpu.memref_slice %arg6[%add3A_71, %mul3A_13] : memref<100352x256xf32, #tpu.memory_space<hbm>> -> memref<112x128xf32, #tpu.memory_space<hbm>>
      tpu.enqueue_dma source(%arg9 : memref<112x128xf32, #tpu.memory_space<vmem>>) target(%dma_start3A_73 : memref<112x128xf32, #tpu.memory_space<hbm>>) target_semaphore(%arg16 : memref<!tpu.dma_semaphore, #tpu.memory_space<semaphore_mem>>)
      %dma_wait3A_74 = tpu.memref_slice %arg6[%add3A_48, %mul3A_13] : memref<100352x256xf32, #tpu.memory_space<hbm>> -> memref<112x128xf32, #tpu.memory_space<hbm>>
      %dma_wait3A_75 = tpu.memref_slice %arg6[%add3A_48, %mul3A_13] : memref<100352x256xf32, #tpu.memory_space<hbm>> -> memref<112x128xf32, #tpu.memory_space<hbm>>
      tpu.wait_dma2 semaphore(%arg15 : memref<!tpu.dma_semaphore, #tpu.memory_space<semaphore_mem>>) src(%arg8 : memref<112x128xf32, #tpu.memory_space<vmem>>) dst(%dma_wait3A_75 : memref<112x128xf32, #tpu.memory_space<hbm>>)
      %dma_start3A_76 = arith.constant 0 : i32
      %dma_start3A_77 = arith.constant 3 : i32
      %dma_start3A_78 = arith.constant 0 : i32
      %dma_start3A_79 = tpu.memref_slice %arg7[%dma_start3A_76, %dma_start3A_77, %dma_start3A_78] : memref<2x15x112xi32, #tpu.memory_space<vmem>> -> memref<1x1x112xi32, #tpu.memory_space<vmem>>
      %dma_start3A_80 = tpu.memref_squeeze %dma_start3A_79 : memref<1x1x112xi32, #tpu.memory_space<vmem>> -> memref<112xi32, #tpu.memory_space<vmem>>
      %dma_start3A_81 = arith.constant 0 : i32
      %dma_start3A_82 = arith.constant 0 : i32
      %dma_start3A_83 = tpu.memref_slice %arg11[%dma_start3A_81, %dma_start3A_82] : memref<10240x128xf32, #tpu.memory_space<vmem_shared>> -> memref<10240x128xf32, #tpu.memory_space<vmem_shared>>
      tpu.enqueue_indirect_dma source(%dma_start3A_83 : memref<10240x128xf32, #tpu.memory_space<vmem_shared>>) target(%arg8 : memref<112x128xf32, #tpu.memory_space<vmem>>) offsets(%dma_start3A_80 : memref<112xi32, #tpu.memory_space<vmem>>) semaphore(%arg12 : memref<!tpu.dma_semaphore, #tpu.memory_space<semaphore_mem>>)
      %dma_wait3A_84 = arith.constant 0 : i32
      %dma_wait3A_85 = arith.constant 2 : i32
      %dma_wait3A_86 = arith.constant 0 : i32
      %dma_wait3A_87 = tpu.memref_slice %arg7[%dma_wait3A_84, %dma_wait3A_85, %dma_wait3A_86] : memref<2x15x112xi32, #tpu.memory_space<vmem>> -> memref<1x1x112xi32, #tpu.memory_space<vmem>>
      %dma_wait3A_88 = tpu.memref_squeeze %dma_wait3A_87 : memref<1x1x112xi32, #tpu.memory_space<vmem>> -> memref<112xi32, #tpu.memory_space<vmem>>
      %dma_wait3A_89 = arith.constant 0 : i32
      %dma_wait3A_90 = arith.constant 0 : i32
      %dma_wait3A_91 = tpu.memref_slice %arg11[%dma_wait3A_89, %dma_wait3A_90] : memref<10240x128xf32, #tpu.memory_space<vmem_shared>> -> memref<10240x128xf32, #tpu.memory_space<vmem_shared>>
      tpu.wait_indirect_dma semaphore(%arg14 : memref<!tpu.dma_semaphore, #tpu.memory_space<semaphore_mem>>) src(%dma_wait3A_91 : memref<10240x128xf32, #tpu.memory_space<vmem_shared>>) dst(%arg10 : memref<112x128xf32, #tpu.memory_space<vmem>>)
      %add3A_92 = arith.constant 2 : i32
      %add3A_93 = arith.addi %mul3A_22, %add3A_92 : i32
      %mul3A_94 = arith.constant 112 : i32
      %mul3A_95 = arith.muli %add3A_93, %mul3A_94 : i32
      %add3A_96 = arith.addi %mul3A_10, %mul3A_95 : i32
      %dma_start3A_97 = tpu.memref_slice %arg6[%add3A_96, %mul3A_13] : memref<100352x256xf32, #tpu.memory_space<hbm>> -> memref<112x128xf32, #tpu.memory_space<hbm>>
      %dma_start3A_98 = tpu.memref_slice %arg6[%add3A_96, %mul3A_13] : memref<100352x256xf32, #tpu.memory_space<hbm>> -> memref<112x128xf32, #tpu.memory_space<hbm>>
      tpu.enqueue_dma source(%arg10 : memref<112x128xf32, #tpu.memory_space<vmem>>) target(%dma_start3A_98 : memref<112x128xf32, #tpu.memory_space<hbm>>) target_semaphore(%arg17 : memref<!tpu.dma_semaphore, #tpu.memory_space<semaphore_mem>>)
      %dma_wait3A_99 = tpu.memref_slice %arg6[%add3A_71, %mul3A_13] : memref<100352x256xf32, #tpu.memory_space<hbm>> -> memref<112x128xf32, #tpu.memory_space<hbm>>
      %dma_wait3A_100 = tpu.memref_slice %arg6[%add3A_71, %mul3A_13] : memref<100352x256xf32, #tpu.memory_space<hbm>> -> memref<112x128xf32, #tpu.memory_space<hbm>>
      tpu.wait_dma2 semaphore(%arg16 : memref<!tpu.dma_semaphore, #tpu.memory_space<semaphore_mem>>) src(%arg9 : memref<112x128xf32, #tpu.memory_space<vmem>>) dst(%dma_wait3A_100 : memref<112x128xf32, #tpu.memory_space<hbm>>)
      %dma_start3A_101 = arith.constant 0 : i32
      %dma_start3A_102 = arith.constant 4 : i32
      %dma_start3A_103 = arith.constant 0 : i32
      %dma_start3A_104 = tpu.memref_slice %arg7[%dma_start3A_101, %dma_start3A_102, %dma_start3A_103] : memref<2x15x112xi32, #tpu.memory_space<vmem>> -> memref<1x1x112xi32, #tpu.memory_space<vmem>>
      %dma_start3A_105 = tpu.memref_squeeze %dma_start3A_104 : memref<1x1x112xi32, #tpu.memory_space<vmem>> -> memref<112xi32, #tpu.memory_space<vmem>>
      %dma_start3A_106 = arith.constant 0 : i32
      %dma_start3A_107 = arith.constant 0 : i32
      %dma_start3A_108 = tpu.memref_slice %arg11[%dma_start3A_106, %dma_start3A_107] : memref<10240x128xf32, #tpu.memory_space<vmem_shared>> -> memref<10240x128xf32, #tpu.memory_space<vmem_shared>>
      tpu.enqueue_indirect_dma source(%dma_start3A_108 : memref<10240x128xf32, #tpu.memory_space<vmem_shared>>) target(%arg9 : memref<112x128xf32, #tpu.memory_space<vmem>>) offsets(%dma_start3A_105 : memref<112xi32, #tpu.memory_space<vmem>>) semaphore(%arg13 : memref<!tpu.dma_semaphore, #tpu.memory_space<semaphore_mem>>)
      %dma_wait3A_109 = arith.constant 0 : i32
      %dma_wait3A_110 = arith.constant 3 : i32
      %dma_wait3A_111 = arith.constant 0 : i32
      %dma_wait3A_112 = tpu.memref_slice %arg7[%dma_wait3A_109, %dma_wait3A_110, %dma_wait3A_111] : memref<2x15x112xi32, #tpu.memory_space<vmem>> -> memref<1x1x112xi32, #tpu.memory_space<vmem>>
      %dma_wait3A_113 = tpu.memref_squeeze %dma_wait3A_112 : memref<1x1x112xi32, #tpu.memory_space<vmem>> -> memref<112xi32, #tpu.memory_space<vmem>>
      %dma_wait3A_114 = arith.constant 0 : i32
      %dma_wait3A_115 = arith.constant 0 : i32
      %dma_wait3A_116 = tpu.memref_slice %arg11[%dma_wait3A_114, %dma_wait3A_115] : memref<10240x128xf32, #tpu.memory_space<vmem_shared>> -> memref<10240x128xf32, #tpu.memory_space<vmem_shared>>
      tpu.wait_indirect_dma semaphore(%arg12 : memref<!tpu.dma_semaphore, #tpu.memory_space<semaphore_mem>>) src(%dma_wait3A_116 : memref<10240x128xf32, #tpu.memory_space<vmem_shared>>) dst(%arg8 : memref<112x128xf32, #tpu.memory_space<vmem>>)
      %add3A_117 = arith.constant 3 : i32
      %add3A_118 = arith.addi %mul3A_22, %add3A_117 : i32
      %mul3A_119 = arith.constant 112 : i32
      %mul3A_120 = arith.muli %add3A_118, %mul3A_119 : i32
      %add3A_121 = arith.addi %mul3A_10, %mul3A_120 : i32
      %dma_start3A_122 = tpu.memref_slice %arg6[%add3A_121, %mul3A_13] : memref<100352x256xf32, #tpu.memory_space<hbm>> -> memref<112x128xf32, #tpu.memory_space<hbm>>
      %dma_start3A_123 = tpu.memref_slice %arg6[%add3A_121, %mul3A_13] : memref<100352x256xf32, #tpu.memory_space<hbm>> -> memref<112x128xf32, #tpu.memory_space<hbm>>
      tpu.enqueue_dma source(%arg8 : memref<112x128xf32, #tpu.memory_space<vmem>>) target(%dma_start3A_123 : memref<112x128xf32, #tpu.memory_space<hbm>>) target_semaphore(%arg15 : memref<!tpu.dma_semaphore, #tpu.memory_space<semaphore_mem>>)
      %dma_wait3A_124 = tpu.memref_slice %arg6[%add3A_96, %mul3A_13] : memref<100352x256xf32, #tpu.memory_space<hbm>> -> memref<112x128xf32, #tpu.memory_space<hbm>>
      %dma_wait3A_125 = tpu.memref_slice %arg6[%add3A_96, %mul3A_13] : memref<100352x256xf32, #tpu.memory_space<hbm>> -> memref<112x128xf32, #tpu.memory_space<hbm>>
      tpu.wait_dma2 semaphore(%arg17 : memref<!tpu.dma_semaphore, #tpu.memory_space<semaphore_mem>>) src(%arg10 : memref<112x128xf32, #tpu.memory_space<vmem>>) dst(%dma_wait3A_125 : memref<112x128xf32, #tpu.memory_space<hbm>>)
      %dma_start3A_126 = arith.constant 0 : i32
      %dma_start3A_127 = arith.constant 5 : i32
      %dma_start3A_128 = arith.constant 0 : i32
      %dma_start3A_129 = tpu.memref_slice %arg7[%dma_start3A_126, %dma_start3A_127, %dma_start3A_128] : memref<2x15x112xi32, #tpu.memory_space<vmem>> -> memref<1x1x112xi32, #tpu.memory_space<vmem>>
      %dma_start3A_130 = tpu.memref_squeeze %dma_start3A_129 : memref<1x1x112xi32, #tpu.memory_space<vmem>> -> memref<112xi32, #tpu.memory_space<vmem>>
      %dma_start3A_131 = arith.constant 0 : i32
      %dma_start3A_132 = arith.constant 0 : i32
      %dma_start3A_133 = tpu.memref_slice %arg11[%dma_start3A_131, %dma_start3A_132] : memref<10240x128xf32, #tpu.memory_space<vmem_shared>> -> memref<10240x128xf32, #tpu.memory_space<vmem_shared>>
      tpu.enqueue_indirect_dma source(%dma_start3A_133 : memref<10240x128xf32, #tpu.memory_space<vmem_shared>>) target(%arg10 : memref<112x128xf32, #tpu.memory_space<vmem>>) offsets(%dma_start3A_130 : memref<112xi32, #tpu.memory_space<vmem>>) semaphore(%arg14 : memref<!tpu.dma_semaphore, #tpu.memory_space<semaphore_mem>>)
      %dma_wait3A_134 = arith.constant 0 : i32
      %dma_wait3A_135 = arith.constant 4 : i32
      %dma_wait3A_136 = arith.constant 0 : i32
      %dma_wait3A_137 = tpu.memref_slice %arg7[%dma_wait3A_134, %dma_wait3A_135, %dma_wait3A_136] : memref<2x15x112xi32, #tpu.memory_space<vmem>> -> memref<1x1x112xi32, #tpu.memory_space<vmem>>
      %dma_wait3A_138 = tpu.memref_squeeze %dma_wait3A_137 : memref<1x1x112xi32, #tpu.memory_space<vmem>> -> memref<112xi32, #tpu.memory_space<vmem>>
      %dma_wait3A_139 = arith.constant 0 : i32
      %dma_wait3A_140 = arith.constant 0 : i32
      %dma_wait3A_141 = tpu.memref_slice %arg11[%dma_wait3A_139, %dma_wait3A_140] : memref<10240x128xf32, #tpu.memory_space<vmem_shared>> -> memref<10240x128xf32, #tpu.memory_space<vmem_shared>>
      tpu.wait_indirect_dma semaphore(%arg13 : memref<!tpu.dma_semaphore, #tpu.memory_space<semaphore_mem>>) src(%dma_wait3A_141 : memref<10240x128xf32, #tpu.memory_space<vmem_shared>>) dst(%arg9 : memref<112x128xf32, #tpu.memory_space<vmem>>)
      %add3A_142 = arith.constant 4 : i32
      %add3A_143 = arith.addi %mul3A_22, %add3A_142 : i32
      %mul3A_144 = arith.constant 112 : i32
      %mul3A_145 = arith.muli %add3A_143, %mul3A_144 : i32
      %add3A_146 = arith.addi %mul3A_10, %mul3A_145 : i32
      %dma_start3A_147 = tpu.memref_slice %arg6[%add3A_146, %mul3A_13] : memref<100352x256xf32, #tpu.memory_space<hbm>> -> memref<112x128xf32, #tpu.memory_space<hbm>>
      %dma_start3A_148 = tpu.memref_slice %arg6[%add3A_146, %mul3A_13] : memref<100352x256xf32, #tpu.memory_space<hbm>> -> memref<112x128xf32, #tpu.memory_space<hbm>>
      tpu.enqueue_dma source(%arg9 : memref<112x128xf32, #tpu.memory_space<vmem>>) target(%dma_start3A_148 : memref<112x128xf32, #tpu.memory_space<hbm>>) target_semaphore(%arg16 : memref<!tpu.dma_semaphore, #tpu.memory_space<semaphore_mem>>)
      %dma_wait3A_149 = tpu.memref_slice %arg6[%add3A_121, %mul3A_13] : memref<100352x256xf32, #tpu.memory_space<hbm>> -> memref<112x128xf32, #tpu.memory_space<hbm>>
      %dma_wait3A_150 = tpu.memref_slice %arg6[%add3A_121, %mul3A_13] : memref<100352x256xf32, #tpu.memory_space<hbm>> -> memref<112x128xf32, #tpu.memory_space<hbm>>
      tpu.wait_dma2 semaphore(%arg15 : memref<!tpu.dma_semaphore, #tpu.memory_space<semaphore_mem>>) src(%arg8 : memref<112x128xf32, #tpu.memory_space<vmem>>) dst(%dma_wait3A_150 : memref<112x128xf32, #tpu.memory_space<hbm>>)
      %dma_start3A_151 = arith.constant 0 : i32
      %dma_start3A_152 = arith.constant 6 : i32
      %dma_start3A_153 = arith.constant 0 : i32
      %dma_start3A_154 = tpu.memref_slice %arg7[%dma_start3A_151, %dma_start3A_152, %dma_start3A_153] : memref<2x15x112xi32, #tpu.memory_space<vmem>> -> memref<1x1x112xi32, #tpu.memory_space<vmem>>
      %dma_start3A_155 = tpu.memref_squeeze %dma_start3A_154 : memref<1x1x112xi32, #tpu.memory_space<vmem>> -> memref<112xi32, #tpu.memory_space<vmem>>
      %dma_start3A_156 = arith.constant 0 : i32
      %dma_start3A_157 = arith.constant 0 : i32
      %dma_start3A_158 = tpu.memref_slice %arg11[%dma_start3A_156, %dma_start3A_157] : memref<10240x128xf32, #tpu.memory_space<vmem_shared>> -> memref<10240x128xf32, #tpu.memory_space<vmem_shared>>
      tpu.enqueue_indirect_dma source(%dma_start3A_158 : memref<10240x128xf32, #tpu.memory_space<vmem_shared>>) target(%arg8 : memref<112x128xf32, #tpu.memory_space<vmem>>) offsets(%dma_start3A_155 : memref<112xi32, #tpu.memory_space<vmem>>) semaphore(%arg12 : memref<!tpu.dma_semaphore, #tpu.memory_space<semaphore_mem>>)
      %dma_wait3A_159 = arith.constant 0 : i32
      %dma_wait3A_160 = arith.constant 5 : i32
      %dma_wait3A_161 = arith.constant 0 : i32
      %dma_wait3A_162 = tpu.memref_slice %arg7[%dma_wait3A_159, %dma_wait3A_160, %dma_wait3A_161] : memref<2x15x112xi32, #tpu.memory_space<vmem>> -> memref<1x1x112xi32, #tpu.memory_space<vmem>>
      %dma_wait3A_163 = tpu.memref_squeeze %dma_wait3A_162 : memref<1x1x112xi32, #tpu.memory_space<vmem>> -> memref<112xi32, #tpu.memory_space<vmem>>
      %dma_wait3A_164 = arith.constant 0 : i32
      %dma_wait3A_165 = arith.constant 0 : i32
      %dma_wait3A_166 = tpu.memref_slice %arg11[%dma_wait3A_164, %dma_wait3A_165] : memref<10240x128xf32, #tpu.memory_space<vmem_shared>> -> memref<10240x128xf32, #tpu.memory_space<vmem_shared>>
      tpu.wait_indirect_dma semaphore(%arg14 : memref<!tpu.dma_semaphore, #tpu.memory_space<semaphore_mem>>) src(%dma_wait3A_166 : memref<10240x128xf32, #tpu.memory_space<vmem_shared>>) dst(%arg10 : memref<112x128xf32, #tpu.memory_space<vmem>>)
      %add3A_167 = arith.constant 5 : i32
      %add3A_168 = arith.addi %mul3A_22, %add3A_167 : i32
      %mul3A_169 = arith.constant 112 : i32
      %mul3A_170 = arith.muli %add3A_168, %mul3A_169 : i32
      %add3A_171 = arith.addi %mul3A_10, %mul3A_170 : i32
      %dma_start3A_172 = tpu.memref_slice %arg6[%add3A_171, %mul3A_13] : memref<100352x256xf32, #tpu.memory_space<hbm>> -> memref<112x128xf32, #tpu.memory_space<hbm>>
      %dma_start3A_173 = tpu.memref_slice %arg6[%add3A_171, %mul3A_13] : memref<100352x256xf32, #tpu.memory_space<hbm>> -> memref<112x128xf32, #tpu.memory_space<hbm>>
      tpu.enqueue_dma source(%arg10 : memref<112x128xf32, #tpu.memory_space<vmem>>) target(%dma_start3A_173 : memref<112x128xf32, #tpu.memory_space<hbm>>) target_semaphore(%arg17 : memref<!tpu.dma_semaphore, #tpu.memory_space<semaphore_mem>>)
      %dma_wait3A_174 = tpu.memref_slice %arg6[%add3A_146, %mul3A_13] : memref<100352x256xf32, #tpu.memory_space<hbm>> -> memref<112x128xf32, #tpu.memory_space<hbm>>
      %dma_wait3A_175 = tpu.memref_slice %arg6[%add3A_146, %mul3A_13] : memref<100352x256xf32, #tpu.memory_space<hbm>> -> memref<112x128xf32, #tpu.memory_space<hbm>>
      tpu.wait_dma2 semaphore(%arg16 : memref<!tpu.dma_semaphore, #tpu.memory_space<semaphore_mem>>) src(%arg9 : memref<112x128xf32, #tpu.memory_space<vmem>>) dst(%dma_wait3A_175 : memref<112x128xf32, #tpu.memory_space<hbm>>)
      %dma_start3A_176 = arith.constant 0 : i32
      %dma_start3A_177 = arith.constant 7 : i32
      %dma_start3A_178 = arith.constant 0 : i32
      %dma_start3A_179 = tpu.memref_slice %arg7[%dma_start3A_176, %dma_start3A_177, %dma_start3A_178] : memref<2x15x112xi32, #tpu.memory_space<vmem>> -> memref<1x1x112xi32, #tpu.memory_space<vmem>>
      %dma_start3A_180 = tpu.memref_squeeze %dma_start3A_179 : memref<1x1x112xi32, #tpu.memory_space<vmem>> -> memref<112xi32, #tpu.memory_space<vmem>>
      %dma_start3A_181 = arith.constant 0 : i32
      %dma_start3A_182 = arith.constant 0 : i32
      %dma_start3A_183 = tpu.memref_slice %arg11[%dma_start3A_181, %dma_start3A_182] : memref<10240x128xf32, #tpu.memory_space<vmem_shared>> -> memref<10240x128xf32, #tpu.memory_space<vmem_shared>>
      tpu.enqueue_indirect_dma source(%dma_start3A_183 : memref<10240x128xf32, #tpu.memory_space<vmem_shared>>) target(%arg9 : memref<112x128xf32, #tpu.memory_space<vmem>>) offsets(%dma_start3A_180 : memref<112xi32, #tpu.memory_space<vmem>>) semaphore(%arg13 : memref<!tpu.dma_semaphore, #tpu.memory_space<semaphore_mem>>)
      %dma_wait3A_184 = arith.constant 0 : i32
      %dma_wait3A_185 = arith.constant 6 : i32
      %dma_wait3A_186 = arith.constant 0 : i32
      %dma_wait3A_187 = tpu.memref_slice %arg7[%dma_wait3A_184, %dma_wait3A_185, %dma_wait3A_186] : memref<2x15x112xi32, #tpu.memory_space<vmem>> -> memref<1x1x112xi32, #tpu.memory_space<vmem>>
      %dma_wait3A_188 = tpu.memref_squeeze %dma_wait3A_187 : memref<1x1x112xi32, #tpu.memory_space<vmem>> -> memref<112xi32, #tpu.memory_space<vmem>>
      %dma_wait3A_189 = arith.constant 0 : i32
      %dma_wait3A_190 = arith.constant 0 : i32
      %dma_wait3A_191 = tpu.memref_slice %arg11[%dma_wait3A_189, %dma_wait3A_190] : memref<10240x128xf32, #tpu.memory_space<vmem_shared>> -> memref<10240x128xf32, #tpu.memory_space<vmem_shared>>
      tpu.wait_indirect_dma semaphore(%arg12 : memref<!tpu.dma_semaphore, #tpu.memory_space<semaphore_mem>>) src(%dma_wait3A_191 : memref<10240x128xf32, #tpu.memory_space<vmem_shared>>) dst(%arg8 : memref<112x128xf32, #tpu.memory_space<vmem>>)
      %add3A_192 = arith.constant 6 : i32
      %add3A_193 = arith.addi %mul3A_22, %add3A_192 : i32
      %mul3A_194 = arith.constant 112 : i32
      %mul3A_195 = arith.muli %add3A_193, %mul3A_194 : i32
      %add3A_196 = arith.addi %mul3A_10, %mul3A_195 : i32
      %dma_start3A_197 = tpu.memref_slice %arg6[%add3A_196, %mul3A_13] : memref<100352x256xf32, #tpu.memory_space<hbm>> -> memref<112x128xf32, #tpu.memory_space<hbm>>
      %dma_start3A_198 = tpu.memref_slice %arg6[%add3A_196, %mul3A_13] : memref<100352x256xf32, #tpu.memory_space<hbm>> -> memref<112x128xf32, #tpu.memory_space<hbm>>
      tpu.enqueue_dma source(%arg8 : memref<112x128xf32, #tpu.memory_space<vmem>>) target(%dma_start3A_198 : memref<112x128xf32, #tpu.memory_space<hbm>>) target_semaphore(%arg15 : memref<!tpu.dma_semaphore, #tpu.memory_space<semaphore_mem>>)
      %dma_wait3A_199 = tpu.memref_slice %arg6[%add3A_171, %mul3A_13] : memref<100352x256xf32, #tpu.memory_space<hbm>> -> memref<112x128xf32, #tpu.memory_space<hbm>>
      %dma_wait3A_200 = tpu.memref_slice %arg6[%add3A_171, %mul3A_13] : memref<100352x256xf32, #tpu.memory_space<hbm>> -> memref<112x128xf32, #tpu.memory_space<hbm>>
      tpu.wait_dma2 semaphore(%arg17 : memref<!tpu.dma_semaphore, #tpu.memory_space<semaphore_mem>>) src(%arg10 : memref<112x128xf32, #tpu.memory_space<vmem>>) dst(%dma_wait3A_200 : memref<112x128xf32, #tpu.memory_space<hbm>>)
      %dma_start3A_201 = arith.constant 0 : i32
      %dma_start3A_202 = arith.constant 8 : i32
      %dma_start3A_203 = arith.constant 0 : i32
      %dma_start3A_204 = tpu.memref_slice %arg7[%dma_start3A_201, %dma_start3A_202, %dma_start3A_203] : memref<2x15x112xi32, #tpu.memory_space<vmem>> -> memref<1x1x112xi32, #tpu.memory_space<vmem>>
      %dma_start3A_205 = tpu.memref_squeeze %dma_start3A_204 : memref<1x1x112xi32, #tpu.memory_space<vmem>> -> memref<112xi32, #tpu.memory_space<vmem>>
      %dma_start3A_206 = arith.constant 0 : i32
      %dma_start3A_207 = arith.constant 0 : i32
      %dma_start3A_208 = tpu.memref_slice %arg11[%dma_start3A_206, %dma_start3A_207] : memref<10240x128xf32, #tpu.memory_space<vmem_shared>> -> memref<10240x128xf32, #tpu.memory_space<vmem_shared>>
      tpu.enqueue_indirect_dma source(%dma_start3A_208 : memref<10240x128xf32, #tpu.memory_space<vmem_shared>>) target(%arg10 : memref<112x128xf32, #tpu.memory_space<vmem>>) offsets(%dma_start3A_205 : memref<112xi32, #tpu.memory_space<vmem>>) semaphore(%arg14 : memref<!tpu.dma_semaphore, #tpu.memory_space<semaphore_mem>>)
      %dma_wait3A_209 = arith.constant 0 : i32
      %dma_wait3A_210 = arith.constant 7 : i32
      %dma_wait3A_211 = arith.constant 0 : i32
      %dma_wait3A_212 = tpu.memref_slice %arg7[%dma_wait3A_209, %dma_wait3A_210, %dma_wait3A_211] : memref<2x15x112xi32, #tpu.memory_space<vmem>> -> memref<1x1x112xi32, #tpu.memory_space<vmem>>
      %dma_wait3A_213 = tpu.memref_squeeze %dma_wait3A_212 : memref<1x1x112xi32, #tpu.memory_space<vmem>> -> memref<112xi32, #tpu.memory_space<vmem>>
      %dma_wait3A_214 = arith.constant 0 : i32
      %dma_wait3A_215 = arith.constant 0 : i32
      %dma_wait3A_216 = tpu.memref_slice %arg11[%dma_wait3A_214, %dma_wait3A_215] : memref<10240x128xf32, #tpu.memory_space<vmem_shared>> -> memref<10240x128xf32, #tpu.memory_space<vmem_shared>>
      tpu.wait_indirect_dma semaphore(%arg13 : memref<!tpu.dma_semaphore, #tpu.memory_space<semaphore_mem>>) src(%dma_wait3A_216 : memref<10240x128xf32, #tpu.memory_space<vmem_shared>>) dst(%arg9 : memref<112x128xf32, #tpu.memory_space<vmem>>)
      %add3A_217 = arith.constant 7 : i32
      %add3A_218 = arith.addi %mul3A_22, %add3A_217 : i32
      %mul3A_219 = arith.constant 112 : i32
      %mul3A_220 = arith.muli %add3A_218, %mul3A_219 : i32
      %add3A_221 = arith.addi %mul3A_10, %mul3A_220 : i32
      %dma_start3A_222 = tpu.memref_slice %arg6[%add3A_221, %mul3A_13] : memref<100352x256xf32, #tpu.memory_space<hbm>> -> memref<112x128xf32, #tpu.memory_space<hbm>>
      %dma_start3A_223 = tpu.memref_slice %arg6[%add3A_221, %mul3A_13] : memref<100352x256xf32, #tpu.memory_space<hbm>> -> memref<112x128xf32, #tpu.memory_space<hbm>>
      tpu.enqueue_dma source(%arg9 : memref<112x128xf32, #tpu.memory_space<vmem>>) target(%dma_start3A_223 : memref<112x128xf32, #tpu.memory_space<hbm>>) target_semaphore(%arg16 : memref<!tpu.dma_semaphore, #tpu.memory_space<semaphore_mem>>)
      %dma_wait3A_224 = tpu.memref_slice %arg6[%add3A_196, %mul3A_13] : memref<100352x256xf32, #tpu.memory_space<hbm>> -> memref<112x128xf32, #tpu.memory_space<hbm>>
      %dma_wait3A_225 = tpu.memref_slice %arg6[%add3A_196, %mul3A_13] : memref<100352x256xf32, #tpu.memory_space<hbm>> -> memref<112x128xf32, #tpu.memory_space<hbm>>
      tpu.wait_dma2 semaphore(%arg15 : memref<!tpu.dma_semaphore, #tpu.memory_space<semaphore_mem>>) src(%arg8 : memref<112x128xf32, #tpu.memory_space<vmem>>) dst(%dma_wait3A_225 : memref<112x128xf32, #tpu.memory_space<hbm>>)
      %dma_start3A_226 = arith.constant 0 : i32
      %dma_start3A_227 = arith.constant 9 : i32
      %dma_start3A_228 = arith.constant 0 : i32
      %dma_start3A_229 = tpu.memref_slice %arg7[%dma_start3A_226, %dma_start3A_227, %dma_start3A_228] : memref<2x15x112xi32, #tpu.memory_space<vmem>> -> memref<1x1x112xi32, #tpu.memory_space<vmem>>
      %dma_start3A_230 = tpu.memref_squeeze %dma_start3A_229 : memref<1x1x112xi32, #tpu.memory_space<vmem>> -> memref<112xi32, #tpu.memory_space<vmem>>
      %dma_start3A_231 = arith.constant 0 : i32
      %dma_start3A_232 = arith.constant 0 : i32
      %dma_start3A_233 = tpu.memref_slice %arg11[%dma_start3A_231, %dma_start3A_232] : memref<10240x128xf32, #tpu.memory_space<vmem_shared>> -> memref<10240x128xf32, #tpu.memory_space<vmem_shared>>
      tpu.enqueue_indirect_dma source(%dma_start3A_233 : memref<10240x128xf32, #tpu.memory_space<vmem_shared>>) target(%arg8 : memref<112x128xf32, #tpu.memory_space<vmem>>) offsets(%dma_start3A_230 : memref<112xi32, #tpu.memory_space<vmem>>) semaphore(%arg12 : memref<!tpu.dma_semaphore, #tpu.memory_space<semaphore_mem>>)
      %dma_wait3A_234 = arith.constant 0 : i32
      %dma_wait3A_235 = arith.constant 8 : i32
      %dma_wait3A_236 = arith.constant 0 : i32
      %dma_wait3A_237 = tpu.memref_slice %arg7[%dma_wait3A_234, %dma_wait3A_235, %dma_wait3A_236] : memref<2x15x112xi32, #tpu.memory_space<vmem>> -> memref<1x1x112xi32, #tpu.memory_space<vmem>>
      %dma_wait3A_238 = tpu.memref_squeeze %dma_wait3A_237 : memref<1x1x112xi32, #tpu.memory_space<vmem>> -> memref<112xi32, #tpu.memory_space<vmem>>
      %dma_wait3A_239 = arith.constant 0 : i32
      %dma_wait3A_240 = arith.constant 0 : i32
      %dma_wait3A_241 = tpu.memref_slice %arg11[%dma_wait3A_239, %dma_wait3A_240] : memref<10240x128xf32, #tpu.memory_space<vmem_shared>> -> memref<10240x128xf32, #tpu.memory_space<vmem_shared>>
      tpu.wait_indirect_dma semaphore(%arg14 : memref<!tpu.dma_semaphore, #tpu.memory_space<semaphore_mem>>) src(%dma_wait3A_241 : memref<10240x128xf32, #tpu.memory_space<vmem_shared>>) dst(%arg10 : memref<112x128xf32, #tpu.memory_space<vmem>>)
      %add3A_242 = arith.constant 8 : i32
      %add3A_243 = arith.addi %mul3A_22, %add3A_242 : i32
      %mul3A_244 = arith.constant 112 : i32
      %mul3A_245 = arith.muli %add3A_243, %mul3A_244 : i32
      %add3A_246 = arith.addi %mul3A_10, %mul3A_245 : i32
      %dma_start3A_247 = tpu.memref_slice %arg6[%add3A_246, %mul3A_13] : memref<100352x256xf32, #tpu.memory_space<hbm>> -> memref<112x128xf32, #tpu.memory_space<hbm>>
      %dma_start3A_248 = tpu.memref_slice %arg6[%add3A_246, %mul3A_13] : memref<100352x256xf32, #tpu.memory_space<hbm>> -> memref<112x128xf32, #tpu.memory_space<hbm>>
      tpu.enqueue_dma source(%arg10 : memref<112x128xf32, #tpu.memory_space<vmem>>) target(%dma_start3A_248 : memref<112x128xf32, #tpu.memory_space<hbm>>) target_semaphore(%arg17 : memref<!tpu.dma_semaphore, #tpu.memory_space<semaphore_mem>>)
      %dma_wait3A_249 = tpu.memref_slice %arg6[%add3A_221, %mul3A_13] : memref<100352x256xf32, #tpu.memory_space<hbm>> -> memref<112x128xf32, #tpu.memory_space<hbm>>
      %dma_wait3A_250 = tpu.memref_slice %arg6[%add3A_221, %mul3A_13] : memref<100352x256xf32, #tpu.memory_space<hbm>> -> memref<112x128xf32, #tpu.memory_space<hbm>>
      tpu.wait_dma2 semaphore(%arg16 : memref<!tpu.dma_semaphore, #tpu.memory_space<semaphore_mem>>) src(%arg9 : memref<112x128xf32, #tpu.memory_space<vmem>>) dst(%dma_wait3A_250 : memref<112x128xf32, #tpu.memory_space<hbm>>)
      %dma_start3A_251 = arith.constant 0 : i32
      %dma_start3A_252 = arith.constant 10 : i32
      %dma_start3A_253 = arith.constant 0 : i32
      %dma_start3A_254 = tpu.memref_slice %arg7[%dma_start3A_251, %dma_start3A_252, %dma_start3A_253] : memref<2x15x112xi32, #tpu.memory_space<vmem>> -> memref<1x1x112xi32, #tpu.memory_space<vmem>>
      %dma_start3A_255 = tpu.memref_squeeze %dma_start3A_254 : memref<1x1x112xi32, #tpu.memory_space<vmem>> -> memref<112xi32, #tpu.memory_space<vmem>>
      %dma_start3A_256 = arith.constant 0 : i32
      %dma_start3A_257 = arith.constant 0 : i32
      %dma_start3A_258 = tpu.memref_slice %arg11[%dma_start3A_256, %dma_start3A_257] : memref<10240x128xf32, #tpu.memory_space<vmem_shared>> -> memref<10240x128xf32, #tpu.memory_space<vmem_shared>>
      tpu.enqueue_indirect_dma source(%dma_start3A_258 : memref<10240x128xf32, #tpu.memory_space<vmem_shared>>) target(%arg9 : memref<112x128xf32, #tpu.memory_space<vmem>>) offsets(%dma_start3A_255 : memref<112xi32, #tpu.memory_space<vmem>>) semaphore(%arg13 : memref<!tpu.dma_semaphore, #tpu.memory_space<semaphore_mem>>)
      %dma_wait3A_259 = arith.constant 0 : i32
      %dma_wait3A_260 = arith.constant 9 : i32
      %dma_wait3A_261 = arith.constant 0 : i32
      %dma_wait3A_262 = tpu.memref_slice %arg7[%dma_wait3A_259, %dma_wait3A_260, %dma_wait3A_261] : memref<2x15x112xi32, #tpu.memory_space<vmem>> -> memref<1x1x112xi32, #tpu.memory_space<vmem>>
      %dma_wait3A_263 = tpu.memref_squeeze %dma_wait3A_262 : memref<1x1x112xi32, #tpu.memory_space<vmem>> -> memref<112xi32, #tpu.memory_space<vmem>>
      %dma_wait3A_264 = arith.constant 0 : i32
      %dma_wait3A_265 = arith.constant 0 : i32
      %dma_wait3A_266 = tpu.memref_slice %arg11[%dma_wait3A_264, %dma_wait3A_265] : memref<10240x128xf32, #tpu.memory_space<vmem_shared>> -> memref<10240x128xf32, #tpu.memory_space<vmem_shared>>
      tpu.wait_indirect_dma semaphore(%arg12 : memref<!tpu.dma_semaphore, #tpu.memory_space<semaphore_mem>>) src(%dma_wait3A_266 : memref<10240x128xf32, #tpu.memory_space<vmem_shared>>) dst(%arg8 : memref<112x128xf32, #tpu.memory_space<vmem>>)
      %add3A_267 = arith.constant 9 : i32
      %add3A_268 = arith.addi %mul3A_22, %add3A_267 : i32
      %mul3A_269 = arith.constant 112 : i32
      %mul3A_270 = arith.muli %add3A_268, %mul3A_269 : i32
      %add3A_271 = arith.addi %mul3A_10, %mul3A_270 : i32
      %dma_start3A_272 = tpu.memref_slice %arg6[%add3A_271, %mul3A_13] : memref<100352x256xf32, #tpu.memory_space<hbm>> -> memref<112x128xf32, #tpu.memory_space<hbm>>
      %dma_start3A_273 = tpu.memref_slice %arg6[%add3A_271, %mul3A_13] : memref<100352x256xf32, #tpu.memory_space<hbm>> -> memref<112x128xf32, #tpu.memory_space<hbm>>
      tpu.enqueue_dma source(%arg8 : memref<112x128xf32, #tpu.memory_space<vmem>>) target(%dma_start3A_273 : memref<112x128xf32, #tpu.memory_space<hbm>>) target_semaphore(%arg15 : memref<!tpu.dma_semaphore, #tpu.memory_space<semaphore_mem>>)
      %dma_wait3A_274 = tpu.memref_slice %arg6[%add3A_246, %mul3A_13] : memref<100352x256xf32, #tpu.memory_space<hbm>> -> memref<112x128xf32, #tpu.memory_space<hbm>>
      %dma_wait3A_275 = tpu.memref_slice %arg6[%add3A_246, %mul3A_13] : memref<100352x256xf32, #tpu.memory_space<hbm>> -> memref<112x128xf32, #tpu.memory_space<hbm>>
      tpu.wait_dma2 semaphore(%arg17 : memref<!tpu.dma_semaphore, #tpu.memory_space<semaphore_mem>>) src(%arg10 : memref<112x128xf32, #tpu.memory_space<vmem>>) dst(%dma_wait3A_275 : memref<112x128xf32, #tpu.memory_space<hbm>>)
      %dma_start3A_276 = arith.constant 0 : i32
      %dma_start3A_277 = arith.constant 11 : i32
      %dma_start3A_278 = arith.constant 0 : i32
      %dma_start3A_279 = tpu.memref_slice %arg7[%dma_start3A_276, %dma_start3A_277, %dma_start3A_278] : memref<2x15x112xi32, #tpu.memory_space<vmem>> -> memref<1x1x112xi32, #tpu.memory_space<vmem>>
      %dma_start3A_280 = tpu.memref_squeeze %dma_start3A_279 : memref<1x1x112xi32, #tpu.memory_space<vmem>> -> memref<112xi32, #tpu.memory_space<vmem>>
      %dma_start3A_281 = arith.constant 0 : i32
      %dma_start3A_282 = arith.constant 0 : i32
      %dma_start3A_283 = tpu.memref_slice %arg11[%dma_start3A_281, %dma_start3A_282] : memref<10240x128xf32, #tpu.memory_space<vmem_shared>> -> memref<10240x128xf32, #tpu.memory_space<vmem_shared>>
      tpu.enqueue_indirect_dma source(%dma_start3A_283 : memref<10240x128xf32, #tpu.memory_space<vmem_shared>>) target(%arg10 : memref<112x128xf32, #tpu.memory_space<vmem>>) offsets(%dma_start3A_280 : memref<112xi32, #tpu.memory_space<vmem>>) semaphore(%arg14 : memref<!tpu.dma_semaphore, #tpu.memory_space<semaphore_mem>>)
      %dma_wait3A_284 = arith.constant 0 : i32
      %dma_wait3A_285 = arith.constant 10 : i32
      %dma_wait3A_286 = arith.constant 0 : i32
      %dma_wait3A_287 = tpu.memref_slice %arg7[%dma_wait3A_284, %dma_wait3A_285, %dma_wait3A_286] : memref<2x15x112xi32, #tpu.memory_space<vmem>> -> memref<1x1x112xi32, #tpu.memory_space<vmem>>
      %dma_wait3A_288 = tpu.memref_squeeze %dma_wait3A_287 : memref<1x1x112xi32, #tpu.memory_space<vmem>> -> memref<112xi32, #tpu.memory_space<vmem>>
      %dma_wait3A_289 = arith.constant 0 : i32
      %dma_wait3A_290 = arith.constant 0 : i32
      %dma_wait3A_291 = tpu.memref_slice %arg11[%dma_wait3A_289, %dma_wait3A_290] : memref<10240x128xf32, #tpu.memory_space<vmem_shared>> -> memref<10240x128xf32, #tpu.memory_space<vmem_shared>>
      tpu.wait_indirect_dma semaphore(%arg13 : memref<!tpu.dma_semaphore, #tpu.memory_space<semaphore_mem>>) src(%dma_wait3A_291 : memref<10240x128xf32, #tpu.memory_space<vmem_shared>>) dst(%arg9 : memref<112x128xf32, #tpu.memory_space<vmem>>)
      %add3A_292 = arith.constant 10 : i32
      %add3A_293 = arith.addi %mul3A_22, %add3A_292 : i32
      %mul3A_294 = arith.constant 112 : i32
      %mul3A_295 = arith.muli %add3A_293, %mul3A_294 : i32
      %add3A_296 = arith.addi %mul3A_10, %mul3A_295 : i32
      %dma_start3A_297 = tpu.memref_slice %arg6[%add3A_296, %mul3A_13] : memref<100352x256xf32, #tpu.memory_space<hbm>> -> memref<112x128xf32, #tpu.memory_space<hbm>>
      %dma_start3A_298 = tpu.memref_slice %arg6[%add3A_296, %mul3A_13] : memref<100352x256xf32, #tpu.memory_space<hbm>> -> memref<112x128xf32, #tpu.memory_space<hbm>>
      tpu.enqueue_dma source(%arg9 : memref<112x128xf32, #tpu.memory_space<vmem>>) target(%dma_start3A_298 : memref<112x128xf32, #tpu.memory_space<hbm>>) target_semaphore(%arg16 : memref<!tpu.dma_semaphore, #tpu.memory_space<semaphore_mem>>)
      %dma_wait3A_299 = tpu.memref_slice %arg6[%add3A_271, %mul3A_13] : memref<100352x256xf32, #tpu.memory_space<hbm>> -> memref<112x128xf32, #tpu.memory_space<hbm>>
      %dma_wait3A_300 = tpu.memref_slice %arg6[%add3A_271, %mul3A_13] : memref<100352x256xf32, #tpu.memory_space<hbm>> -> memref<112x128xf32, #tpu.memory_space<hbm>>
      tpu.wait_dma2 semaphore(%arg15 : memref<!tpu.dma_semaphore, #tpu.memory_space<semaphore_mem>>) src(%arg8 : memref<112x128xf32, #tpu.memory_space<vmem>>) dst(%dma_wait3A_300 : memref<112x128xf32, #tpu.memory_space<hbm>>)
      %dma_start3A_301 = arith.constant 0 : i32
      %dma_start3A_302 = arith.constant 12 : i32
      %dma_start3A_303 = arith.constant 0 : i32
      %dma_start3A_304 = tpu.memref_slice %arg7[%dma_start3A_301, %dma_start3A_302, %dma_start3A_303] : memref<2x15x112xi32, #tpu.memory_space<vmem>> -> memref<1x1x112xi32, #tpu.memory_space<vmem>>
      %dma_start3A_305 = tpu.memref_squeeze %dma_start3A_304 : memref<1x1x112xi32, #tpu.memory_space<vmem>> -> memref<112xi32, #tpu.memory_space<vmem>>
      %dma_start3A_306 = arith.constant 0 : i32
      %dma_start3A_307 = arith.constant 0 : i32
      %dma_start3A_308 = tpu.memref_slice %arg11[%dma_start3A_306, %dma_start3A_307] : memref<10240x128xf32, #tpu.memory_space<vmem_shared>> -> memref<10240x128xf32, #tpu.memory_space<vmem_shared>>
      tpu.enqueue_indirect_dma source(%dma_start3A_308 : memref<10240x128xf32, #tpu.memory_space<vmem_shared>>) target(%arg8 : memref<112x128xf32, #tpu.memory_space<vmem>>) offsets(%dma_start3A_305 : memref<112xi32, #tpu.memory_space<vmem>>) semaphore(%arg12 : memref<!tpu.dma_semaphore, #tpu.memory_space<semaphore_mem>>)
      %dma_wait3A_309 = arith.constant 0 : i32
      %dma_wait3A_310 = arith.constant 11 : i32
      %dma_wait3A_311 = arith.constant 0 : i32
      %dma_wait3A_312 = tpu.memref_slice %arg7[%dma_wait3A_309, %dma_wait3A_310, %dma_wait3A_311] : memref<2x15x112xi32, #tpu.memory_space<vmem>> -> memref<1x1x112xi32, #tpu.memory_space<vmem>>
      %dma_wait3A_313 = tpu.memref_squeeze %dma_wait3A_312 : memref<1x1x112xi32, #tpu.memory_space<vmem>> -> memref<112xi32, #tpu.memory_space<vmem>>
      %dma_wait3A_314 = arith.constant 0 : i32
      %dma_wait3A_315 = arith.constant 0 : i32
      %dma_wait3A_316 = tpu.memref_slice %arg11[%dma_wait3A_314, %dma_wait3A_315] : memref<10240x128xf32, #tpu.memory_space<vmem_shared>> -> memref<10240x128xf32, #tpu.memory_space<vmem_shared>>
      tpu.wait_indirect_dma semaphore(%arg14 : memref<!tpu.dma_semaphore, #tpu.memory_space<semaphore_mem>>) src(%dma_wait3A_316 : memref<10240x128xf32, #tpu.memory_space<vmem_shared>>) dst(%arg10 : memref<112x128xf32, #tpu.memory_space<vmem>>)
      %add3A_317 = arith.constant 11 : i32
      %add3A_318 = arith.addi %mul3A_22, %add3A_317 : i32
      %mul3A_319 = arith.constant 112 : i32
      %mul3A_320 = arith.muli %add3A_318, %mul3A_319 : i32
      %add3A_321 = arith.addi %mul3A_10, %mul3A_320 : i32
      %dma_start3A_322 = tpu.memref_slice %arg6[%add3A_321, %mul3A_13] : memref<100352x256xf32, #tpu.memory_space<hbm>> -> memref<112x128xf32, #tpu.memory_space<hbm>>
      %dma_start3A_323 = tpu.memref_slice %arg6[%add3A_321, %mul3A_13] : memref<100352x256xf32, #tpu.memory_space<hbm>> -> memref<112x128xf32, #tpu.memory_space<hbm>>
      tpu.enqueue_dma source(%arg10 : memref<112x128xf32, #tpu.memory_space<vmem>>) target(%dma_start3A_323 : memref<112x128xf32, #tpu.memory_space<hbm>>) target_semaphore(%arg17 : memref<!tpu.dma_semaphore, #tpu.memory_space<semaphore_mem>>)
      %dma_wait3A_324 = tpu.memref_slice %arg6[%add3A_296, %mul3A_13] : memref<100352x256xf32, #tpu.memory_space<hbm>> -> memref<112x128xf32, #tpu.memory_space<hbm>>
      %dma_wait3A_325 = tpu.memref_slice %arg6[%add3A_296, %mul3A_13] : memref<100352x256xf32, #tpu.memory_space<hbm>> -> memref<112x128xf32, #tpu.memory_space<hbm>>
      tpu.wait_dma2 semaphore(%arg16 : memref<!tpu.dma_semaphore, #tpu.memory_space<semaphore_mem>>) src(%arg9 : memref<112x128xf32, #tpu.memory_space<vmem>>) dst(%dma_wait3A_325 : memref<112x128xf32, #tpu.memory_space<hbm>>)
      %dma_start3A_326 = arith.constant 0 : i32
      %dma_start3A_327 = arith.constant 13 : i32
      %dma_start3A_328 = arith.constant 0 : i32
      %dma_start3A_329 = tpu.memref_slice %arg7[%dma_start3A_326, %dma_start3A_327, %dma_start3A_328] : memref<2x15x112xi32, #tpu.memory_space<vmem>> -> memref<1x1x112xi32, #tpu.memory_space<vmem>>
      %dma_start3A_330 = tpu.memref_squeeze %dma_start3A_329 : memref<1x1x112xi32, #tpu.memory_space<vmem>> -> memref<112xi32, #tpu.memory_space<vmem>>
      %dma_start3A_331 = arith.constant 0 : i32
      %dma_start3A_332 = arith.constant 0 : i32
      %dma_start3A_333 = tpu.memref_slice %arg11[%dma_start3A_331, %dma_start3A_332] : memref<10240x128xf32, #tpu.memory_space<vmem_shared>> -> memref<10240x128xf32, #tpu.memory_space<vmem_shared>>
      tpu.enqueue_indirect_dma source(%dma_start3A_333 : memref<10240x128xf32, #tpu.memory_space<vmem_shared>>) target(%arg9 : memref<112x128xf32, #tpu.memory_space<vmem>>) offsets(%dma_start3A_330 : memref<112xi32, #tpu.memory_space<vmem>>) semaphore(%arg13 : memref<!tpu.dma_semaphore, #tpu.memory_space<semaphore_mem>>)
      %dma_wait3A_334 = arith.constant 0 : i32
      %dma_wait3A_335 = arith.constant 12 : i32
      %dma_wait3A_336 = arith.constant 0 : i32
      %dma_wait3A_337 = tpu.memref_slice %arg7[%dma_wait3A_334, %dma_wait3A_335, %dma_wait3A_336] : memref<2x15x112xi32, #tpu.memory_space<vmem>> -> memref<1x1x112xi32, #tpu.memory_space<vmem>>
      %dma_wait3A_338 = tpu.memref_squeeze %dma_wait3A_337 : memref<1x1x112xi32, #tpu.memory_space<vmem>> -> memref<112xi32, #tpu.memory_space<vmem>>
      %dma_wait3A_339 = arith.constant 0 : i32
      %dma_wait3A_340 = arith.constant 0 : i32
      %dma_wait3A_341 = tpu.memref_slice %arg11[%dma_wait3A_339, %dma_wait3A_340] : memref<10240x128xf32, #tpu.memory_space<vmem_shared>> -> memref<10240x128xf32, #tpu.memory_space<vmem_shared>>
      tpu.wait_indirect_dma semaphore(%arg12 : memref<!tpu.dma_semaphore, #tpu.memory_space<semaphore_mem>>) src(%dma_wait3A_341 : memref<10240x128xf32, #tpu.memory_space<vmem_shared>>) dst(%arg8 : memref<112x128xf32, #tpu.memory_space<vmem>>)
      %add3A_342 = arith.constant 12 : i32
      %add3A_343 = arith.addi %mul3A_22, %add3A_342 : i32
      %mul3A_344 = arith.constant 112 : i32
      %mul3A_345 = arith.muli %add3A_343, %mul3A_344 : i32
      %add3A_346 = arith.addi %mul3A_10, %mul3A_345 : i32
      %dma_start3A_347 = tpu.memref_slice %arg6[%add3A_346, %mul3A_13] : memref<100352x256xf32, #tpu.memory_space<hbm>> -> memref<112x128xf32, #tpu.memory_space<hbm>>
      %dma_start3A_348 = tpu.memref_slice %arg6[%add3A_346, %mul3A_13] : memref<100352x256xf32, #tpu.memory_space<hbm>> -> memref<112x128xf32, #tpu.memory_space<hbm>>
      tpu.enqueue_dma source(%arg8 : memref<112x128xf32, #tpu.memory_space<vmem>>) target(%dma_start3A_348 : memref<112x128xf32, #tpu.memory_space<hbm>>) target_semaphore(%arg15 : memref<!tpu.dma_semaphore, #tpu.memory_space<semaphore_mem>>)
      %dma_wait3A_349 = arith.constant 0 : i32
      %dma_wait3A_350 = arith.constant 13 : i32
      %dma_wait3A_351 = arith.constant 0 : i32
      %dma_wait3A_352 = tpu.memref_slice %arg7[%dma_wait3A_349, %dma_wait3A_350, %dma_wait3A_351] : memref<2x15x112xi32, #tpu.memory_space<vmem>> -> memref<1x1x112xi32, #tpu.memory_space<vmem>>
      %dma_wait3A_353 = tpu.memref_squeeze %dma_wait3A_352 : memref<1x1x112xi32, #tpu.memory_space<vmem>> -> memref<112xi32, #tpu.memory_space<vmem>>
      %dma_wait3A_354 = arith.constant 0 : i32
      %dma_wait3A_355 = arith.constant 0 : i32
      %dma_wait3A_356 = tpu.memref_slice %arg11[%dma_wait3A_354, %dma_wait3A_355] : memref<10240x128xf32, #tpu.memory_space<vmem_shared>> -> memref<10240x128xf32, #tpu.memory_space<vmem_shared>>
      tpu.wait_indirect_dma semaphore(%arg13 : memref<!tpu.dma_semaphore, #tpu.memory_space<semaphore_mem>>) src(%dma_wait3A_356 : memref<10240x128xf32, #tpu.memory_space<vmem_shared>>) dst(%arg9 : memref<112x128xf32, #tpu.memory_space<vmem>>)
      %add3A_357 = arith.constant 13 : i32
      %add3A_358 = arith.addi %mul3A_22, %add3A_357 : i32
      %mul3A_359 = arith.constant 112 : i32
      %mul3A_360 = arith.muli %add3A_358, %mul3A_359 : i32
      %add3A_361 = arith.addi %mul3A_10, %mul3A_360 : i32
      %dma_start3A_362 = tpu.memref_slice %arg6[%add3A_361, %mul3A_13] : memref<100352x256xf32, #tpu.memory_space<hbm>> -> memref<112x128xf32, #tpu.memory_space<hbm>>
      %dma_start3A_363 = tpu.memref_slice %arg6[%add3A_361, %mul3A_13] : memref<100352x256xf32, #tpu.memory_space<hbm>> -> memref<112x128xf32, #tpu.memory_space<hbm>>
      tpu.enqueue_dma source(%arg9 : memref<112x128xf32, #tpu.memory_space<vmem>>) target(%dma_start3A_363 : memref<112x128xf32, #tpu.memory_space<hbm>>) target_semaphore(%arg16 : memref<!tpu.dma_semaphore, #tpu.memory_space<semaphore_mem>>)
      %dma_wait3A_364 = tpu.memref_slice %arg6[%add3A_321, %mul3A_13] : memref<100352x256xf32, #tpu.memory_space<hbm>> -> memref<112x128xf32, #tpu.memory_space<hbm>>
      %dma_wait3A_365 = tpu.memref_slice %arg6[%add3A_321, %mul3A_13] : memref<100352x256xf32, #tpu.memory_space<hbm>> -> memref<112x128xf32, #tpu.memory_space<hbm>>
      tpu.wait_dma2 semaphore(%arg17 : memref<!tpu.dma_semaphore, #tpu.memory_space<semaphore_mem>>) src(%arg10 : memref<112x128xf32, #tpu.memory_space<vmem>>) dst(%dma_wait3A_365 : memref<112x128xf32, #tpu.memory_space<hbm>>)
      %dma_wait3A_366 = tpu.memref_slice %arg6[%add3A_346, %mul3A_13] : memref<100352x256xf32, #tpu.memory_space<hbm>> -> memref<112x128xf32, #tpu.memory_space<hbm>>
      %dma_wait3A_367 = tpu.memref_slice %arg6[%add3A_346, %mul3A_13] : memref<100352x256xf32, #tpu.memory_space<hbm>> -> memref<112x128xf32, #tpu.memory_space<hbm>>
      tpu.wait_dma2 semaphore(%arg15 : memref<!tpu.dma_semaphore, #tpu.memory_space<semaphore_mem>>) src(%arg8 : memref<112x128xf32, #tpu.memory_space<vmem>>) dst(%dma_wait3A_367 : memref<112x128xf32, #tpu.memory_space<hbm>>)
      %dma_wait3A_368 = tpu.memref_slice %arg6[%add3A_361, %mul3A_13] : memref<100352x256xf32, #tpu.memory_space<hbm>> -> memref<112x128xf32, #tpu.memory_space<hbm>>
      %dma_wait3A_369 = tpu.memref_slice %arg6[%add3A_361, %mul3A_13] : memref<100352x256xf32, #tpu.memory_space<hbm>> -> memref<112x128xf32, #tpu.memory_space<hbm>>
      tpu.wait_dma2 semaphore(%arg16 : memref<!tpu.dma_semaphore, #tpu.memory_space<semaphore_mem>>) src(%arg9 : memref<112x128xf32, #tpu.memory_space<vmem>>) dst(%dma_wait3A_369 : memref<112x128xf32, #tpu.memory_space<hbm>>)
    }
    %scan3A_19 = arith.constant 4 : i32
    return
  }
}

module attributes {stable_mosaic.version = 14 : i64} {
  func.func @_transform_body(%arg0: i32, %arg1: i32, %arg2: memref<1x2560x128xf32, #tpu.memory_space<vmem>>, %arg3: memref<1x2560x128xf32, #tpu.memory_space<vmem>>, %arg4: memref<1x128x128xf32, #tpu.memory_space<vmem>>, %arg5: memref<1x1x128xf32, #tpu.memory_space<vmem>>, %arg6: memref<1x128x128xf32, #tpu.memory_space<vmem>>, %arg7: memref<1x1x128xf32, #tpu.memory_space<vmem>>, %arg8: memref<1x2560x128xf32, #tpu.memory_space<vmem>>, %arg9: memref<1x2560x128xf32, #tpu.memory_space<vmem>>) attributes {dimension_semantics = [#tpu.dimension_semantics<arbitrary>, #tpu.dimension_semantics<arbitrary>], iteration_bounds = array<i64: 2, 4>, scalar_prefetch = 0 : i64, scratch_operands = 0 : i64, tpu.core_type = #tpu.core_type<tc>, window_params = [{transform_indices = @transform_0, window_bounds = array<i64: 1, 2560, 128>}, {transform_indices = @transform_1, window_bounds = array<i64: 1, 2560, 128>}, {transform_indices = @transform_2, window_bounds = array<i64: 1, 128, 128>}, {transform_indices = @transform_3, window_bounds = array<i64: 1, 1, 128>}, {transform_indices = @transform_4, window_bounds = array<i64: 1, 128, 128>}, {transform_indices = @transform_5, window_bounds = array<i64: 1, 1, 128>}, {transform_indices = @transform_6, window_bounds = array<i64: 1, 2560, 128>}, {transform_indices = @transform_7, window_bounds = array<i64: 1, 2560, 128>}]} {
    %get3A = arith.constant 0 : index
    %get3A_0 = arith.constant 0 : index
    %get3A_1 = arith.constant 0 : index
    %get3A_2 = vector.load %arg2[%get3A, %get3A_0, %get3A_1] : memref<1x2560x128xf32, #tpu.memory_space<vmem>>, vector<1x2560x128xf32>
    %get3A_3 = vector.shape_cast %get3A_2 : vector<1x2560x128xf32> to vector<2560x128xf32>
    %get3A_4 = arith.constant 0 : index
    %get3A_5 = arith.constant 0 : index
    %get3A_6 = arith.constant 0 : index
    %get3A_7 = vector.load %arg3[%get3A_4, %get3A_5, %get3A_6] : memref<1x2560x128xf32, #tpu.memory_space<vmem>>, vector<1x2560x128xf32>
    %get3A_8 = vector.shape_cast %get3A_7 : vector<1x2560x128xf32> to vector<2560x128xf32>
    %convert_element_type3A = arith.truncf %get3A_3 : vector<2560x128xf32> to vector<2560x128xbf16>
    %get3A_9 = arith.constant 0 : index
    %get3A_10 = arith.constant 0 : index
    %get3A_11 = arith.constant 0 : index
    %get3A_12 = vector.load %arg4[%get3A_9, %get3A_10, %get3A_11] : memref<1x128x128xf32, #tpu.memory_space<vmem>>, vector<1x128x128xf32>
    %get3A_13 = vector.shape_cast %get3A_12 : vector<1x128x128xf32> to vector<128x128xf32>
    %convert_element_type3A_14 = arith.truncf %get3A_13 : vector<128x128xf32> to vector<128x128xbf16>
    %dot_general3A = arith.constant dense<0.000000e+00> : vector<2560x128xf32>
    %dot_general3A_15 = tpu.matmul %convert_element_type3A, %convert_element_type3A_14, %dot_general3A {dimension_numbers = #tpu.dot_dimension_numbers<[1], [0], [0], [1], [0, 0, 1, 1], [], []>, transpose_lhs_hint = false} : vector<2560x128xbf16>, vector<128x128xbf16>, vector<2560x128xf32> -> vector<2560x128xf32>
    %get3A_16 = arith.constant 0 : index
    %get3A_17 = arith.constant 0 : index
    %get3A_18 = arith.constant 0 : index
    %get3A_19 = vector.load %arg5[%get3A_16, %get3A_17, %get3A_18] : memref<1x1x128xf32, #tpu.memory_space<vmem>>, vector<1x1x128xf32>
    %get3A_20 = vector.shape_cast %get3A_19 : vector<1x1x128xf32> to vector<128xf32>
    %broadcast_in_dim3A = vector.shape_cast %get3A_20 : vector<128xf32> to vector<1x128xf32>
    %add3A = vector.broadcast %broadcast_in_dim3A : vector<1x128xf32> to vector<2560x128xf32>
    %add3A_21 = arith.addf %dot_general3A_15, %add3A : vector<2560x128xf32>
    %swap3A = arith.constant 0 : index
    %swap3A_22 = arith.constant 0 : index
    %swap3A_23 = arith.constant 0 : index
    %swap3A_24 = vector.load %arg8[%swap3A, %swap3A_22, %swap3A_23] : memref<1x2560x128xf32, #tpu.memory_space<vmem>>, vector<1x2560x128xf32>
    %swap3A_25 = vector.shape_cast %swap3A_24 : vector<1x2560x128xf32> to vector<2560x128xf32>
    %swap3A_26 = vector.shape_cast %add3A_21 : vector<2560x128xf32> to vector<1x2560x128xf32>
    tpu.vector_store %arg8[%swap3A, %swap3A_22, %swap3A_23], %swap3A_26 {strides = array<i32>} : memref<1x2560x128xf32, #tpu.memory_space<vmem>>, vector<1x2560x128xf32>,
    %convert_element_type3A_27 = arith.truncf %get3A_8 : vector<2560x128xf32> to vector<2560x128xbf16>
    %get3A_28 = arith.constant 0 : index
    %get3A_29 = arith.constant 0 : index
    %get3A_30 = arith.constant 0 : index
    %get3A_31 = vector.load %arg6[%get3A_28, %get3A_29, %get3A_30] : memref<1x128x128xf32, #tpu.memory_space<vmem>>, vector<1x128x128xf32>
    %get3A_32 = vector.shape_cast %get3A_31 : vector<1x128x128xf32> to vector<128x128xf32>
    %convert_element_type3A_33 = arith.truncf %get3A_32 : vector<128x128xf32> to vector<128x128xbf16>
    %dot_general3A_34 = arith.constant dense<0.000000e+00> : vector<2560x128xf32>
    %dot_general3A_35 = tpu.matmul %convert_element_type3A_27, %convert_element_type3A_33, %dot_general3A_34 {dimension_numbers = #tpu.dot_dimension_numbers<[1], [0], [0], [1], [0, 0, 1, 1], [], []>, transpose_lhs_hint = false} : vector<2560x128xbf16>, vector<128x128xbf16>, vector<2560x128xf32> -> vector<2560x128xf32>
    %get3A_36 = arith.constant 0 : index
    %get3A_37 = arith.constant 0 : index
    %get3A_38 = arith.constant 0 : index
    %get3A_39 = vector.load %arg7[%get3A_36, %get3A_37, %get3A_38] : memref<1x1x128xf32, #tpu.memory_space<vmem>>, vector<1x1x128xf32>
    %get3A_40 = vector.shape_cast %get3A_39 : vector<1x1x128xf32> to vector<128xf32>
    %broadcast_in_dim3A_41 = vector.shape_cast %get3A_40 : vector<128xf32> to vector<1x128xf32>
    %add3A_42 = vector.broadcast %broadcast_in_dim3A_41 : vector<1x128xf32> to vector<2560x128xf32>
    %add3A_43 = arith.addf %dot_general3A_35, %add3A_42 : vector<2560x128xf32>
    %swap3A_44 = arith.constant 0 : index
    %swap3A_45 = arith.constant 0 : index
    %swap3A_46 = arith.constant 0 : index
    %swap3A_47 = vector.load %arg9[%swap3A_44, %swap3A_45, %swap3A_46] : memref<1x2560x128xf32, #tpu.memory_space<vmem>>, vector<1x2560x128xf32>
    %swap3A_48 = vector.shape_cast %swap3A_47 : vector<1x2560x128xf32> to vector<2560x128xf32>
    %swap3A_49 = vector.shape_cast %add3A_43 : vector<2560x128xf32> to vector<1x2560x128xf32>
    tpu.vector_store %arg9[%swap3A_44, %swap3A_45, %swap3A_46], %swap3A_49 {strides = array<i32>} : memref<1x2560x128xf32, #tpu.memory_space<vmem>>, vector<1x2560x128xf32>,
    return
  }
  func.func @transform_0(%arg0: i32, %arg1: i32) -> (i32, i32, i32) {
    %sub3A = arith.constant 1 : i32
    %sub3A_0 = arith.subi %sub3A, %arg0 : i32
    %c0_i32 = arith.constant 0 : i32
    %c0_i32_1 = arith.constant 0 : i32
    return %sub3A_0, %arg1, %c0_i32 : i32, i32, i32
  }
  func.func @transform_1(%arg0: i32, %arg1: i32) -> (i32, i32, i32) {
    %c0_i32 = arith.constant 0 : i32
    %c0_i32_0 = arith.constant 0 : i32
    return %arg0, %arg1, %c0_i32 : i32, i32, i32
  }
  func.func @transform_2(%arg0: i32, %arg1: i32) -> (i32, i32, i32) {
    %c0_i32 = arith.constant 0 : i32
    %c0_i32_0 = arith.constant 0 : i32
    %c0_i32_1 = arith.constant 0 : i32
    return %arg0, %c0_i32, %c0_i32_0 : i32, i32, i32
  }
  func.func @transform_3(%arg0: i32, %arg1: i32) -> (i32, i32, i32) {
    %c0_i32 = arith.constant 0 : i32
    %c0_i32_0 = arith.constant 0 : i32
    %c0_i32_1 = arith.constant 0 : i32
    return %arg0, %c0_i32, %c0_i32_0 : i32, i32, i32
  }
  func.func @transform_4(%arg0: i32, %arg1: i32) -> (i32, i32, i32) {
    %c0_i32 = arith.constant 0 : i32
    %c0_i32_0 = arith.constant 0 : i32
    %c0_i32_1 = arith.constant 0 : i32
    return %arg0, %c0_i32, %c0_i32_0 : i32, i32, i32
  }
  func.func @transform_5(%arg0: i32, %arg1: i32) -> (i32, i32, i32) {
    %c0_i32 = arith.constant 0 : i32
    %c0_i32_0 = arith.constant 0 : i32
    %c0_i32_1 = arith.constant 0 : i32
    return %arg0, %c0_i32, %c0_i32_0 : i32, i32, i32
  }
  func.func @transform_6(%arg0: i32, %arg1: i32) -> (i32, i32, i32) {
    %c0_i32 = arith.constant 0 : i32
    %c0_i32_0 = arith.constant 0 : i32
    return %arg0, %arg1, %c0_i32 : i32, i32, i32
  }
  func.func @transform_7(%arg0: i32, %arg1: i32) -> (i32, i32, i32) {
    %c0_i32 = arith.constant 0 : i32
    %c0_i32_0 = arith.constant 0 : i32
    return %arg0, %arg1, %c0_i32 : i32, i32, i32
  }
}

module attributes {stable_mosaic.version = 14 : i64} {
  func.func @_transform_body(%arg0: i32, %arg1: i32, %arg2: memref<1x2560x128xf32, #tpu.memory_space<vmem>>, %arg3: memref<1x2560x128xf32, #tpu.memory_space<vmem>>, %arg4: memref<1x128x128xf32, #tpu.memory_space<vmem>>, %arg5: memref<1x1x128xf32, #tpu.memory_space<vmem>>, %arg6: memref<1x128x128xf32, #tpu.memory_space<vmem>>, %arg7: memref<1x1x128xf32, #tpu.memory_space<vmem>>, %arg8: memref<1x2560x128xf32, #tpu.memory_space<vmem>>, %arg9: memref<1x2560x128xf32, #tpu.memory_space<vmem>>) attributes {dimension_semantics = [#tpu.dimension_semantics<arbitrary>, #tpu.dimension_semantics<arbitrary>], iteration_bounds = array<i64: 2, 4>, scalar_prefetch = 0 : i64, scratch_operands = 0 : i64, tpu.core_type = #tpu.core_type<tc>, window_params = [{transform_indices = @transform_0, window_bounds = array<i64: 1, 2560, 128>}, {transform_indices = @transform_1, window_bounds = array<i64: 1, 2560, 128>}, {transform_indices = @transform_2, window_bounds = array<i64: 1, 128, 128>}, {transform_indices = @transform_3, window_bounds = array<i64: 1, 1, 128>}, {transform_indices = @transform_4, window_bounds = array<i64: 1, 128, 128>}, {transform_indices = @transform_5, window_bounds = array<i64: 1, 1, 128>}, {transform_indices = @transform_6, window_bounds = array<i64: 1, 2560, 128>}, {transform_indices = @transform_7, window_bounds = array<i64: 1, 2560, 128>}]} {
    %get3A = arith.constant 0 : index
    %get3A_0 = arith.constant 0 : index
    %get3A_1 = arith.constant 0 : index
    %get3A_2 = vector.load %arg2[%get3A, %get3A_0, %get3A_1] : memref<1x2560x128xf32, #tpu.memory_space<vmem>>, vector<1x2560x128xf32>
    %get3A_3 = vector.shape_cast %get3A_2 : vector<1x2560x128xf32> to vector<2560x128xf32>
    %get3A_4 = arith.constant 0 : index
    %get3A_5 = arith.constant 0 : index
    %get3A_6 = arith.constant 0 : index
    %get3A_7 = vector.load %arg3[%get3A_4, %get3A_5, %get3A_6] : memref<1x2560x128xf32, #tpu.memory_space<vmem>>, vector<1x2560x128xf32>
    %get3A_8 = vector.shape_cast %get3A_7 : vector<1x2560x128xf32> to vector<2560x128xf32>
    %ge3A = arith.constant 0.000000e+00 : f32
    %ge3A_9 = vector.broadcast %ge3A : f32 to vector<2560x128xf32>
    %ge3A_10 = arith.cmpf oge, %get3A_3, %ge3A_9 : vector<2560x128xf32>
    %mul3A = arith.constant 1.000000e-01 : f32
    %mul3A_11 = vector.broadcast %mul3A : f32 to vector<2560x128xf32>
    %mul3A_12 = arith.mulf %mul3A_11, %get3A_3 : vector<2560x128xf32>
    %select_n3A = arith.select %ge3A_10, %get3A_3, %mul3A_12 : vector<2560x128xi1>, vector<2560x128xf32>
    %ge3A_13 = arith.constant 0.000000e+00 : f32
    %ge3A_14 = vector.broadcast %ge3A_13 : f32 to vector<2560x128xf32>
    %ge3A_15 = arith.cmpf oge, %get3A_8, %ge3A_14 : vector<2560x128xf32>
    %mul3A_16 = arith.constant 1.000000e-01 : f32
    %mul3A_17 = vector.broadcast %mul3A_16 : f32 to vector<2560x128xf32>
    %mul3A_18 = arith.mulf %mul3A_17, %get3A_8 : vector<2560x128xf32>
    %select_n3A_19 = arith.select %ge3A_15, %get3A_8, %mul3A_18 : vector<2560x128xi1>, vector<2560x128xf32>
    %convert_element_type3A = arith.truncf %select_n3A : vector<2560x128xf32> to vector<2560x128xbf16>
    %get3A_20 = arith.constant 0 : index
    %get3A_21 = arith.constant 0 : index
    %get3A_22 = arith.constant 0 : index
    %get3A_23 = vector.load %arg4[%get3A_20, %get3A_21, %get3A_22] : memref<1x128x128xf32, #tpu.memory_space<vmem>>, vector<1x128x128xf32>
    %get3A_24 = vector.shape_cast %get3A_23 : vector<1x128x128xf32> to vector<128x128xf32>
    %convert_element_type3A_25 = arith.truncf %get3A_24 : vector<128x128xf32> to vector<128x128xbf16>
    %dot_general3A = arith.constant dense<0.000000e+00> : vector<2560x128xf32>
    %dot_general3A_26 = tpu.matmul %convert_element_type3A, %convert_element_type3A_25, %dot_general3A {dimension_numbers = #tpu.dot_dimension_numbers<[1], [0], [0], [1], [0, 0, 1, 1], [], []>, transpose_lhs_hint = false} : vector<2560x128xbf16>, vector<128x128xbf16>, vector<2560x128xf32> -> vector<2560x128xf32>
    %get3A_27 = arith.constant 0 : index
    %get3A_28 = arith.constant 0 : index
    %get3A_29 = arith.constant 0 : index
    %get3A_30 = vector.load %arg5[%get3A_27, %get3A_28, %get3A_29] : memref<1x1x128xf32, #tpu.memory_space<vmem>>, vector<1x1x128xf32>
    %get3A_31 = vector.shape_cast %get3A_30 : vector<1x1x128xf32> to vector<128xf32>
    %broadcast_in_dim3A = vector.shape_cast %get3A_31 : vector<128xf32> to vector<1x128xf32>
    %add3A = vector.broadcast %broadcast_in_dim3A : vector<1x128xf32> to vector<2560x128xf32>
    %add3A_32 = arith.addf %dot_general3A_26, %add3A : vector<2560x128xf32>
    %swap3A = arith.constant 0 : index
    %swap3A_33 = arith.constant 0 : index
    %swap3A_34 = arith.constant 0 : index
    %swap3A_35 = vector.load %arg8[%swap3A, %swap3A_33, %swap3A_34] : memref<1x2560x128xf32, #tpu.memory_space<vmem>>, vector<1x2560x128xf32>
    %swap3A_36 = vector.shape_cast %swap3A_35 : vector<1x2560x128xf32> to vector<2560x128xf32>
    %swap3A_37 = vector.shape_cast %add3A_32 : vector<2560x128xf32> to vector<1x2560x128xf32>
    tpu.vector_store %arg8[%swap3A, %swap3A_33, %swap3A_34], %swap3A_37 {strides = array<i32>} : memref<1x2560x128xf32, #tpu.memory_space<vmem>>, vector<1x2560x128xf32>,
    %convert_element_type3A_38 = arith.truncf %select_n3A_19 : vector<2560x128xf32> to vector<2560x128xbf16>
    %get3A_39 = arith.constant 0 : index
    %get3A_40 = arith.constant 0 : index
    %get3A_41 = arith.constant 0 : index
    %get3A_42 = vector.load %arg6[%get3A_39, %get3A_40, %get3A_41] : memref<1x128x128xf32, #tpu.memory_space<vmem>>, vector<1x128x128xf32>
    %get3A_43 = vector.shape_cast %get3A_42 : vector<1x128x128xf32> to vector<128x128xf32>
    %convert_element_type3A_44 = arith.truncf %get3A_43 : vector<128x128xf32> to vector<128x128xbf16>
    %dot_general3A_45 = arith.constant dense<0.000000e+00> : vector<2560x128xf32>
    %dot_general3A_46 = tpu.matmul %convert_element_type3A_38, %convert_element_type3A_44, %dot_general3A_45 {dimension_numbers = #tpu.dot_dimension_numbers<[1], [0], [0], [1], [0, 0, 1, 1], [], []>, transpose_lhs_hint = false} : vector<2560x128xbf16>, vector<128x128xbf16>, vector<2560x128xf32> -> vector<2560x128xf32>
    %get3A_47 = arith.constant 0 : index
    %get3A_48 = arith.constant 0 : index
    %get3A_49 = arith.constant 0 : index
    %get3A_50 = vector.load %arg7[%get3A_47, %get3A_48, %get3A_49] : memref<1x1x128xf32, #tpu.memory_space<vmem>>, vector<1x1x128xf32>
    %get3A_51 = vector.shape_cast %get3A_50 : vector<1x1x128xf32> to vector<128xf32>
    %broadcast_in_dim3A_52 = vector.shape_cast %get3A_51 : vector<128xf32> to vector<1x128xf32>
    %add3A_53 = vector.broadcast %broadcast_in_dim3A_52 : vector<1x128xf32> to vector<2560x128xf32>
    %add3A_54 = arith.addf %dot_general3A_46, %add3A_53 : vector<2560x128xf32>
    %swap3A_55 = arith.constant 0 : index
    %swap3A_56 = arith.constant 0 : index
    %swap3A_57 = arith.constant 0 : index
    %swap3A_58 = vector.load %arg9[%swap3A_55, %swap3A_56, %swap3A_57] : memref<1x2560x128xf32, #tpu.memory_space<vmem>>, vector<1x2560x128xf32>
    %swap3A_59 = vector.shape_cast %swap3A_58 : vector<1x2560x128xf32> to vector<2560x128xf32>
    %swap3A_60 = vector.shape_cast %add3A_54 : vector<2560x128xf32> to vector<1x2560x128xf32>
    tpu.vector_store %arg9[%swap3A_55, %swap3A_56, %swap3A_57], %swap3A_60 {strides = array<i32>} : memref<1x2560x128xf32, #tpu.memory_space<vmem>>, vector<1x2560x128xf32>,
    return
  }
  func.func @transform_0(%arg0: i32, %arg1: i32) -> (i32, i32, i32) {
    %sub3A = arith.constant 1 : i32
    %sub3A_0 = arith.subi %sub3A, %arg0 : i32
    %c0_i32 = arith.constant 0 : i32
    %c0_i32_1 = arith.constant 0 : i32
    return %sub3A_0, %arg1, %c0_i32 : i32, i32, i32
  }
  func.func @transform_1(%arg0: i32, %arg1: i32) -> (i32, i32, i32) {
    %c0_i32 = arith.constant 0 : i32
    %c0_i32_0 = arith.constant 0 : i32
    return %arg0, %arg1, %c0_i32 : i32, i32, i32
  }
  func.func @transform_2(%arg0: i32, %arg1: i32) -> (i32, i32, i32) {
    %c0_i32 = arith.constant 0 : i32
    %c0_i32_0 = arith.constant 0 : i32
    %c0_i32_1 = arith.constant 0 : i32
    return %arg0, %c0_i32, %c0_i32_0 : i32, i32, i32
  }
  func.func @transform_3(%arg0: i32, %arg1: i32) -> (i32, i32, i32) {
    %c0_i32 = arith.constant 0 : i32
    %c0_i32_0 = arith.constant 0 : i32
    %c0_i32_1 = arith.constant 0 : i32
    return %arg0, %c0_i32, %c0_i32_0 : i32, i32, i32
  }
  func.func @transform_4(%arg0: i32, %arg1: i32) -> (i32, i32, i32) {
    %c0_i32 = arith.constant 0 : i32
    %c0_i32_0 = arith.constant 0 : i32
    %c0_i32_1 = arith.constant 0 : i32
    return %arg0, %c0_i32, %c0_i32_0 : i32, i32, i32
  }
  func.func @transform_5(%arg0: i32, %arg1: i32) -> (i32, i32, i32) {
    %c0_i32 = arith.constant 0 : i32
    %c0_i32_0 = arith.constant 0 : i32
    %c0_i32_1 = arith.constant 0 : i32
    return %arg0, %c0_i32, %c0_i32_0 : i32, i32, i32
  }
  func.func @transform_6(%arg0: i32, %arg1: i32) -> (i32, i32, i32) {
    %c0_i32 = arith.constant 0 : i32
    %c0_i32_0 = arith.constant 0 : i32
    return %arg0, %arg1, %c0_i32 : i32, i32, i32
  }
  func.func @transform_7(%arg0: i32, %arg1: i32) -> (i32, i32, i32) {
    %c0_i32 = arith.constant 0 : i32
    %c0_i32_0 = arith.constant 0 : i32
    return %arg0, %arg1, %c0_i32 : i32, i32, i32
  }
}

module attributes {stable_mosaic.version = 14 : i64} {
  func.func @_mlp_body(%arg0: i32, %arg1: memref<3584x256xf32, #tpu.memory_space<vmem>>, %arg2: memref<256x256xf32, #tpu.memory_space<vmem>>, %arg3: memref<1x256xf32, #tpu.memory_space<vmem>>, %arg4: memref<256x128xf32, #tpu.memory_space<vmem>>, %arg5: memref<1x128xf32, #tpu.memory_space<vmem>>, %arg6: memref<128x128xf32, #tpu.memory_space<vmem>>, %arg7: memref<1x128xf32, #tpu.memory_space<vmem>>, %arg8: memref<3584x128xbf16, #tpu.memory_space<vmem>>) attributes {dimension_semantics = [#tpu.dimension_semantics<arbitrary>], iteration_bounds = array<i64: 28>, scalar_prefetch = 0 : i64, scratch_operands = 0 : i64, tpu.core_type = #tpu.core_type<tc>, window_params = [{transform_indices = @transform_0, window_bounds = array<i64: 3584, 256>}, {pipeline_mode = #tpu.pipeline_mode<synchronous>, transform_indices = @transform_1, window_bounds = array<i64: 256, 256>}, {pipeline_mode = #tpu.pipeline_mode<synchronous>, transform_indices = @transform_2, window_bounds = array<i64: 1, 256>}, {pipeline_mode = #tpu.pipeline_mode<synchronous>, transform_indices = @transform_3, window_bounds = array<i64: 256, 128>}, {pipeline_mode = #tpu.pipeline_mode<synchronous>, transform_indices = @transform_4, window_bounds = array<i64: 1, 128>}, {pipeline_mode = #tpu.pipeline_mode<synchronous>, transform_indices = @transform_5, window_bounds = array<i64: 128, 128>}, {pipeline_mode = #tpu.pipeline_mode<synchronous>, transform_indices = @transform_6, window_bounds = array<i64: 1, 128>}, {transform_indices = @transform_7, window_bounds = array<i64: 3584, 128>}]} {
    %get3A = arith.constant 0 : index
    %get3A_0 = arith.constant 0 : index
    %get3A_1 = vector.load %arg1[%get3A, %get3A_0] : memref<3584x256xf32, #tpu.memory_space<vmem>>, vector<3584x256xf32>
    %convert_element_type3A = arith.truncf %get3A_1 : vector<3584x256xf32> to vector<3584x256xbf16>
    %get3A_2 = arith.constant 0 : index
    %get3A_3 = arith.constant 0 : index
    %get3A_4 = vector.load %arg2[%get3A_2, %get3A_3] : memref<256x256xf32, #tpu.memory_space<vmem>>, vector<256x256xf32>
    %convert_element_type3A_5 = arith.truncf %get3A_4 : vector<256x256xf32> to vector<256x256xbf16>
    %dot_general3A = arith.constant dense<0.000000e+00> : vector<3584x256xf32>
    %dot_general3A_6 = tpu.matmul %convert_element_type3A, %convert_element_type3A_5, %dot_general3A {dimension_numbers = #tpu.dot_dimension_numbers<[1], [0], [0], [1], [0, 0, 1, 1], [], []>, transpose_lhs_hint = false} : vector<3584x256xbf16>, vector<256x256xbf16>, vector<3584x256xf32> -> vector<3584x256xf32>
    %get3A_7 = arith.constant 0 : index
    %get3A_8 = arith.constant 0 : index
    %get3A_9 = vector.load %arg3[%get3A_7, %get3A_8] : memref<1x256xf32, #tpu.memory_space<vmem>>, vector<1x256xf32>
    %get3A_10 = vector.shape_cast %get3A_9 : vector<1x256xf32> to vector<256xf32>
    %broadcast_in_dim3A = vector.shape_cast %get3A_10 : vector<256xf32> to vector<1x256xf32>
    %add3A = vector.broadcast %broadcast_in_dim3A : vector<1x256xf32> to vector<3584x256xf32>
    %add3A_11 = arith.addf %dot_general3A_6, %add3A : vector<3584x256xf32>
    %ge3A = arith.constant 0.000000e+00 : f32
    %ge3A_12 = vector.broadcast %ge3A : f32 to vector<3584x256xf32>
    %ge3A_13 = arith.cmpf oge, %add3A_11, %ge3A_12 : vector<3584x256xf32>
    %mul3A = arith.constant 1.000000e-01 : f32
    %mul3A_14 = vector.broadcast %mul3A : f32 to vector<3584x256xf32>
    %mul3A_15 = arith.mulf %mul3A_14, %add3A_11 : vector<3584x256xf32>
    %select_n3A = arith.select %ge3A_13, %add3A_11, %mul3A_15 : vector<3584x256xi1>, vector<3584x256xf32>
    %convert_element_type3A_16 = arith.truncf %select_n3A : vector<3584x256xf32> to vector<3584x256xbf16>
    %get3A_17 = arith.constant 0 : index
    %get3A_18 = arith.constant 0 : index
    %get3A_19 = vector.load %arg4[%get3A_17, %get3A_18] : memref<256x128xf32, #tpu.memory_space<vmem>>, vector<256x128xf32>
    %convert_element_type3A_20 = arith.truncf %get3A_19 : vector<256x128xf32> to vector<256x128xbf16>
    %dot_general3A_21 = arith.constant dense<0.000000e+00> : vector<3584x128xf32>
    %dot_general3A_22 = tpu.matmul %convert_element_type3A_16, %convert_element_type3A_20, %dot_general3A_21 {dimension_numbers = #tpu.dot_dimension_numbers<[1], [0], [0], [1], [0, 0, 1, 1], [], []>, transpose_lhs_hint = false} : vector<3584x256xbf16>, vector<256x128xbf16>, vector<3584x128xf32> -> vector<3584x128xf32>
    %get3A_23 = arith.constant 0 : index
    %get3A_24 = arith.constant 0 : index
    %get3A_25 = vector.load %arg5[%get3A_23, %get3A_24] : memref<1x128xf32, #tpu.memory_space<vmem>>, vector<1x128xf32>
    %get3A_26 = vector.shape_cast %get3A_25 : vector<1x128xf32> to vector<128xf32>
    %broadcast_in_dim3A_27 = vector.shape_cast %get3A_26 : vector<128xf32> to vector<1x128xf32>
    %add3A_28 = vector.broadcast %broadcast_in_dim3A_27 : vector<1x128xf32> to vector<3584x128xf32>
    %add3A_29 = arith.addf %dot_general3A_22, %add3A_28 : vector<3584x128xf32>
    %ge3A_30 = arith.constant 0.000000e+00 : f32
    %ge3A_31 = vector.broadcast %ge3A_30 : f32 to vector<3584x128xf32>
    %ge3A_32 = arith.cmpf oge, %add3A_29, %ge3A_31 : vector<3584x128xf32>
    %mul3A_33 = arith.constant 1.000000e-01 : f32
    %mul3A_34 = vector.broadcast %mul3A_33 : f32 to vector<3584x128xf32>
    %mul3A_35 = arith.mulf %mul3A_34, %add3A_29 : vector<3584x128xf32>
    %select_n3A_36 = arith.select %ge3A_32, %add3A_29, %mul3A_35 : vector<3584x128xi1>, vector<3584x128xf32>
    %convert_element_type3A_37 = arith.truncf %select_n3A_36 : vector<3584x128xf32> to vector<3584x128xbf16>
    %get3A_38 = arith.constant 0 : index
    %get3A_39 = arith.constant 0 : index
    %get3A_40 = vector.load %arg6[%get3A_38, %get3A_39] : memref<128x128xf32, #tpu.memory_space<vmem>>, vector<128x128xf32>
    %convert_element_type3A_41 = arith.truncf %get3A_40 : vector<128x128xf32> to vector<128x128xbf16>
    %dot_general3A_42 = arith.constant dense<0.000000e+00> : vector<3584x128xf32>
    %dot_general3A_43 = tpu.matmul %convert_element_type3A_37, %convert_element_type3A_41, %dot_general3A_42 {dimension_numbers = #tpu.dot_dimension_numbers<[1], [0], [0], [1], [0, 0, 1, 1], [], []>, transpose_lhs_hint = false} : vector<3584x128xbf16>, vector<128x128xbf16>, vector<3584x128xf32> -> vector<3584x128xf32>
    %get3A_44 = arith.constant 0 : index
    %get3A_45 = arith.constant 0 : index
    %get3A_46 = vector.load %arg7[%get3A_44, %get3A_45] : memref<1x128xf32, #tpu.memory_space<vmem>>, vector<1x128xf32>
    %get3A_47 = vector.shape_cast %get3A_46 : vector<1x128xf32> to vector<128xf32>
    %broadcast_in_dim3A_48 = vector.shape_cast %get3A_47 : vector<128xf32> to vector<1x128xf32>
    %add3A_49 = vector.broadcast %broadcast_in_dim3A_48 : vector<1x128xf32> to vector<3584x128xf32>
    %add3A_50 = arith.addf %dot_general3A_43, %add3A_49 : vector<3584x128xf32>
    %convert_element_type3A_51 = arith.truncf %add3A_50 : vector<3584x128xf32> to vector<3584x128xbf16>
    %swap3A = arith.constant 0 : index
    %swap3A_52 = arith.constant 0 : index
    %swap3A_53 = vector.load %arg8[%swap3A, %swap3A_52] : memref<3584x128xbf16, #tpu.memory_space<vmem>>, vector<3584x128xbf16>
    tpu.vector_store %arg8[%swap3A, %swap3A_52], %convert_element_type3A_51 {strides = array<i32>} : memref<3584x128xbf16, #tpu.memory_space<vmem>>, vector<3584x128xbf16>,
    return
  }
  func.func @transform_0(%arg0: i32) -> (i32, i32) {
    %c0_i32 = arith.constant 0 : i32
    %c0_i32_0 = arith.constant 0 : i32
    return %arg0, %c0_i32 : i32, i32
  }
  func.func @transform_1(%arg0: i32) -> (i32, i32) {
    %c0_i32 = arith.constant 0 : i32
    %c0_i32_0 = arith.constant 0 : i32
    %c0_i32_1 = arith.constant 0 : i32
    return %c0_i32, %c0_i32_0 : i32, i32
  }
  func.func @transform_2(%arg0: i32) -> (i32, i32) {
    %c0_i32 = arith.constant 0 : i32
    %c0_i32_0 = arith.constant 0 : i32
    %c0_i32_1 = arith.constant 0 : i32
    return %c0_i32, %c0_i32_0 : i32, i32
  }
  func.func @transform_3(%arg0: i32) -> (i32, i32) {
    %c0_i32 = arith.constant 0 : i32
    %c0_i32_0 = arith.constant 0 : i32
    %c0_i32_1 = arith.constant 0 : i32
    return %c0_i32, %c0_i32_0 : i32, i32
  }
  func.func @transform_4(%arg0: i32) -> (i32, i32) {
    %c0_i32 = arith.constant 0 : i32
    %c0_i32_0 = arith.constant 0 : i32
    %c0_i32_1 = arith.constant 0 : i32
    return %c0_i32, %c0_i32_0 : i32, i32
  }
  func.func @transform_5(%arg0: i32) -> (i32, i32) {
    %c0_i32 = arith.constant 0 : i32
    %c0_i32_0 = arith.constant 0 : i32
    %c0_i32_1 = arith.constant 0 : i32
    return %c0_i32, %c0_i32_0 : i32, i32
  }
  func.func @transform_6(%arg0: i32) -> (i32, i32) {
    %c0_i32 = arith.constant 0 : i32
    %c0_i32_0 = arith.constant 0 : i32
    %c0_i32_1 = arith.constant 0 : i32
    return %c0_i32, %c0_i32_0 : i32, i32
  }
  func.func @transform_7(%arg0: i32) -> (i32, i32) {
    %c0_i32 = arith.constant 0 : i32
    %c0_i32_0 = arith.constant 0 : i32
    return %arg0, %c0_i32 : i32, i32
  }
}

</mosaic_0001>

<sc_bundles>
// kernel: kernel.10.cloned.1.call-start
scs
__scs_entry_jumppad:
0x0: {  	(pc) =	sbr.rel $0x88, $3  }
0x1: {  	(tag) =	ssettag $0x0;
	lr =	simm.s32 $0x1  }
0x2: {  	[smem:$0x3F86] =	sst lr;
	_ =	strace $0xD0000000  }
0x3: {  	_ = 	snop  }
0x4: {  	_ = 	snop  }
0x5: {  	_ = 	snop  }
0x6: {  	_ = 	snop  }
0x7: {  	_ = 	snop  }
__scs_overlays_trampoline_lowered:
0x8: {  	[smem:$0x3F95] =	sst s0  }
0x9: {  	[smem:$0x3F96] =	sst s1  }
0xa: {  	[smem:$0x3F97] =	sst s2  }
0xb: {  	[smem:$0x3F98] =	sst s3  }
0xc: {  	[smem:$0x3F99] =	sst s4  }
0xd: {  	[smem:$0x3F9A] =	sst s5  }
0xe: {  	[smem:$0x3F9B] =	sst s6  }
0xf: {  	[smem:$0x3F9C] =	sst s7  }
0x10: {  	[smem:$0x3F9D] =	sst s8  }
0x11: {  	[smem:$0x3F9E] =	sst s9;
	s0 =	simm.s32 @!p0 $0x0  }
0x12: {  	s1 =	sld [smem:$0x3F84];
	s0 =	simm.s32 @p0 $0x1  }
0x13: {  	[smem:$0x3F9F] =	sst s0;
	s0 =	simm.s32 @!p1 $0x0  }
0x14: {  	s2 =	sld [smem:$0x3F83];
	s0 =	simm.s32 @p1 $0x1  }
0x15: {  	[smem:$0x3FA0] =	sst s0;
	s0 =	simm.s32 @!p2 $0x0  }
0x16: {  	s3 =	sld [smem:$0x3FDB];
	s0 =	simm.s32 @p2 $0x1  }
0x17: {  	s4 =	simm.s32 $0x1BF5;
	[smem:$0x3FA2] =	sst s0  }
0x18: {  	s0 =	sld [smem:$0x3F85];
	_ =	swait.ge [sflag:s4], $0x0  }
0x19: {  	s7 =	sld [smem:$0x3F86]  }
0x1a: {  	s8 =	sadd.s32 $0xFFFFE003, lr  }
0x1b: {  	s9 =	sadd.s32 $0xFFFFFEF7, lr;
	s5 =	simm.s32 $0xFFFFFFFF;
	p2 =	slt.u32 s8, $0xFFFFF086  }
0x1c: {  	p1 =	slt.u32 s9, $0xF7A;
	s5 =	simm.s32 @!p2 $0x0  }
0x1d: {  	s5 =	simm.s32 @p1 $0x1;
	p0 =	seq.s32 s7, s2  }
0x1e: {  	s7 =	smul.u32 @!p0 $0xF7A, s2;
	p2 =	seq.s32 @!p0 s5, $0x0  }
0x1f: {  	s9 =	smul.u32 $0xF7A, s1;
	s8 =	simm.s32 @!p0 $0x1BF5;
	p2 =	por !p2, p0  }
0x20: {  	[sflag:s8] =	ssyncset.s32 @!p0 $0xFFFFF086;
	s6 =	sadd.s32 @!p0 s3, s7;
	s7 =	simm.s32 @!p0 $0x108  }
0x21: {  	s3 =	sadd.s32 s3, s9;
	s6 =	sadd.s32 @!p0 $0x88, s6;
	s7 =	simm.s32 @p2 $0x1082  }
0x22: {  	[simem:s7], [sflag:s8] =	dma.local @!p0 [hbm:s6], $0xF7A  }
0x23: {  	s9 =	sor.u32 $0xD0000000, s2;
	s6 =	simm.s32 $0x108;
	_ =	swait.ge @!p0 [sflag:s8], $0x0  }
0x24: {  	s3 =	sadd.s32 $0x88, s3;
	s6 =	simm.s32 @!p1 $0x1082;
	[sflag:s4] =	ssyncset.s32 $0xFFFFF086  }
0x25: {  	[simem:s6], [sflag:s4] =	dma.local [hbm:s3], $0xF7A  }
0x26: {  	[smem:$0x3F86] =	sst s1;
	(tag) =	ssettag s2;
	_ =	strace s9  }
0x27: {  	s1 =	sld [smem:$0x3F96]  }
0x28: {  	s2 =	sld [smem:$0x3F97]  }
0x29: {  	s4 =	sld [smem:$0x3F99]  }
0x2a: {  	p0 =	seq.s32 s5, $0x0;
	s5 =	sld [smem:$0x3F9A]  }
0x2b: {  	s6 =	sld [smem:$0x3F9B]  }
0x2c: {  	s7 =	sld [smem:$0x3F9C]  }
0x2d: {  	s3 =	simm.s32 $0x108;
	s8 =	sld [smem:$0x3F9D]  }
0x2e: {  	s3 =	simm.s32 @!p0 $0x1082;
	s9 =	sld [smem:$0x3F9E]  }
0x2f: {  	lr =	sadd.s32 s0, s3;
	s0 =	sld [smem:$0x3F95]  }
0x30: {  	s3 =	sld [smem:$0x3F98]  }
0x31: {  	[smem:$0x3FA1] =	sst s10  }
0x32: {  	s10 =	sld [smem:$0x3F9F];
	_ =	sdelay $0x3  }
0x33: {  	p0 =	seq.s32 s10, $0x1;
	s10 =	sld [smem:$0x3FA1];
	_ =	sdelay $0x3  }
0x34: {  	[smem:$0x3FA1] =	sst s10  }
0x35: {  	s10 =	sld [smem:$0x3FA0];
	_ =	sdelay $0x3  }
0x36: {  	p1 =	seq.s32 s10, $0x1;
	s10 =	sld [smem:$0x3FA1];
	_ =	sdelay $0x3  }
0x37: {  	[smem:$0x3FA1] =	sst s10  }
0x38: {  	s10 =	sld [smem:$0x3FA2]  }
0x39: {  	_ = 	snop;
	(pc) =	sbr.ind lr, $3  }
0x3a: {  	_ = 	snop  }
0x3b: {  	_ = 	snop  }
0x3c: {  	p2 =	seq.s32 s10, $0x1;
	s10 =	sld [smem:$0x3FA1]  }
0x3d: {  	_ =	shalt  }
0x3e: {  	_ =	shalt  }
0x3f: {  	_ =	shalt  }
0x40: {  	_ =	shalt  }
0x41: {  	_ =	shalt  }
0x42: {  	_ =	shalt  }
0x43: {  	_ =	shalt  }
0x44: {  	_ =	shalt  }
0x45: {  	_ =	shalt  }
0x46: {  	_ =	shalt  }
0x47: {  	_ =	shalt  }
0x48: {  	_ =	shalt  }
0x49: {  	_ =	shalt  }
0x4a: {  	_ =	shalt  }
0x4b: {  	_ =	shalt  }
0x4c: {  	_ =	shalt  }
0x4d: {  	_ =	shalt  }
0x4e: {  	_ =	shalt  }
0x4f: {  	_ =	shalt  }
0x50: {  	_ =	shalt  }
0x51: {  	_ =	shalt  }
0x52: {  	_ =	shalt  }
0x53: {  	_ =	shalt  }
0x54: {  	_ =	shalt  }
0x55: {  	_ =	shalt  }
0x56: {  	_ =	shalt  }
0x57: {  	_ =	shalt  }
0x58: {  	_ =	shalt  }
0x59: {  	_ =	shalt  }
0x5a: {  	_ =	shalt  }
0x5b: {  	_ =	shalt  }
0x5c: {  	_ =	shalt  }
0x5d: {  	_ =	shalt  }
0x5e: {  	_ =	shalt  }
0x5f: {  	_ =	shalt  }
0x60: {  	_ =	shalt  }
0x61: {  	_ =	shalt  }
0x62: {  	_ =	shalt  }
0x63: {  	_ =	shalt  }
0x64: {  	_ =	shalt  }
0x65: {  	_ =	shalt  }
0x66: {  	_ =	shalt  }
0x67: {  	_ =	shalt  }
0x68: {  	_ =	shalt  }
0x69: {  	_ =	shalt  }
0x6a: {  	_ =	shalt  }
0x6b: {  	_ =	shalt  }
0x6c: {  	_ =	shalt  }
0x6d: {  	_ =	shalt  }
0x6e: {  	_ =	shalt  }
0x6f: {  	_ =	shalt  }
0x70: {  	_ =	shalt  }
0x71: {  	_ =	shalt  }
0x72: {  	_ =	shalt  }
0x73: {  	_ =	shalt  }
0x74: {  	_ =	shalt  }
0x75: {  	_ =	shalt  }
0x76: {  	_ =	shalt  }
0x77: {  	_ =	shalt  }
0x78: {  	_ =	shalt  }
0x79: {  	_ =	shalt  }
0x7a: {  	_ =	shalt  }
0x7b: {  	_ =	shalt  }
0x7c: {  	_ =	shalt  }
0x7d: {  	_ =	shalt  }
0x7e: {  	_ =	shalt  }
0x7f: {  	_ =	shalt  }
0x80: {  	_ =	shalt  }
0x81: {  	_ =	shalt  }
0x82: {  	_ =	shalt  }
0x83: {  	_ =	shalt  }
0x84: {  	_ =	shalt  }
0x85: {  	_ =	shalt  }
0x86: {  	_ =	shalt  }
0x87: {  	_ =	shalt  }
.Lfunc_end0:
.L_simem_size_0:
called_computation.1_lowered:
.L_overlay_start_0:
0x88: {  	s2 =	sld [smem:$0x3FD9]  }
0x89: {  	s3 =	sld [smem:$0x3FFE];
	_ =	sdelay $0x1  }
0x8a: {  	s1 =	srdreg.scid  }
0x8b: {  	s0 =	sand.u32 $0x1, s1  }
0x8c: {  	s16 =	sshll.u32 s0, $0xA;
	s2 =	sadd.s32 s3, s2  }
0x8d: {  	s2 =	sadd.s32 s2, s16  }
0x8e: {  	[smem:$0x3FAD] =	sst s2  }
0x8f: {  	_ = 	snop  }
0x90: {  	(tm) =	ssettm $0x1  }
0x91: {  	s17 =	sld [smem:$0x3FFB];
	_ =	sdelay $0x3  }
0x92: {  	_ =	strace s17  }
0x93: {  	s2 =	sld [smem:$0x3FFC];
	_ =	sdelay $0x3  }
0x94: {  	_ =	strace s2  }
0x95: {  	s2 =	sld [smem:$0x3FFD];
	_ =	sdelay $0x3  }
0x96: {  	_ =	strace s2  }
0x97: {  	_ =	strace $0x8FFFFFFF  }
0x98: {  	s18 =	sld [smem:$0x3FDB];
	_ =	sdelay $0x1  }
0x99: {  	s19 =	simm.s32 $_scs_section_size  }
0x9a: {  	s4 =	simm.s32 $_size__tile_overlayer_lowered;
	s5 =	simm.s32 $_tile_overlayer_lowered  }
0x9b: {  	s22 =	simm.s32 $0x1BFF;
	s21 =	sshll.u32 s5, $0x1;
	s2 =	sadd.s32 s19, s18  }
0x9c: {  	s6 =	simm.s32 $0x0;
	s20 =	sshll.u32 s4, $0x1;
	s4 =	sadd.s32 s21, s2  }
0x9d: {  	[timem:s6], [sflag:s22] =	dma.local [hbm:s4], s20  }
0x9e: {  	_ =	swait.ge [sflag:s22], s20  }
0x9f: {  	s3 =	ssub.s32 $0x0, s20;
	[sflag:s22] =	ssyncset.done $0x0  }
0xa0: {  	[sflag:s22] =	ssyncadd.s32 s3;
	_ =	sdelay $0x1  }
0xa1: {  	s23 =	simm.s32 $0x1B8B  }
0xa2: {  	_ =	swait.ge [sflag:s23], $0x1  }
0xa3: {  	[sflag:s23] =	ssyncset.done $0x0  }
0xa4: {  	s25 =	simm.s32 $0x1B8E;
	s24 =	sld [smem:$0x3FFE];
	[sflag:s23] =	ssyncadd.s32 $0xFFFFFFFF  }
0xa5: {  	s26 =	simm.s32 $execute0_lowered;
	[smem:$0x3FD2] =	sst s25  }
0xa6: {  	s4 =	sshll.u32 s26, $0x1;
	_ =	strace $0x80000049;
	[dreg:$0x1] =	wrdreg $0xFFFFFFFF  }
0xa7: {  	s28 =	simm.s32 $_size_execute0_lowered;
	s2 =	sadd.s32 s2, s4;
	[dreg:$0x0] =	wrdreg $0x0  }
0xa8: {  	s4 =	sshll.u32 s28, $0x1;
	[dreg:$0x2] =	wrdreg s2  }
0xa9: {  	[dreg:$0x3] =	wrdreg s4  }
0xaa: {  	[dreg:$0x4] =	wrdreg $0xC0  }
0xab: {  	_ =	task [dreg:s6], $0x5FFFF  }
0xac: {  	[dreg:$0x1] =	wrdreg $0xFFFFFFFF  }
0xad: {  	[dreg:$0x0] =	wrdreg $0x60  }
0xae: {  	[dreg:$0x2] =	wrdreg s24  }
0xaf: {  	[dreg:$0x3] =	wrdreg $0xB8000  }
0xb0: {  	[dreg:$0x4] =	wrdreg $0x9  }
0xb1: {  	_ =	task.clear_ibuf [dreg:s6], $0x5FFFF;
	_ =	strace $0x90000049  }
0xb2: {  	s29 =	simm.s32 $0x9;
	_ =	strace $0x8000004B  }
0xb3: {  	_ =	swait.ge [sflag:s29], $0x1  }
0xb4: {  	[sflag:s29] =	ssyncadd.s32 $0xFFFFFFFF  }
0xb5: {  	_ =	strace $0x9000004B  }
0xb6: {  	_ =	sfence  }
0xb7: {  	s30 =	sld [smem:$0x0];
	_ =	sdelay $0x2  }
0xb8: {  	s31 =	sshll.u32 s1, $0xD;
	s1 =	sshrl.u32 s1, $0x2  }
0xb9: {  	s3 =	sand.u32 $0x4000, s31;
	s1 =	sadd.s32 s1, s30  }
0xba: {  	s0 =	sor.u32 s3, s0;
	s1 =	sshll.u32 s1, $0x11  }
0xbb: {  	s0 =	sor.u32 s1, s0  }
0xbc: {  	s0 =	sadd.s32 $0x8F2B, s0  }
0xbd: {  	[sflag:s0] =	ssyncadd.remote.s32 $0x1  }
0xbe: {  	_ =	sfence.sel $0xFFFF  }
0xbf: {  	[dreg:$0x0] =	wrdreg $0xFFFFFFFF;
	(pc) =	sbr.abs _section_cstart, $3  }
0xc0: {  	[dreg:$0x1] =	wrdreg $0xFFFFFFFF  }
0xc1: {  	_ =	task.clear_ibuf [dreg:s6], $0x2FFFF;
	_ =	strace $0x9FFFFFFF  }
0xc2: {  	(tm) =	ssettm $0x7FFFFFFF  }
0xc3: {  	_ =	shalt  }
tec
execute0_lowered:
.L_overlay_start_1:
0x0: {  	(tag) =	ssettag $0x1  }
0x1: {  	s0 =	srdreg.scid  }
0x2: {  	s12 =	stileid.u32;
	s1 =	rddreg [dreg:$0x0]  }
0x3: {  	s2 =	rddreg [dreg:$0x1];
	s4 =	smul.u32 $0x14000, s12  }
0x4: {  	s3 =	simm.s32 $0x0;
	s28 =	simm.s32 $0x300;
	s6 =	smul.u32 $0xC000, s12  }
0x5: {  	s29 =	simm.s32 $0x380;
	s7 =	sand.u32 $0x1, s0;
	s11 =	smul.u32 $0x50000, s12  }
0x6: {  	s30 =	simm.s32 $0x400;
	s31 =	simm.s32 $0x480;
	s0 =	smul.u32 $0x140000, s7  }
0x7: {  	[smem:$0x7FF] =	sst s3;
	s14 =	sshll.u32 s12, $0x6;
	s5 =	smul.u32 $0xC0000, s7  }
0x8: {  	_ =	strace $0x8000004A;
	s10 =	sshll.u32 s7, $0xE;
	s13 =	ssub.s32 $0x2, s7  }
0x9: {  	s7 =	sshll.u32 s7, $0xA;
	s0 =	sadd.s32 s4, s0;
	s5 =	sadd.s32 s6, s5  }
0xa: {  	s4 =	sadd.s32 $0x33800, s1;
	s0 =	sshrl.u32 s0, $0x3;
	s9 =	sshrl.u32 s5, $0x3  }
0xb: {  	s5 =	sshrl.u32 s11, $0x2;
	s11 =	smul.u32 $0x188000, s12;
	s8 =	sadd.s32 s0, s1  }
0xc: {  	s9 =	sadd.s32 s9, s1;
	s0 =	sadd.s32 s10, s1;
	s10 =	sshrl.u32 s13, $0x1  }
0xd: {  	s1 =	sadd.s32 $0x12B800, s1;
	s5 =	sadd.s32 s5, s2;
	s6 =	ssub.s32 s13, s10  }
0xe: {  	s8 =	sadd.s32 $0x83800, s8;
	s7 =	ssub.s32 s11, s7;
	s9 =	sadd.s32 $0x3800, s9  }
0xf: {  	[smem:$0x7F8] =	sst s8;
	s8 =	sor.u32 $0x1C07, s14;
	s15 =	sadd.s32 $0x5B400, s7  }
0x10: {  	s11 =	sadd.s32 $0x54400, s7;
	[dreg:$0x3] =	wrdreg s9;
	s19 =	sadd.s32 $0x4D400, s7  }
0x11: {  	s21 =	sadd.s32 $0x46400, s7;
	s22 =	sadd.s32 $0x3F400, s7;
	s26 =	sadd.s32 $0x38400, s7  }
0x12: {  	s13 =	sadd.s32 $0x2A400, s7;
	s6 =	smax.u32 s6, $0x1;
	[smem:$0x7F9] =	sst s8  }
0x13: {  	s8 =	sshll.u32 s12, $0xA;
	s10 =	sshrl.u32 s15, $0x3;
	s17 =	sshrl.u32 s11, $0x3  }
0x14: {  	s20 =	sshrl.u32 s19, $0x3;
	s24 =	sshrl.u32 s22, $0x3;
	s11 =	sshrl.u32 s26, $0x3  }
0x15: {  	s12 =	sadd.s32 $0x31400, s7;
	s15 =	sshrl.u32 s13, $0x3;
	s19 =	sadd.s32 $0x1C400, s7  }
0x16: {  	s26 =	sadd.s32 $0x7400, s7;
	[smem:$0x7FA] =	sst s6;
	s13 =	simm.s32 $0x900  }
0x17: {  	s6 =	simm.s32 $0x680;
	s16 =	sadd.s32 s10, s1;
	s18 =	sadd.s32 s17, s1  }
0x18: {  	s9 =	sadd.s32 s20, s1;
	s10 =	sshrl.u32 s21, $0x3;
	[dreg:$0x5] =	wrdreg s13  }
0x19: {  	s25 =	sadd.s32 s24, s1;
	s17 =	sadd.s32 $0x23400, s7;
	[dreg:$0x13] =	wrdreg s16  }
0x1a: {  	s20 =	sadd.s32 $0x15400, s7;
	s24 =	sadd.s32 $0xE400, s7;
	[dreg:$0x14] =	wrdreg s18  }
0x1b: {  	s7 =	sadd.s32 $0x400, s7;
	s0 =	sadd.s32 s8, s0;
	[dreg:$0x15] =	wrdreg s9  }
0x1c: {  	s13 =	simm.s32 $0x1000;
	s23 =	sadd.s32 s10, s1;
	[dreg:$0x17] =	wrdreg s25  }
0x1d: {  	s8 =	simm.s32 $0x0;
	s9 =	sadd.s32 s11, s1;
	[dreg:$0x16] =	wrdreg s23  }
0x1e: {  	s10 =	sshrl.u32 s12, $0x3;
	s16 =	sadd.s32 s15, s1;
	[dreg:$0x18] =	wrdreg s9  }
0x1f: {  	s18 =	sshrl.u32 s17, $0x3;
	s0 =	sadd.s32 $0x123800, s0;
	[dreg:$0x1a] =	wrdreg s16  }
0x20: {  	s22 =	sshrl.u32 s20, $0x3;
	s11 =	sshrl.u32 s5, $0x3;
	[smem:$0x7FC] =	sst s0  }
0x21: {  	s25 =	sshrl.u32 s24, $0x3;
	s12 =	simm.s32 $0x880;
	[smem:$0x7FD] =	sst s11  }
0x22: {  	s7 =	sshrl.u32 s7, $0x3;
	s15 =	simm.s32 $0xA00;
	[dreg:$0x4] =	wrdreg s12  }
0x23: {  	s17 =	simm.s32 $0xB00;
	s20 =	simm.s32 $0xC80;
	[dreg:$0x7] =	wrdreg s15  }
0x24: {  	s24 =	simm.s32 $0x700;
	s5 =	simm.s32 $0x600;
	[dreg:$0x9] =	wrdreg s17  }
0x25: {  	s14 =	sadd.s32 s10, s1;
	s9 =	sadd.s32 s18, s1;
	[dreg:$0xc] =	wrdreg s20  }
0x26: {  	s10 =	sshrl.u32 s19, $0x3;
	s23 =	sadd.s32 s22, s1;
	[dreg:$0x10] =	wrdreg s24  }
0x27: {  	s11 =	simm.s32 $0x800;
	s12 =	simm.s32 $0x70;
	[dreg:$0x19] =	wrdreg s14  }
0x28: {  	s16 =	simm.s32 $0xA80;
	s15 =	simm.s32 $0x4800;
	[dreg:$0x1b] =	wrdreg s9  }
0x29: {  	s18 =	simm.s32 $0xB80;
	s17 =	simm.s32 $0x100;
	[dreg:$0x1d] =	wrdreg s23  }
0x2a: {  	s19 =	simm.s32 $0xC00;
	s20 =	simm.s32 $0x4;
	[dreg:$0x8] =	wrdreg s16  }
0x2b: {  	s22 =	simm.s32 $0xD80;
	s24 =	simm.s32 $0x200;
	[dreg:$0xa] =	wrdreg s18  }
0x2c: {  	s0 =	simm.s32 $0x580;
	s21 =	sadd.s32 s10, s1;
	[dreg:$0xb] =	wrdreg s19  }
0x2d: {  	s9 =	sadd.s32 s25, s1;
	s10 =	sshrl.u32 s26, $0x3;
	[dreg:$0xe] =	wrdreg s22  }
0x2e: {  	s14 =	simm.s32 $0x980;
	s16 =	simm.s32 $0x1;
	[dreg:$0x1c] =	wrdreg s21  }
0x2f: {  	s18 =	simm.s32 $0x8000;
	s19 =	simm.s32 $0x2;
	[dreg:$0x1e] =	wrdreg s9  }
0x30: {  	s23 =	simm.s32 $0xE00;
	s22 =	simm.s32 $0x3;
	[dreg:$0x6] =	wrdreg s14  }
0x31: {  	s25 =	simm.s32 $0xE80;
	s26 =	simm.s32 $0xF00;
	[dreg:$0xf] =	wrdreg s23  }
0x32: {  	s10 =	sadd.s32 s10, s1;
	s1 =	sadd.s32 s7, s1;
	[dreg:$0x11] =	wrdreg s25  }
0x33: {  	s14 =	simm.s32 $0x80;
	s21 =	simm.s32 $0xD00;
	[dreg:$0x12] =	wrdreg s26  }
0x34: {  	s23 =	simm.s32 $0x5;
	s25 =	simm.s32 $0x6;
	[dreg:$0x1f] =	wrdreg s10  }
0x35: {  	s26 =	simm.s32 $0x280;
	[smem:$0x7FB] =	sst s1;
	s10 =	simm.s32 $0x7  }
0x36: {  	[dreg:$0xd] =	wrdreg s21;
	s21 =	simm.s32 $0x180;
	s1 =	simm.s32 $0x500  }
.LBB2_1:
0x37: {  	[smem:$0x7F7] =	sst s8  }
0x38: {  	s7 =	sld [smem:$0x7F8]  }
0x39: {  	s8 =	sld [smem:$0x7F9]  }
0x3a: {  	s9 =	sld [smem:$0x7FD];
	_ =	sdelay $0x2  }
0x3b: {  	[spmem:s9], [sflag:s8] =	dma.local [hbm:s7], $0x2800  }
0x3c: {  	_ =	swait.ge [sflag:s10], $0x2800  }
0x3d: {  	[sflag:s10] =	ssyncset.done $0x0  }
0x3e: {  	[sflag:s10] =	ssyncadd.s32 $0xFFFFD800  }
0x3f: {  	[bflag:$0x0] =	sbarrier.arrive $0xFFFF  }
0x40: {  	s9 =	rddreg [dreg:$0x3]  }
0x41: {  	s7 =	sadd.s32 $0x0, s9  }
0x42: {  	[tilespmem:s3], [sflag:$0x7] =	stream.linear.gather [hbm4b:s7+s3], $0x780, $0x38;
	[tilespmem:$0x1F800] =	vst v63  }
0x43: {  	s7 =	sadd.s32 $0x100, s7  }
0x44: {  	[tilespmem:s11], [sflag:$0x7] =	stream.linear.gather [hbm4b:s7+s3], $0x780, $0x38;
	[tilespmem:$0x1F800] =	vst v63  }
0x45: {  	_ =	swait.ge [sflag:s10], $0xF00  }
0x46: {  	[sflag:s10] =	ssyncset.done $0x0  }
0x47: {  	[sflag:s10] =	ssyncadd.s32 $0xFFFFF100  }
0x48: {  	[tilespmem:s13], [sflag:$0x1] =	stream.indirect.gather [hbm4b:s4+s12], $0x80, s3, s12, $0xb8;
	[tilespmem:$0x1F800] =	vst v63  }
0x49: {  	_ = 	snop  }
0x4a: {  	[tilespmem:s15], [sflag:$0x2] =	stream.indirect.gather [hbm4b:s4+s12], $0x80, s14, s12, $0xb8;
	[tilespmem:$0x1F800] =	vst v63  }
0x4b: {  	_ =	swait.ge [sflag:s16], $0x3800  }
0x4c: {  	[sflag:s16] =	ssyncset.done $0x0  }
0x4d: {  	[sflag:s16] =	ssyncadd.s32 $0xFFFFC800  }
0x4e: {  	[spmem:s2] =	stream.indirect.scatter.add.f32 [tilespmem:s13], [sflag:$0x4], $0x80, s11, s12, $0xb8;
	[tilespmem:$0x1F800] =	vst v63  }
0x4f: {  	_ = 	snop  }
0x50: {  	[tilespmem:s18], [sflag:$0x3] =	stream.indirect.gather [hbm4b:s4+s12], $0x80, s17, s12, $0xb8;
	[tilespmem:$0x1F800] =	vst v63  }
0x51: {  	_ =	swait.ge [sflag:s19], $0x3800  }
0x52: {  	[sflag:s19] =	ssyncset.done $0x0  }
0x53: {  	s8 =	rddreg [dreg:$0x4];
	[sflag:s19] =	ssyncadd.s32 $0xFFFFC800  }
0x54: {  	[spmem:s2] =	stream.indirect.scatter.add.f32 [tilespmem:s15], [sflag:$0x5], $0x80, s8, s12, $0xb8;
	[tilespmem:$0x1F800] =	vst v63  }
0x55: {  	_ =	swait.ge [sflag:s20], $0x3800  }
0x56: {  	[sflag:s20] =	ssyncset.done $0x0  }
0x57: {  	[sflag:s20] =	ssyncadd.s32 $0xFFFFC800  }
0x58: {  	[tilespmem:s13], [sflag:$0x1] =	stream.indirect.gather [hbm4b:s4+s12], $0x80, s21, s12, $0xb8;
	[tilespmem:$0x1F800] =	vst v63  }
0x59: {  	_ =	swait.ge [sflag:s22], $0x3800  }
0x5a: {  	[sflag:s22] =	ssyncset.done $0x0  }
0x5b: {  	s9 =	rddreg [dreg:$0x5];
	[sflag:s22] =	ssyncadd.s32 $0xFFFFC800  }
0x5c: {  	[spmem:s2] =	stream.indirect.scatter.add.f32 [tilespmem:s18], [sflag:$0x6], $0x80, s9, s12, $0xb8;
	[tilespmem:$0x1F800] =	vst v63  }
0x5d: {  	_ =	swait.ge [sflag:s23], $0x3800  }
0x5e: {  	[sflag:s23] =	ssyncset.done $0x0  }
0x5f: {  	[sflag:s23] =	ssyncadd.s32 $0xFFFFC800  }
0x60: {  	[tilespmem:s15], [sflag:$0x2] =	stream.indirect.gather [hbm4b:s4+s12], $0x80, s24, s12, $0xb8;
	[tilespmem:$0x1F800] =	vst v63  }
0x61: {  	_ =	swait.ge [sflag:s16], $0x3800  }
0x62: {  	[sflag:s16] =	ssyncset.done $0x0  }
0x63: {  	s14 =	rddreg [dreg:$0x6];
	[sflag:s16] =	ssyncadd.s32 $0xFFFFC800  }
0x64: {  	[spmem:s2] =	stream.indirect.scatter.add.f32 [tilespmem:s13], [sflag:$0x4], $0x80, s14, s12, $0xb8;
	[tilespmem:$0x1F800] =	vst v63  }
0x65: {  	_ =	swait.ge [sflag:s25], $0x3800  }
0x66: {  	[sflag:s25] =	ssyncset.done $0x0  }
0x67: {  	[sflag:s25] =	ssyncadd.s32 $0xFFFFC800  }
0x68: {  	[tilespmem:s18], [sflag:$0x3] =	stream.indirect.gather [hbm4b:s4+s12], $0x80, s26, s12, $0xb8;
	[tilespmem:$0x1F800] =	vst v63  }
0x69: {  	_ =	swait.ge [sflag:s19], $0x3800  }
0x6a: {  	[sflag:s19] =	ssyncset.done $0x0  }
0x6b: {  	s8 =	rddreg [dreg:$0x7];
	[sflag:s19] =	ssyncadd.s32 $0xFFFFC800  }
0x6c: {  	[spmem:s2] =	stream.indirect.scatter.add.f32 [tilespmem:s15], [sflag:$0x5], $0x80, s8, s12, $0xb8;
	[tilespmem:$0x1F800] =	vst v63  }
0x6d: {  	_ =	swait.ge [sflag:s20], $0x3800  }
0x6e: {  	[sflag:s20] =	ssyncset.done $0x0  }
0x6f: {  	[sflag:s20] =	ssyncadd.s32 $0xFFFFC800  }
0x70: {  	[tilespmem:s13], [sflag:$0x1] =	stream.indirect.gather [hbm4b:s4+s12], $0x80, s28, s12, $0xb8;
	[tilespmem:$0x1F800] =	vst v63  }
0x71: {  	_ =	swait.ge [sflag:s22], $0x3800  }
0x72: {  	[sflag:s22] =	ssyncset.done $0x0  }
0x73: {  	s9 =	rddreg [dreg:$0x8];
	[sflag:s22] =	ssyncadd.s32 $0xFFFFC800  }
0x74: {  	[spmem:s2] =	stream.indirect.scatter.add.f32 [tilespmem:s18], [sflag:$0x6], $0x80, s9, s12, $0xb8;
	[tilespmem:$0x1F800] =	vst v63  }
0x75: {  	_ =	swait.ge [sflag:s23], $0x3800  }
0x76: {  	[sflag:s23] =	ssyncset.done $0x0  }
0x77: {  	[sflag:s23] =	ssyncadd.s32 $0xFFFFC800  }
0x78: {  	[tilespmem:s15], [sflag:$0x2] =	stream.indirect.gather [hbm4b:s4+s12], $0x80, s29, s12, $0xb8;
	[tilespmem:$0x1F800] =	vst v63  }
0x79: {  	_ =	swait.ge [sflag:s16], $0x3800  }
0x7a: {  	[sflag:s16] =	ssyncset.done $0x0  }
0x7b: {  	s14 =	rddreg [dreg:$0x9];
	[sflag:s16] =	ssyncadd.s32 $0xFFFFC800  }
0x7c: {  	[spmem:s2] =	stream.indirect.scatter.add.f32 [tilespmem:s13], [sflag:$0x4], $0x80, s14, s12, $0xb8;
	[tilespmem:$0x1F800] =	vst v63  }
0x7d: {  	_ =	swait.ge [sflag:s25], $0x3800  }
0x7e: {  	[sflag:s25] =	ssyncset.done $0x0  }
0x7f: {  	[sflag:s25] =	ssyncadd.s32 $0xFFFFC800  }
0x80: {  	[tilespmem:s18], [sflag:$0x3] =	stream.indirect.gather [hbm4b:s4+s12], $0x80, s30, s12, $0xb8;
	[tilespmem:$0x1F800] =	vst v63  }
0x81: {  	_ =	swait.ge [sflag:s19], $0x3800  }
0x82: {  	[sflag:s19] =	ssyncset.done $0x0  }
0x83: {  	s8 =	rddreg [dreg:$0xa];
	[sflag:s19] =	ssyncadd.s32 $0xFFFFC800  }
0x84: {  	[spmem:s2] =	stream.indirect.scatter.add.f32 [tilespmem:s15], [sflag:$0x5], $0x80, s8, s12, $0xb8;
	[tilespmem:$0x1F800] =	vst v63  }
0x85: {  	_ =	swait.ge [sflag:s20], $0x3800  }
0x86: {  	[sflag:s20] =	ssyncset.done $0x0  }
0x87: {  	[sflag:s20] =	ssyncadd.s32 $0xFFFFC800  }
0x88: {  	[tilespmem:s13], [sflag:$0x1] =	stream.indirect.gather [hbm4b:s4+s12], $0x80, s31, s12, $0xb8;
	[tilespmem:$0x1F800] =	vst v63  }
0x89: {  	_ =	swait.ge [sflag:s22], $0x3800  }
0x8a: {  	[sflag:s22] =	ssyncset.done $0x0  }
0x8b: {  	s9 =	rddreg [dreg:$0xb];
	[sflag:s22] =	ssyncadd.s32 $0xFFFFC800  }
0x8c: {  	[spmem:s2] =	stream.indirect.scatter.add.f32 [tilespmem:s18], [sflag:$0x6], $0x80, s9, s12, $0xb8;
	[tilespmem:$0x1F800] =	vst v63  }
0x8d: {  	_ =	swait.ge [sflag:s23], $0x3800  }
0x8e: {  	[sflag:s23] =	ssyncset.done $0x0  }
0x8f: {  	[sflag:s23] =	ssyncadd.s32 $0xFFFFC800  }
0x90: {  	[tilespmem:s15], [sflag:$0x2] =	stream.indirect.gather [hbm4b:s4+s12], $0x80, s1, s12, $0xb8;
	[tilespmem:$0x1F800] =	vst v63  }
0x91: {  	_ =	swait.ge [sflag:s16], $0x3800  }
0x92: {  	[sflag:s16] =	ssyncset.done $0x0  }
0x93: {  	s14 =	rddreg [dreg:$0xc];
	[sflag:s16] =	ssyncadd.s32 $0xFFFFC800  }
0x94: {  	[spmem:s2] =	stream.indirect.scatter.add.f32 [tilespmem:s13], [sflag:$0x4], $0x80, s14, s12, $0xb8;
	[tilespmem:$0x1F800] =	vst v63  }
0x95: {  	_ =	swait.ge [sflag:s25], $0x3800  }
0x96: {  	[sflag:s25] =	ssyncset.done $0x0  }
0x97: {  	[sflag:s25] =	ssyncadd.s32 $0xFFFFC800  }
0x98: {  	[tilespmem:s18], [sflag:$0x3] =	stream.indirect.gather [hbm4b:s4+s12], $0x80, s0, s12, $0xb8;
	[tilespmem:$0x1F800] =	vst v63  }
0x99: {  	_ =	swait.ge [sflag:s19], $0x3800  }
0x9a: {  	[sflag:s19] =	ssyncset.done $0x0  }
0x9b: {  	s8 =	rddreg [dreg:$0xd];
	[sflag:s19] =	ssyncadd.s32 $0xFFFFC800  }
0x9c: {  	[spmem:s2] =	stream.indirect.scatter.add.f32 [tilespmem:s15], [sflag:$0x5], $0x80, s8, s12, $0xb8;
	[tilespmem:$0x1F800] =	vst v63  }
0x9d: {  	_ =	swait.ge [sflag:s20], $0x3800  }
0x9e: {  	[sflag:s20] =	ssyncset.done $0x0  }
0x9f: {  	[sflag:s20] =	ssyncadd.s32 $0xFFFFC800  }
0xa0: {  	[tilespmem:s13], [sflag:$0x1] =	stream.indirect.gather [hbm4b:s4+s12], $0x80, s5, s12, $0xb8;
	[tilespmem:$0x1F800] =	vst v63  }
0xa1: {  	_ =	swait.ge [sflag:s22], $0x3800  }
0xa2: {  	[sflag:s22] =	ssyncset.done $0x0  }
0xa3: {  	s9 =	rddreg [dreg:$0xe];
	[sflag:s22] =	ssyncadd.s32 $0xFFFFC800  }
0xa4: {  	[spmem:s2] =	stream.indirect.scatter.add.f32 [tilespmem:s18], [sflag:$0x6], $0x80, s9, s12, $0xb8;
	[tilespmem:$0x1F800] =	vst v63  }
0xa5: {  	_ =	swait.ge [sflag:s23], $0x3800  }
0xa6: {  	[sflag:s23] =	ssyncset.done $0x0  }
0xa7: {  	[sflag:s23] =	ssyncadd.s32 $0xFFFFC800  }
0xa8: {  	[tilespmem:s15], [sflag:$0x2] =	stream.indirect.gather [hbm4b:s4+s12], $0x80, s6, s12, $0xb8;
	[tilespmem:$0x1F800] =	vst v63  }
0xa9: {  	_ =	swait.ge [sflag:s16], $0x3800  }
0xaa: {  	[sflag:s16] =	ssyncset.done $0x0  }
0xab: {  	s14 =	rddreg [dreg:$0xf];
	[sflag:s16] =	ssyncadd.s32 $0xFFFFC800  }
0xac: {  	[spmem:s2] =	stream.indirect.scatter.add.f32 [tilespmem:s13], [sflag:$0x4], $0x80, s14, s12, $0xb8;
	[tilespmem:$0x1F800] =	vst v63  }
0xad: {  	_ =	swait.ge [sflag:s25], $0x3800  }
0xae: {  	[sflag:s25] =	ssyncset.done $0x0  }
0xaf: {  	s8 =	rddreg [dreg:$0x10];
	[sflag:s25] =	ssyncadd.s32 $0xFFFFC800  }
0xb0: {  	[tilespmem:s18], [sflag:$0x3] =	stream.indirect.gather [hbm4b:s4+s12], $0x80, s8, s12, $0xb8;
	[tilespmem:$0x1F800] =	vst v63  }
0xb1: {  	_ =	swait.ge [sflag:s19], $0x3800  }
0xb2: {  	[sflag:s19] =	ssyncset.done $0x0  }
0xb3: {  	s9 =	rddreg [dreg:$0x11];
	[sflag:s19] =	ssyncadd.s32 $0xFFFFC800  }
0xb4: {  	[spmem:s2] =	stream.indirect.scatter.add.f32 [tilespmem:s15], [sflag:$0x5], $0x80, s9, s12, $0xb8;
	[tilespmem:$0x1F800] =	vst v63  }
0xb5: {  	_ =	swait.ge [sflag:s22], $0x3800  }
0xb6: {  	[sflag:s22] =	ssyncset.done $0x0  }
0xb7: {  	s14 =	rddreg [dreg:$0x12];
	[sflag:s22] =	ssyncadd.s32 $0xFFFFC800  }
0xb8: {  	[spmem:s2] =	stream.indirect.scatter.add.f32 [tilespmem:s18], [sflag:$0x6], $0x80, s14, s12, $0xb8;
	[tilespmem:$0x1F800] =	vst v63  }
0xb9: {  	_ =	swait.ge [sflag:s20], $0x3800  }
0xba: {  	[sflag:s20] =	ssyncset.done $0x0  }
0xbb: {  	[sflag:s20] =	ssyncadd.s32 $0xFFFFC800  }
0xbc: {  	_ =	swait.ge [sflag:s23], $0x3800  }
0xbd: {  	[sflag:s23] =	ssyncset.done $0x0  }
0xbe: {  	[sflag:s23] =	ssyncadd.s32 $0xFFFFC800  }
0xbf: {  	s8 =	simm.s32 $0x400;
	_ =	swait.ge [sflag:s25], $0x3800  }
0xc0: {  	s9 =	simm.s32 $0x200;
	s7 =	rddreg [dreg:$0x3];
	[sflag:s25] =	ssyncset.done $0x0  }
.LBB2_2:
0xc1: {  	[sflag:s25] =	ssyncadd.s32 $0xFFFFC800;
	s7 =	sadd.s32 s9, s7  }
0xc2: {  	[tilespmem:s3], [sflag:$0x7] =	stream.linear.gather [hbm4b:s7+s3], $0x780, $0x38;
	[tilespmem:$0x1F800] =	vst v63  }
0xc3: {  	s7 =	sadd.s32 $0x100, s7  }
0xc4: {  	[tilespmem:s11], [sflag:$0x7] =	stream.linear.gather [hbm4b:s7+s3], $0x780, $0x38;
	[tilespmem:$0x1F800] =	vst v63  }
0xc5: {  	_ =	swait.ge [sflag:s10], $0xF00  }
0xc6: {  	[sflag:s10] =	ssyncset.done $0x0  }
0xc7: {  	s14 =	smov.u32 s8;
	[sflag:s10] =	ssyncadd.s32 $0xFFFFF100  }
0xc8: {  	[tilespmem:s13], [sflag:$0x1] =	stream.indirect.gather [hbm4b:s4+s12], $0x80, s3, s12, $0xb8;
	[tilespmem:$0x1F800] =	vst v63  }
0xc9: {  	s9 =	smov.u32 s14;
	s14 =	simm.s32 $0x80  }
0xca: {  	[tilespmem:s15], [sflag:$0x2] =	stream.indirect.gather [hbm4b:s4+s12], $0x80, s14, s12, $0xb8;
	[tilespmem:$0x1F800] =	vst v63  }
0xcb: {  	_ =	swait.ge [sflag:s16], $0x3800  }
0xcc: {  	[sflag:s16] =	ssyncset.done $0x0  }
0xcd: {  	[sflag:s16] =	ssyncadd.s32 $0xFFFFC800  }
0xce: {  	[spmem:s2] =	stream.indirect.scatter.add.f32 [tilespmem:s13], [sflag:$0x4], $0x80, s11, s12, $0xb8;
	[tilespmem:$0x1F800] =	vst v63  }
0xcf: {  	_ = 	snop  }
0xd0: {  	[tilespmem:s18], [sflag:$0x3] =	stream.indirect.gather [hbm4b:s4+s12], $0x80, s17, s12, $0xb8;
	[tilespmem:$0x1F800] =	vst v63  }
0xd1: {  	_ =	swait.ge [sflag:s19], $0x3800  }
0xd2: {  	[sflag:s19] =	ssyncset.done $0x0  }
0xd3: {  	s7 =	rddreg [dreg:$0x4];
	[sflag:s19] =	ssyncadd.s32 $0xFFFFC800  }
0xd4: {  	[spmem:s2] =	stream.indirect.scatter.add.f32 [tilespmem:s15], [sflag:$0x5], $0x80, s7, s12, $0xb8;
	[tilespmem:$0x1F800] =	vst v63  }
0xd5: {  	_ =	swait.ge [sflag:s20], $0x3800  }
0xd6: {  	[sflag:s20] =	ssyncset.done $0x0  }
0xd7: {  	[sflag:s20] =	ssyncadd.s32 $0xFFFFC800  }
0xd8: {  	[tilespmem:s13], [sflag:$0x1] =	stream.indirect.gather [hbm4b:s4+s12], $0x80, s21, s12, $0xb8;
	[tilespmem:$0x1F800] =	vst v63  }
0xd9: {  	_ =	swait.ge [sflag:s22], $0x3800  }
0xda: {  	[sflag:s22] =	ssyncset.done $0x0  }
0xdb: {  	s7 =	rddreg [dreg:$0x5];
	[sflag:s22] =	ssyncadd.s32 $0xFFFFC800  }
0xdc: {  	[spmem:s2] =	stream.indirect.scatter.add.f32 [tilespmem:s18], [sflag:$0x6], $0x80, s7, s12, $0xb8;
	[tilespmem:$0x1F800] =	vst v63  }
0xdd: {  	_ =	swait.ge [sflag:s23], $0x3800  }
0xde: {  	[sflag:s23] =	ssyncset.done $0x0  }
0xdf: {  	[sflag:s23] =	ssyncadd.s32 $0xFFFFC800  }
0xe0: {  	[tilespmem:s15], [sflag:$0x2] =	stream.indirect.gather [hbm4b:s4+s12], $0x80, s24, s12, $0xb8;
	[tilespmem:$0x1F800] =	vst v63  }
0xe1: {  	_ =	swait.ge [sflag:s16], $0x3800  }
0xe2: {  	[sflag:s16] =	ssyncset.done $0x0  }
0xe3: {  	s7 =	rddreg [dreg:$0x6];
	[sflag:s16] =	ssyncadd.s32 $0xFFFFC800  }
0xe4: {  	[spmem:s2] =	stream.indirect.scatter.add.f32 [tilespmem:s13], [sflag:$0x4], $0x80, s7, s12, $0xb8;
	[tilespmem:$0x1F800] =	vst v63  }
0xe5: {  	_ =	swait.ge [sflag:s25], $0x3800  }
0xe6: {  	[sflag:s25] =	ssyncset.done $0x0  }
0xe7: {  	[sflag:s25] =	ssyncadd.s32 $0xFFFFC800  }
0xe8: {  	[tilespmem:s18], [sflag:$0x3] =	stream.indirect.gather [hbm4b:s4+s12], $0x80, s26, s12, $0xb8;
	[tilespmem:$0x1F800] =	vst v63  }
0xe9: {  	_ =	swait.ge [sflag:s19], $0x3800  }
0xea: {  	[sflag:s19] =	ssyncset.done $0x0  }
0xeb: {  	s7 =	rddreg [dreg:$0x7];
	[sflag:s19] =	ssyncadd.s32 $0xFFFFC800  }
0xec: {  	[spmem:s2] =	stream.indirect.scatter.add.f32 [tilespmem:s15], [sflag:$0x5], $0x80, s7, s12, $0xb8;
	[tilespmem:$0x1F800] =	vst v63  }
0xed: {  	_ =	swait.ge [sflag:s20], $0x3800  }
0xee: {  	[sflag:s20] =	ssyncset.done $0x0  }
0xef: {  	[sflag:s20] =	ssyncadd.s32 $0xFFFFC800  }
0xf0: {  	[tilespmem:s13], [sflag:$0x1] =	stream.indirect.gather [hbm4b:s4+s12], $0x80, s28, s12, $0xb8;
	[tilespmem:$0x1F800] =	vst v63  }
0xf1: {  	_ =	swait.ge [sflag:s22], $0x3800  }
0xf2: {  	[sflag:s22] =	ssyncset.done $0x0  }
0xf3: {  	s7 =	rddreg [dreg:$0x8];
	[sflag:s22] =	ssyncadd.s32 $0xFFFFC800  }
0xf4: {  	[spmem:s2] =	stream.indirect.scatter.add.f32 [tilespmem:s18], [sflag:$0x6], $0x80, s7, s12, $0xb8;
	[tilespmem:$0x1F800] =	vst v63  }
0xf5: {  	_ =	swait.ge [sflag:s23], $0x3800  }
0xf6: {  	[sflag:s23] =	ssyncset.done $0x0  }
0xf7: {  	[sflag:s23] =	ssyncadd.s32 $0xFFFFC800  }
0xf8: {  	[tilespmem:s15], [sflag:$0x2] =	stream.indirect.gather [hbm4b:s4+s12], $0x80, s29, s12, $0xb8;
	[tilespmem:$0x1F800] =	vst v63  }
0xf9: {  	_ =	swait.ge [sflag:s16], $0x3800  }
0xfa: {  	[sflag:s16] =	ssyncset.done $0x0  }
0xfb: {  	s7 =	rddreg [dreg:$0x9];
	[sflag:s16] =	ssyncadd.s32 $0xFFFFC800  }
0xfc: {  	[spmem:s2] =	stream.indirect.scatter.add.f32 [tilespmem:s13], [sflag:$0x4], $0x80, s7, s12, $0xb8;
	[tilespmem:$0x1F800] =	vst v63  }
0xfd: {  	_ =	swait.ge [sflag:s25], $0x3800  }
0xfe: {  	[sflag:s25] =	ssyncset.done $0x0  }
0xff: {  	[sflag:s25] =	ssyncadd.s32 $0xFFFFC800  }
0x100: {  	[tilespmem:s18], [sflag:$0x3] =	stream.indirect.gather [hbm4b:s4+s12], $0x80, s30, s12, $0xb8;
	[tilespmem:$0x1F800] =	vst v63  }
0x101: {  	_ =	swait.ge [sflag:s19], $0x3800  }
0x102: {  	[sflag:s19] =	ssyncset.done $0x0  }
0x103: {  	s7 =	rddreg [dreg:$0xa];
	[sflag:s19] =	ssyncadd.s32 $0xFFFFC800  }
0x104: {  	[spmem:s2] =	stream.indirect.scatter.add.f32 [tilespmem:s15], [sflag:$0x5], $0x80, s7, s12, $0xb8;
	[tilespmem:$0x1F800] =	vst v63  }
0x105: {  	_ =	swait.ge [sflag:s20], $0x3800  }
0x106: {  	[sflag:s20] =	ssyncset.done $0x0  }
0x107: {  	[sflag:s20] =	ssyncadd.s32 $0xFFFFC800  }
0x108: {  	[tilespmem:s13], [sflag:$0x1] =	stream.indirect.gather [hbm4b:s4+s12], $0x80, s31, s12, $0xb8;
	[tilespmem:$0x1F800] =	vst v63  }
0x109: {  	_ =	swait.ge [sflag:s22], $0x3800  }
0x10a: {  	[sflag:s22] =	ssyncset.done $0x0  }
0x10b: {  	s7 =	rddreg [dreg:$0xb];
	[sflag:s22] =	ssyncadd.s32 $0xFFFFC800  }
0x10c: {  	[spmem:s2] =	stream.indirect.scatter.add.f32 [tilespmem:s18], [sflag:$0x6], $0x80, s7, s12, $0xb8;
	[tilespmem:$0x1F800] =	vst v63  }
0x10d: {  	_ =	swait.ge [sflag:s23], $0x3800  }
0x10e: {  	[sflag:s23] =	ssyncset.done $0x0  }
0x10f: {  	[sflag:s23] =	ssyncadd.s32 $0xFFFFC800  }
0x110: {  	[tilespmem:s15], [sflag:$0x2] =	stream.indirect.gather [hbm4b:s4+s12], $0x80, s1, s12, $0xb8;
	[tilespmem:$0x1F800] =	vst v63  }
0x111: {  	_ =	swait.ge [sflag:s16], $0x3800  }
0x112: {  	[sflag:s16] =	ssyncset.done $0x0  }
0x113: {  	s7 =	rddreg [dreg:$0xc];
	[sflag:s16] =	ssyncadd.s32 $0xFFFFC800  }
0x114: {  	[spmem:s2] =	stream.indirect.scatter.add.f32 [tilespmem:s13], [sflag:$0x4], $0x80, s7, s12, $0xb8;
	[tilespmem:$0x1F800] =	vst v63  }
0x115: {  	_ =	swait.ge [sflag:s25], $0x3800  }
0x116: {  	[sflag:s25] =	ssyncset.done $0x0  }
0x117: {  	[sflag:s25] =	ssyncadd.s32 $0xFFFFC800  }
0x118: {  	[tilespmem:s18], [sflag:$0x3] =	stream.indirect.gather [hbm4b:s4+s12], $0x80, s0, s12, $0xb8;
	[tilespmem:$0x1F800] =	vst v63  }
0x119: {  	_ =	swait.ge [sflag:s19], $0x3800  }
0x11a: {  	[sflag:s19] =	ssyncset.done $0x0  }
0x11b: {  	s7 =	rddreg [dreg:$0xd];
	[sflag:s19] =	ssyncadd.s32 $0xFFFFC800  }
0x11c: {  	[spmem:s2] =	stream.indirect.scatter.add.f32 [tilespmem:s15], [sflag:$0x5], $0x80, s7, s12, $0xb8;
	[tilespmem:$0x1F800] =	vst v63  }
0x11d: {  	_ =	swait.ge [sflag:s20], $0x3800  }
0x11e: {  	[sflag:s20] =	ssyncset.done $0x0  }
0x11f: {  	[sflag:s20] =	ssyncadd.s32 $0xFFFFC800  }
0x120: {  	[tilespmem:s13], [sflag:$0x1] =	stream.indirect.gather [hbm4b:s4+s12], $0x80, s5, s12, $0xb8;
	[tilespmem:$0x1F800] =	vst v63  }
0x121: {  	_ =	swait.ge [sflag:s22], $0x3800  }
0x122: {  	[sflag:s22] =	ssyncset.done $0x0  }
0x123: {  	s7 =	rddreg [dreg:$0xe];
	[sflag:s22] =	ssyncadd.s32 $0xFFFFC800  }
0x124: {  	[spmem:s2] =	stream.indirect.scatter.add.f32 [tilespmem:s18], [sflag:$0x6], $0x80, s7, s12, $0xb8;
	[tilespmem:$0x1F800] =	vst v63  }
0x125: {  	_ =	swait.ge [sflag:s23], $0x3800  }
0x126: {  	[sflag:s23] =	ssyncset.done $0x0  }
0x127: {  	[sflag:s23] =	ssyncadd.s32 $0xFFFFC800  }
0x128: {  	[tilespmem:s15], [sflag:$0x2] =	stream.indirect.gather [hbm4b:s4+s12], $0x80, s6, s12, $0xb8;
	[tilespmem:$0x1F800] =	vst v63  }
0x129: {  	_ =	swait.ge [sflag:s16], $0x3800  }
0x12a: {  	[sflag:s16] =	ssyncset.done $0x0  }
0x12b: {  	s7 =	rddreg [dreg:$0xf];
	[sflag:s16] =	ssyncadd.s32 $0xFFFFC800  }
0x12c: {  	[spmem:s2] =	stream.indirect.scatter.add.f32 [tilespmem:s13], [sflag:$0x4], $0x80, s7, s12, $0xb8;
	[tilespmem:$0x1F800] =	vst v63  }
0x12d: {  	_ =	swait.ge [sflag:s25], $0x3800  }
0x12e: {  	[sflag:s25] =	ssyncset.done $0x0  }
0x12f: {  	s7 =	rddreg [dreg:$0x10];
	[sflag:s25] =	ssyncadd.s32 $0xFFFFC800  }
0x130: {  	[tilespmem:s18], [sflag:$0x3] =	stream.indirect.gather [hbm4b:s4+s12], $0x80, s7, s12, $0xb8;
	[tilespmem:$0x1F800] =	vst v63  }
0x131: {  	_ =	swait.ge [sflag:s19], $0x3800  }
0x132: {  	[sflag:s19] =	ssyncset.done $0x0  }
0x133: {  	s7 =	rddreg [dreg:$0x11];
	[sflag:s19] =	ssyncadd.s32 $0xFFFFC800  }
0x134: {  	[spmem:s2] =	stream.indirect.scatter.add.f32 [tilespmem:s15], [sflag:$0x5], $0x80, s7, s12, $0xb8;
	[tilespmem:$0x1F800] =	vst v63  }
0x135: {  	_ =	swait.ge [sflag:s22], $0x3800  }
0x136: {  	[sflag:s22] =	ssyncset.done $0x0  }
0x137: {  	s7 =	rddreg [dreg:$0x12];
	[sflag:s22] =	ssyncadd.s32 $0xFFFFC800  }
0x138: {  	[spmem:s2] =	stream.indirect.scatter.add.f32 [tilespmem:s18], [sflag:$0x6], $0x80, s7, s12, $0xb8;
	[tilespmem:$0x1F800] =	vst v63  }
0x139: {  	_ =	swait.ge [sflag:s20], $0x3800  }
0x13a: {  	[sflag:s20] =	ssyncset.done $0x0  }
0x13b: {  	p0 =	sne.s32 s8, $0x1600;
	[sflag:s20] =	ssyncadd.s32 $0xFFFFC800  }
.Ltmp0:
0x13c: {  	_ =	swait.ge [sflag:s23], $0x3800;
	(pc) =	sbr.rel @p0 .LBB2_2-.Ltmp0, $4  }
0x13d: {  	[sflag:s23] =	ssyncset.done $0x0  }
0x13e: {  	[sflag:s23] =	ssyncadd.s32 $0xFFFFC800  }
0x13f: {  	_ =	swait.ge [sflag:s25], $0x3800  }
0x140: {  	s8 =	sadd.s32 $0x200, s8;
	s7 =	rddreg [dreg:$0x3];
	[sflag:s25] =	ssyncset.done $0x0  }
0x141: {  	[sflag:s25] =	ssyncadd.s32 $0xFFFFC800;
	s7 =	sadd.s32 s9, s7  }
0x142: {  	[tilespmem:s3], [sflag:$0x7] =	stream.linear.gather [hbm4b:s7+s3], $0x780, $0x38;
	[tilespmem:$0x1F800] =	vst v63  }
0x143: {  	s7 =	sadd.s32 $0x100, s7  }
0x144: {  	[tilespmem:s11], [sflag:$0x7] =	stream.linear.gather [hbm4b:s7+s3], $0x780, $0x38;
	[tilespmem:$0x1F800] =	vst v63  }
0x145: {  	_ =	swait.ge [sflag:s10], $0xF00  }
0x146: {  	[sflag:s10] =	ssyncset.done $0x0  }
0x147: {  	[sflag:s10] =	ssyncadd.s32 $0xFFFFF100  }
0x148: {  	[tilespmem:s13], [sflag:$0x1] =	stream.indirect.gather [hbm4b:s4+s12], $0x80, s3, s12, $0xb8;
	[tilespmem:$0x1F800] =	vst v63  }
0x149: {  	_ = 	snop  }
0x14a: {  	[tilespmem:s15], [sflag:$0x2] =	stream.indirect.gather [hbm4b:s4+s12], $0x80, s14, s12, $0xb8;
	[tilespmem:$0x1F800] =	vst v63  }
0x14b: {  	_ =	swait.ge [sflag:s16], $0x3800  }
0x14c: {  	[sflag:s16] =	ssyncset.done $0x0  }
0x14d: {  	[sflag:s16] =	ssyncadd.s32 $0xFFFFC800  }
0x14e: {  	[spmem:s2] =	stream.indirect.scatter.add.f32 [tilespmem:s13], [sflag:$0x4], $0x80, s11, s12, $0xb8;
	[tilespmem:$0x1F800] =	vst v63  }
0x14f: {  	_ = 	snop  }
0x150: {  	[tilespmem:s18], [sflag:$0x3] =	stream.indirect.gather [hbm4b:s4+s12], $0x80, s17, s12, $0xb8;
	[tilespmem:$0x1F800] =	vst v63  }
0x151: {  	_ =	swait.ge [sflag:s19], $0x3800  }
0x152: {  	[sflag:s19] =	ssyncset.done $0x0  }
0x153: {  	s8 =	rddreg [dreg:$0x4];
	[sflag:s19] =	ssyncadd.s32 $0xFFFFC800  }
0x154: {  	[spmem:s2] =	stream.indirect.scatter.add.f32 [tilespmem:s15], [sflag:$0x5], $0x80, s8, s12, $0xb8;
	[tilespmem:$0x1F800] =	vst v63  }
0x155: {  	_ =	swait.ge [sflag:s20], $0x3800  }
0x156: {  	[sflag:s20] =	ssyncset.done $0x0  }
0x157: {  	[sflag:s20] =	ssyncadd.s32 $0xFFFFC800  }
0x158: {  	[tilespmem:s13], [sflag:$0x1] =	stream.indirect.gather [hbm4b:s4+s12], $0x80, s21, s12, $0xb8;
	[tilespmem:$0x1F800] =	vst v63  }
0x159: {  	_ =	swait.ge [sflag:s22], $0x3800  }
0x15a: {  	[sflag:s22] =	ssyncset.done $0x0  }
0x15b: {  	s9 =	rddreg [dreg:$0x5];
	[sflag:s22] =	ssyncadd.s32 $0xFFFFC800  }
0x15c: {  	[spmem:s2] =	stream.indirect.scatter.add.f32 [tilespmem:s18], [sflag:$0x6], $0x80, s9, s12, $0xb8;
	[tilespmem:$0x1F800] =	vst v63  }
0x15d: {  	_ =	swait.ge [sflag:s23], $0x3800  }
0x15e: {  	[sflag:s23] =	ssyncset.done $0x0  }
0x15f: {  	[sflag:s23] =	ssyncadd.s32 $0xFFFFC800  }
0x160: {  	[tilespmem:s15], [sflag:$0x2] =	stream.indirect.gather [hbm4b:s4+s12], $0x80, s24, s12, $0xb8;
	[tilespmem:$0x1F800] =	vst v63  }
0x161: {  	_ =	swait.ge [sflag:s16], $0x3800  }
0x162: {  	[sflag:s16] =	ssyncset.done $0x0  }
0x163: {  	s8 =	rddreg [dreg:$0x6];
	[sflag:s16] =	ssyncadd.s32 $0xFFFFC800  }
0x164: {  	[spmem:s2] =	stream.indirect.scatter.add.f32 [tilespmem:s13], [sflag:$0x4], $0x80, s8, s12, $0xb8;
	[tilespmem:$0x1F800] =	vst v63  }
0x165: {  	_ =	swait.ge [sflag:s25], $0x3800  }
0x166: {  	[sflag:s25] =	ssyncset.done $0x0  }
0x167: {  	[sflag:s25] =	ssyncadd.s32 $0xFFFFC800  }
0x168: {  	[tilespmem:s18], [sflag:$0x3] =	stream.indirect.gather [hbm4b:s4+s12], $0x80, s26, s12, $0xb8;
	[tilespmem:$0x1F800] =	vst v63  }
0x169: {  	_ =	swait.ge [sflag:s19], $0x3800  }
0x16a: {  	[sflag:s19] =	ssyncset.done $0x0  }
0x16b: {  	s9 =	rddreg [dreg:$0x7];
	[sflag:s19] =	ssyncadd.s32 $0xFFFFC800  }
0x16c: {  	[spmem:s2] =	stream.indirect.scatter.add.f32 [tilespmem:s15], [sflag:$0x5], $0x80, s9, s12, $0xb8;
	[tilespmem:$0x1F800] =	vst v63  }
0x16d: {  	_ =	swait.ge [sflag:s20], $0x3800  }
0x16e: {  	[sflag:s20] =	ssyncset.done $0x0  }
0x16f: {  	[sflag:s20] =	ssyncadd.s32 $0xFFFFC800  }
0x170: {  	[tilespmem:s13], [sflag:$0x1] =	stream.indirect.gather [hbm4b:s4+s12], $0x80, s28, s12, $0xb8;
	[tilespmem:$0x1F800] =	vst v63  }
0x171: {  	_ =	swait.ge [sflag:s22], $0x3800  }
0x172: {  	[sflag:s22] =	ssyncset.done $0x0  }
0x173: {  	s8 =	rddreg [dreg:$0x8];
	[sflag:s22] =	ssyncadd.s32 $0xFFFFC800  }
0x174: {  	[spmem:s2] =	stream.indirect.scatter.add.f32 [tilespmem:s18], [sflag:$0x6], $0x80, s8, s12, $0xb8;
	[tilespmem:$0x1F800] =	vst v63  }
0x175: {  	_ =	swait.ge [sflag:s23], $0x3800  }
0x176: {  	[sflag:s23] =	ssyncset.done $0x0  }
0x177: {  	[sflag:s23] =	ssyncadd.s32 $0xFFFFC800  }
0x178: {  	[tilespmem:s15], [sflag:$0x2] =	stream.indirect.gather [hbm4b:s4+s12], $0x80, s29, s12, $0xb8;
	[tilespmem:$0x1F800] =	vst v63  }
0x179: {  	_ =	swait.ge [sflag:s16], $0x3800  }
0x17a: {  	[sflag:s16] =	ssyncset.done $0x0  }
0x17b: {  	s9 =	rddreg [dreg:$0x9];
	[sflag:s16] =	ssyncadd.s32 $0xFFFFC800  }
0x17c: {  	[spmem:s2] =	stream.indirect.scatter.add.f32 [tilespmem:s13], [sflag:$0x4], $0x80, s9, s12, $0xb8;
	[tilespmem:$0x1F800] =	vst v63  }
0x17d: {  	_ =	swait.ge [sflag:s25], $0x3800  }
0x17e: {  	[sflag:s25] =	ssyncset.done $0x0  }
0x17f: {  	[sflag:s25] =	ssyncadd.s32 $0xFFFFC800  }
0x180: {  	[tilespmem:s18], [sflag:$0x3] =	stream.indirect.gather [hbm4b:s4+s12], $0x80, s30, s12, $0xb8;
	[tilespmem:$0x1F800] =	vst v63  }
0x181: {  	_ =	swait.ge [sflag:s19], $0x3800  }
0x182: {  	[sflag:s19] =	ssyncset.done $0x0  }
0x183: {  	s8 =	rddreg [dreg:$0xa];
	[sflag:s19] =	ssyncadd.s32 $0xFFFFC800  }
0x184: {  	[spmem:s2] =	stream.indirect.scatter.add.f32 [tilespmem:s15], [sflag:$0x5], $0x80, s8, s12, $0xb8;
	[tilespmem:$0x1F800] =	vst v63  }
0x185: {  	_ =	swait.ge [sflag:s20], $0x3800  }
0x186: {  	[sflag:s20] =	ssyncset.done $0x0  }
0x187: {  	[sflag:s20] =	ssyncadd.s32 $0xFFFFC800  }
0x188: {  	[tilespmem:s13], [sflag:$0x1] =	stream.indirect.gather [hbm4b:s4+s12], $0x80, s31, s12, $0xb8;
	[tilespmem:$0x1F800] =	vst v63  }
0x189: {  	_ =	swait.ge [sflag:s22], $0x3800  }
0x18a: {  	[sflag:s22] =	ssyncset.done $0x0  }
0x18b: {  	s9 =	rddreg [dreg:$0xb];
	[sflag:s22] =	ssyncadd.s32 $0xFFFFC800  }
0x18c: {  	[spmem:s2] =	stream.indirect.scatter.add.f32 [tilespmem:s18], [sflag:$0x6], $0x80, s9, s12, $0xb8;
	[tilespmem:$0x1F800] =	vst v63  }
0x18d: {  	_ =	swait.ge [sflag:s23], $0x3800  }
0x18e: {  	[sflag:s23] =	ssyncset.done $0x0  }
0x18f: {  	[sflag:s23] =	ssyncadd.s32 $0xFFFFC800  }
0x190: {  	[tilespmem:s15], [sflag:$0x2] =	stream.indirect.gather [hbm4b:s4+s12], $0x80, s1, s12, $0xb8;
	[tilespmem:$0x1F800] =	vst v63  }
0x191: {  	_ =	swait.ge [sflag:s16], $0x3800  }
0x192: {  	[sflag:s16] =	ssyncset.done $0x0  }
0x193: {  	s8 =	rddreg [dreg:$0xc];
	[sflag:s16] =	ssyncadd.s32 $0xFFFFC800  }
0x194: {  	[spmem:s2] =	stream.indirect.scatter.add.f32 [tilespmem:s13], [sflag:$0x4], $0x80, s8, s12, $0xb8;
	[tilespmem:$0x1F800] =	vst v63  }
0x195: {  	_ =	swait.ge [sflag:s25], $0x3800  }
0x196: {  	[sflag:s25] =	ssyncset.done $0x0  }
0x197: {  	[sflag:s25] =	ssyncadd.s32 $0xFFFFC800  }
0x198: {  	[tilespmem:s18], [sflag:$0x3] =	stream.indirect.gather [hbm4b:s4+s12], $0x80, s0, s12, $0xb8;
	[tilespmem:$0x1F800] =	vst v63  }
0x199: {  	_ =	swait.ge [sflag:s19], $0x3800  }
0x19a: {  	[sflag:s19] =	ssyncset.done $0x0  }
0x19b: {  	s9 =	rddreg [dreg:$0xd];
	[sflag:s19] =	ssyncadd.s32 $0xFFFFC800  }
0x19c: {  	[spmem:s2] =	stream.indirect.scatter.add.f32 [tilespmem:s15], [sflag:$0x5], $0x80, s9, s12, $0xb8;
	[tilespmem:$0x1F800] =	vst v63  }
0x19d: {  	_ =	swait.ge [sflag:s20], $0x3800  }
0x19e: {  	[sflag:s20] =	ssyncset.done $0x0  }
0x19f: {  	[sflag:s20] =	ssyncadd.s32 $0xFFFFC800  }
0x1a0: {  	[tilespmem:s13], [sflag:$0x1] =	stream.indirect.gather [hbm4b:s4+s12], $0x80, s5, s12, $0xb8;
	[tilespmem:$0x1F800] =	vst v63  }
0x1a1: {  	_ =	swait.ge [sflag:s22], $0x3800  }
0x1a2: {  	[sflag:s22] =	ssyncset.done $0x0  }
0x1a3: {  	s8 =	rddreg [dreg:$0xe];
	[sflag:s22] =	ssyncadd.s32 $0xFFFFC800  }
0x1a4: {  	[spmem:s2] =	stream.indirect.scatter.add.f32 [tilespmem:s18], [sflag:$0x6], $0x80, s8, s12, $0xb8;
	[tilespmem:$0x1F800] =	vst v63  }
0x1a5: {  	_ =	swait.ge [sflag:s23], $0x3800  }
0x1a6: {  	[sflag:s23] =	ssyncset.done $0x0  }
0x1a7: {  	[sflag:s23] =	ssyncadd.s32 $0xFFFFC800  }
0x1a8: {  	[tilespmem:s15], [sflag:$0x2] =	stream.indirect.gather [hbm4b:s4+s12], $0x80, s6, s12, $0xb8;
	[tilespmem:$0x1F800] =	vst v63  }
0x1a9: {  	_ =	swait.ge [sflag:s16], $0x3800  }
0x1aa: {  	[sflag:s16] =	ssyncset.done $0x0  }
0x1ab: {  	s9 =	rddreg [dreg:$0xf];
	[sflag:s16] =	ssyncadd.s32 $0xFFFFC800  }
0x1ac: {  	[spmem:s2] =	stream.indirect.scatter.add.f32 [tilespmem:s13], [sflag:$0x4], $0x80, s9, s12, $0xb8;
	[tilespmem:$0x1F800] =	vst v63  }
0x1ad: {  	_ =	swait.ge [sflag:s25], $0x3800  }
0x1ae: {  	[sflag:s25] =	ssyncset.done $0x0  }
0x1af: {  	s8 =	rddreg [dreg:$0x10];
	[sflag:s25] =	ssyncadd.s32 $0xFFFFC800  }
0x1b0: {  	[tilespmem:s18], [sflag:$0x3] =	stream.indirect.gather [hbm4b:s4+s12], $0x80, s8, s12, $0xb8;
	[tilespmem:$0x1F800] =	vst v63  }
0x1b1: {  	_ =	swait.ge [sflag:s19], $0x3800  }
0x1b2: {  	[sflag:s19] =	ssyncset.done $0x0  }
0x1b3: {  	s9 =	rddreg [dreg:$0x11];
	[sflag:s19] =	ssyncadd.s32 $0xFFFFC800  }
0x1b4: {  	[spmem:s2] =	stream.indirect.scatter.add.f32 [tilespmem:s15], [sflag:$0x5], $0x80, s9, s12, $0xb8;
	[tilespmem:$0x1F800] =	vst v63  }
0x1b5: {  	_ =	swait.ge [sflag:s22], $0x3800  }
0x1b6: {  	[sflag:s22] =	ssyncset.done $0x0  }
0x1b7: {  	s8 =	rddreg [dreg:$0x12];
	[sflag:s22] =	ssyncadd.s32 $0xFFFFC800  }
0x1b8: {  	[spmem:s2] =	stream.indirect.scatter.add.f32 [tilespmem:s18], [sflag:$0x6], $0x80, s8, s12, $0xb8;
	[tilespmem:$0x1F800] =	vst v63  }
0x1b9: {  	_ =	swait.ge [sflag:s20], $0x3800  }
0x1ba: {  	[sflag:s20] =	ssyncset.done $0x0  }
0x1bb: {  	[sflag:s20] =	ssyncadd.s32 $0xFFFFC800  }
0x1bc: {  	_ =	swait.ge [sflag:s23], $0x3800  }
0x1bd: {  	[sflag:s23] =	ssyncset.done $0x0  }
0x1be: {  	[sflag:s23] =	ssyncadd.s32 $0xFFFFC800  }
0x1bf: {  	_ =	swait.ge [sflag:s25], $0x3800  }
0x1c0: {  	[sflag:s25] =	ssyncset.done $0x0  }
0x1c1: {  	[sflag:s25] =	ssyncadd.s32 $0xFFFFC800  }
0x1c2: {  	[bflag:$0x0] =	sbarrier.arrive $0xFFFF  }
0x1c3: {  	s8 =	sld [smem:$0x7FC];
	_ =	sdelay $0x2  }
0x1c4: {  	[tilespmem:s3], [sflag:$0x7] =	stream.linear.gather [hbm4b:s8+s3], $0x700, $0x38;
	[tilespmem:$0x1F800] =	vst v63  }
0x1c5: {  	_ =	swait.ge [sflag:s10], $0x700  }
0x1c6: {  	[sflag:s10] =	ssyncset.done $0x0  }
0x1c7: {  	[sflag:s10] =	ssyncadd.s32 $0xFFFFF900  }
0x1c8: {  	[tilespmem:s13], [sflag:$0x1] =	stream.indirect.gather [spmem:s2], $0x80, s3, s12, $0xb8;
	[tilespmem:$0x1F800] =	vst v63  }
0x1c9: {  	_ = 	snop  }
0x1ca: {  	[tilespmem:s15], [sflag:$0x2] =	stream.indirect.gather [spmem:s2], $0x80, s14, s12, $0xb8;
	[tilespmem:$0x1F800] =	vst v63  }
0x1cb: {  	_ =	swait.ge [sflag:s16], $0x3800  }
0x1cc: {  	s9 =	sld [smem:$0x7FB];
	_ =	sdelay $0x1  }
0x1cd: {  	[sflag:s16] =	ssyncset.done $0x0  }
0x1ce: {  	[sflag:s16] =	ssyncadd.s32 $0xFFFFC800;
	s7 =	sadd.s32 $0x0, s9  }
0x1cf: {  	[hbm4b:s7+s30] =	stream.strided.scatter [tilespmem:s13], [sflag:$0x4], $0x3800, s11, s30, $0x38;
	[tilespmem:$0x1F800] =	vst v63  }
0x1d0: {  	_ = 	snop  }
0x1d1: {  	[tilespmem:s18], [sflag:$0x3] =	stream.indirect.gather [spmem:s2], $0x80, s17, s12, $0xb8;
	[tilespmem:$0x1F800] =	vst v63  }
0x1d2: {  	_ =	swait.ge [sflag:s19], $0x3800  }
0x1d3: {  	s9 =	rddreg [dreg:$0x1f];
	[sflag:s19] =	ssyncset.done $0x0  }
0x1d4: {  	[sflag:s19] =	ssyncadd.s32 $0xFFFFC800;
	s7 =	sadd.s32 $0x0, s9  }
0x1d5: {  	[hbm4b:s7+s30] =	stream.strided.scatter [tilespmem:s15], [sflag:$0x5], $0x3800, s11, s30, $0x38;
	[tilespmem:$0x1F800] =	vst v63  }
0x1d6: {  	_ =	swait.ge [sflag:s20], $0x3800  }
0x1d7: {  	[sflag:s20] =	ssyncset.done $0x0  }
0x1d8: {  	[sflag:s20] =	ssyncadd.s32 $0xFFFFC800  }
0x1d9: {  	[tilespmem:s13], [sflag:$0x1] =	stream.indirect.gather [spmem:s2], $0x80, s21, s12, $0xb8;
	[tilespmem:$0x1F800] =	vst v63  }
0x1da: {  	_ =	swait.ge [sflag:s22], $0x3800  }
0x1db: {  	s9 =	rddreg [dreg:$0x1e];
	[sflag:s22] =	ssyncset.done $0x0  }
0x1dc: {  	[sflag:s22] =	ssyncadd.s32 $0xFFFFC800;
	s7 =	sadd.s32 $0x0, s9  }
0x1dd: {  	[hbm4b:s7+s30] =	stream.strided.scatter [tilespmem:s18], [sflag:$0x6], $0x3800, s11, s30, $0x38;
	[tilespmem:$0x1F800] =	vst v63  }
0x1de: {  	_ =	swait.ge [sflag:s23], $0x3800  }
0x1df: {  	[sflag:s23] =	ssyncset.done $0x0  }
0x1e0: {  	[sflag:s23] =	ssyncadd.s32 $0xFFFFC800  }
0x1e1: {  	[tilespmem:s15], [sflag:$0x2] =	stream.indirect.gather [spmem:s2], $0x80, s24, s12, $0xb8;
	[tilespmem:$0x1F800] =	vst v63  }
0x1e2: {  	_ =	swait.ge [sflag:s16], $0x3800  }
0x1e3: {  	s9 =	rddreg [dreg:$0x1d];
	[sflag:s16] =	ssyncset.done $0x0  }
0x1e4: {  	[sflag:s16] =	ssyncadd.s32 $0xFFFFC800;
	s7 =	sadd.s32 $0x0, s9  }
0x1e5: {  	[hbm4b:s7+s30] =	stream.strided.scatter [tilespmem:s13], [sflag:$0x4], $0x3800, s11, s30, $0x38;
	[tilespmem:$0x1F800] =	vst v63  }
0x1e6: {  	_ =	swait.ge [sflag:s25], $0x3800  }
0x1e7: {  	[sflag:s25] =	ssyncset.done $0x0  }
0x1e8: {  	[sflag:s25] =	ssyncadd.s32 $0xFFFFC800  }
0x1e9: {  	[tilespmem:s18], [sflag:$0x3] =	stream.indirect.gather [spmem:s2], $0x80, s26, s12, $0xb8;
	[tilespmem:$0x1F800] =	vst v63  }
0x1ea: {  	_ =	swait.ge [sflag:s19], $0x3800  }
0x1eb: {  	s9 =	rddreg [dreg:$0x1c];
	[sflag:s19] =	ssyncset.done $0x0  }
0x1ec: {  	[sflag:s19] =	ssyncadd.s32 $0xFFFFC800;
	s7 =	sadd.s32 $0x0, s9  }
0x1ed: {  	[hbm4b:s7+s30] =	stream.strided.scatter [tilespmem:s15], [sflag:$0x5], $0x3800, s11, s30, $0x38;
	[tilespmem:$0x1F800] =	vst v63  }
0x1ee: {  	_ =	swait.ge [sflag:s20], $0x3800  }
0x1ef: {  	[sflag:s20] =	ssyncset.done $0x0  }
0x1f0: {  	[sflag:s20] =	ssyncadd.s32 $0xFFFFC800  }
0x1f1: {  	[tilespmem:s13], [sflag:$0x1] =	stream.indirect.gather [spmem:s2], $0x80, s28, s12, $0xb8;
	[tilespmem:$0x1F800] =	vst v63  }
0x1f2: {  	_ =	swait.ge [sflag:s22], $0x3800  }
0x1f3: {  	s9 =	rddreg [dreg:$0x1b];
	[sflag:s22] =	ssyncset.done $0x0  }
0x1f4: {  	[sflag:s22] =	ssyncadd.s32 $0xFFFFC800;
	s7 =	sadd.s32 $0x0, s9  }
0x1f5: {  	[hbm4b:s7+s30] =	stream.strided.scatter [tilespmem:s18], [sflag:$0x6], $0x3800, s11, s30, $0x38;
	[tilespmem:$0x1F800] =	vst v63  }
0x1f6: {  	_ =	swait.ge [sflag:s23], $0x3800  }
0x1f7: {  	[sflag:s23] =	ssyncset.done $0x0  }
0x1f8: {  	[sflag:s23] =	ssyncadd.s32 $0xFFFFC800  }
0x1f9: {  	[tilespmem:s15], [sflag:$0x2] =	stream.indirect.gather [spmem:s2], $0x80, s29, s12, $0xb8;
	[tilespmem:$0x1F800] =	vst v63  }
0x1fa: {  	_ =	swait.ge [sflag:s16], $0x3800  }
0x1fb: {  	s9 =	rddreg [dreg:$0x1a];
	[sflag:s16] =	ssyncset.done $0x0  }
0x1fc: {  	[sflag:s16] =	ssyncadd.s32 $0xFFFFC800;
	s7 =	sadd.s32 $0x0, s9  }
0x1fd: {  	[hbm4b:s7+s30] =	stream.strided.scatter [tilespmem:s13], [sflag:$0x4], $0x3800, s11, s30, $0x38;
	[tilespmem:$0x1F800] =	vst v63  }
0x1fe: {  	_ =	swait.ge [sflag:s25], $0x3800  }
0x1ff: {  	[sflag:s25] =	ssyncset.done $0x0  }
0x200: {  	[sflag:s25] =	ssyncadd.s32 $0xFFFFC800  }
0x201: {  	[tilespmem:s18], [sflag:$0x3] =	stream.indirect.gather [spmem:s2], $0x80, s30, s12, $0xb8;
	[tilespmem:$0x1F800] =	vst v63  }
0x202: {  	_ =	swait.ge [sflag:s19], $0x3800  }
0x203: {  	s9 =	rddreg [dreg:$0x19];
	[sflag:s19] =	ssyncset.done $0x0  }
0x204: {  	[sflag:s19] =	ssyncadd.s32 $0xFFFFC800;
	s7 =	sadd.s32 $0x0, s9  }
0x205: {  	[hbm4b:s7+s30] =	stream.strided.scatter [tilespmem:s15], [sflag:$0x5], $0x3800, s11, s30, $0x38;
	[tilespmem:$0x1F800] =	vst v63  }
0x206: {  	_ =	swait.ge [sflag:s20], $0x3800  }
0x207: {  	[sflag:s20] =	ssyncset.done $0x0  }
0x208: {  	[sflag:s20] =	ssyncadd.s32 $0xFFFFC800  }
0x209: {  	[tilespmem:s13], [sflag:$0x1] =	stream.indirect.gather [spmem:s2], $0x80, s31, s12, $0xb8;
	[tilespmem:$0x1F800] =	vst v63  }
0x20a: {  	_ =	swait.ge [sflag:s22], $0x3800  }
0x20b: {  	s9 =	rddreg [dreg:$0x18];
	[sflag:s22] =	ssyncset.done $0x0  }
0x20c: {  	[sflag:s22] =	ssyncadd.s32 $0xFFFFC800;
	s7 =	sadd.s32 $0x0, s9  }
0x20d: {  	[hbm4b:s7+s30] =	stream.strided.scatter [tilespmem:s18], [sflag:$0x6], $0x3800, s11, s30, $0x38;
	[tilespmem:$0x1F800] =	vst v63  }
0x20e: {  	_ =	swait.ge [sflag:s23], $0x3800  }
0x20f: {  	[sflag:s23] =	ssyncset.done $0x0  }
0x210: {  	[sflag:s23] =	ssyncadd.s32 $0xFFFFC800  }
0x211: {  	[tilespmem:s15], [sflag:$0x2] =	stream.indirect.gather [spmem:s2], $0x80, s1, s12, $0xb8;
	[tilespmem:$0x1F800] =	vst v63  }
0x212: {  	_ =	swait.ge [sflag:s16], $0x3800  }
0x213: {  	s9 =	rddreg [dreg:$0x17];
	[sflag:s16] =	ssyncset.done $0x0  }
0x214: {  	[sflag:s16] =	ssyncadd.s32 $0xFFFFC800;
	s7 =	sadd.s32 $0x0, s9  }
0x215: {  	[hbm4b:s7+s30] =	stream.strided.scatter [tilespmem:s13], [sflag:$0x4], $0x3800, s11, s30, $0x38;
	[tilespmem:$0x1F800] =	vst v63  }
0x216: {  	_ =	swait.ge [sflag:s25], $0x3800  }
0x217: {  	[sflag:s25] =	ssyncset.done $0x0  }
0x218: {  	[sflag:s25] =	ssyncadd.s32 $0xFFFFC800  }
0x219: {  	[tilespmem:s18], [sflag:$0x3] =	stream.indirect.gather [spmem:s2], $0x80, s0, s12, $0xb8;
	[tilespmem:$0x1F800] =	vst v63  }
0x21a: {  	_ =	swait.ge [sflag:s19], $0x3800  }
0x21b: {  	s9 =	rddreg [dreg:$0x16];
	[sflag:s19] =	ssyncset.done $0x0  }
0x21c: {  	[sflag:s19] =	ssyncadd.s32 $0xFFFFC800;
	s7 =	sadd.s32 $0x0, s9  }
0x21d: {  	[hbm4b:s7+s30] =	stream.strided.scatter [tilespmem:s15], [sflag:$0x5], $0x3800, s11, s30, $0x38;
	[tilespmem:$0x1F800] =	vst v63  }
0x21e: {  	_ =	swait.ge [sflag:s20], $0x3800  }
0x21f: {  	[sflag:s20] =	ssyncset.done $0x0  }
0x220: {  	[sflag:s20] =	ssyncadd.s32 $0xFFFFC800  }
0x221: {  	[tilespmem:s13], [sflag:$0x1] =	stream.indirect.gather [spmem:s2], $0x80, s5, s12, $0xb8;
	[tilespmem:$0x1F800] =	vst v63  }
0x222: {  	_ =	swait.ge [sflag:s22], $0x3800  }
0x223: {  	s9 =	rddreg [dreg:$0x15];
	[sflag:s22] =	ssyncset.done $0x0  }
0x224: {  	[sflag:s22] =	ssyncadd.s32 $0xFFFFC800;
	s7 =	sadd.s32 $0x0, s9  }
0x225: {  	[hbm4b:s7+s30] =	stream.strided.scatter [tilespmem:s18], [sflag:$0x6], $0x3800, s11, s30, $0x38;
	[tilespmem:$0x1F800] =	vst v63  }
0x226: {  	_ =	swait.ge [sflag:s23], $0x3800  }
0x227: {  	[sflag:s23] =	ssyncset.done $0x0  }
0x228: {  	[sflag:s23] =	ssyncadd.s32 $0xFFFFC800  }
0x229: {  	[tilespmem:s15], [sflag:$0x2] =	stream.indirect.gather [spmem:s2], $0x80, s6, s12, $0xb8;
	[tilespmem:$0x1F800] =	vst v63  }
0x22a: {  	_ =	swait.ge [sflag:s16], $0x3800  }
0x22b: {  	s9 =	rddreg [dreg:$0x14];
	[sflag:s16] =	ssyncset.done $0x0  }
0x22c: {  	[sflag:s16] =	ssyncadd.s32 $0xFFFFC800;
	s7 =	sadd.s32 $0x0, s9  }
0x22d: {  	[hbm4b:s7+s30] =	stream.strided.scatter [tilespmem:s13], [sflag:$0x4], $0x3800, s11, s30, $0x38;
	[tilespmem:$0x1F800] =	vst v63  }
0x22e: {  	_ =	swait.ge [sflag:s19], $0x3800  }
0x22f: {  	s9 =	rddreg [dreg:$0x13];
	[sflag:s19] =	ssyncset.done $0x0  }
0x230: {  	[sflag:s19] =	ssyncadd.s32 $0xFFFFC800;
	s7 =	sadd.s32 $0x0, s9  }
0x231: {  	[hbm4b:s7+s30] =	stream.strided.scatter [tilespmem:s15], [sflag:$0x5], $0x3800, s11, s30, $0x38;
	[tilespmem:$0x1F800] =	vst v63  }
0x232: {  	_ =	swait.ge [sflag:s25], $0x3800  }
0x233: {  	[sflag:s25] =	ssyncset.done $0x0  }
0x234: {  	[sflag:s25] =	ssyncadd.s32 $0xFFFFC800  }
0x235: {  	_ =	swait.ge [sflag:s20], $0x3800  }
0x236: {  	[sflag:s20] =	ssyncset.done $0x0  }
0x237: {  	[sflag:s20] =	ssyncadd.s32 $0xFFFFC800  }
0x238: {  	_ =	swait.ge [sflag:s23], $0x3800  }
0x239: {  	s9 =	simm.s32 $0xC400;
	[sflag:s23] =	ssyncset.done $0x0  }
.LBB2_4:
0x23a: {  	[sflag:s23] =	ssyncadd.s32 $0xFFFFC800;
	s8 =	sadd.s32 $0x100, s8  }
0x23b: {  	[tilespmem:s3], [sflag:$0x7] =	stream.linear.gather [hbm4b:s8+s3], $0x700, $0x38;
	[tilespmem:$0x1F800] =	vst v63  }
0x23c: {  	_ =	swait.ge [sflag:s10], $0x700  }
0x23d: {  	[sflag:s10] =	ssyncset.done $0x0  }
0x23e: {  	[sflag:s10] =	ssyncadd.s32 $0xFFFFF900  }
0x23f: {  	[tilespmem:s13], [sflag:$0x1] =	stream.indirect.gather [spmem:s2], $0x80, s3, s12, $0xb8;
	[tilespmem:$0x1F800] =	vst v63  }
0x240: {  	_ = 	snop  }
0x241: {  	[tilespmem:s15], [sflag:$0x2] =	stream.indirect.gather [spmem:s2], $0x80, s14, s12, $0xb8;
	[tilespmem:$0x1F800] =	vst v63  }
0x242: {  	_ =	swait.ge [sflag:s16], $0x3800  }
0x243: {  	s14 =	sld [smem:$0x7FB];
	_ =	sdelay $0x1  }
0x244: {  	s7 =	smov.u32 s9;
	[sflag:s16] =	ssyncset.done $0x0  }
0x245: {  	[sflag:s16] =	ssyncadd.s32 $0xFFFFC800;
	s14 =	sadd.s32 s7, s14  }
0x246: {  	[hbm4b:s14+s30] =	stream.strided.scatter [tilespmem:s13], [sflag:$0x4], $0x3800, s11, s30, $0x38;
	[tilespmem:$0x1F800] =	vst v63  }
0x247: {  	_ = 	snop  }
0x248: {  	[tilespmem:s18], [sflag:$0x3] =	stream.indirect.gather [spmem:s2], $0x80, s17, s12, $0xb8;
	[tilespmem:$0x1F800] =	vst v63  }
0x249: {  	_ =	swait.ge [sflag:s19], $0x3800  }
0x24a: {  	s14 =	rddreg [dreg:$0x1f];
	[sflag:s19] =	ssyncset.done $0x0  }
0x24b: {  	[sflag:s19] =	ssyncadd.s32 $0xFFFFC800;
	s14 =	sadd.s32 s7, s14  }
0x24c: {  	[hbm4b:s14+s30] =	stream.strided.scatter [tilespmem:s15], [sflag:$0x5], $0x3800, s11, s30, $0x38;
	[tilespmem:$0x1F800] =	vst v63  }
0x24d: {  	_ =	swait.ge [sflag:s20], $0x3800  }
0x24e: {  	[sflag:s20] =	ssyncset.done $0x0  }
0x24f: {  	[sflag:s20] =	ssyncadd.s32 $0xFFFFC800  }
0x250: {  	[tilespmem:s13], [sflag:$0x1] =	stream.indirect.gather [spmem:s2], $0x80, s21, s12, $0xb8;
	[tilespmem:$0x1F800] =	vst v63  }
0x251: {  	_ =	swait.ge [sflag:s22], $0x3800  }
0x252: {  	s14 =	rddreg [dreg:$0x1e];
	[sflag:s22] =	ssyncset.done $0x0  }
0x253: {  	[sflag:s22] =	ssyncadd.s32 $0xFFFFC800;
	s14 =	sadd.s32 s7, s14  }
0x254: {  	[hbm4b:s14+s30] =	stream.strided.scatter [tilespmem:s18], [sflag:$0x6], $0x3800, s11, s30, $0x38;
	[tilespmem:$0x1F800] =	vst v63  }
0x255: {  	_ =	swait.ge [sflag:s23], $0x3800  }
0x256: {  	[sflag:s23] =	ssyncset.done $0x0  }
0x257: {  	[sflag:s23] =	ssyncadd.s32 $0xFFFFC800  }
0x258: {  	[tilespmem:s15], [sflag:$0x2] =	stream.indirect.gather [spmem:s2], $0x80, s24, s12, $0xb8;
	[tilespmem:$0x1F800] =	vst v63  }
0x259: {  	_ =	swait.ge [sflag:s16], $0x3800  }
0x25a: {  	s14 =	rddreg [dreg:$0x1d];
	[sflag:s16] =	ssyncset.done $0x0  }
0x25b: {  	[sflag:s16] =	ssyncadd.s32 $0xFFFFC800;
	s14 =	sadd.s32 s7, s14  }
0x25c: {  	[hbm4b:s14+s30] =	stream.strided.scatter [tilespmem:s13], [sflag:$0x4], $0x3800, s11, s30, $0x38;
	[tilespmem:$0x1F800] =	vst v63  }
0x25d: {  	_ =	swait.ge [sflag:s25], $0x3800  }
0x25e: {  	[sflag:s25] =	ssyncset.done $0x0  }
0x25f: {  	[sflag:s25] =	ssyncadd.s32 $0xFFFFC800  }
0x260: {  	[tilespmem:s18], [sflag:$0x3] =	stream.indirect.gather [spmem:s2], $0x80, s26, s12, $0xb8;
	[tilespmem:$0x1F800] =	vst v63  }
0x261: {  	_ =	swait.ge [sflag:s19], $0x3800  }
0x262: {  	s14 =	rddreg [dreg:$0x1c];
	[sflag:s19] =	ssyncset.done $0x0  }
0x263: {  	[sflag:s19] =	ssyncadd.s32 $0xFFFFC800;
	s14 =	sadd.s32 s7, s14  }
0x264: {  	[hbm4b:s14+s30] =	stream.strided.scatter [tilespmem:s15], [sflag:$0x5], $0x3800, s11, s30, $0x38;
	[tilespmem:$0x1F800] =	vst v63  }
0x265: {  	_ =	swait.ge [sflag:s20], $0x3800  }
0x266: {  	[sflag:s20] =	ssyncset.done $0x0  }
0x267: {  	[sflag:s20] =	ssyncadd.s32 $0xFFFFC800  }
0x268: {  	[tilespmem:s13], [sflag:$0x1] =	stream.indirect.gather [spmem:s2], $0x80, s28, s12, $0xb8;
	[tilespmem:$0x1F800] =	vst v63  }
0x269: {  	_ =	swait.ge [sflag:s22], $0x3800  }
0x26a: {  	s14 =	rddreg [dreg:$0x1b];
	[sflag:s22] =	ssyncset.done $0x0  }
0x26b: {  	[sflag:s22] =	ssyncadd.s32 $0xFFFFC800;
	s14 =	sadd.s32 s7, s14  }
0x26c: {  	[hbm4b:s14+s30] =	stream.strided.scatter [tilespmem:s18], [sflag:$0x6], $0x3800, s11, s30, $0x38;
	[tilespmem:$0x1F800] =	vst v63  }
0x26d: {  	_ =	swait.ge [sflag:s23], $0x3800  }
0x26e: {  	[sflag:s23] =	ssyncset.done $0x0  }
0x26f: {  	[sflag:s23] =	ssyncadd.s32 $0xFFFFC800  }
0x270: {  	[tilespmem:s15], [sflag:$0x2] =	stream.indirect.gather [spmem:s2], $0x80, s29, s12, $0xb8;
	[tilespmem:$0x1F800] =	vst v63  }
0x271: {  	_ =	swait.ge [sflag:s16], $0x3800  }
0x272: {  	s14 =	rddreg [dreg:$0x1a];
	[sflag:s16] =	ssyncset.done $0x0  }
0x273: {  	[sflag:s16] =	ssyncadd.s32 $0xFFFFC800;
	s14 =	sadd.s32 s7, s14  }
0x274: {  	[hbm4b:s14+s30] =	stream.strided.scatter [tilespmem:s13], [sflag:$0x4], $0x3800, s11, s30, $0x38;
	[tilespmem:$0x1F800] =	vst v63  }
0x275: {  	_ =	swait.ge [sflag:s25], $0x3800  }
0x276: {  	[sflag:s25] =	ssyncset.done $0x0  }
0x277: {  	[sflag:s25] =	ssyncadd.s32 $0xFFFFC800  }
0x278: {  	[tilespmem:s18], [sflag:$0x3] =	stream.indirect.gather [spmem:s2], $0x80, s30, s12, $0xb8;
	[tilespmem:$0x1F800] =	vst v63  }
0x279: {  	_ =	swait.ge [sflag:s19], $0x3800  }
0x27a: {  	s14 =	rddreg [dreg:$0x19];
	[sflag:s19] =	ssyncset.done $0x0  }
0x27b: {  	[sflag:s19] =	ssyncadd.s32 $0xFFFFC800;
	s14 =	sadd.s32 s7, s14  }
0x27c: {  	[hbm4b:s14+s30] =	stream.strided.scatter [tilespmem:s15], [sflag:$0x5], $0x3800, s11, s30, $0x38;
	[tilespmem:$0x1F800] =	vst v63  }
0x27d: {  	_ =	swait.ge [sflag:s20], $0x3800  }
0x27e: {  	[sflag:s20] =	ssyncset.done $0x0  }
0x27f: {  	[sflag:s20] =	ssyncadd.s32 $0xFFFFC800  }
0x280: {  	[tilespmem:s13], [sflag:$0x1] =	stream.indirect.gather [spmem:s2], $0x80, s31, s12, $0xb8;
	[tilespmem:$0x1F800] =	vst v63  }
0x281: {  	_ =	swait.ge [sflag:s22], $0x3800  }
0x282: {  	s14 =	rddreg [dreg:$0x18];
	[sflag:s22] =	ssyncset.done $0x0  }
0x283: {  	[sflag:s22] =	ssyncadd.s32 $0xFFFFC800;
	s14 =	sadd.s32 s7, s14  }
0x284: {  	[hbm4b:s14+s30] =	stream.strided.scatter [tilespmem:s18], [sflag:$0x6], $0x3800, s11, s30, $0x38;
	[tilespmem:$0x1F800] =	vst v63  }
0x285: {  	_ =	swait.ge [sflag:s23], $0x3800  }
0x286: {  	[sflag:s23] =	ssyncset.done $0x0  }
0x287: {  	[sflag:s23] =	ssyncadd.s32 $0xFFFFC800  }
0x288: {  	[tilespmem:s15], [sflag:$0x2] =	stream.indirect.gather [spmem:s2], $0x80, s1, s12, $0xb8;
	[tilespmem:$0x1F800] =	vst v63  }
0x289: {  	_ =	swait.ge [sflag:s16], $0x3800  }
0x28a: {  	s14 =	rddreg [dreg:$0x17];
	[sflag:s16] =	ssyncset.done $0x0  }
0x28b: {  	[sflag:s16] =	ssyncadd.s32 $0xFFFFC800;
	s14 =	sadd.s32 s7, s14  }
0x28c: {  	[hbm4b:s14+s30] =	stream.strided.scatter [tilespmem:s13], [sflag:$0x4], $0x3800, s11, s30, $0x38;
	[tilespmem:$0x1F800] =	vst v63  }
0x28d: {  	_ =	swait.ge [sflag:s25], $0x3800  }
0x28e: {  	[sflag:s25] =	ssyncset.done $0x0  }
0x28f: {  	[sflag:s25] =	ssyncadd.s32 $0xFFFFC800  }
0x290: {  	[tilespmem:s18], [sflag:$0x3] =	stream.indirect.gather [spmem:s2], $0x80, s0, s12, $0xb8;
	[tilespmem:$0x1F800] =	vst v63  }
0x291: {  	_ =	swait.ge [sflag:s19], $0x3800  }
0x292: {  	s14 =	rddreg [dreg:$0x16];
	[sflag:s19] =	ssyncset.done $0x0  }
0x293: {  	[sflag:s19] =	ssyncadd.s32 $0xFFFFC800;
	s14 =	sadd.s32 s7, s14  }
0x294: {  	[hbm4b:s14+s30] =	stream.strided.scatter [tilespmem:s15], [sflag:$0x5], $0x3800, s11, s30, $0x38;
	[tilespmem:$0x1F800] =	vst v63  }
0x295: {  	_ =	swait.ge [sflag:s20], $0x3800  }
0x296: {  	[sflag:s20] =	ssyncset.done $0x0  }
0x297: {  	[sflag:s20] =	ssyncadd.s32 $0xFFFFC800  }
0x298: {  	[tilespmem:s13], [sflag:$0x1] =	stream.indirect.gather [spmem:s2], $0x80, s5, s12, $0xb8;
	[tilespmem:$0x1F800] =	vst v63  }
0x299: {  	_ =	swait.ge [sflag:s22], $0x3800  }
0x29a: {  	s14 =	rddreg [dreg:$0x15];
	[sflag:s22] =	ssyncset.done $0x0  }
0x29b: {  	[sflag:s22] =	ssyncadd.s32 $0xFFFFC800;
	s14 =	sadd.s32 s7, s14  }
0x29c: {  	[hbm4b:s14+s30] =	stream.strided.scatter [tilespmem:s18], [sflag:$0x6], $0x3800, s11, s30, $0x38;
	[tilespmem:$0x1F800] =	vst v63  }
0x29d: {  	_ =	swait.ge [sflag:s23], $0x3800  }
0x29e: {  	[sflag:s23] =	ssyncset.done $0x0  }
0x29f: {  	[sflag:s23] =	ssyncadd.s32 $0xFFFFC800  }
0x2a0: {  	[tilespmem:s15], [sflag:$0x2] =	stream.indirect.gather [spmem:s2], $0x80, s6, s12, $0xb8;
	[tilespmem:$0x1F800] =	vst v63  }
0x2a1: {  	_ =	swait.ge [sflag:s16], $0x3800  }
0x2a2: {  	s14 =	rddreg [dreg:$0x14];
	[sflag:s16] =	ssyncset.done $0x0  }
0x2a3: {  	[sflag:s16] =	ssyncadd.s32 $0xFFFFC800;
	s14 =	sadd.s32 s7, s14  }
0x2a4: {  	[hbm4b:s14+s30] =	stream.strided.scatter [tilespmem:s13], [sflag:$0x4], $0x3800, s11, s30, $0x38;
	[tilespmem:$0x1F800] =	vst v63  }
0x2a5: {  	_ =	swait.ge [sflag:s19], $0x3800  }
0x2a6: {  	s14 =	rddreg [dreg:$0x13];
	[sflag:s19] =	ssyncset.done $0x0  }
0x2a7: {  	[sflag:s19] =	ssyncadd.s32 $0xFFFFC800;
	s7 =	sadd.s32 s7, s14  }
0x2a8: {  	[hbm4b:s7+s30] =	stream.strided.scatter [tilespmem:s15], [sflag:$0x5], $0x3800, s11, s30, $0x38;
	[tilespmem:$0x1F800] =	vst v63  }
0x2a9: {  	_ =	swait.ge [sflag:s25], $0x3800  }
0x2aa: {  	[sflag:s25] =	ssyncset.done $0x0  }
0x2ab: {  	p0 =	sne.s32 s9, $0x24C00;
	[sflag:s25] =	ssyncadd.s32 $0xFFFFC800  }
.Ltmp1:
0x2ac: {  	_ =	swait.ge [sflag:s20], $0x3800;
	(pc) =	sbr.rel @p0 .LBB2_4-.Ltmp1, $4  }
0x2ad: {  	[sflag:s20] =	ssyncset.done $0x0  }
0x2ae: {  	[sflag:s20] =	ssyncadd.s32 $0xFFFFC800  }
0x2af: {  	_ =	swait.ge [sflag:s23], $0x3800  }
0x2b0: {  	s9 =	sadd.s32 $0xC400, s9;
	s14 =	simm.s32 $0x80;
	[sflag:s23] =	ssyncset.done $0x0  }
0x2b1: {  	s8 =	sld [smem:$0x7F7]  }
0x2b2: {  	s7 =	sld [smem:$0x7FA];
	_ =	sdelay $0x1  }
0x2b3: {  	s8 =	sadd.s32 $0x1, s8  }
0x2b4: {  	p0 =	sne.s32 s8, s7  }
.Ltmp2:
0x2b5: {  	_ = 	snop;
	(pc) =	sbr.rel @p0 .LBB2_1-.Ltmp2, $2  }
0x2b6: {  	_ =	sdelay $0x2  }
0x2b7: {  	[sflag:s23] =	ssyncadd.s32 $0xFFFFC800  }
0x2b8: {  	_ =	sfence.sel $0x180000  }
0x2b9: {  	[bflag:$0x0] =	sbarrier.arrive $0xFFFF  }
0x2ba: {  	_ =	strace $0x9000004A  }
0x2bb: {  	s0 =	stileid.u32;
	[bflag:$0x2] =	sbarrier.arrive $0xFFFF  }
0x2bc: {  	p0 =	sne.s32 s0, $0x0;
	s0 =	rddreg [dreg:$0x2]  }
0x2bd: {  	s0 =	sadd.s32 @!p0 $0x100000, s0  }
0x2be: {  	[sflag:s0] =	ssyncadd.tile.s32 @!p0 $0x1;
	_ =	shalt  }
.Lfunc_end2:
_tile_overlayer_lowered:
.L_overlay_start_2:
0x2bf: {  	(tag) =	ssettag $0x2  }
0x2c0: {  	s0 =	rddreg [dreg:$0x0];
	s2 =	stileid.u32  }
0x2c1: {  	s1 =	rddreg [dreg:$0x1];
	p0 =	sne.s32 s2, $0x0  }
0x2c2: {  	s3 =	rddreg [dreg:$0x2];
	[bflag:$0x3] =	sbarrier.arrive $0xFFFF;
	s2 =	simm.s32 @!p0 $0x1C07  }
0x2c3: {  	[timem:s3], [sflag:s2] =	dma.local @!p0 [hbm:s0], s1  }
0x2c4: {  	s0 =	simm.s32 @!p0 $0x7  }
0x2c5: {  	_ =	swait.ge @!p0 [sflag:s0], s1  }
0x2c6: {  	s1 =	ssub.s32 @!p0 $0x0, s1;
	[sflag:s0] =	ssyncset.done @!p0 $0x0  }
0x2c7: {  	[sflag:s0] =	ssyncadd.s32 @!p0 s1  }
0x2c8: {  	[bflag:$0x3] =	sbarrier.arrive $0xFFFF  }
0x2c9: {  	_ =	shalt  }

// kernel: kernel.7.cloned.1.call-start
scs
__scs_entry_jumppad:
0x0: {  	(pc) =	sbr.rel $0x88, $3  }
0x1: {  	(tag) =	ssettag $0x0;
	lr =	simm.s32 $0x1  }
0x2: {  	[smem:$0x3F86] =	sst lr;
	_ =	strace $0xD0000000  }
0x3: {  	_ = 	snop  }
0x4: {  	_ = 	snop  }
0x5: {  	_ = 	snop  }
0x6: {  	_ = 	snop  }
0x7: {  	_ = 	snop  }
__scs_overlays_trampoline_lowered:
0x8: {  	[smem:$0x3F95] =	sst s0  }
0x9: {  	[smem:$0x3F96] =	sst s1  }
0xa: {  	[smem:$0x3F97] =	sst s2  }
0xb: {  	[smem:$0x3F98] =	sst s3  }
0xc: {  	[smem:$0x3F99] =	sst s4  }
0xd: {  	[smem:$0x3F9A] =	sst s5  }
0xe: {  	[smem:$0x3F9B] =	sst s6  }
0xf: {  	[smem:$0x3F9C] =	sst s7  }
0x10: {  	[smem:$0x3F9D] =	sst s8  }
0x11: {  	[smem:$0x3F9E] =	sst s9;
	s0 =	simm.s32 @!p0 $0x0  }
0x12: {  	s1 =	sld [smem:$0x3F84];
	s0 =	simm.s32 @p0 $0x1  }
0x13: {  	[smem:$0x3F9F] =	sst s0;
	s0 =	simm.s32 @!p1 $0x0  }
0x14: {  	s2 =	sld [smem:$0x3F83];
	s0 =	simm.s32 @p1 $0x1  }
0x15: {  	[smem:$0x3FA0] =	sst s0;
	s0 =	simm.s32 @!p2 $0x0  }
0x16: {  	s3 =	sld [smem:$0x3FDB];
	s0 =	simm.s32 @p2 $0x1  }
0x17: {  	s4 =	simm.s32 $0x1BF5;
	[smem:$0x3FA2] =	sst s0  }
0x18: {  	s0 =	sld [smem:$0x3F85];
	_ =	swait.ge [sflag:s4], $0x0  }
0x19: {  	s7 =	sld [smem:$0x3F86]  }
0x1a: {  	s8 =	sadd.s32 $0xFFFFE003, lr  }
0x1b: {  	s9 =	sadd.s32 $0xFFFFFEF7, lr;
	s5 =	simm.s32 $0xFFFFFFFF;
	p2 =	slt.u32 s8, $0xFFFFF086  }
0x1c: {  	p1 =	slt.u32 s9, $0xF7A;
	s5 =	simm.s32 @!p2 $0x0  }
0x1d: {  	s5 =	simm.s32 @p1 $0x1;
	p0 =	seq.s32 s7, s2  }
0x1e: {  	s7 =	smul.u32 @!p0 $0xF7A, s2;
	p2 =	seq.s32 @!p0 s5, $0x0  }
0x1f: {  	s9 =	smul.u32 $0xF7A, s1;
	s8 =	simm.s32 @!p0 $0x1BF5;
	p2 =	por !p2, p0  }
0x20: {  	[sflag:s8] =	ssyncset.s32 @!p0 $0xFFFFF086;
	s6 =	sadd.s32 @!p0 s3, s7;
	s7 =	simm.s32 @!p0 $0x108  }
0x21: {  	s3 =	sadd.s32 s3, s9;
	s6 =	sadd.s32 @!p0 $0x88, s6;
	s7 =	simm.s32 @p2 $0x1082  }
0x22: {  	[simem:s7], [sflag:s8] =	dma.local @!p0 [hbm:s6], $0xF7A  }
0x23: {  	s9 =	sor.u32 $0xD0000000, s2;
	s6 =	simm.s32 $0x108;
	_ =	swait.ge @!p0 [sflag:s8], $0x0  }
0x24: {  	s3 =	sadd.s32 $0x88, s3;
	s6 =	simm.s32 @!p1 $0x1082;
	[sflag:s4] =	ssyncset.s32 $0xFFFFF086  }
0x25: {  	[simem:s6], [sflag:s4] =	dma.local [hbm:s3], $0xF7A  }
0x26: {  	[smem:$0x3F86] =	sst s1;
	(tag) =	ssettag s2;
	_ =	strace s9  }
0x27: {  	s1 =	sld [smem:$0x3F96]  }
0x28: {  	s2 =	sld [smem:$0x3F97]  }
0x29: {  	s4 =	sld [smem:$0x3F99]  }
0x2a: {  	p0 =	seq.s32 s5, $0x0;
	s5 =	sld [smem:$0x3F9A]  }
0x2b: {  	s6 =	sld [smem:$0x3F9B]  }
0x2c: {  	s7 =	sld [smem:$0x3F9C]  }
0x2d: {  	s3 =	simm.s32 $0x108;
	s8 =	sld [smem:$0x3F9D]  }
0x2e: {  	s3 =	simm.s32 @!p0 $0x1082;
	s9 =	sld [smem:$0x3F9E]  }
0x2f: {  	lr =	sadd.s32 s0, s3;
	s0 =	sld [smem:$0x3F95]  }
0x30: {  	s3 =	sld [smem:$0x3F98]  }
0x31: {  	[smem:$0x3FA1] =	sst s10  }
0x32: {  	s10 =	sld [smem:$0x3F9F];
	_ =	sdelay $0x3  }
0x33: {  	p0 =	seq.s32 s10, $0x1;
	s10 =	sld [smem:$0x3FA1];
	_ =	sdelay $0x3  }
0x34: {  	[smem:$0x3FA1] =	sst s10  }
0x35: {  	s10 =	sld [smem:$0x3FA0];
	_ =	sdelay $0x3  }
0x36: {  	p1 =	seq.s32 s10, $0x1;
	s10 =	sld [smem:$0x3FA1];
	_ =	sdelay $0x3  }
0x37: {  	[smem:$0x3FA1] =	sst s10  }
0x38: {  	s10 =	sld [smem:$0x3FA2]  }
0x39: {  	_ = 	snop;
	(pc) =	sbr.ind lr, $3  }
0x3a: {  	_ = 	snop  }
0x3b: {  	_ = 	snop  }
0x3c: {  	p2 =	seq.s32 s10, $0x1;
	s10 =	sld [smem:$0x3FA1]  }
0x3d: {  	_ =	shalt  }
0x3e: {  	_ =	shalt  }
0x3f: {  	_ =	shalt  }
0x40: {  	_ =	shalt  }
0x41: {  	_ =	shalt  }
0x42: {  	_ =	shalt  }
0x43: {  	_ =	shalt  }
0x44: {  	_ =	shalt  }
0x45: {  	_ =	shalt  }
0x46: {  	_ =	shalt  }
0x47: {  	_ =	shalt  }
0x48: {  	_ =	shalt  }
0x49: {  	_ =	shalt  }
0x4a: {  	_ =	shalt  }
0x4b: {  	_ =	shalt  }
0x4c: {  	_ =	shalt  }
0x4d: {  	_ =	shalt  }
0x4e: {  	_ =	shalt  }
0x4f: {  	_ =	shalt  }
0x50: {  	_ =	shalt  }
0x51: {  	_ =	shalt  }
0x52: {  	_ =	shalt  }
0x53: {  	_ =	shalt  }
0x54: {  	_ =	shalt  }
0x55: {  	_ =	shalt  }
0x56: {  	_ =	shalt  }
0x57: {  	_ =	shalt  }
0x58: {  	_ =	shalt  }
0x59: {  	_ =	shalt  }
0x5a: {  	_ =	shalt  }
0x5b: {  	_ =	shalt  }
0x5c: {  	_ =	shalt  }
0x5d: {  	_ =	shalt  }
0x5e: {  	_ =	shalt  }
0x5f: {  	_ =	shalt  }
0x60: {  	_ =	shalt  }
0x61: {  	_ =	shalt  }
0x62: {  	_ =	shalt  }
0x63: {  	_ =	shalt  }
0x64: {  	_ =	shalt  }
0x65: {  	_ =	shalt  }
0x66: {  	_ =	shalt  }
0x67: {  	_ =	shalt  }
0x68: {  	_ =	shalt  }
0x69: {  	_ =	shalt  }
0x6a: {  	_ =	shalt  }
0x6b: {  	_ =	shalt  }
0x6c: {  	_ =	shalt  }
0x6d: {  	_ =	shalt  }
0x6e: {  	_ =	shalt  }
0x6f: {  	_ =	shalt  }
0x70: {  	_ =	shalt  }
0x71: {  	_ =	shalt  }
0x72: {  	_ =	shalt  }
0x73: {  	_ =	shalt  }
0x74: {  	_ =	shalt  }
0x75: {  	_ =	shalt  }
0x76: {  	_ =	shalt  }
0x77: {  	_ =	shalt  }
0x78: {  	_ =	shalt  }
0x79: {  	_ =	shalt  }
0x7a: {  	_ =	shalt  }
0x7b: {  	_ =	shalt  }
0x7c: {  	_ =	shalt  }
0x7d: {  	_ =	shalt  }
0x7e: {  	_ =	shalt  }
0x7f: {  	_ =	shalt  }
0x80: {  	_ =	shalt  }
0x81: {  	_ =	shalt  }
0x82: {  	_ =	shalt  }
0x83: {  	_ =	shalt  }
0x84: {  	_ =	shalt  }
0x85: {  	_ =	shalt  }
0x86: {  	_ =	shalt  }
0x87: {  	_ =	shalt  }
.Lfunc_end0:
.L_simem_size_0:
called_computation_lowered:
.L_overlay_start_0:
0x88: {  	s2 =	sld [smem:$0x3FD9]  }
0x89: {  	s3 =	sld [smem:$0x3FFE];
	_ =	sdelay $0x1  }
0x8a: {  	s1 =	srdreg.scid  }
0x8b: {  	s0 =	sand.u32 $0x1, s1  }
0x8c: {  	s16 =	sshll.u32 s0, $0xA;
	s2 =	sadd.s32 s3, s2  }
0x8d: {  	s2 =	sadd.s32 s2, s16  }
0x8e: {  	[smem:$0x3FAD] =	sst s2  }
0x8f: {  	_ = 	snop  }
0x90: {  	(tm) =	ssettm $0x1  }
0x91: {  	s17 =	sld [smem:$0x3FFB];
	_ =	sdelay $0x3  }
0x92: {  	_ =	strace s17  }
0x93: {  	s2 =	sld [smem:$0x3FFC];
	_ =	sdelay $0x3  }
0x94: {  	_ =	strace s2  }
0x95: {  	s2 =	sld [smem:$0x3FFD];
	_ =	sdelay $0x3  }
0x96: {  	_ =	strace s2  }
0x97: {  	_ =	strace $0x8FFFFFFF  }
0x98: {  	s18 =	sld [smem:$0x3FDB];
	_ =	sdelay $0x1  }
0x99: {  	s19 =	simm.s32 $_scs_section_size  }
0x9a: {  	s4 =	simm.s32 $_size__tile_overlayer_lowered;
	s5 =	simm.s32 $_tile_overlayer_lowered  }
0x9b: {  	s22 =	simm.s32 $0x1BFF;
	s21 =	sshll.u32 s5, $0x1;
	s2 =	sadd.s32 s19, s18  }
0x9c: {  	s6 =	simm.s32 $0x0;
	s20 =	sshll.u32 s4, $0x1;
	s4 =	sadd.s32 s21, s2  }
0x9d: {  	[timem:s6], [sflag:s22] =	dma.local [hbm:s4], s20  }
0x9e: {  	_ =	swait.ge [sflag:s22], s20  }
0x9f: {  	s3 =	ssub.s32 $0x0, s20;
	[sflag:s22] =	ssyncset.done $0x0  }
0xa0: {  	[sflag:s22] =	ssyncadd.s32 s3;
	_ =	sdelay $0x1  }
0xa1: {  	s23 =	simm.s32 $0x1B8B  }
0xa2: {  	_ =	swait.ge [sflag:s23], $0x1  }
0xa3: {  	[sflag:s23] =	ssyncset.done $0x0  }
0xa4: {  	s25 =	simm.s32 $0x1B8E;
	s24 =	sld [smem:$0x3FFE];
	[sflag:s23] =	ssyncadd.s32 $0xFFFFFFFF  }
0xa5: {  	s26 =	simm.s32 $execute0_lowered;
	[smem:$0x3FD2] =	sst s25  }
0xa6: {  	s4 =	sshll.u32 s26, $0x1;
	_ =	strace $0x80000046;
	[dreg:$0x1] =	wrdreg $0xFFFFFFFF  }
0xa7: {  	s28 =	simm.s32 $_size_execute0_lowered;
	s2 =	sadd.s32 s2, s4;
	[dreg:$0x0] =	wrdreg $0x0  }
0xa8: {  	s4 =	sshll.u32 s28, $0x1;
	[dreg:$0x2] =	wrdreg s2  }
0xa9: {  	[dreg:$0x3] =	wrdreg s4  }
0xaa: {  	[dreg:$0x4] =	wrdreg $0xC0  }
0xab: {  	_ =	task [dreg:s6], $0x5FFFF  }
0xac: {  	[dreg:$0x1] =	wrdreg $0xFFFFFFFF  }
0xad: {  	[dreg:$0x0] =	wrdreg $0x60  }
0xae: {  	[dreg:$0x2] =	wrdreg s24  }
0xaf: {  	[dreg:$0x3] =	wrdreg $0xB8000  }
0xb0: {  	[dreg:$0x4] =	wrdreg $0x9  }
0xb1: {  	_ =	task.clear_ibuf [dreg:s6], $0x5FFFF;
	_ =	strace $0x90000046  }
0xb2: {  	s29 =	simm.s32 $0x9;
	_ =	strace $0x80000048  }
0xb3: {  	_ =	swait.ge [sflag:s29], $0x1  }
0xb4: {  	[sflag:s29] =	ssyncadd.s32 $0xFFFFFFFF  }
0xb5: {  	_ =	strace $0x90000048  }
0xb6: {  	_ =	sfence  }
0xb7: {  	s30 =	sld [smem:$0x0];
	_ =	sdelay $0x2  }
0xb8: {  	s31 =	sshll.u32 s1, $0xD;
	s1 =	sshrl.u32 s1, $0x2  }
0xb9: {  	s3 =	sand.u32 $0x4000, s31;
	s1 =	sadd.s32 s1, s30  }
0xba: {  	s0 =	sor.u32 s3, s0;
	s1 =	sshll.u32 s1, $0x11  }
0xbb: {  	s0 =	sor.u32 s1, s0  }
0xbc: {  	s0 =	sadd.s32 $0x8F2B, s0  }
0xbd: {  	[sflag:s0] =	ssyncadd.remote.s32 $0x1  }
0xbe: {  	_ =	sfence.sel $0xFFFF  }
0xbf: {  	[dreg:$0x0] =	wrdreg $0xFFFFFFFF;
	(pc) =	sbr.abs _section_cstart, $3  }
0xc0: {  	[dreg:$0x1] =	wrdreg $0xFFFFFFFF  }
0xc1: {  	_ =	task.clear_ibuf [dreg:s6], $0x2FFFF;
	_ =	strace $0x9FFFFFFF  }
0xc2: {  	(tm) =	ssettm $0x7FFFFFFF  }
0xc3: {  	_ =	shalt  }
tec
execute0_lowered:
.L_overlay_start_1:
0x0: {  	(tag) =	ssettag $0x1  }
0x1: {  	s0 =	srdreg.scid;
	s1 =	rddreg [dreg:$0x0]  }
0x2: {  	s9 =	stileid.u32;
	s2 =	rddreg [dreg:$0x1];
	s3 =	simm.s32 $0x0  }
0x3: {  	s11 =	simm.s32 $0x80;
	s12 =	simm.s32 $0x100;
	s13 =	simm.s32 $0x880  }
0x4: {  	s14 =	simm.s32 $0x180;
	s15 =	simm.s32 $0x900;
	s16 =	simm.s32 $0x200  }
0x5: {  	s17 =	simm.s32 $0x980;
	s18 =	simm.s32 $0x280;
	s19 =	simm.s32 $0xA00  }
0x6: {  	s20 =	simm.s32 $0x300;
	s21 =	simm.s32 $0xA80;
	[smem:$0x7FF] =	sst s3  }
0x7: {  	s22 =	simm.s32 $0x380;
	_ =	strace $0x80000047;
	[dreg:$0x4] =	wrdreg s11  }
0x8: {  	s23 =	simm.s32 $0xB00;
	s24 =	simm.s32 $0x400;
	[dreg:$0x5] =	wrdreg s12  }
0x9: {  	s25 =	simm.s32 $0xB80;
	s28 =	simm.s32 $0x600;
	[dreg:$0x6] =	wrdreg s13  }
0xa: {  	s29 =	simm.s32 $0xD80;
	s30 =	simm.s32 $0x680;
	[dreg:$0x7] =	wrdreg s14  }
0xb: {  	s31 =	simm.s32 $0xE00;
	s5 =	smul.u32 $0xC000, s9;
	[dreg:$0x8] =	wrdreg s15  }
0xc: {  	s0 =	sand.u32 $0x1, s0;
	s7 =	smul.u32 $0x14000, s9;
	[dreg:$0x9] =	wrdreg s16  }
0xd: {  	s26 =	smul.u32 $0x50000, s9;
	s10 =	sshll.u32 s9, $0x6;
	[dreg:$0xa] =	wrdreg s17  }
0xe: {  	s9 =	simm.s32 $0x0;
	s4 =	smul.u32 $0xC0000, s0;
	[dreg:$0xb] =	wrdreg s18  }
0xf: {  	s6 =	smul.u32 $0x140000, s0;
	s0 =	ssub.s32 $0x2, s0;
	[dreg:$0xc] =	wrdreg s19  }
0x10: {  	s11 =	simm.s32 $0x800;
	s12 =	simm.s32 $0x70;
	[dreg:$0xd] =	wrdreg s20  }
0x11: {  	s13 =	simm.s32 $0x1000;
	s14 =	simm.s32 $0x4800;
	[dreg:$0xe] =	wrdreg s21  }
0x12: {  	s15 =	simm.s32 $0x1;
	s16 =	simm.s32 $0x8000;
	[dreg:$0xf] =	wrdreg s22  }
0x13: {  	s17 =	simm.s32 $0x2;
	s18 =	simm.s32 $0x4;
	[dreg:$0x10] =	wrdreg s23  }
0x14: {  	s19 =	simm.s32 $0x3;
	[dreg:$0x11] =	wrdreg s24;
	s20 =	simm.s32 $0x5  }
0x15: {  	[dreg:$0x12] =	wrdreg s25;
	s21 =	simm.s32 $0x6;
	s22 =	simm.s32 $0xC00  }
0x16: {  	s23 =	simm.s32 $0x500;
	s24 =	simm.s32 $0xC80;
	s8 =	sshrl.u32 s0, $0x1  }
0x17: {  	s5 =	sadd.s32 s5, s4;
	s4 =	sadd.s32 $0x33800, s1;
	s6 =	sadd.s32 s7, s6  }
0x18: {  	s0 =	ssub.s32 s0, s8;
	s7 =	sshrl.u32 s26, $0x2;
	s26 =	simm.s32 $0x480  }
0x19: {  	s5 =	sshrl.u32 s5, $0x3;
	s6 =	sshrl.u32 s6, $0x3;
	s0 =	smax.u32 s0, $0x1  }
0x1a: {  	[dreg:$0x13] =	wrdreg s26;
	s5 =	sadd.s32 s5, s1;
	s1 =	sadd.s32 s6, s1  }
0x1b: {  	s6 =	sadd.s32 s7, s2;
	s7 =	sor.u32 $0x1C07, s10;
	[dreg:$0x17] =	wrdreg s0  }
0x1c: {  	s25 =	simm.s32 $0x580;
	s8 =	sadd.s32 $0x83800, s1;
	[dreg:$0x15] =	wrdreg s7  }
0x1d: {  	s26 =	simm.s32 $0xD00;
	s5 =	sadd.s32 $0x3800, s5;
	[dreg:$0x14] =	wrdreg s8  }
0x1e: {  	s10 =	simm.s32 $0x7;
	s1 =	sadd.s32 $0xD3800, s1;
	[dreg:$0x3] =	wrdreg s5  }
0x1f: {  	s0 =	simm.s32 $0xE80;
	[dreg:$0x16] =	wrdreg s1;
	s8 =	sshrl.u32 s6, $0x3  }
0x20: {  	s1 =	simm.s32 $0x700;
	s5 =	simm.s32 $0xF00;
	[dreg:$0x18] =	wrdreg s8  }
.LBB2_1:
0x21: {  	[dreg:$0x19] =	wrdreg s9  }
0x22: {  	s6 =	rddreg [dreg:$0x14]  }
0x23: {  	[spmem:s8], [sflag:s7] =	dma.local [hbm:s6], $0x2800  }
0x24: {  	_ =	swait.ge [sflag:s10], $0x2800  }
0x25: {  	[sflag:s10] =	ssyncset.done $0x0  }
0x26: {  	[sflag:s10] =	ssyncadd.s32 $0xFFFFD800  }
0x27: {  	[bflag:$0x0] =	sbarrier.arrive $0xFFFF  }
0x28: {  	s8 =	rddreg [dreg:$0x3]  }
0x29: {  	s6 =	sadd.s32 $0x0, s8  }
0x2a: {  	[tilespmem:s3], [sflag:$0x7] =	stream.linear.gather [hbm4b:s6+s3], $0x780, $0x38;
	[tilespmem:$0x1F800] =	vst v63  }
0x2b: {  	s6 =	sadd.s32 $0x100, s6  }
0x2c: {  	[tilespmem:s11], [sflag:$0x7] =	stream.linear.gather [hbm4b:s6+s3], $0x780, $0x38;
	[tilespmem:$0x1F800] =	vst v63  }
0x2d: {  	_ =	swait.ge [sflag:s10], $0xF00  }
0x2e: {  	[sflag:s10] =	ssyncset.done $0x0  }
0x2f: {  	[sflag:s10] =	ssyncadd.s32 $0xFFFFF100  }
0x30: {  	[tilespmem:s13], [sflag:$0x1] =	stream.indirect.gather [hbm4b:s4+s12], $0x80, s3, s12, $0xb8;
	[tilespmem:$0x1F800] =	vst v63  }
0x31: {  	s9 =	rddreg [dreg:$0x4]  }
0x32: {  	[tilespmem:s14], [sflag:$0x2] =	stream.indirect.gather [hbm4b:s4+s12], $0x80, s9, s12, $0xb8;
	[tilespmem:$0x1F800] =	vst v63  }
0x33: {  	_ =	swait.ge [sflag:s15], $0x3800  }
0x34: {  	[sflag:s15] =	ssyncset.done $0x0  }
0x35: {  	[sflag:s15] =	ssyncadd.s32 $0xFFFFC800  }
0x36: {  	[spmem:s2] =	stream.indirect.scatter.add.f32 [tilespmem:s13], [sflag:$0x4], $0x80, s11, s12, $0xb8;
	[tilespmem:$0x1F800] =	vst v63  }
0x37: {  	s7 =	rddreg [dreg:$0x5]  }
0x38: {  	[tilespmem:s16], [sflag:$0x3] =	stream.indirect.gather [hbm4b:s4+s12], $0x80, s7, s12, $0xb8;
	[tilespmem:$0x1F800] =	vst v63  }
0x39: {  	_ =	swait.ge [sflag:s17], $0x3800  }
0x3a: {  	[sflag:s17] =	ssyncset.done $0x0  }
0x3b: {  	s8 =	rddreg [dreg:$0x6];
	[sflag:s17] =	ssyncadd.s32 $0xFFFFC800  }
0x3c: {  	[spmem:s2] =	stream.indirect.scatter.add.f32 [tilespmem:s14], [sflag:$0x5], $0x80, s8, s12, $0xb8;
	[tilespmem:$0x1F800] =	vst v63  }
0x3d: {  	_ =	swait.ge [sflag:s18], $0x3800  }
0x3e: {  	[sflag:s18] =	ssyncset.done $0x0  }
0x3f: {  	s9 =	rddreg [dreg:$0x7];
	[sflag:s18] =	ssyncadd.s32 $0xFFFFC800  }
0x40: {  	[tilespmem:s13], [sflag:$0x1] =	stream.indirect.gather [hbm4b:s4+s12], $0x80, s9, s12, $0xb8;
	[tilespmem:$0x1F800] =	vst v63  }
0x41: {  	_ =	swait.ge [sflag:s19], $0x3800  }
0x42: {  	[sflag:s19] =	ssyncset.done $0x0  }
0x43: {  	s7 =	rddreg [dreg:$0x8];
	[sflag:s19] =	ssyncadd.s32 $0xFFFFC800  }
0x44: {  	[spmem:s2] =	stream.indirect.scatter.add.f32 [tilespmem:s16], [sflag:$0x6], $0x80, s7, s12, $0xb8;
	[tilespmem:$0x1F800] =	vst v63  }
0x45: {  	_ =	swait.ge [sflag:s20], $0x3800  }
0x46: {  	[sflag:s20] =	ssyncset.done $0x0  }
0x47: {  	s8 =	rddreg [dreg:$0x9];
	[sflag:s20] =	ssyncadd.s32 $0xFFFFC800  }
0x48: {  	[tilespmem:s14], [sflag:$0x2] =	stream.indirect.gather [hbm4b:s4+s12], $0x80, s8, s12, $0xb8;
	[tilespmem:$0x1F800] =	vst v63  }
0x49: {  	_ =	swait.ge [sflag:s15], $0x3800  }
0x4a: {  	[sflag:s15] =	ssyncset.done $0x0  }
0x4b: {  	s9 =	rddreg [dreg:$0xa];
	[sflag:s15] =	ssyncadd.s32 $0xFFFFC800  }
0x4c: {  	[spmem:s2] =	stream.indirect.scatter.add.f32 [tilespmem:s13], [sflag:$0x4], $0x80, s9, s12, $0xb8;
	[tilespmem:$0x1F800] =	vst v63  }
0x4d: {  	_ =	swait.ge [sflag:s21], $0x3800  }
0x4e: {  	[sflag:s21] =	ssyncset.done $0x0  }
0x4f: {  	s7 =	rddreg [dreg:$0xb];
	[sflag:s21] =	ssyncadd.s32 $0xFFFFC800  }
0x50: {  	[tilespmem:s16], [sflag:$0x3] =	stream.indirect.gather [hbm4b:s4+s12], $0x80, s7, s12, $0xb8;
	[tilespmem:$0x1F800] =	vst v63  }
0x51: {  	_ =	swait.ge [sflag:s17], $0x3800  }
0x52: {  	[sflag:s17] =	ssyncset.done $0x0  }
0x53: {  	s8 =	rddreg [dreg:$0xc];
	[sflag:s17] =	ssyncadd.s32 $0xFFFFC800  }
0x54: {  	[spmem:s2] =	stream.indirect.scatter.add.f32 [tilespmem:s14], [sflag:$0x5], $0x80, s8, s12, $0xb8;
	[tilespmem:$0x1F800] =	vst v63  }
0x55: {  	_ =	swait.ge [sflag:s18], $0x3800  }
0x56: {  	[sflag:s18] =	ssyncset.done $0x0  }
0x57: {  	s9 =	rddreg [dreg:$0xd];
	[sflag:s18] =	ssyncadd.s32 $0xFFFFC800  }
0x58: {  	[tilespmem:s13], [sflag:$0x1] =	stream.indirect.gather [hbm4b:s4+s12], $0x80, s9, s12, $0xb8;
	[tilespmem:$0x1F800] =	vst v63  }
0x59: {  	_ =	swait.ge [sflag:s19], $0x3800  }
0x5a: {  	[sflag:s19] =	ssyncset.done $0x0  }
0x5b: {  	s7 =	rddreg [dreg:$0xe];
	[sflag:s19] =	ssyncadd.s32 $0xFFFFC800  }
0x5c: {  	[spmem:s2] =	stream.indirect.scatter.add.f32 [tilespmem:s16], [sflag:$0x6], $0x80, s7, s12, $0xb8;
	[tilespmem:$0x1F800] =	vst v63  }
0x5d: {  	_ =	swait.ge [sflag:s20], $0x3800  }
0x5e: {  	[sflag:s20] =	ssyncset.done $0x0  }
0x5f: {  	s8 =	rddreg [dreg:$0xf];
	[sflag:s20] =	ssyncadd.s32 $0xFFFFC800  }
0x60: {  	[tilespmem:s14], [sflag:$0x2] =	stream.indirect.gather [hbm4b:s4+s12], $0x80, s8, s12, $0xb8;
	[tilespmem:$0x1F800] =	vst v63  }
0x61: {  	_ =	swait.ge [sflag:s15], $0x3800  }
0x62: {  	[sflag:s15] =	ssyncset.done $0x0  }
0x63: {  	s9 =	rddreg [dreg:$0x10];
	[sflag:s15] =	ssyncadd.s32 $0xFFFFC800  }
0x64: {  	[spmem:s2] =	stream.indirect.scatter.add.f32 [tilespmem:s13], [sflag:$0x4], $0x80, s9, s12, $0xb8;
	[tilespmem:$0x1F800] =	vst v63  }
0x65: {  	_ =	swait.ge [sflag:s21], $0x3800  }
0x66: {  	[sflag:s21] =	ssyncset.done $0x0  }
0x67: {  	s7 =	rddreg [dreg:$0x11];
	[sflag:s21] =	ssyncadd.s32 $0xFFFFC800  }
0x68: {  	[tilespmem:s16], [sflag:$0x3] =	stream.indirect.gather [hbm4b:s4+s12], $0x80, s7, s12, $0xb8;
	[tilespmem:$0x1F800] =	vst v63  }
0x69: {  	_ =	swait.ge [sflag:s17], $0x3800  }
0x6a: {  	[sflag:s17] =	ssyncset.done $0x0  }
0x6b: {  	s8 =	rddreg [dreg:$0x12];
	[sflag:s17] =	ssyncadd.s32 $0xFFFFC800  }
0x6c: {  	[spmem:s2] =	stream.indirect.scatter.add.f32 [tilespmem:s14], [sflag:$0x5], $0x80, s8, s12, $0xb8;
	[tilespmem:$0x1F800] =	vst v63  }
0x6d: {  	_ =	swait.ge [sflag:s18], $0x3800  }
0x6e: {  	[sflag:s18] =	ssyncset.done $0x0  }
0x6f: {  	s9 =	rddreg [dreg:$0x13];
	[sflag:s18] =	ssyncadd.s32 $0xFFFFC800  }
0x70: {  	[tilespmem:s13], [sflag:$0x1] =	stream.indirect.gather [hbm4b:s4+s12], $0x80, s9, s12, $0xb8;
	[tilespmem:$0x1F800] =	vst v63  }
0x71: {  	_ =	swait.ge [sflag:s19], $0x3800  }
0x72: {  	[sflag:s19] =	ssyncset.done $0x0  }
0x73: {  	[sflag:s19] =	ssyncadd.s32 $0xFFFFC800  }
0x74: {  	[spmem:s2] =	stream.indirect.scatter.add.f32 [tilespmem:s16], [sflag:$0x6], $0x80, s22, s12, $0xb8;
	[tilespmem:$0x1F800] =	vst v63  }
0x75: {  	_ =	swait.ge [sflag:s20], $0x3800  }
0x76: {  	[sflag:s20] =	ssyncset.done $0x0  }
0x77: {  	[sflag:s20] =	ssyncadd.s32 $0xFFFFC800  }
0x78: {  	[tilespmem:s14], [sflag:$0x2] =	stream.indirect.gather [hbm4b:s4+s12], $0x80, s23, s12, $0xb8;
	[tilespmem:$0x1F800] =	vst v63  }
0x79: {  	_ =	swait.ge [sflag:s15], $0x3800  }
0x7a: {  	[sflag:s15] =	ssyncset.done $0x0  }
0x7b: {  	[sflag:s15] =	ssyncadd.s32 $0xFFFFC800  }
0x7c: {  	[spmem:s2] =	stream.indirect.scatter.add.f32 [tilespmem:s13], [sflag:$0x4], $0x80, s24, s12, $0xb8;
	[tilespmem:$0x1F800] =	vst v63  }
0x7d: {  	_ =	swait.ge [sflag:s21], $0x3800  }
0x7e: {  	[sflag:s21] =	ssyncset.done $0x0  }
0x7f: {  	[sflag:s21] =	ssyncadd.s32 $0xFFFFC800  }
0x80: {  	[tilespmem:s16], [sflag:$0x3] =	stream.indirect.gather [hbm4b:s4+s12], $0x80, s25, s12, $0xb8;
	[tilespmem:$0x1F800] =	vst v63  }
0x81: {  	_ =	swait.ge [sflag:s17], $0x3800  }
0x82: {  	[sflag:s17] =	ssyncset.done $0x0  }
0x83: {  	[sflag:s17] =	ssyncadd.s32 $0xFFFFC800  }
0x84: {  	[spmem:s2] =	stream.indirect.scatter.add.f32 [tilespmem:s14], [sflag:$0x5], $0x80, s26, s12, $0xb8;
	[tilespmem:$0x1F800] =	vst v63  }
0x85: {  	_ =	swait.ge [sflag:s18], $0x3800  }
0x86: {  	[sflag:s18] =	ssyncset.done $0x0  }
0x87: {  	[sflag:s18] =	ssyncadd.s32 $0xFFFFC800  }
0x88: {  	[tilespmem:s13], [sflag:$0x1] =	stream.indirect.gather [hbm4b:s4+s12], $0x80, s28, s12, $0xb8;
	[tilespmem:$0x1F800] =	vst v63  }
0x89: {  	_ =	swait.ge [sflag:s19], $0x3800  }
0x8a: {  	[sflag:s19] =	ssyncset.done $0x0  }
0x8b: {  	[sflag:s19] =	ssyncadd.s32 $0xFFFFC800  }
0x8c: {  	[spmem:s2] =	stream.indirect.scatter.add.f32 [tilespmem:s16], [sflag:$0x6], $0x80, s29, s12, $0xb8;
	[tilespmem:$0x1F800] =	vst v63  }
0x8d: {  	_ =	swait.ge [sflag:s20], $0x3800  }
0x8e: {  	[sflag:s20] =	ssyncset.done $0x0  }
0x8f: {  	[sflag:s20] =	ssyncadd.s32 $0xFFFFC800  }
0x90: {  	[tilespmem:s14], [sflag:$0x2] =	stream.indirect.gather [hbm4b:s4+s12], $0x80, s30, s12, $0xb8;
	[tilespmem:$0x1F800] =	vst v63  }
0x91: {  	_ =	swait.ge [sflag:s15], $0x3800  }
0x92: {  	[sflag:s15] =	ssyncset.done $0x0  }
0x93: {  	[sflag:s15] =	ssyncadd.s32 $0xFFFFC800  }
0x94: {  	[spmem:s2] =	stream.indirect.scatter.add.f32 [tilespmem:s13], [sflag:$0x4], $0x80, s31, s12, $0xb8;
	[tilespmem:$0x1F800] =	vst v63  }
0x95: {  	_ =	swait.ge [sflag:s21], $0x3800  }
0x96: {  	[sflag:s21] =	ssyncset.done $0x0  }
0x97: {  	[sflag:s21] =	ssyncadd.s32 $0xFFFFC800  }
0x98: {  	[tilespmem:s16], [sflag:$0x3] =	stream.indirect.gather [hbm4b:s4+s12], $0x80, s1, s12, $0xb8;
	[tilespmem:$0x1F800] =	vst v63  }
0x99: {  	_ =	swait.ge [sflag:s17], $0x3800  }
0x9a: {  	[sflag:s17] =	ssyncset.done $0x0  }
0x9b: {  	[sflag:s17] =	ssyncadd.s32 $0xFFFFC800  }
0x9c: {  	[spmem:s2] =	stream.indirect.scatter.add.f32 [tilespmem:s14], [sflag:$0x5], $0x80, s0, s12, $0xb8;
	[tilespmem:$0x1F800] =	vst v63  }
0x9d: {  	_ =	swait.ge [sflag:s19], $0x3800  }
0x9e: {  	[sflag:s19] =	ssyncset.done $0x0  }
0x9f: {  	[sflag:s19] =	ssyncadd.s32 $0xFFFFC800  }
0xa0: {  	[spmem:s2] =	stream.indirect.scatter.add.f32 [tilespmem:s16], [sflag:$0x6], $0x80, s5, s12, $0xb8;
	[tilespmem:$0x1F800] =	vst v63  }
0xa1: {  	_ =	swait.ge [sflag:s18], $0x3800  }
0xa2: {  	[sflag:s18] =	ssyncset.done $0x0  }
0xa3: {  	[sflag:s18] =	ssyncadd.s32 $0xFFFFC800  }
0xa4: {  	_ =	swait.ge [sflag:s20], $0x3800  }
0xa5: {  	[sflag:s20] =	ssyncset.done $0x0  }
0xa6: {  	[sflag:s20] =	ssyncadd.s32 $0xFFFFC800  }
0xa7: {  	s6 =	simm.s32 $0x400;
	_ =	swait.ge [sflag:s21], $0x3800  }
0xa8: {  	s8 =	simm.s32 $0x200;
	s9 =	rddreg [dreg:$0x3];
	[sflag:s21] =	ssyncset.done $0x0  }
.LBB2_2:
0xa9: {  	[sflag:s21] =	ssyncadd.s32 $0xFFFFC800;
	s9 =	sadd.s32 s8, s9  }
0xaa: {  	[tilespmem:s3], [sflag:$0x7] =	stream.linear.gather [hbm4b:s9+s3], $0x780, $0x38;
	[tilespmem:$0x1F800] =	vst v63  }
0xab: {  	s9 =	sadd.s32 $0x100, s9  }
0xac: {  	[tilespmem:s11], [sflag:$0x7] =	stream.linear.gather [hbm4b:s9+s3], $0x780, $0x38;
	[tilespmem:$0x1F800] =	vst v63  }
0xad: {  	_ =	swait.ge [sflag:s10], $0xF00  }
0xae: {  	[sflag:s10] =	ssyncset.done $0x0  }
0xaf: {  	[sflag:s10] =	ssyncadd.s32 $0xFFFFF100  }
0xb0: {  	[tilespmem:s13], [sflag:$0x1] =	stream.indirect.gather [hbm4b:s4+s12], $0x80, s3, s12, $0xb8;
	[tilespmem:$0x1F800] =	vst v63  }
0xb1: {  	s9 =	rddreg [dreg:$0x4]  }
0xb2: {  	[tilespmem:s14], [sflag:$0x2] =	stream.indirect.gather [hbm4b:s4+s12], $0x80, s9, s12, $0xb8;
	[tilespmem:$0x1F800] =	vst v63  }
0xb3: {  	_ =	swait.ge [sflag:s15], $0x3800  }
0xb4: {  	[sflag:s15] =	ssyncset.done $0x0  }
0xb5: {  	[sflag:s15] =	ssyncadd.s32 $0xFFFFC800  }
0xb6: {  	[spmem:s2] =	stream.indirect.scatter.add.f32 [tilespmem:s13], [sflag:$0x4], $0x80, s11, s12, $0xb8;
	[tilespmem:$0x1F800] =	vst v63  }
0xb7: {  	s9 =	rddreg [dreg:$0x5]  }
0xb8: {  	[tilespmem:s16], [sflag:$0x3] =	stream.indirect.gather [hbm4b:s4+s12], $0x80, s9, s12, $0xb8;
	[tilespmem:$0x1F800] =	vst v63  }
0xb9: {  	_ =	swait.ge [sflag:s17], $0x3800  }
0xba: {  	[sflag:s17] =	ssyncset.done $0x0  }
0xbb: {  	s9 =	rddreg [dreg:$0x6];
	[sflag:s17] =	ssyncadd.s32 $0xFFFFC800  }
0xbc: {  	[spmem:s2] =	stream.indirect.scatter.add.f32 [tilespmem:s14], [sflag:$0x5], $0x80, s9, s12, $0xb8;
	[tilespmem:$0x1F800] =	vst v63  }
0xbd: {  	_ =	swait.ge [sflag:s18], $0x3800  }
0xbe: {  	[sflag:s18] =	ssyncset.done $0x0  }
0xbf: {  	s9 =	rddreg [dreg:$0x7];
	[sflag:s18] =	ssyncadd.s32 $0xFFFFC800  }
0xc0: {  	[tilespmem:s13], [sflag:$0x1] =	stream.indirect.gather [hbm4b:s4+s12], $0x80, s9, s12, $0xb8;
	[tilespmem:$0x1F800] =	vst v63  }
0xc1: {  	_ =	swait.ge [sflag:s19], $0x3800  }
0xc2: {  	[sflag:s19] =	ssyncset.done $0x0  }
0xc3: {  	s9 =	rddreg [dreg:$0x8];
	[sflag:s19] =	ssyncadd.s32 $0xFFFFC800  }
0xc4: {  	[spmem:s2] =	stream.indirect.scatter.add.f32 [tilespmem:s16], [sflag:$0x6], $0x80, s9, s12, $0xb8;
	[tilespmem:$0x1F800] =	vst v63  }
0xc5: {  	_ =	swait.ge [sflag:s20], $0x3800  }
0xc6: {  	[sflag:s20] =	ssyncset.done $0x0  }
0xc7: {  	s9 =	rddreg [dreg:$0x9];
	[sflag:s20] =	ssyncadd.s32 $0xFFFFC800  }
0xc8: {  	[tilespmem:s14], [sflag:$0x2] =	stream.indirect.gather [hbm4b:s4+s12], $0x80, s9, s12, $0xb8;
	[tilespmem:$0x1F800] =	vst v63  }
0xc9: {  	_ =	swait.ge [sflag:s15], $0x3800  }
0xca: {  	[sflag:s15] =	ssyncset.done $0x0  }
0xcb: {  	s9 =	rddreg [dreg:$0xa];
	[sflag:s15] =	ssyncadd.s32 $0xFFFFC800  }
0xcc: {  	[spmem:s2] =	stream.indirect.scatter.add.f32 [tilespmem:s13], [sflag:$0x4], $0x80, s9, s12, $0xb8;
	[tilespmem:$0x1F800] =	vst v63  }
0xcd: {  	_ =	swait.ge [sflag:s21], $0x3800  }
0xce: {  	[sflag:s21] =	ssyncset.done $0x0  }
0xcf: {  	s9 =	rddreg [dreg:$0xb];
	[sflag:s21] =	ssyncadd.s32 $0xFFFFC800  }
0xd0: {  	[tilespmem:s16], [sflag:$0x3] =	stream.indirect.gather [hbm4b:s4+s12], $0x80, s9, s12, $0xb8;
	[tilespmem:$0x1F800] =	vst v63  }
0xd1: {  	_ =	swait.ge [sflag:s17], $0x3800  }
0xd2: {  	[sflag:s17] =	ssyncset.done $0x0  }
0xd3: {  	s9 =	rddreg [dreg:$0xc];
	[sflag:s17] =	ssyncadd.s32 $0xFFFFC800  }
0xd4: {  	[spmem:s2] =	stream.indirect.scatter.add.f32 [tilespmem:s14], [sflag:$0x5], $0x80, s9, s12, $0xb8;
	[tilespmem:$0x1F800] =	vst v63  }
0xd5: {  	_ =	swait.ge [sflag:s18], $0x3800  }
0xd6: {  	[sflag:s18] =	ssyncset.done $0x0  }
0xd7: {  	s9 =	rddreg [dreg:$0xd];
	[sflag:s18] =	ssyncadd.s32 $0xFFFFC800  }
0xd8: {  	[tilespmem:s13], [sflag:$0x1] =	stream.indirect.gather [hbm4b:s4+s12], $0x80, s9, s12, $0xb8;
	[tilespmem:$0x1F800] =	vst v63  }
0xd9: {  	_ =	swait.ge [sflag:s19], $0x3800  }
0xda: {  	[sflag:s19] =	ssyncset.done $0x0  }
0xdb: {  	s9 =	rddreg [dreg:$0xe];
	[sflag:s19] =	ssyncadd.s32 $0xFFFFC800  }
0xdc: {  	[spmem:s2] =	stream.indirect.scatter.add.f32 [tilespmem:s16], [sflag:$0x6], $0x80, s9, s12, $0xb8;
	[tilespmem:$0x1F800] =	vst v63  }
0xdd: {  	_ =	swait.ge [sflag:s20], $0x3800  }
0xde: {  	[sflag:s20] =	ssyncset.done $0x0  }
0xdf: {  	s9 =	rddreg [dreg:$0xf];
	[sflag:s20] =	ssyncadd.s32 $0xFFFFC800  }
0xe0: {  	[tilespmem:s14], [sflag:$0x2] =	stream.indirect.gather [hbm4b:s4+s12], $0x80, s9, s12, $0xb8;
	[tilespmem:$0x1F800] =	vst v63  }
0xe1: {  	_ =	swait.ge [sflag:s15], $0x3800  }
0xe2: {  	[sflag:s15] =	ssyncset.done $0x0  }
0xe3: {  	s9 =	rddreg [dreg:$0x10];
	[sflag:s15] =	ssyncadd.s32 $0xFFFFC800  }
0xe4: {  	[spmem:s2] =	stream.indirect.scatter.add.f32 [tilespmem:s13], [sflag:$0x4], $0x80, s9, s12, $0xb8;
	[tilespmem:$0x1F800] =	vst v63  }
0xe5: {  	_ =	swait.ge [sflag:s21], $0x3800  }
0xe6: {  	[sflag:s21] =	ssyncset.done $0x0  }
0xe7: {  	s9 =	rddreg [dreg:$0x11];
	[sflag:s21] =	ssyncadd.s32 $0xFFFFC800  }
0xe8: {  	[tilespmem:s16], [sflag:$0x3] =	stream.indirect.gather [hbm4b:s4+s12], $0x80, s9, s12, $0xb8;
	[tilespmem:$0x1F800] =	vst v63  }
0xe9: {  	_ =	swait.ge [sflag:s17], $0x3800  }
0xea: {  	[sflag:s17] =	ssyncset.done $0x0  }
0xeb: {  	s9 =	rddreg [dreg:$0x12];
	[sflag:s17] =	ssyncadd.s32 $0xFFFFC800  }
0xec: {  	[spmem:s2] =	stream.indirect.scatter.add.f32 [tilespmem:s14], [sflag:$0x5], $0x80, s9, s12, $0xb8;
	[tilespmem:$0x1F800] =	vst v63  }
0xed: {  	_ =	swait.ge [sflag:s18], $0x3800  }
0xee: {  	[sflag:s18] =	ssyncset.done $0x0  }
0xef: {  	s9 =	rddreg [dreg:$0x13];
	[sflag:s18] =	ssyncadd.s32 $0xFFFFC800  }
0xf0: {  	[tilespmem:s13], [sflag:$0x1] =	stream.indirect.gather [hbm4b:s4+s12], $0x80, s9, s12, $0xb8;
	[tilespmem:$0x1F800] =	vst v63  }
0xf1: {  	_ =	swait.ge [sflag:s19], $0x3800  }
0xf2: {  	[sflag:s19] =	ssyncset.done $0x0  }
0xf3: {  	[sflag:s19] =	ssyncadd.s32 $0xFFFFC800  }
0xf4: {  	[spmem:s2] =	stream.indirect.scatter.add.f32 [tilespmem:s16], [sflag:$0x6], $0x80, s22, s12, $0xb8;
	[tilespmem:$0x1F800] =	vst v63  }
0xf5: {  	_ =	swait.ge [sflag:s20], $0x3800  }
0xf6: {  	[sflag:s20] =	ssyncset.done $0x0  }
0xf7: {  	[sflag:s20] =	ssyncadd.s32 $0xFFFFC800  }
0xf8: {  	[tilespmem:s14], [sflag:$0x2] =	stream.indirect.gather [hbm4b:s4+s12], $0x80, s23, s12, $0xb8;
	[tilespmem:$0x1F800] =	vst v63  }
0xf9: {  	_ =	swait.ge [sflag:s15], $0x3800  }
0xfa: {  	[sflag:s15] =	ssyncset.done $0x0  }
0xfb: {  	[sflag:s15] =	ssyncadd.s32 $0xFFFFC800  }
0xfc: {  	[spmem:s2] =	stream.indirect.scatter.add.f32 [tilespmem:s13], [sflag:$0x4], $0x80, s24, s12, $0xb8;
	[tilespmem:$0x1F800] =	vst v63  }
0xfd: {  	_ =	swait.ge [sflag:s21], $0x3800  }
0xfe: {  	[sflag:s21] =	ssyncset.done $0x0  }
0xff: {  	[sflag:s21] =	ssyncadd.s32 $0xFFFFC800  }
0x100: {  	[tilespmem:s16], [sflag:$0x3] =	stream.indirect.gather [hbm4b:s4+s12], $0x80, s25, s12, $0xb8;
	[tilespmem:$0x1F800] =	vst v63  }
0x101: {  	_ =	swait.ge [sflag:s17], $0x3800  }
0x102: {  	[sflag:s17] =	ssyncset.done $0x0  }
0x103: {  	[sflag:s17] =	ssyncadd.s32 $0xFFFFC800  }
0x104: {  	[spmem:s2] =	stream.indirect.scatter.add.f32 [tilespmem:s14], [sflag:$0x5], $0x80, s26, s12, $0xb8;
	[tilespmem:$0x1F800] =	vst v63  }
0x105: {  	_ =	swait.ge [sflag:s18], $0x3800  }
0x106: {  	[sflag:s18] =	ssyncset.done $0x0  }
0x107: {  	[sflag:s18] =	ssyncadd.s32 $0xFFFFC800  }
0x108: {  	[tilespmem:s13], [sflag:$0x1] =	stream.indirect.gather [hbm4b:s4+s12], $0x80, s28, s12, $0xb8;
	[tilespmem:$0x1F800] =	vst v63  }
0x109: {  	_ =	swait.ge [sflag:s19], $0x3800  }
0x10a: {  	[sflag:s19] =	ssyncset.done $0x0  }
0x10b: {  	[sflag:s19] =	ssyncadd.s32 $0xFFFFC800  }
0x10c: {  	[spmem:s2] =	stream.indirect.scatter.add.f32 [tilespmem:s16], [sflag:$0x6], $0x80, s29, s12, $0xb8;
	[tilespmem:$0x1F800] =	vst v63  }
0x10d: {  	_ =	swait.ge [sflag:s20], $0x3800  }
0x10e: {  	[sflag:s20] =	ssyncset.done $0x0  }
0x10f: {  	[sflag:s20] =	ssyncadd.s32 $0xFFFFC800  }
0x110: {  	[tilespmem:s14], [sflag:$0x2] =	stream.indirect.gather [hbm4b:s4+s12], $0x80, s30, s12, $0xb8;
	[tilespmem:$0x1F800] =	vst v63  }
0x111: {  	_ =	swait.ge [sflag:s15], $0x3800  }
0x112: {  	[sflag:s15] =	ssyncset.done $0x0  }
0x113: {  	[sflag:s15] =	ssyncadd.s32 $0xFFFFC800  }
0x114: {  	[spmem:s2] =	stream.indirect.scatter.add.f32 [tilespmem:s13], [sflag:$0x4], $0x80, s31, s12, $0xb8;
	[tilespmem:$0x1F800] =	vst v63  }
0x115: {  	_ =	swait.ge [sflag:s21], $0x3800  }
0x116: {  	[sflag:s21] =	ssyncset.done $0x0  }
0x117: {  	[sflag:s21] =	ssyncadd.s32 $0xFFFFC800  }
0x118: {  	[tilespmem:s16], [sflag:$0x3] =	stream.indirect.gather [hbm4b:s4+s12], $0x80, s1, s12, $0xb8;
	[tilespmem:$0x1F800] =	vst v63  }
0x119: {  	_ =	swait.ge [sflag:s17], $0x3800  }
0x11a: {  	[sflag:s17] =	ssyncset.done $0x0  }
0x11b: {  	[sflag:s17] =	ssyncadd.s32 $0xFFFFC800  }
0x11c: {  	[spmem:s2] =	stream.indirect.scatter.add.f32 [tilespmem:s14], [sflag:$0x5], $0x80, s0, s12, $0xb8;
	[tilespmem:$0x1F800] =	vst v63  }
0x11d: {  	_ =	swait.ge [sflag:s19], $0x3800  }
0x11e: {  	[sflag:s19] =	ssyncset.done $0x0  }
0x11f: {  	[sflag:s19] =	ssyncadd.s32 $0xFFFFC800  }
0x120: {  	[spmem:s2] =	stream.indirect.scatter.add.f32 [tilespmem:s16], [sflag:$0x6], $0x80, s5, s12, $0xb8;
	[tilespmem:$0x1F800] =	vst v63  }
0x121: {  	_ =	swait.ge [sflag:s18], $0x3800  }
0x122: {  	[sflag:s18] =	ssyncset.done $0x0  }
0x123: {  	p0 =	sne.s32 s6, $0x1600;
	[sflag:s18] =	ssyncadd.s32 $0xFFFFC800  }
.Ltmp0:
0x124: {  	_ =	swait.ge [sflag:s20], $0x3800;
	(pc) =	sbr.rel @p0 .LBB2_2-.Ltmp0, $4  }
0x125: {  	[sflag:s20] =	ssyncset.done $0x0  }
0x126: {  	[sflag:s20] =	ssyncadd.s32 $0xFFFFC800  }
0x127: {  	s7 =	smov.u32 s6;
	s6 =	sadd.s32 $0x200, s6;
	_ =	swait.ge [sflag:s21], $0x3800  }
0x128: {  	s8 =	smov.u32 s7;
	s9 =	rddreg [dreg:$0x3];
	[sflag:s21] =	ssyncset.done $0x0  }
0x129: {  	s6 =	sadd.s32 s8, s9;
	[sflag:s21] =	ssyncadd.s32 $0xFFFFC800  }
0x12a: {  	[tilespmem:s3], [sflag:$0x7] =	stream.linear.gather [hbm4b:s6+s3], $0x780, $0x38;
	[tilespmem:$0x1F800] =	vst v63  }
0x12b: {  	s6 =	sadd.s32 $0x100, s6  }
0x12c: {  	[tilespmem:s11], [sflag:$0x7] =	stream.linear.gather [hbm4b:s6+s3], $0x780, $0x38;
	[tilespmem:$0x1F800] =	vst v63  }
0x12d: {  	_ =	swait.ge [sflag:s10], $0xF00  }
0x12e: {  	[sflag:s10] =	ssyncset.done $0x0  }
0x12f: {  	[sflag:s10] =	ssyncadd.s32 $0xFFFFF100  }
0x130: {  	[tilespmem:s13], [sflag:$0x1] =	stream.indirect.gather [hbm4b:s4+s12], $0x80, s3, s12, $0xb8;
	[tilespmem:$0x1F800] =	vst v63  }
0x131: {  	s8 =	rddreg [dreg:$0x4]  }
0x132: {  	[tilespmem:s14], [sflag:$0x2] =	stream.indirect.gather [hbm4b:s4+s12], $0x80, s8, s12, $0xb8;
	[tilespmem:$0x1F800] =	vst v63  }
0x133: {  	_ =	swait.ge [sflag:s15], $0x3800  }
0x134: {  	[sflag:s15] =	ssyncset.done $0x0  }
0x135: {  	[sflag:s15] =	ssyncadd.s32 $0xFFFFC800  }
0x136: {  	[spmem:s2] =	stream.indirect.scatter.add.f32 [tilespmem:s13], [sflag:$0x4], $0x80, s11, s12, $0xb8;
	[tilespmem:$0x1F800] =	vst v63  }
0x137: {  	s9 =	rddreg [dreg:$0x5]  }
0x138: {  	[tilespmem:s16], [sflag:$0x3] =	stream.indirect.gather [hbm4b:s4+s12], $0x80, s9, s12, $0xb8;
	[tilespmem:$0x1F800] =	vst v63  }
0x139: {  	_ =	swait.ge [sflag:s17], $0x3800  }
0x13a: {  	[sflag:s17] =	ssyncset.done $0x0  }
0x13b: {  	s7 =	rddreg [dreg:$0x6];
	[sflag:s17] =	ssyncadd.s32 $0xFFFFC800  }
0x13c: {  	[spmem:s2] =	stream.indirect.scatter.add.f32 [tilespmem:s14], [sflag:$0x5], $0x80, s7, s12, $0xb8;
	[tilespmem:$0x1F800] =	vst v63  }
0x13d: {  	_ =	swait.ge [sflag:s18], $0x3800  }
0x13e: {  	[sflag:s18] =	ssyncset.done $0x0  }
0x13f: {  	s8 =	rddreg [dreg:$0x7];
	[sflag:s18] =	ssyncadd.s32 $0xFFFFC800  }
0x140: {  	[tilespmem:s13], [sflag:$0x1] =	stream.indirect.gather [hbm4b:s4+s12], $0x80, s8, s12, $0xb8;
	[tilespmem:$0x1F800] =	vst v63  }
0x141: {  	_ =	swait.ge [sflag:s19], $0x3800  }
0x142: {  	[sflag:s19] =	ssyncset.done $0x0  }
0x143: {  	s9 =	rddreg [dreg:$0x8];
	[sflag:s19] =	ssyncadd.s32 $0xFFFFC800  }
0x144: {  	[spmem:s2] =	stream.indirect.scatter.add.f32 [tilespmem:s16], [sflag:$0x6], $0x80, s9, s12, $0xb8;
	[tilespmem:$0x1F800] =	vst v63  }
0x145: {  	_ =	swait.ge [sflag:s20], $0x3800  }
0x146: {  	[sflag:s20] =	ssyncset.done $0x0  }
0x147: {  	s7 =	rddreg [dreg:$0x9];
	[sflag:s20] =	ssyncadd.s32 $0xFFFFC800  }
0x148: {  	[tilespmem:s14], [sflag:$0x2] =	stream.indirect.gather [hbm4b:s4+s12], $0x80, s7, s12, $0xb8;
	[tilespmem:$0x1F800] =	vst v63  }
0x149: {  	_ =	swait.ge [sflag:s15], $0x3800  }
0x14a: {  	[sflag:s15] =	ssyncset.done $0x0  }
0x14b: {  	s8 =	rddreg [dreg:$0xa];
	[sflag:s15] =	ssyncadd.s32 $0xFFFFC800  }
0x14c: {  	[spmem:s2] =	stream.indirect.scatter.add.f32 [tilespmem:s13], [sflag:$0x4], $0x80, s8, s12, $0xb8;
	[tilespmem:$0x1F800] =	vst v63  }
0x14d: {  	_ =	swait.ge [sflag:s21], $0x3800  }
0x14e: {  	[sflag:s21] =	ssyncset.done $0x0  }
0x14f: {  	s9 =	rddreg [dreg:$0xb];
	[sflag:s21] =	ssyncadd.s32 $0xFFFFC800  }
0x150: {  	[tilespmem:s16], [sflag:$0x3] =	stream.indirect.gather [hbm4b:s4+s12], $0x80, s9, s12, $0xb8;
	[tilespmem:$0x1F800] =	vst v63  }
0x151: {  	_ =	swait.ge [sflag:s17], $0x3800  }
0x152: {  	[sflag:s17] =	ssyncset.done $0x0  }
0x153: {  	s7 =	rddreg [dreg:$0xc];
	[sflag:s17] =	ssyncadd.s32 $0xFFFFC800  }
0x154: {  	[spmem:s2] =	stream.indirect.scatter.add.f32 [tilespmem:s14], [sflag:$0x5], $0x80, s7, s12, $0xb8;
	[tilespmem:$0x1F800] =	vst v63  }
0x155: {  	_ =	swait.ge [sflag:s18], $0x3800  }
0x156: {  	[sflag:s18] =	ssyncset.done $0x0  }
0x157: {  	s8 =	rddreg [dreg:$0xd];
	[sflag:s18] =	ssyncadd.s32 $0xFFFFC800  }
0x158: {  	[tilespmem:s13], [sflag:$0x1] =	stream.indirect.gather [hbm4b:s4+s12], $0x80, s8, s12, $0xb8;
	[tilespmem:$0x1F800] =	vst v63  }
0x159: {  	_ =	swait.ge [sflag:s19], $0x3800  }
0x15a: {  	[sflag:s19] =	ssyncset.done $0x0  }
0x15b: {  	s9 =	rddreg [dreg:$0xe];
	[sflag:s19] =	ssyncadd.s32 $0xFFFFC800  }
0x15c: {  	[spmem:s2] =	stream.indirect.scatter.add.f32 [tilespmem:s16], [sflag:$0x6], $0x80, s9, s12, $0xb8;
	[tilespmem:$0x1F800] =	vst v63  }
0x15d: {  	_ =	swait.ge [sflag:s20], $0x3800  }
0x15e: {  	[sflag:s20] =	ssyncset.done $0x0  }
0x15f: {  	s7 =	rddreg [dreg:$0xf];
	[sflag:s20] =	ssyncadd.s32 $0xFFFFC800  }
0x160: {  	[tilespmem:s14], [sflag:$0x2] =	stream.indirect.gather [hbm4b:s4+s12], $0x80, s7, s12, $0xb8;
	[tilespmem:$0x1F800] =	vst v63  }
0x161: {  	_ =	swait.ge [sflag:s15], $0x3800  }
0x162: {  	[sflag:s15] =	ssyncset.done $0x0  }
0x163: {  	s8 =	rddreg [dreg:$0x10];
	[sflag:s15] =	ssyncadd.s32 $0xFFFFC800  }
0x164: {  	[spmem:s2] =	stream.indirect.scatter.add.f32 [tilespmem:s13], [sflag:$0x4], $0x80, s8, s12, $0xb8;
	[tilespmem:$0x1F800] =	vst v63  }
0x165: {  	_ =	swait.ge [sflag:s21], $0x3800  }
0x166: {  	[sflag:s21] =	ssyncset.done $0x0  }
0x167: {  	s9 =	rddreg [dreg:$0x11];
	[sflag:s21] =	ssyncadd.s32 $0xFFFFC800  }
0x168: {  	[tilespmem:s16], [sflag:$0x3] =	stream.indirect.gather [hbm4b:s4+s12], $0x80, s9, s12, $0xb8;
	[tilespmem:$0x1F800] =	vst v63  }
0x169: {  	_ =	swait.ge [sflag:s17], $0x3800  }
0x16a: {  	[sflag:s17] =	ssyncset.done $0x0  }
0x16b: {  	s7 =	rddreg [dreg:$0x12];
	[sflag:s17] =	ssyncadd.s32 $0xFFFFC800  }
0x16c: {  	[spmem:s2] =	stream.indirect.scatter.add.f32 [tilespmem:s14], [sflag:$0x5], $0x80, s7, s12, $0xb8;
	[tilespmem:$0x1F800] =	vst v63  }
0x16d: {  	_ =	swait.ge [sflag:s18], $0x3800  }
0x16e: {  	[sflag:s18] =	ssyncset.done $0x0  }
0x16f: {  	s8 =	rddreg [dreg:$0x13];
	[sflag:s18] =	ssyncadd.s32 $0xFFFFC800  }
0x170: {  	[tilespmem:s13], [sflag:$0x1] =	stream.indirect.gather [hbm4b:s4+s12], $0x80, s8, s12, $0xb8;
	[tilespmem:$0x1F800] =	vst v63  }
0x171: {  	_ =	swait.ge [sflag:s19], $0x3800  }
0x172: {  	[sflag:s19] =	ssyncset.done $0x0  }
0x173: {  	[sflag:s19] =	ssyncadd.s32 $0xFFFFC800  }
0x174: {  	[spmem:s2] =	stream.indirect.scatter.add.f32 [tilespmem:s16], [sflag:$0x6], $0x80, s22, s12, $0xb8;
	[tilespmem:$0x1F800] =	vst v63  }
0x175: {  	_ =	swait.ge [sflag:s20], $0x3800  }
0x176: {  	[sflag:s20] =	ssyncset.done $0x0  }
0x177: {  	[sflag:s20] =	ssyncadd.s32 $0xFFFFC800  }
0x178: {  	[tilespmem:s14], [sflag:$0x2] =	stream.indirect.gather [hbm4b:s4+s12], $0x80, s23, s12, $0xb8;
	[tilespmem:$0x1F800] =	vst v63  }
0x179: {  	_ =	swait.ge [sflag:s15], $0x3800  }
0x17a: {  	[sflag:s15] =	ssyncset.done $0x0  }
0x17b: {  	[sflag:s15] =	ssyncadd.s32 $0xFFFFC800  }
0x17c: {  	[spmem:s2] =	stream.indirect.scatter.add.f32 [tilespmem:s13], [sflag:$0x4], $0x80, s24, s12, $0xb8;
	[tilespmem:$0x1F800] =	vst v63  }
0x17d: {  	_ =	swait.ge [sflag:s21], $0x3800  }
0x17e: {  	[sflag:s21] =	ssyncset.done $0x0  }
0x17f: {  	[sflag:s21] =	ssyncadd.s32 $0xFFFFC800  }
0x180: {  	[tilespmem:s16], [sflag:$0x3] =	stream.indirect.gather [hbm4b:s4+s12], $0x80, s25, s12, $0xb8;
	[tilespmem:$0x1F800] =	vst v63  }
0x181: {  	_ =	swait.ge [sflag:s17], $0x3800  }
0x182: {  	[sflag:s17] =	ssyncset.done $0x0  }
0x183: {  	[sflag:s17] =	ssyncadd.s32 $0xFFFFC800  }
0x184: {  	[spmem:s2] =	stream.indirect.scatter.add.f32 [tilespmem:s14], [sflag:$0x5], $0x80, s26, s12, $0xb8;
	[tilespmem:$0x1F800] =	vst v63  }
0x185: {  	_ =	swait.ge [sflag:s18], $0x3800  }
0x186: {  	[sflag:s18] =	ssyncset.done $0x0  }
0x187: {  	[sflag:s18] =	ssyncadd.s32 $0xFFFFC800  }
0x188: {  	[tilespmem:s13], [sflag:$0x1] =	stream.indirect.gather [hbm4b:s4+s12], $0x80, s28, s12, $0xb8;
	[tilespmem:$0x1F800] =	vst v63  }
0x189: {  	_ =	swait.ge [sflag:s19], $0x3800  }
0x18a: {  	[sflag:s19] =	ssyncset.done $0x0  }
0x18b: {  	[sflag:s19] =	ssyncadd.s32 $0xFFFFC800  }
0x18c: {  	[spmem:s2] =	stream.indirect.scatter.add.f32 [tilespmem:s16], [sflag:$0x6], $0x80, s29, s12, $0xb8;
	[tilespmem:$0x1F800] =	vst v63  }
0x18d: {  	_ =	swait.ge [sflag:s20], $0x3800  }
0x18e: {  	[sflag:s20] =	ssyncset.done $0x0  }
0x18f: {  	[sflag:s20] =	ssyncadd.s32 $0xFFFFC800  }
0x190: {  	[tilespmem:s14], [sflag:$0x2] =	stream.indirect.gather [hbm4b:s4+s12], $0x80, s30, s12, $0xb8;
	[tilespmem:$0x1F800] =	vst v63  }
0x191: {  	_ =	swait.ge [sflag:s15], $0x3800  }
0x192: {  	[sflag:s15] =	ssyncset.done $0x0  }
0x193: {  	[sflag:s15] =	ssyncadd.s32 $0xFFFFC800  }
0x194: {  	[spmem:s2] =	stream.indirect.scatter.add.f32 [tilespmem:s13], [sflag:$0x4], $0x80, s31, s12, $0xb8;
	[tilespmem:$0x1F800] =	vst v63  }
0x195: {  	_ =	swait.ge [sflag:s21], $0x3800  }
0x196: {  	[sflag:s21] =	ssyncset.done $0x0  }
0x197: {  	[sflag:s21] =	ssyncadd.s32 $0xFFFFC800  }
0x198: {  	[tilespmem:s16], [sflag:$0x3] =	stream.indirect.gather [hbm4b:s4+s12], $0x80, s1, s12, $0xb8;
	[tilespmem:$0x1F800] =	vst v63  }
0x199: {  	_ =	swait.ge [sflag:s17], $0x3800  }
0x19a: {  	[sflag:s17] =	ssyncset.done $0x0  }
0x19b: {  	[sflag:s17] =	ssyncadd.s32 $0xFFFFC800  }
0x19c: {  	[spmem:s2] =	stream.indirect.scatter.add.f32 [tilespmem:s14], [sflag:$0x5], $0x80, s0, s12, $0xb8;
	[tilespmem:$0x1F800] =	vst v63  }
0x19d: {  	_ =	swait.ge [sflag:s19], $0x3800  }
0x19e: {  	[sflag:s19] =	ssyncset.done $0x0  }
0x19f: {  	[sflag:s19] =	ssyncadd.s32 $0xFFFFC800  }
0x1a0: {  	[spmem:s2] =	stream.indirect.scatter.add.f32 [tilespmem:s16], [sflag:$0x6], $0x80, s5, s12, $0xb8;
	[tilespmem:$0x1F800] =	vst v63  }
0x1a1: {  	_ =	swait.ge [sflag:s18], $0x3800  }
0x1a2: {  	[sflag:s18] =	ssyncset.done $0x0  }
0x1a3: {  	[sflag:s18] =	ssyncadd.s32 $0xFFFFC800  }
0x1a4: {  	_ =	swait.ge [sflag:s20], $0x3800  }
0x1a5: {  	[sflag:s20] =	ssyncset.done $0x0  }
0x1a6: {  	[sflag:s20] =	ssyncadd.s32 $0xFFFFC800  }
0x1a7: {  	_ =	swait.ge [sflag:s21], $0x3800  }
0x1a8: {  	[sflag:s21] =	ssyncset.done $0x0  }
0x1a9: {  	[sflag:s21] =	ssyncadd.s32 $0xFFFFC800  }
0x1aa: {  	[bflag:$0x0] =	sbarrier.arrive $0xFFFF  }
0x1ab: {  	s7 =	rddreg [dreg:$0x15]  }
0x1ac: {  	s9 =	rddreg [dreg:$0x16]  }
0x1ad: {  	s8 =	rddreg [dreg:$0x18]  }
0x1ae: {  	[hbm:s9], [sflag:s7] =	dma.local [spmem:s8], $0x2800  }
0x1af: {  	_ =	swait.ge [sflag:s10], $0x2800  }
0x1b0: {  	s6 =	rddreg [dreg:$0x19]  }
0x1b1: {  	s9 =	sadd.s32 $0x1, s6;
	s6 =	rddreg [dreg:$0x17]  }
0x1b2: {  	p0 =	sne.s32 s9, s6  }
.Ltmp1:
0x1b3: {  	_ = 	snop;
	(pc) =	sbr.rel @p0 .LBB2_1-.Ltmp1, $3  }
0x1b4: {  	_ =	sdelay $0x1  }
0x1b5: {  	[sflag:s10] =	ssyncset.done $0x0  }
0x1b6: {  	[sflag:s10] =	ssyncadd.s32 $0xFFFFD800  }
0x1b7: {  	_ =	sfence.sel $0x180000  }
0x1b8: {  	[bflag:$0x0] =	sbarrier.arrive $0xFFFF  }
0x1b9: {  	_ =	strace $0x90000047  }
0x1ba: {  	s0 =	stileid.u32;
	[bflag:$0x2] =	sbarrier.arrive $0xFFFF  }
0x1bb: {  	p0 =	sne.s32 s0, $0x0;
	s0 =	rddreg [dreg:$0x2]  }
0x1bc: {  	s0 =	sadd.s32 @!p0 $0x100000, s0  }
0x1bd: {  	[sflag:s0] =	ssyncadd.tile.s32 @!p0 $0x1;
	_ =	shalt  }
.Lfunc_end2:
_tile_overlayer_lowered:
.L_overlay_start_2:
0x1be: {  	(tag) =	ssettag $0x2  }
0x1bf: {  	s0 =	rddreg [dreg:$0x0];
	s2 =	stileid.u32  }
0x1c0: {  	s1 =	rddreg [dreg:$0x1];
	p0 =	sne.s32 s2, $0x0  }
0x1c1: {  	s3 =	rddreg [dreg:$0x2];
	[bflag:$0x3] =	sbarrier.arrive $0xFFFF;
	s2 =	simm.s32 @!p0 $0x1C07  }
0x1c2: {  	[timem:s3], [sflag:s2] =	dma.local @!p0 [hbm:s0], s1  }
0x1c3: {  	s0 =	simm.s32 @!p0 $0x7  }
0x1c4: {  	_ =	swait.ge @!p0 [sflag:s0], s1  }
0x1c5: {  	s1 =	ssub.s32 @!p0 $0x0, s1;
	[sflag:s0] =	ssyncset.done @!p0 $0x0  }
0x1c6: {  	[sflag:s0] =	ssyncadd.s32 @!p0 s1  }
0x1c7: {  	[bflag:$0x3] =	sbarrier.arrive $0xFFFF  }
0x1c8: {  	_ =	shalt  }

</sc_bundles>
